<compile_context>
chip_gen: v7x
topology: tpu7x:2x2x1
jax: 0.10.2.dev20260603
libtpu: 0.0.44.dev20260713+nightly
codegen_flags: <defaults>
</compile_context>

<pallas_src>
import functools

import jax
import jax.numpy as jnp
from jax import lax
from jax.experimental import pallas as pl
from jax.experimental.pallas import tpu as pltpu
from jax.experimental.pallas import tpu_sc as plsc

VOCAB = 1000000
DIM = 64
BATCH = 16384
N_NEG = 20
N_PART = N_NEG + 1
NW = 32
W = BATCH // NW
WV = 128
NWAVE = W // WV
BC = 8192
NBLK = (VOCAB + BC - 1) // BC
RT_ROWS = NBLK * (BC // 2)


def _repack(table):
    tT = table.T

    def body(x_ref, o_ref):
        o_ref[:, 0:DIM] = x_ref[:, 0:BC // 2].T
        o_ref[:, DIM:2 * DIM] = x_ref[:, BC // 2:BC].T

    return pl.pallas_call(
        body,
        grid=(NBLK,),
        in_specs=[pl.BlockSpec((DIM, BC), lambda i: (0, i))],
        out_specs=pl.BlockSpec((BC // 2, 2 * DIM), lambda i: (i, 0)),
        out_shape=jax.ShapeDtypeStruct((RT_ROWS, 2 * DIM), jnp.float32),
    )(tT)


def _logsigmoid(x):
    u = jnp.exp(-jnp.abs(x))
    z = u / (2.0 + u)
    z2 = z * z
    s = 1.0 / 13.0
    for c in (11.0, 9.0, 7.0, 5.0, 3.0, 1.0):
        s = s * z2 + 1.0 / c
    return jnp.minimum(x, 0.0) - 2.0 * z * s


def _body(cen_ids, part_ids, cen_T, ctx_T, out,
          cidx_v, ids_v, crow_v, prow0, prow1, cen_v, buf0, buf1, scr_v,
          acc_v, csem, sem0, sem1):
    wid = lax.axis_index("s") * 2 + lax.axis_index("c")
    iota17 = lax.iota(jnp.int32, 16) * 17

    def to_rows(src, dst, n):
        for q in range(n // 16):
            v = src[pl.ds(q * 16, 16)]
            dst[pl.ds(q * 16, 16)] = ((v >> 13) << 12) + (v & 4095)

    def fire(j, buf, rows, sem):
        to_rows(ids_v.at[j], rows, WV)
        pltpu.async_copy(ctx_T.at[rows], buf, sem)

    def drain(buf, sem):
        pltpu.make_async_copy(ctx_T.at[pl.ds(0, WV)], buf, sem).wait()

    def dots(buf, j, sign, acc):
        def group_step(g, acc_g):
            base = g * 16
            cpar = ((cidx_v[pl.ds(base, 16)] >> 12) & 1) * 64
            opar = ((ids_v[j, pl.ds(base, 16)] >> 12) & 1) * 64
            for e in range(16):
                r = base + e
                co = cpar[e]
                oo = opar[e]
                p = [cen_v[r, pl.ds(co + 16 * k, 16)] *
                     buf[r, pl.ds(oo + 16 * k, 16)] for k in range(4)]
                scr_v[pl.ds(e * 17, 16)] = (p[0] + p[1]) + (p[2] + p[3])
            parts = [plsc.load_gather(scr_v, [iota17 + c]) for c in range(16)]
            while len(parts) > 1:
                parts = [a + b for a, b in zip(parts[::2], parts[1::2])]
            return acc_g + _logsigmoid(sign * parts[0])

        return lax.fori_loop(0, WV // 16, group_step, acc)

    def wave_step(wv, acc):
        pltpu.sync_copy(cen_ids.at[wid, wv], cidx_v)
        pltpu.sync_copy(part_ids.at[wid, wv], ids_v)

        to_rows(cidx_v, crow_v, WV)
        pltpu.async_copy(cen_T.at[crow_v], cen_v, csem)
        fire(jnp.int32(0), buf0, prow0, sem0)
        fire(jnp.int32(1), buf1, prow1, sem1)
        pltpu.make_async_copy(cen_T.at[pl.ds(0, WV)], cen_v, csem).wait()

        def pair_step(t, acc_t):
            j0 = 2 * t
            drain(buf0, sem0)
            acc_t = dots(buf0, j0, jnp.where(j0 == 0, 1.0, -1.0), acc_t)

            @pl.when(j0 + 2 < N_PART)
            def _():
                fire(j0 + 2, buf0, prow0, sem0)

            drain(buf1, sem1)
            acc_t = dots(buf1, j0 + 1, -1.0, acc_t)

            @pl.when(j0 + 3 < N_PART)
            def _():
                fire(j0 + 3, buf1, prow1, sem1)

            return acc_t

        acc = lax.fori_loop(0, N_PART // 2, pair_step, acc)
        drain(buf0, sem0)
        return dots(buf0, jnp.int32(N_PART - 1), -1.0, acc)

    acc = lax.fori_loop(0, NWAVE, wave_step, jnp.zeros((16,), jnp.float32))
    acc_v[...] = acc
    pltpu.sync_copy(acc_v, out.at[wid])


def kernel(center_ids, context_ids, neg_ids, center_W, context_W):
    center_ids = center_ids.astype(jnp.int32)
    context_ids = context_ids.astype(jnp.int32)
    neg_ids = neg_ids.astype(jnp.int32)

    cen_T = _repack(center_W)
    ctx_T = _repack(context_W)

    cen4 = center_ids.reshape(NW, NWAVE, WV)
    part = jnp.concatenate([context_ids[None, :], neg_ids.T], axis=0)
    part4 = part.reshape(N_PART, NW, NWAVE, WV).transpose(1, 2, 0, 3)

    mesh = plsc.VectorSubcoreMesh(core_axis_name="c", subcore_axis_name="s")
    run = functools.partial(
        pl.kernel,
        mesh=mesh,
        compiler_params=pltpu.CompilerParams(needs_layout_passes=False,
                                             use_tc_tiling_on_sc=False),
        out_type=jax.ShapeDtypeStruct((NW, 16), jnp.float32),
        scratch_types=[
            pltpu.VMEM((WV,), jnp.int32),
            pltpu.VMEM((N_PART, WV), jnp.int32),
            pltpu.VMEM((WV,), jnp.int32),
            pltpu.VMEM((WV,), jnp.int32),
            pltpu.VMEM((WV,), jnp.int32),
            pltpu.VMEM((WV, 2 * DIM), jnp.float32),
            pltpu.VMEM((WV, 2 * DIM), jnp.float32),
            pltpu.VMEM((WV, 2 * DIM), jnp.float32),
            pltpu.VMEM((16 * 17,), jnp.float32),
            pltpu.VMEM((16,), jnp.float32),
            pltpu.SemaphoreType.DMA,
            pltpu.SemaphoreType.DMA,
            pltpu.SemaphoreType.DMA,
        ],
    )(_body)
    partials = run(cen4, part4, cen_T, ctx_T)
    return -(jnp.sum(partials) / BATCH)

# --- scband reference (transcript-rebuilt; emitter-appended) ---
"""Pipeline reference for scband-skip-gram-model-9929964388792 (READ-ONLY COPY).

The authoritative reference and input builder live on the scoring server;
editing this copy changes nothing except your own understanding.
"""

import jax, jax.numpy as jnp
import numpy as np

VOCAB = 1000000
DIM = 64
BATCH = 16384
N_NEG = 20

def _xavier_uniform(key, shape):
    fan_in, fan_out = shape[1], shape[0]
    a = np.sqrt(6.0 / (fan_in + fan_out))
    return jax.random.uniform(key, shape, dtype=jnp.float32, minval=-a, maxval=a)

def setup_inputs(seed: int = 0) -> dict:
    key = jax.random.key(seed)
    k1, k2, k3, k4, k5 = jax.random.split(key, 5)
    center_ids = jax.random.randint(k1, (BATCH,), 0, VOCAB, dtype=jnp.int64) if jax.config.jax_enable_x64 else jax.random.randint(k1, (BATCH,), 0, VOCAB).astype(jnp.int32)
    context_ids = jax.random.randint(k2, (BATCH,), 0, VOCAB).astype(center_ids.dtype)
    neg_ids = jax.random.randint(k3, (BATCH, N_NEG), 0, VOCAB).astype(center_ids.dtype)
    center_W = _xavier_uniform(k4, (VOCAB, DIM))
    context_W = _xavier_uniform(k5, (VOCAB, DIM))
    return {"center_ids": center_ids, "context_ids": context_ids, "neg_ids": neg_ids, "center_W": center_W, "context_W": context_W}

def _log_sigmoid(x):
    # numerically stable logsigmoid, matches F.logsigmoid
    return -jax.nn.softplus(-x)

def reference(center_ids, context_ids, neg_ids, center_W, context_W):
    center = jnp.take(center_W, center_ids, axis=0)          # (B, D)
    context = jnp.take(context_W, context_ids, axis=0)        # (B, D)
    neg = jnp.take(context_W, neg_ids, axis=0)                # (B, N, D)
    pos_score = jnp.sum(center * context, axis=-1)            # (B,)
    pos_loss = _log_sigmoid(pos_score)
    neg_score = jnp.einsum('bnd,bd->bn', neg, center)         # bmm(neg, center.unsqueeze(-1)).squeeze(-1)
    neg_loss = jnp.sum(_log_sigmoid(-neg_score), axis=-1)
    return -jnp.mean(pos_loss + neg_loss)

if __name__ == "__main__":
    import jax
    _d = setup_inputs()
    print(jax.jit(kernel)(*tuple(_d.values())))

</pallas_src>

<mosaic_0001>
#map = affine_map<(d0, d1) -> (0, 0, 0)>
#map1 = affine_map<(d0, d1) -> (0, 0, 0, 0)>
#map2 = affine_map<(d0, d1) -> (0, 0)>
module attributes {stable_mosaic.version = 14 : i64} {
  func.func @_body(%arg0: i32, %arg1: i32, %arg2: memref<32x4x128xi32, #tpu.memory_space<hbm>>, %arg3: memref<32x4x21x128xi32, #tpu.memory_space<hbm>>, %arg4: memref<503808x128xf32, #tpu.memory_space<hbm>>, %arg5: memref<503808x128xf32, #tpu.memory_space<hbm>>, %arg6: memref<32x16xf32, #tpu.memory_space<hbm>>, %arg7: memref<128xi32, #tpu.memory_space<vmem>>, %arg8: memref<21x128xi32, #tpu.memory_space<vmem>>, %arg9: memref<128xi32, #tpu.memory_space<vmem>>, %arg10: memref<128xi32, #tpu.memory_space<vmem>>, %arg11: memref<128xi32, #tpu.memory_space<vmem>>, %arg12: memref<128x128xf32, #tpu.memory_space<vmem>>, %arg13: memref<128x128xf32, #tpu.memory_space<vmem>>, %arg14: memref<128x128xf32, #tpu.memory_space<vmem>>, %arg15: memref<272xf32, #tpu.memory_space<vmem>>, %arg16: memref<16xf32, #tpu.memory_space<vmem>>, %arg17: memref<!tpu.dma_semaphore, #tpu.memory_space<semaphore_mem>>, %arg18: memref<!tpu.dma_semaphore, #tpu.memory_space<semaphore_mem>>, %arg19: memref<!tpu.dma_semaphore, #tpu.memory_space<semaphore_mem>>) attributes {dimension_semantics = [#tpu.dimension_semantics<core_parallel>, #tpu.dimension_semantics<subcore_parallel>], iteration_bounds = array<i64: 2, 16>, scalar_prefetch = 0 : i64, scratch_operands = 13 : i64, tpu.core_type = #tpu.core_type<sc_vector_subcore>, window_params = [{transform_indices = #map}, {transform_indices = #map1}, {transform_indices = #map2}, {transform_indices = #map2}, {transform_indices = #map2}]} {
    %mul3A = arith.constant 2 : i32
    %mul3A_0 = arith.muli %arg1, %mul3A : i32
    %add3A = arith.addi %mul3A_0, %arg0 : i32
    %iota3A = tpu.iota {dimensions = array<i32: 0>} : vector<16xi32>
    %mul3A_1 = arith.constant 17 : i32
    %mul3A_2 = vector.broadcast %mul3A_1 : i32 to vector<16xi32>
    %mul3A_3 = arith.muli %iota3A, %mul3A_2 : vector<16xi32>
    %broadcast_in_dim3A = arith.constant 0.000000e+00 : f32
    %broadcast_in_dim3A_4 = vector.broadcast %broadcast_in_dim3A : f32 to vector<16xf32>
    %scan3A = arith.constant 0 : i32
    %scan3A_5 = arith.constant 4 : i32
    %scan3A_6 = arith.addi %scan3A, %scan3A_5 : i32
    %scan3A_7 = arith.constant 1 : i32
    %scan3A_8 = scf.for %scan3A_11 = %scan3A to %scan3A_6 step %scan3A_7 iter_args(%scan3A_12 = %broadcast_in_dim3A_4) -> (vector<16xf32>)  : i32 {
      "tpu.region"() ({
        %run_scoped3A = tpu.sem_alloc : memref<!tpu.dma_semaphore, #tpu.memory_space<semaphore_mem>>
        %dma_start3A_441 = arith.constant 0 : i32
        %dma_start3A_442 = tpu.memref_slice %arg2[%add3A, %scan3A_11, %dma_start3A_441] : memref<32x4x128xi32, #tpu.memory_space<hbm>> -> memref<1x1x128xi32, #tpu.memory_space<hbm>>
        %dma_start3A_443 = tpu.memref_squeeze %dma_start3A_442 : memref<1x1x128xi32, #tpu.memory_space<hbm>> -> memref<128xi32, #tpu.memory_space<hbm>>
        %dma_start3A_444 = arith.constant 0 : i32
        %dma_start3A_445 = tpu.memref_slice %arg2[%add3A, %scan3A_11, %dma_start3A_444] : memref<32x4x128xi32, #tpu.memory_space<hbm>> -> memref<1x1x128xi32, #tpu.memory_space<hbm>>
        %dma_start3A_446 = tpu.memref_squeeze %dma_start3A_445 : memref<1x1x128xi32, #tpu.memory_space<hbm>> -> memref<128xi32, #tpu.memory_space<hbm>>
        tpu.enqueue_dma source(%dma_start3A_446 : memref<128xi32, #tpu.memory_space<hbm>>) target(%arg7 : memref<128xi32, #tpu.memory_space<vmem>>) target_semaphore(%run_scoped3A : memref<!tpu.dma_semaphore, #tpu.memory_space<semaphore_mem>>)
        %dma_wait3A_447 = arith.constant 0 : i32
        %dma_wait3A_448 = tpu.memref_slice %arg2[%add3A, %scan3A_11, %dma_wait3A_447] : memref<32x4x128xi32, #tpu.memory_space<hbm>> -> memref<1x1x128xi32, #tpu.memory_space<hbm>>
        %dma_wait3A_449 = tpu.memref_squeeze %dma_wait3A_448 : memref<1x1x128xi32, #tpu.memory_space<hbm>> -> memref<128xi32, #tpu.memory_space<hbm>>
        %dma_wait3A_450 = arith.constant 0 : i32
        %dma_wait3A_451 = tpu.memref_slice %arg2[%add3A, %scan3A_11, %dma_wait3A_450] : memref<32x4x128xi32, #tpu.memory_space<hbm>> -> memref<1x1x128xi32, #tpu.memory_space<hbm>>
        %dma_wait3A_452 = tpu.memref_squeeze %dma_wait3A_451 : memref<1x1x128xi32, #tpu.memory_space<hbm>> -> memref<128xi32, #tpu.memory_space<hbm>>
        tpu.wait_dma2 semaphore(%run_scoped3A : memref<!tpu.dma_semaphore, #tpu.memory_space<semaphore_mem>>) src(%dma_wait3A_452 : memref<128xi32, #tpu.memory_space<hbm>>) dst(%arg7 : memref<128xi32, #tpu.memory_space<vmem>>)
        tpu.yield
      }) : () -> ()
      "tpu.region"() ({
        %run_scoped3A = tpu.sem_alloc : memref<!tpu.dma_semaphore, #tpu.memory_space<semaphore_mem>>
        %dma_start3A_441 = arith.constant 0 : i32
        %dma_start3A_442 = arith.constant 0 : i32
        %dma_start3A_443 = tpu.memref_slice %arg3[%add3A, %scan3A_11, %dma_start3A_441, %dma_start3A_442] : memref<32x4x21x128xi32, #tpu.memory_space<hbm>> -> memref<1x1x21x128xi32, #tpu.memory_space<hbm>>
        %dma_start3A_444 = tpu.memref_squeeze %dma_start3A_443 : memref<1x1x21x128xi32, #tpu.memory_space<hbm>> -> memref<21x128xi32, #tpu.memory_space<hbm>>
        %dma_start3A_445 = arith.constant 0 : i32
        %dma_start3A_446 = arith.constant 0 : i32
        %dma_start3A_447 = tpu.memref_slice %arg3[%add3A, %scan3A_11, %dma_start3A_445, %dma_start3A_446] : memref<32x4x21x128xi32, #tpu.memory_space<hbm>> -> memref<1x1x21x128xi32, #tpu.memory_space<hbm>>
        %dma_start3A_448 = tpu.memref_squeeze %dma_start3A_447 : memref<1x1x21x128xi32, #tpu.memory_space<hbm>> -> memref<21x128xi32, #tpu.memory_space<hbm>>
        tpu.enqueue_dma source(%dma_start3A_448 : memref<21x128xi32, #tpu.memory_space<hbm>>) target(%arg8 : memref<21x128xi32, #tpu.memory_space<vmem>>) target_semaphore(%run_scoped3A : memref<!tpu.dma_semaphore, #tpu.memory_space<semaphore_mem>>)
        %dma_wait3A_449 = arith.constant 0 : i32
        %dma_wait3A_450 = arith.constant 0 : i32
        %dma_wait3A_451 = tpu.memref_slice %arg3[%add3A, %scan3A_11, %dma_wait3A_449, %dma_wait3A_450] : memref<32x4x21x128xi32, #tpu.memory_space<hbm>> -> memref<1x1x21x128xi32, #tpu.memory_space<hbm>>
        %dma_wait3A_452 = tpu.memref_squeeze %dma_wait3A_451 : memref<1x1x21x128xi32, #tpu.memory_space<hbm>> -> memref<21x128xi32, #tpu.memory_space<hbm>>
        %dma_wait3A_453 = arith.constant 0 : i32
        %dma_wait3A_454 = arith.constant 0 : i32
        %dma_wait3A_455 = tpu.memref_slice %arg3[%add3A, %scan3A_11, %dma_wait3A_453, %dma_wait3A_454] : memref<32x4x21x128xi32, #tpu.memory_space<hbm>> -> memref<1x1x21x128xi32, #tpu.memory_space<hbm>>
        %dma_wait3A_456 = tpu.memref_squeeze %dma_wait3A_455 : memref<1x1x21x128xi32, #tpu.memory_space<hbm>> -> memref<21x128xi32, #tpu.memory_space<hbm>>
        tpu.wait_dma2 semaphore(%run_scoped3A : memref<!tpu.dma_semaphore, #tpu.memory_space<semaphore_mem>>) src(%dma_wait3A_456 : memref<21x128xi32, #tpu.memory_space<hbm>>) dst(%arg8 : memref<21x128xi32, #tpu.memory_space<vmem>>)
        tpu.yield
      }) : () -> ()
      %get3A = arith.constant 0 : index
      %get3A_13 = tpu.vector_load %arg7[%get3A] {strides = array<i32>} : memref<128xi32, #tpu.memory_space<vmem>>, vector<16xi32>,
      %shift_right_arithmetic3A = arith.constant 13 : i32
      %shift_right_arithmetic3A_14 = vector.broadcast %shift_right_arithmetic3A : i32 to vector<16xi32>
      %shift_right_arithmetic3A_15 = arith.shrsi %get3A_13, %shift_right_arithmetic3A_14 : vector<16xi32>
      %shift_left3A = arith.constant 12 : i32
      %shift_left3A_16 = vector.broadcast %shift_left3A : i32 to vector<16xi32>
      %shift_left3A_17 = arith.shli %shift_right_arithmetic3A_15, %shift_left3A_16 : vector<16xi32>
      %and3A = arith.constant 4095 : i32
      %and3A_18 = vector.broadcast %and3A : i32 to vector<16xi32>
      %and3A_19 = arith.andi %get3A_13, %and3A_18 : vector<16xi32>
      %add3A_20 = arith.addi %shift_left3A_17, %and3A_19 : vector<16xi32>
      %swap3A_21 = arith.constant 0 : index
      %swap3A_22 = tpu.vector_load %arg9[%swap3A_21] {strides = array<i32>} : memref<128xi32, #tpu.memory_space<vmem>>, vector<16xi32>,
      tpu.vector_store %arg9[%swap3A_21], %add3A_20 {strides = array<i32>} : memref<128xi32, #tpu.memory_space<vmem>>, vector<16xi32>,
      %get3A_23 = arith.constant 16 : index
      %get3A_24 = tpu.vector_load %arg7[%get3A_23] {strides = array<i32>} : memref<128xi32, #tpu.memory_space<vmem>>, vector<16xi32>,
      %shift_right_arithmetic3A_25 = arith.constant 13 : i32
      %shift_right_arithmetic3A_26 = vector.broadcast %shift_right_arithmetic3A_25 : i32 to vector<16xi32>
      %shift_right_arithmetic3A_27 = arith.shrsi %get3A_24, %shift_right_arithmetic3A_26 : vector<16xi32>
      %shift_left3A_28 = arith.constant 12 : i32
      %shift_left3A_29 = vector.broadcast %shift_left3A_28 : i32 to vector<16xi32>
      %shift_left3A_30 = arith.shli %shift_right_arithmetic3A_27, %shift_left3A_29 : vector<16xi32>
      %and3A_31 = arith.constant 4095 : i32
      %and3A_32 = vector.broadcast %and3A_31 : i32 to vector<16xi32>
      %and3A_33 = arith.andi %get3A_24, %and3A_32 : vector<16xi32>
      %add3A_34 = arith.addi %shift_left3A_30, %and3A_33 : vector<16xi32>
      %swap3A_35 = arith.constant 16 : index
      %swap3A_36 = tpu.vector_load %arg9[%swap3A_35] {strides = array<i32>} : memref<128xi32, #tpu.memory_space<vmem>>, vector<16xi32>,
      tpu.vector_store %arg9[%swap3A_35], %add3A_34 {strides = array<i32>} : memref<128xi32, #tpu.memory_space<vmem>>, vector<16xi32>,
      %get3A_37 = arith.constant 32 : index
      %get3A_38 = tpu.vector_load %arg7[%get3A_37] {strides = array<i32>} : memref<128xi32, #tpu.memory_space<vmem>>, vector<16xi32>,
      %shift_right_arithmetic3A_39 = arith.constant 13 : i32
      %shift_right_arithmetic3A_40 = vector.broadcast %shift_right_arithmetic3A_39 : i32 to vector<16xi32>
      %shift_right_arithmetic3A_41 = arith.shrsi %get3A_38, %shift_right_arithmetic3A_40 : vector<16xi32>
      %shift_left3A_42 = arith.constant 12 : i32
      %shift_left3A_43 = vector.broadcast %shift_left3A_42 : i32 to vector<16xi32>
      %shift_left3A_44 = arith.shli %shift_right_arithmetic3A_41, %shift_left3A_43 : vector<16xi32>
      %and3A_45 = arith.constant 4095 : i32
      %and3A_46 = vector.broadcast %and3A_45 : i32 to vector<16xi32>
      %and3A_47 = arith.andi %get3A_38, %and3A_46 : vector<16xi32>
      %add3A_48 = arith.addi %shift_left3A_44, %and3A_47 : vector<16xi32>
      %swap3A_49 = arith.constant 32 : index
      %swap3A_50 = tpu.vector_load %arg9[%swap3A_49] {strides = array<i32>} : memref<128xi32, #tpu.memory_space<vmem>>, vector<16xi32>,
      tpu.vector_store %arg9[%swap3A_49], %add3A_48 {strides = array<i32>} : memref<128xi32, #tpu.memory_space<vmem>>, vector<16xi32>,
      %get3A_51 = arith.constant 48 : index
      %get3A_52 = tpu.vector_load %arg7[%get3A_51] {strides = array<i32>} : memref<128xi32, #tpu.memory_space<vmem>>, vector<16xi32>,
      %shift_right_arithmetic3A_53 = arith.constant 13 : i32
      %shift_right_arithmetic3A_54 = vector.broadcast %shift_right_arithmetic3A_53 : i32 to vector<16xi32>
      %shift_right_arithmetic3A_55 = arith.shrsi %get3A_52, %shift_right_arithmetic3A_54 : vector<16xi32>
      %shift_left3A_56 = arith.constant 12 : i32
      %shift_left3A_57 = vector.broadcast %shift_left3A_56 : i32 to vector<16xi32>
      %shift_left3A_58 = arith.shli %shift_right_arithmetic3A_55, %shift_left3A_57 : vector<16xi32>
      %and3A_59 = arith.constant 4095 : i32
      %and3A_60 = vector.broadcast %and3A_59 : i32 to vector<16xi32>
      %and3A_61 = arith.andi %get3A_52, %and3A_60 : vector<16xi32>
      %add3A_62 = arith.addi %shift_left3A_58, %and3A_61 : vector<16xi32>
      %swap3A_63 = arith.constant 48 : index
      %swap3A_64 = tpu.vector_load %arg9[%swap3A_63] {strides = array<i32>} : memref<128xi32, #tpu.memory_space<vmem>>, vector<16xi32>,
      tpu.vector_store %arg9[%swap3A_63], %add3A_62 {strides = array<i32>} : memref<128xi32, #tpu.memory_space<vmem>>, vector<16xi32>,
      %get3A_65 = arith.constant 64 : index
      %get3A_66 = tpu.vector_load %arg7[%get3A_65] {strides = array<i32>} : memref<128xi32, #tpu.memory_space<vmem>>, vector<16xi32>,
      %shift_right_arithmetic3A_67 = arith.constant 13 : i32
      %shift_right_arithmetic3A_68 = vector.broadcast %shift_right_arithmetic3A_67 : i32 to vector<16xi32>
      %shift_right_arithmetic3A_69 = arith.shrsi %get3A_66, %shift_right_arithmetic3A_68 : vector<16xi32>
      %shift_left3A_70 = arith.constant 12 : i32
      %shift_left3A_71 = vector.broadcast %shift_left3A_70 : i32 to vector<16xi32>
      %shift_left3A_72 = arith.shli %shift_right_arithmetic3A_69, %shift_left3A_71 : vector<16xi32>
      %and3A_73 = arith.constant 4095 : i32
      %and3A_74 = vector.broadcast %and3A_73 : i32 to vector<16xi32>
      %and3A_75 = arith.andi %get3A_66, %and3A_74 : vector<16xi32>
      %add3A_76 = arith.addi %shift_left3A_72, %and3A_75 : vector<16xi32>
      %swap3A_77 = arith.constant 64 : index
      %swap3A_78 = tpu.vector_load %arg9[%swap3A_77] {strides = array<i32>} : memref<128xi32, #tpu.memory_space<vmem>>, vector<16xi32>,
      tpu.vector_store %arg9[%swap3A_77], %add3A_76 {strides = array<i32>} : memref<128xi32, #tpu.memory_space<vmem>>, vector<16xi32>,
      %get3A_79 = arith.constant 80 : index
      %get3A_80 = tpu.vector_load %arg7[%get3A_79] {strides = array<i32>} : memref<128xi32, #tpu.memory_space<vmem>>, vector<16xi32>,
      %shift_right_arithmetic3A_81 = arith.constant 13 : i32
      %shift_right_arithmetic3A_82 = vector.broadcast %shift_right_arithmetic3A_81 : i32 to vector<16xi32>
      %shift_right_arithmetic3A_83 = arith.shrsi %get3A_80, %shift_right_arithmetic3A_82 : vector<16xi32>
      %shift_left3A_84 = arith.constant 12 : i32
      %shift_left3A_85 = vector.broadcast %shift_left3A_84 : i32 to vector<16xi32>
      %shift_left3A_86 = arith.shli %shift_right_arithmetic3A_83, %shift_left3A_85 : vector<16xi32>
      %and3A_87 = arith.constant 4095 : i32
      %and3A_88 = vector.broadcast %and3A_87 : i32 to vector<16xi32>
      %and3A_89 = arith.andi %get3A_80, %and3A_88 : vector<16xi32>
      %add3A_90 = arith.addi %shift_left3A_86, %and3A_89 : vector<16xi32>
      %swap3A_91 = arith.constant 80 : index
      %swap3A_92 = tpu.vector_load %arg9[%swap3A_91] {strides = array<i32>} : memref<128xi32, #tpu.memory_space<vmem>>, vector<16xi32>,
      tpu.vector_store %arg9[%swap3A_91], %add3A_90 {strides = array<i32>} : memref<128xi32, #tpu.memory_space<vmem>>, vector<16xi32>,
      %get3A_93 = arith.constant 96 : index
      %get3A_94 = tpu.vector_load %arg7[%get3A_93] {strides = array<i32>} : memref<128xi32, #tpu.memory_space<vmem>>, vector<16xi32>,
      %shift_right_arithmetic3A_95 = arith.constant 13 : i32
      %shift_right_arithmetic3A_96 = vector.broadcast %shift_right_arithmetic3A_95 : i32 to vector<16xi32>
      %shift_right_arithmetic3A_97 = arith.shrsi %get3A_94, %shift_right_arithmetic3A_96 : vector<16xi32>
      %shift_left3A_98 = arith.constant 12 : i32
      %shift_left3A_99 = vector.broadcast %shift_left3A_98 : i32 to vector<16xi32>
      %shift_left3A_100 = arith.shli %shift_right_arithmetic3A_97, %shift_left3A_99 : vector<16xi32>
      %and3A_101 = arith.constant 4095 : i32
      %and3A_102 = vector.broadcast %and3A_101 : i32 to vector<16xi32>
      %and3A_103 = arith.andi %get3A_94, %and3A_102 : vector<16xi32>
      %add3A_104 = arith.addi %shift_left3A_100, %and3A_103 : vector<16xi32>
      %swap3A_105 = arith.constant 96 : index
      %swap3A_106 = tpu.vector_load %arg9[%swap3A_105] {strides = array<i32>} : memref<128xi32, #tpu.memory_space<vmem>>, vector<16xi32>,
      tpu.vector_store %arg9[%swap3A_105], %add3A_104 {strides = array<i32>} : memref<128xi32, #tpu.memory_space<vmem>>, vector<16xi32>,
      %get3A_107 = arith.constant 112 : index
      %get3A_108 = tpu.vector_load %arg7[%get3A_107] {strides = array<i32>} : memref<128xi32, #tpu.memory_space<vmem>>, vector<16xi32>,
      %shift_right_arithmetic3A_109 = arith.constant 13 : i32
      %shift_right_arithmetic3A_110 = vector.broadcast %shift_right_arithmetic3A_109 : i32 to vector<16xi32>
      %shift_right_arithmetic3A_111 = arith.shrsi %get3A_108, %shift_right_arithmetic3A_110 : vector<16xi32>
      %shift_left3A_112 = arith.constant 12 : i32
      %shift_left3A_113 = vector.broadcast %shift_left3A_112 : i32 to vector<16xi32>
      %shift_left3A_114 = arith.shli %shift_right_arithmetic3A_111, %shift_left3A_113 : vector<16xi32>
      %and3A_115 = arith.constant 4095 : i32
      %and3A_116 = vector.broadcast %and3A_115 : i32 to vector<16xi32>
      %and3A_117 = arith.andi %get3A_108, %and3A_116 : vector<16xi32>
      %add3A_118 = arith.addi %shift_left3A_114, %and3A_117 : vector<16xi32>
      %swap3A_119 = arith.constant 112 : index
      %swap3A_120 = tpu.vector_load %arg9[%swap3A_119] {strides = array<i32>} : memref<128xi32, #tpu.memory_space<vmem>>, vector<16xi32>,
      tpu.vector_store %arg9[%swap3A_119], %add3A_118 {strides = array<i32>} : memref<128xi32, #tpu.memory_space<vmem>>, vector<16xi32>,
      %dma_start3A = arith.constant 0 : i32
      %dma_start3A_121 = arith.constant 0 : i32
      %dma_start3A_122 = tpu.memref_slice %arg4[%dma_start3A, %dma_start3A_121] : memref<503808x128xf32, #tpu.memory_space<hbm>> -> memref<503808x128xf32, #tpu.memory_space<hbm>>
      tpu.enqueue_indirect_dma source(%dma_start3A_122 : memref<503808x128xf32, #tpu.memory_space<hbm>>) target(%arg12 : memref<128x128xf32, #tpu.memory_space<vmem>>) offsets(%arg9 : memref<128xi32, #tpu.memory_space<vmem>>) semaphore(%arg17 : memref<!tpu.dma_semaphore, #tpu.memory_space<semaphore_mem>>)
      %get3A_123 = arith.constant 0 : i32
      %get3A_124 = arith.constant 0 : i32
      %get3A_125 = tpu.memref_slice %arg8[%get3A_123, %get3A_124] : memref<21x128xi32, #tpu.memory_space<vmem>> -> memref<1x128xi32, #tpu.memory_space<vmem>>
      %get3A_126 = tpu.memref_squeeze %get3A_125 : memref<1x128xi32, #tpu.memory_space<vmem>> -> memref<128xi32, #tpu.memory_space<vmem>>
      %get3A_127 = arith.constant 0 : index
      %get3A_128 = tpu.vector_load %get3A_126[%get3A_127] {strides = array<i32>} : memref<128xi32, #tpu.memory_space<vmem>>, vector<16xi32>,
      %shift_right_arithmetic3A_129 = arith.constant 13 : i32
      %shift_right_arithmetic3A_130 = vector.broadcast %shift_right_arithmetic3A_129 : i32 to vector<16xi32>
      %shift_right_arithmetic3A_131 = arith.shrsi %get3A_128, %shift_right_arithmetic3A_130 : vector<16xi32>
      %shift_left3A_132 = arith.constant 12 : i32
      %shift_left3A_133 = vector.broadcast %shift_left3A_132 : i32 to vector<16xi32>
      %shift_left3A_134 = arith.shli %shift_right_arithmetic3A_131, %shift_left3A_133 : vector<16xi32>
      %and3A_135 = arith.constant 4095 : i32
      %and3A_136 = vector.broadcast %and3A_135 : i32 to vector<16xi32>
      %and3A_137 = arith.andi %get3A_128, %and3A_136 : vector<16xi32>
      %add3A_138 = arith.addi %shift_left3A_134, %and3A_137 : vector<16xi32>
      %swap3A_139 = arith.constant 0 : index
      %swap3A_140 = tpu.vector_load %arg10[%swap3A_139] {strides = array<i32>} : memref<128xi32, #tpu.memory_space<vmem>>, vector<16xi32>,
      tpu.vector_store %arg10[%swap3A_139], %add3A_138 {strides = array<i32>} : memref<128xi32, #tpu.memory_space<vmem>>, vector<16xi32>,
      %get3A_141 = arith.constant 0 : i32
      %get3A_142 = arith.constant 0 : i32
      %get3A_143 = tpu.memref_slice %arg8[%get3A_141, %get3A_142] : memref<21x128xi32, #tpu.memory_space<vmem>> -> memref<1x128xi32, #tpu.memory_space<vmem>>
      %get3A_144 = tpu.memref_squeeze %get3A_143 : memref<1x128xi32, #tpu.memory_space<vmem>> -> memref<128xi32, #tpu.memory_space<vmem>>
      %get3A_145 = arith.constant 16 : index
      %get3A_146 = tpu.vector_load %get3A_144[%get3A_145] {strides = array<i32>} : memref<128xi32, #tpu.memory_space<vmem>>, vector<16xi32>,
      %shift_right_arithmetic3A_147 = arith.constant 13 : i32
      %shift_right_arithmetic3A_148 = vector.broadcast %shift_right_arithmetic3A_147 : i32 to vector<16xi32>
      %shift_right_arithmetic3A_149 = arith.shrsi %get3A_146, %shift_right_arithmetic3A_148 : vector<16xi32>
      %shift_left3A_150 = arith.constant 12 : i32
      %shift_left3A_151 = vector.broadcast %shift_left3A_150 : i32 to vector<16xi32>
      %shift_left3A_152 = arith.shli %shift_right_arithmetic3A_149, %shift_left3A_151 : vector<16xi32>
      %and3A_153 = arith.constant 4095 : i32
      %and3A_154 = vector.broadcast %and3A_153 : i32 to vector<16xi32>
      %and3A_155 = arith.andi %get3A_146, %and3A_154 : vector<16xi32>
      %add3A_156 = arith.addi %shift_left3A_152, %and3A_155 : vector<16xi32>
      %swap3A_157 = arith.constant 16 : index
      %swap3A_158 = tpu.vector_load %arg10[%swap3A_157] {strides = array<i32>} : memref<128xi32, #tpu.memory_space<vmem>>, vector<16xi32>,
      tpu.vector_store %arg10[%swap3A_157], %add3A_156 {strides = array<i32>} : memref<128xi32, #tpu.memory_space<vmem>>, vector<16xi32>,
      %get3A_159 = arith.constant 0 : i32
      %get3A_160 = arith.constant 0 : i32
      %get3A_161 = tpu.memref_slice %arg8[%get3A_159, %get3A_160] : memref<21x128xi32, #tpu.memory_space<vmem>> -> memref<1x128xi32, #tpu.memory_space<vmem>>
      %get3A_162 = tpu.memref_squeeze %get3A_161 : memref<1x128xi32, #tpu.memory_space<vmem>> -> memref<128xi32, #tpu.memory_space<vmem>>
      %get3A_163 = arith.constant 32 : index
      %get3A_164 = tpu.vector_load %get3A_162[%get3A_163] {strides = array<i32>} : memref<128xi32, #tpu.memory_space<vmem>>, vector<16xi32>,
      %shift_right_arithmetic3A_165 = arith.constant 13 : i32
      %shift_right_arithmetic3A_166 = vector.broadcast %shift_right_arithmetic3A_165 : i32 to vector<16xi32>
      %shift_right_arithmetic3A_167 = arith.shrsi %get3A_164, %shift_right_arithmetic3A_166 : vector<16xi32>
      %shift_left3A_168 = arith.constant 12 : i32
      %shift_left3A_169 = vector.broadcast %shift_left3A_168 : i32 to vector<16xi32>
      %shift_left3A_170 = arith.shli %shift_right_arithmetic3A_167, %shift_left3A_169 : vector<16xi32>
      %and3A_171 = arith.constant 4095 : i32
      %and3A_172 = vector.broadcast %and3A_171 : i32 to vector<16xi32>
      %and3A_173 = arith.andi %get3A_164, %and3A_172 : vector<16xi32>
      %add3A_174 = arith.addi %shift_left3A_170, %and3A_173 : vector<16xi32>
      %swap3A_175 = arith.constant 32 : index
      %swap3A_176 = tpu.vector_load %arg10[%swap3A_175] {strides = array<i32>} : memref<128xi32, #tpu.memory_space<vmem>>, vector<16xi32>,
      tpu.vector_store %arg10[%swap3A_175], %add3A_174 {strides = array<i32>} : memref<128xi32, #tpu.memory_space<vmem>>, vector<16xi32>,
      %get3A_177 = arith.constant 0 : i32
      %get3A_178 = arith.constant 0 : i32
      %get3A_179 = tpu.memref_slice %arg8[%get3A_177, %get3A_178] : memref<21x128xi32, #tpu.memory_space<vmem>> -> memref<1x128xi32, #tpu.memory_space<vmem>>
      %get3A_180 = tpu.memref_squeeze %get3A_179 : memref<1x128xi32, #tpu.memory_space<vmem>> -> memref<128xi32, #tpu.memory_space<vmem>>
      %get3A_181 = arith.constant 48 : index
      %get3A_182 = tpu.vector_load %get3A_180[%get3A_181] {strides = array<i32>} : memref<128xi32, #tpu.memory_space<vmem>>, vector<16xi32>,
      %shift_right_arithmetic3A_183 = arith.constant 13 : i32
      %shift_right_arithmetic3A_184 = vector.broadcast %shift_right_arithmetic3A_183 : i32 to vector<16xi32>
      %shift_right_arithmetic3A_185 = arith.shrsi %get3A_182, %shift_right_arithmetic3A_184 : vector<16xi32>
      %shift_left3A_186 = arith.constant 12 : i32
      %shift_left3A_187 = vector.broadcast %shift_left3A_186 : i32 to vector<16xi32>
      %shift_left3A_188 = arith.shli %shift_right_arithmetic3A_185, %shift_left3A_187 : vector<16xi32>
      %and3A_189 = arith.constant 4095 : i32
      %and3A_190 = vector.broadcast %and3A_189 : i32 to vector<16xi32>
      %and3A_191 = arith.andi %get3A_182, %and3A_190 : vector<16xi32>
      %add3A_192 = arith.addi %shift_left3A_188, %and3A_191 : vector<16xi32>
      %swap3A_193 = arith.constant 48 : index
      %swap3A_194 = tpu.vector_load %arg10[%swap3A_193] {strides = array<i32>} : memref<128xi32, #tpu.memory_space<vmem>>, vector<16xi32>,
      tpu.vector_store %arg10[%swap3A_193], %add3A_192 {strides = array<i32>} : memref<128xi32, #tpu.memory_space<vmem>>, vector<16xi32>,
      %get3A_195 = arith.constant 0 : i32
      %get3A_196 = arith.constant 0 : i32
      %get3A_197 = tpu.memref_slice %arg8[%get3A_195, %get3A_196] : memref<21x128xi32, #tpu.memory_space<vmem>> -> memref<1x128xi32, #tpu.memory_space<vmem>>
      %get3A_198 = tpu.memref_squeeze %get3A_197 : memref<1x128xi32, #tpu.memory_space<vmem>> -> memref<128xi32, #tpu.memory_space<vmem>>
      %get3A_199 = arith.constant 64 : index
      %get3A_200 = tpu.vector_load %get3A_198[%get3A_199] {strides = array<i32>} : memref<128xi32, #tpu.memory_space<vmem>>, vector<16xi32>,
      %shift_right_arithmetic3A_201 = arith.constant 13 : i32
      %shift_right_arithmetic3A_202 = vector.broadcast %shift_right_arithmetic3A_201 : i32 to vector<16xi32>
      %shift_right_arithmetic3A_203 = arith.shrsi %get3A_200, %shift_right_arithmetic3A_202 : vector<16xi32>
      %shift_left3A_204 = arith.constant 12 : i32
      %shift_left3A_205 = vector.broadcast %shift_left3A_204 : i32 to vector<16xi32>
      %shift_left3A_206 = arith.shli %shift_right_arithmetic3A_203, %shift_left3A_205 : vector<16xi32>
      %and3A_207 = arith.constant 4095 : i32
      %and3A_208 = vector.broadcast %and3A_207 : i32 to vector<16xi32>
      %and3A_209 = arith.andi %get3A_200, %and3A_208 : vector<16xi32>
      %add3A_210 = arith.addi %shift_left3A_206, %and3A_209 : vector<16xi32>
      %swap3A_211 = arith.constant 64 : index
      %swap3A_212 = tpu.vector_load %arg10[%swap3A_211] {strides = array<i32>} : memref<128xi32, #tpu.memory_space<vmem>>, vector<16xi32>,
      tpu.vector_store %arg10[%swap3A_211], %add3A_210 {strides = array<i32>} : memref<128xi32, #tpu.memory_space<vmem>>, vector<16xi32>,
      %get3A_213 = arith.constant 0 : i32
      %get3A_214 = arith.constant 0 : i32
      %get3A_215 = tpu.memref_slice %arg8[%get3A_213, %get3A_214] : memref<21x128xi32, #tpu.memory_space<vmem>> -> memref<1x128xi32, #tpu.memory_space<vmem>>
      %get3A_216 = tpu.memref_squeeze %get3A_215 : memref<1x128xi32, #tpu.memory_space<vmem>> -> memref<128xi32, #tpu.memory_space<vmem>>
      %get3A_217 = arith.constant 80 : index
      %get3A_218 = tpu.vector_load %get3A_216[%get3A_217] {strides = array<i32>} : memref<128xi32, #tpu.memory_space<vmem>>, vector<16xi32>,
      %shift_right_arithmetic3A_219 = arith.constant 13 : i32
      %shift_right_arithmetic3A_220 = vector.broadcast %shift_right_arithmetic3A_219 : i32 to vector<16xi32>
      %shift_right_arithmetic3A_221 = arith.shrsi %get3A_218, %shift_right_arithmetic3A_220 : vector<16xi32>
      %shift_left3A_222 = arith.constant 12 : i32
      %shift_left3A_223 = vector.broadcast %shift_left3A_222 : i32 to vector<16xi32>
      %shift_left3A_224 = arith.shli %shift_right_arithmetic3A_221, %shift_left3A_223 : vector<16xi32>
      %and3A_225 = arith.constant 4095 : i32
      %and3A_226 = vector.broadcast %and3A_225 : i32 to vector<16xi32>
      %and3A_227 = arith.andi %get3A_218, %and3A_226 : vector<16xi32>
      %add3A_228 = arith.addi %shift_left3A_224, %and3A_227 : vector<16xi32>
      %swap3A_229 = arith.constant 80 : index
      %swap3A_230 = tpu.vector_load %arg10[%swap3A_229] {strides = array<i32>} : memref<128xi32, #tpu.memory_space<vmem>>, vector<16xi32>,
      tpu.vector_store %arg10[%swap3A_229], %add3A_228 {strides = array<i32>} : memref<128xi32, #tpu.memory_space<vmem>>, vector<16xi32>,
      %get3A_231 = arith.constant 0 : i32
      %get3A_232 = arith.constant 0 : i32
      %get3A_233 = tpu.memref_slice %arg8[%get3A_231, %get3A_232] : memref<21x128xi32, #tpu.memory_space<vmem>> -> memref<1x128xi32, #tpu.memory_space<vmem>>
      %get3A_234 = tpu.memref_squeeze %get3A_233 : memref<1x128xi32, #tpu.memory_space<vmem>> -> memref<128xi32, #tpu.memory_space<vmem>>
      %get3A_235 = arith.constant 96 : index
      %get3A_236 = tpu.vector_load %get3A_234[%get3A_235] {strides = array<i32>} : memref<128xi32, #tpu.memory_space<vmem>>, vector<16xi32>,
      %shift_right_arithmetic3A_237 = arith.constant 13 : i32
      %shift_right_arithmetic3A_238 = vector.broadcast %shift_right_arithmetic3A_237 : i32 to vector<16xi32>
      %shift_right_arithmetic3A_239 = arith.shrsi %get3A_236, %shift_right_arithmetic3A_238 : vector<16xi32>
      %shift_left3A_240 = arith.constant 12 : i32
      %shift_left3A_241 = vector.broadcast %shift_left3A_240 : i32 to vector<16xi32>
      %shift_left3A_242 = arith.shli %shift_right_arithmetic3A_239, %shift_left3A_241 : vector<16xi32>
      %and3A_243 = arith.constant 4095 : i32
      %and3A_244 = vector.broadcast %and3A_243 : i32 to vector<16xi32>
      %and3A_245 = arith.andi %get3A_236, %and3A_244 : vector<16xi32>
      %add3A_246 = arith.addi %shift_left3A_242, %and3A_245 : vector<16xi32>
      %swap3A_247 = arith.constant 96 : index
      %swap3A_248 = tpu.vector_load %arg10[%swap3A_247] {strides = array<i32>} : memref<128xi32, #tpu.memory_space<vmem>>, vector<16xi32>,
      tpu.vector_store %arg10[%swap3A_247], %add3A_246 {strides = array<i32>} : memref<128xi32, #tpu.memory_space<vmem>>, vector<16xi32>,
      %get3A_249 = arith.constant 0 : i32
      %get3A_250 = arith.constant 0 : i32
      %get3A_251 = tpu.memref_slice %arg8[%get3A_249, %get3A_250] : memref<21x128xi32, #tpu.memory_space<vmem>> -> memref<1x128xi32, #tpu.memory_space<vmem>>
      %get3A_252 = tpu.memref_squeeze %get3A_251 : memref<1x128xi32, #tpu.memory_space<vmem>> -> memref<128xi32, #tpu.memory_space<vmem>>
      %get3A_253 = arith.constant 112 : index
      %get3A_254 = tpu.vector_load %get3A_252[%get3A_253] {strides = array<i32>} : memref<128xi32, #tpu.memory_space<vmem>>, vector<16xi32>,
      %shift_right_arithmetic3A_255 = arith.constant 13 : i32
      %shift_right_arithmetic3A_256 = vector.broadcast %shift_right_arithmetic3A_255 : i32 to vector<16xi32>
      %shift_right_arithmetic3A_257 = arith.shrsi %get3A_254, %shift_right_arithmetic3A_256 : vector<16xi32>
      %shift_left3A_258 = arith.constant 12 : i32
      %shift_left3A_259 = vector.broadcast %shift_left3A_258 : i32 to vector<16xi32>
      %shift_left3A_260 = arith.shli %shift_right_arithmetic3A_257, %shift_left3A_259 : vector<16xi32>
      %and3A_261 = arith.constant 4095 : i32
      %and3A_262 = vector.broadcast %and3A_261 : i32 to vector<16xi32>
      %and3A_263 = arith.andi %get3A_254, %and3A_262 : vector<16xi32>
      %add3A_264 = arith.addi %shift_left3A_260, %and3A_263 : vector<16xi32>
      %swap3A_265 = arith.constant 112 : index
      %swap3A_266 = tpu.vector_load %arg10[%swap3A_265] {strides = array<i32>} : memref<128xi32, #tpu.memory_space<vmem>>, vector<16xi32>,
      tpu.vector_store %arg10[%swap3A_265], %add3A_264 {strides = array<i32>} : memref<128xi32, #tpu.memory_space<vmem>>, vector<16xi32>,
      %dma_start3A_267 = arith.constant 0 : i32
      %dma_start3A_268 = arith.constant 0 : i32
      %dma_start3A_269 = tpu.memref_slice %arg5[%dma_start3A_267, %dma_start3A_268] : memref<503808x128xf32, #tpu.memory_space<hbm>> -> memref<503808x128xf32, #tpu.memory_space<hbm>>
      tpu.enqueue_indirect_dma source(%dma_start3A_269 : memref<503808x128xf32, #tpu.memory_space<hbm>>) target(%arg13 : memref<128x128xf32, #tpu.memory_space<vmem>>) offsets(%arg10 : memref<128xi32, #tpu.memory_space<vmem>>) semaphore(%arg18 : memref<!tpu.dma_semaphore, #tpu.memory_space<semaphore_mem>>)
      %get3A_270 = arith.constant 1 : i32
      %get3A_271 = arith.constant 0 : i32
      %get3A_272 = tpu.memref_slice %arg8[%get3A_270, %get3A_271] : memref<21x128xi32, #tpu.memory_space<vmem>> -> memref<1x128xi32, #tpu.memory_space<vmem>>
      %get3A_273 = tpu.memref_squeeze %get3A_272 : memref<1x128xi32, #tpu.memory_space<vmem>> -> memref<128xi32, #tpu.memory_space<vmem>>
      %get3A_274 = arith.constant 0 : index
      %get3A_275 = tpu.vector_load %get3A_273[%get3A_274] {strides = array<i32>} : memref<128xi32, #tpu.memory_space<vmem>>, vector<16xi32>,
      %shift_right_arithmetic3A_276 = arith.constant 13 : i32
      %shift_right_arithmetic3A_277 = vector.broadcast %shift_right_arithmetic3A_276 : i32 to vector<16xi32>
      %shift_right_arithmetic3A_278 = arith.shrsi %get3A_275, %shift_right_arithmetic3A_277 : vector<16xi32>
      %shift_left3A_279 = arith.constant 12 : i32
      %shift_left3A_280 = vector.broadcast %shift_left3A_279 : i32 to vector<16xi32>
      %shift_left3A_281 = arith.shli %shift_right_arithmetic3A_278, %shift_left3A_280 : vector<16xi32>
      %and3A_282 = arith.constant 4095 : i32
      %and3A_283 = vector.broadcast %and3A_282 : i32 to vector<16xi32>
      %and3A_284 = arith.andi %get3A_275, %and3A_283 : vector<16xi32>
      %add3A_285 = arith.addi %shift_left3A_281, %and3A_284 : vector<16xi32>
      %swap3A_286 = arith.constant 0 : index
      %swap3A_287 = tpu.vector_load %arg11[%swap3A_286] {strides = array<i32>} : memref<128xi32, #tpu.memory_space<vmem>>, vector<16xi32>,
      tpu.vector_store %arg11[%swap3A_286], %add3A_285 {strides = array<i32>} : memref<128xi32, #tpu.memory_space<vmem>>, vector<16xi32>,
      %get3A_288 = arith.constant 1 : i32
      %get3A_289 = arith.constant 0 : i32
      %get3A_290 = tpu.memref_slice %arg8[%get3A_288, %get3A_289] : memref<21x128xi32, #tpu.memory_space<vmem>> -> memref<1x128xi32, #tpu.memory_space<vmem>>
      %get3A_291 = tpu.memref_squeeze %get3A_290 : memref<1x128xi32, #tpu.memory_space<vmem>> -> memref<128xi32, #tpu.memory_space<vmem>>
      %get3A_292 = arith.constant 16 : index
      %get3A_293 = tpu.vector_load %get3A_291[%get3A_292] {strides = array<i32>} : memref<128xi32, #tpu.memory_space<vmem>>, vector<16xi32>,
      %shift_right_arithmetic3A_294 = arith.constant 13 : i32
      %shift_right_arithmetic3A_295 = vector.broadcast %shift_right_arithmetic3A_294 : i32 to vector<16xi32>
      %shift_right_arithmetic3A_296 = arith.shrsi %get3A_293, %shift_right_arithmetic3A_295 : vector<16xi32>
      %shift_left3A_297 = arith.constant 12 : i32
      %shift_left3A_298 = vector.broadcast %shift_left3A_297 : i32 to vector<16xi32>
      %shift_left3A_299 = arith.shli %shift_right_arithmetic3A_296, %shift_left3A_298 : vector<16xi32>
      %and3A_300 = arith.constant 4095 : i32
      %and3A_301 = vector.broadcast %and3A_300 : i32 to vector<16xi32>
      %and3A_302 = arith.andi %get3A_293, %and3A_301 : vector<16xi32>
      %add3A_303 = arith.addi %shift_left3A_299, %and3A_302 : vector<16xi32>
      %swap3A_304 = arith.constant 16 : index
      %swap3A_305 = tpu.vector_load %arg11[%swap3A_304] {strides = array<i32>} : memref<128xi32, #tpu.memory_space<vmem>>, vector<16xi32>,
      tpu.vector_store %arg11[%swap3A_304], %add3A_303 {strides = array<i32>} : memref<128xi32, #tpu.memory_space<vmem>>, vector<16xi32>,
      %get3A_306 = arith.constant 1 : i32
      %get3A_307 = arith.constant 0 : i32
      %get3A_308 = tpu.memref_slice %arg8[%get3A_306, %get3A_307] : memref<21x128xi32, #tpu.memory_space<vmem>> -> memref<1x128xi32, #tpu.memory_space<vmem>>
      %get3A_309 = tpu.memref_squeeze %get3A_308 : memref<1x128xi32, #tpu.memory_space<vmem>> -> memref<128xi32, #tpu.memory_space<vmem>>
      %get3A_310 = arith.constant 32 : index
      %get3A_311 = tpu.vector_load %get3A_309[%get3A_310] {strides = array<i32>} : memref<128xi32, #tpu.memory_space<vmem>>, vector<16xi32>,
      %shift_right_arithmetic3A_312 = arith.constant 13 : i32
      %shift_right_arithmetic3A_313 = vector.broadcast %shift_right_arithmetic3A_312 : i32 to vector<16xi32>
      %shift_right_arithmetic3A_314 = arith.shrsi %get3A_311, %shift_right_arithmetic3A_313 : vector<16xi32>
      %shift_left3A_315 = arith.constant 12 : i32
      %shift_left3A_316 = vector.broadcast %shift_left3A_315 : i32 to vector<16xi32>
      %shift_left3A_317 = arith.shli %shift_right_arithmetic3A_314, %shift_left3A_316 : vector<16xi32>
      %and3A_318 = arith.constant 4095 : i32
      %and3A_319 = vector.broadcast %and3A_318 : i32 to vector<16xi32>
      %and3A_320 = arith.andi %get3A_311, %and3A_319 : vector<16xi32>
      %add3A_321 = arith.addi %shift_left3A_317, %and3A_320 : vector<16xi32>
      %swap3A_322 = arith.constant 32 : index
      %swap3A_323 = tpu.vector_load %arg11[%swap3A_322] {strides = array<i32>} : memref<128xi32, #tpu.memory_space<vmem>>, vector<16xi32>,
      tpu.vector_store %arg11[%swap3A_322], %add3A_321 {strides = array<i32>} : memref<128xi32, #tpu.memory_space<vmem>>, vector<16xi32>,
      %get3A_324 = arith.constant 1 : i32
      %get3A_325 = arith.constant 0 : i32
      %get3A_326 = tpu.memref_slice %arg8[%get3A_324, %get3A_325] : memref<21x128xi32, #tpu.memory_space<vmem>> -> memref<1x128xi32, #tpu.memory_space<vmem>>
      %get3A_327 = tpu.memref_squeeze %get3A_326 : memref<1x128xi32, #tpu.memory_space<vmem>> -> memref<128xi32, #tpu.memory_space<vmem>>
      %get3A_328 = arith.constant 48 : index
      %get3A_329 = tpu.vector_load %get3A_327[%get3A_328] {strides = array<i32>} : memref<128xi32, #tpu.memory_space<vmem>>, vector<16xi32>,
      %shift_right_arithmetic3A_330 = arith.constant 13 : i32
      %shift_right_arithmetic3A_331 = vector.broadcast %shift_right_arithmetic3A_330 : i32 to vector<16xi32>
      %shift_right_arithmetic3A_332 = arith.shrsi %get3A_329, %shift_right_arithmetic3A_331 : vector<16xi32>
      %shift_left3A_333 = arith.constant 12 : i32
      %shift_left3A_334 = vector.broadcast %shift_left3A_333 : i32 to vector<16xi32>
      %shift_left3A_335 = arith.shli %shift_right_arithmetic3A_332, %shift_left3A_334 : vector<16xi32>
      %and3A_336 = arith.constant 4095 : i32
      %and3A_337 = vector.broadcast %and3A_336 : i32 to vector<16xi32>
      %and3A_338 = arith.andi %get3A_329, %and3A_337 : vector<16xi32>
      %add3A_339 = arith.addi %shift_left3A_335, %and3A_338 : vector<16xi32>
      %swap3A_340 = arith.constant 48 : index
      %swap3A_341 = tpu.vector_load %arg11[%swap3A_340] {strides = array<i32>} : memref<128xi32, #tpu.memory_space<vmem>>, vector<16xi32>,
      tpu.vector_store %arg11[%swap3A_340], %add3A_339 {strides = array<i32>} : memref<128xi32, #tpu.memory_space<vmem>>, vector<16xi32>,
      %get3A_342 = arith.constant 1 : i32
      %get3A_343 = arith.constant 0 : i32
      %get3A_344 = tpu.memref_slice %arg8[%get3A_342, %get3A_343] : memref<21x128xi32, #tpu.memory_space<vmem>> -> memref<1x128xi32, #tpu.memory_space<vmem>>
      %get3A_345 = tpu.memref_squeeze %get3A_344 : memref<1x128xi32, #tpu.memory_space<vmem>> -> memref<128xi32, #tpu.memory_space<vmem>>
      %get3A_346 = arith.constant 64 : index
      %get3A_347 = tpu.vector_load %get3A_345[%get3A_346] {strides = array<i32>} : memref<128xi32, #tpu.memory_space<vmem>>, vector<16xi32>,
      %shift_right_arithmetic3A_348 = arith.constant 13 : i32
      %shift_right_arithmetic3A_349 = vector.broadcast %shift_right_arithmetic3A_348 : i32 to vector<16xi32>
      %shift_right_arithmetic3A_350 = arith.shrsi %get3A_347, %shift_right_arithmetic3A_349 : vector<16xi32>
      %shift_left3A_351 = arith.constant 12 : i32
      %shift_left3A_352 = vector.broadcast %shift_left3A_351 : i32 to vector<16xi32>
      %shift_left3A_353 = arith.shli %shift_right_arithmetic3A_350, %shift_left3A_352 : vector<16xi32>
      %and3A_354 = arith.constant 4095 : i32
      %and3A_355 = vector.broadcast %and3A_354 : i32 to vector<16xi32>
      %and3A_356 = arith.andi %get3A_347, %and3A_355 : vector<16xi32>
      %add3A_357 = arith.addi %shift_left3A_353, %and3A_356 : vector<16xi32>
      %swap3A_358 = arith.constant 64 : index
      %swap3A_359 = tpu.vector_load %arg11[%swap3A_358] {strides = array<i32>} : memref<128xi32, #tpu.memory_space<vmem>>, vector<16xi32>,
      tpu.vector_store %arg11[%swap3A_358], %add3A_357 {strides = array<i32>} : memref<128xi32, #tpu.memory_space<vmem>>, vector<16xi32>,
      %get3A_360 = arith.constant 1 : i32
      %get3A_361 = arith.constant 0 : i32
      %get3A_362 = tpu.memref_slice %arg8[%get3A_360, %get3A_361] : memref<21x128xi32, #tpu.memory_space<vmem>> -> memref<1x128xi32, #tpu.memory_space<vmem>>
      %get3A_363 = tpu.memref_squeeze %get3A_362 : memref<1x128xi32, #tpu.memory_space<vmem>> -> memref<128xi32, #tpu.memory_space<vmem>>
      %get3A_364 = arith.constant 80 : index
      %get3A_365 = tpu.vector_load %get3A_363[%get3A_364] {strides = array<i32>} : memref<128xi32, #tpu.memory_space<vmem>>, vector<16xi32>,
      %shift_right_arithmetic3A_366 = arith.constant 13 : i32
      %shift_right_arithmetic3A_367 = vector.broadcast %shift_right_arithmetic3A_366 : i32 to vector<16xi32>
      %shift_right_arithmetic3A_368 = arith.shrsi %get3A_365, %shift_right_arithmetic3A_367 : vector<16xi32>
      %shift_left3A_369 = arith.constant 12 : i32
      %shift_left3A_370 = vector.broadcast %shift_left3A_369 : i32 to vector<16xi32>
      %shift_left3A_371 = arith.shli %shift_right_arithmetic3A_368, %shift_left3A_370 : vector<16xi32>
      %and3A_372 = arith.constant 4095 : i32
      %and3A_373 = vector.broadcast %and3A_372 : i32 to vector<16xi32>
      %and3A_374 = arith.andi %get3A_365, %and3A_373 : vector<16xi32>
      %add3A_375 = arith.addi %shift_left3A_371, %and3A_374 : vector<16xi32>
      %swap3A_376 = arith.constant 80 : index
      %swap3A_377 = tpu.vector_load %arg11[%swap3A_376] {strides = array<i32>} : memref<128xi32, #tpu.memory_space<vmem>>, vector<16xi32>,
      tpu.vector_store %arg11[%swap3A_376], %add3A_375 {strides = array<i32>} : memref<128xi32, #tpu.memory_space<vmem>>, vector<16xi32>,
      %get3A_378 = arith.constant 1 : i32
      %get3A_379 = arith.constant 0 : i32
      %get3A_380 = tpu.memref_slice %arg8[%get3A_378, %get3A_379] : memref<21x128xi32, #tpu.memory_space<vmem>> -> memref<1x128xi32, #tpu.memory_space<vmem>>
      %get3A_381 = tpu.memref_squeeze %get3A_380 : memref<1x128xi32, #tpu.memory_space<vmem>> -> memref<128xi32, #tpu.memory_space<vmem>>
      %get3A_382 = arith.constant 96 : index
      %get3A_383 = tpu.vector_load %get3A_381[%get3A_382] {strides = array<i32>} : memref<128xi32, #tpu.memory_space<vmem>>, vector<16xi32>,
      %shift_right_arithmetic3A_384 = arith.constant 13 : i32
      %shift_right_arithmetic3A_385 = vector.broadcast %shift_right_arithmetic3A_384 : i32 to vector<16xi32>
      %shift_right_arithmetic3A_386 = arith.shrsi %get3A_383, %shift_right_arithmetic3A_385 : vector<16xi32>
      %shift_left3A_387 = arith.constant 12 : i32
      %shift_left3A_388 = vector.broadcast %shift_left3A_387 : i32 to vector<16xi32>
      %shift_left3A_389 = arith.shli %shift_right_arithmetic3A_386, %shift_left3A_388 : vector<16xi32>
      %and3A_390 = arith.constant 4095 : i32
      %and3A_391 = vector.broadcast %and3A_390 : i32 to vector<16xi32>
      %and3A_392 = arith.andi %get3A_383, %and3A_391 : vector<16xi32>
      %add3A_393 = arith.addi %shift_left3A_389, %and3A_392 : vector<16xi32>
      %swap3A_394 = arith.constant 96 : index
      %swap3A_395 = tpu.vector_load %arg11[%swap3A_394] {strides = array<i32>} : memref<128xi32, #tpu.memory_space<vmem>>, vector<16xi32>,
      tpu.vector_store %arg11[%swap3A_394], %add3A_393 {strides = array<i32>} : memref<128xi32, #tpu.memory_space<vmem>>, vector<16xi32>,
      %get3A_396 = arith.constant 1 : i32
      %get3A_397 = arith.constant 0 : i32
      %get3A_398 = tpu.memref_slice %arg8[%get3A_396, %get3A_397] : memref<21x128xi32, #tpu.memory_space<vmem>> -> memref<1x128xi32, #tpu.memory_space<vmem>>
      %get3A_399 = tpu.memref_squeeze %get3A_398 : memref<1x128xi32, #tpu.memory_space<vmem>> -> memref<128xi32, #tpu.memory_space<vmem>>
      %get3A_400 = arith.constant 112 : index
      %get3A_401 = tpu.vector_load %get3A_399[%get3A_400] {strides = array<i32>} : memref<128xi32, #tpu.memory_space<vmem>>, vector<16xi32>,
      %shift_right_arithmetic3A_402 = arith.constant 13 : i32
      %shift_right_arithmetic3A_403 = vector.broadcast %shift_right_arithmetic3A_402 : i32 to vector<16xi32>
      %shift_right_arithmetic3A_404 = arith.shrsi %get3A_401, %shift_right_arithmetic3A_403 : vector<16xi32>
      %shift_left3A_405 = arith.constant 12 : i32
      %shift_left3A_406 = vector.broadcast %shift_left3A_405 : i32 to vector<16xi32>
      %shift_left3A_407 = arith.shli %shift_right_arithmetic3A_404, %shift_left3A_406 : vector<16xi32>
      %and3A_408 = arith.constant 4095 : i32
      %and3A_409 = vector.broadcast %and3A_408 : i32 to vector<16xi32>
      %and3A_410 = arith.andi %get3A_401, %and3A_409 : vector<16xi32>
      %add3A_411 = arith.addi %shift_left3A_407, %and3A_410 : vector<16xi32>
      %swap3A_412 = arith.constant 112 : index
      %swap3A_413 = tpu.vector_load %arg11[%swap3A_412] {strides = array<i32>} : memref<128xi32, #tpu.memory_space<vmem>>, vector<16xi32>,
      tpu.vector_store %arg11[%swap3A_412], %add3A_411 {strides = array<i32>} : memref<128xi32, #tpu.memory_space<vmem>>, vector<16xi32>,
      %dma_start3A_414 = arith.constant 0 : i32
      %dma_start3A_415 = arith.constant 0 : i32
      %dma_start3A_416 = tpu.memref_slice %arg5[%dma_start3A_414, %dma_start3A_415] : memref<503808x128xf32, #tpu.memory_space<hbm>> -> memref<503808x128xf32, #tpu.memory_space<hbm>>
      tpu.enqueue_indirect_dma source(%dma_start3A_416 : memref<503808x128xf32, #tpu.memory_space<hbm>>) target(%arg14 : memref<128x128xf32, #tpu.memory_space<vmem>>) offsets(%arg11 : memref<128xi32, #tpu.memory_space<vmem>>) semaphore(%arg19 : memref<!tpu.dma_semaphore, #tpu.memory_space<semaphore_mem>>)
      %dma_wait3A = arith.constant 0 : i32
      %dma_wait3A_417 = arith.constant 0 : i32
      %dma_wait3A_418 = tpu.memref_slice %arg4[%dma_wait3A, %dma_wait3A_417] : memref<503808x128xf32, #tpu.memory_space<hbm>> -> memref<128x128xf32, #tpu.memory_space<hbm>>
      %dma_wait3A_419 = arith.constant 0 : i32
      %dma_wait3A_420 = arith.constant 0 : i32
      %dma_wait3A_421 = tpu.memref_slice %arg4[%dma_wait3A_419, %dma_wait3A_420] : memref<503808x128xf32, #tpu.memory_space<hbm>> -> memref<128x128xf32, #tpu.memory_space<hbm>>
      tpu.wait_dma2 semaphore(%arg17 : memref<!tpu.dma_semaphore, #tpu.memory_space<semaphore_mem>>) src(%dma_wait3A_421 : memref<128x128xf32, #tpu.memory_space<hbm>>) dst(%arg12 : memref<128x128xf32, #tpu.memory_space<vmem>>)
      %scan3A_422 = arith.constant 0 : i32
      %scan3A_423 = arith.constant 10 : i32
      %scan3A_424 = arith.addi %scan3A_422, %scan3A_423 : i32
      %scan3A_425 = arith.constant 1 : i32
      %scan3A_426 = scf.for %scan3A_441 = %scan3A_422 to %scan3A_424 step %scan3A_425 iter_args(%scan3A_442 = %scan3A_12) -> (vector<16xf32>)  : i32 {
        %mul3A_443 = arith.constant 2 : i32
        %mul3A_444 = arith.muli %mul3A_443, %scan3A_441 : i32
        %dma_wait3A_445 = arith.constant 0 : i32
        %dma_wait3A_446 = arith.constant 0 : i32
        %dma_wait3A_447 = tpu.memref_slice %arg5[%dma_wait3A_445, %dma_wait3A_446] : memref<503808x128xf32, #tpu.memory_space<hbm>> -> memref<128x128xf32, #tpu.memory_space<hbm>>
        %dma_wait3A_448 = arith.constant 0 : i32
        %dma_wait3A_449 = arith.constant 0 : i32
        %dma_wait3A_450 = tpu.memref_slice %arg5[%dma_wait3A_448, %dma_wait3A_449] : memref<503808x128xf32, #tpu.memory_space<hbm>> -> memref<128x128xf32, #tpu.memory_space<hbm>>
        tpu.wait_dma2 semaphore(%arg18 : memref<!tpu.dma_semaphore, #tpu.memory_space<semaphore_mem>>) src(%dma_wait3A_450 : memref<128x128xf32, #tpu.memory_space<hbm>>) dst(%arg13 : memref<128x128xf32, #tpu.memory_space<vmem>>)
        %eq3A = arith.constant 0 : i32
        %eq3A_451 = arith.cmpi eq, %mul3A_444, %eq3A : i32
        %jit3A = arith.constant 1.000000e+00 : f32
        %jit3A_452 = arith.constant -1.000000e+00 : f32
        %select_n3A = arith.select %eq3A_451, %jit3A, %jit3A_452 : f32
        %scan3A_453 = arith.constant 0 : i32
        %scan3A_454 = arith.constant 8 : i32
        %scan3A_455 = arith.addi %scan3A_453, %scan3A_454 : i32
        %scan3A_456 = arith.constant 1 : i32
        %scan3A_457 = scf.for %scan3A_484 = %scan3A_453 to %scan3A_455 step %scan3A_456 iter_args(%scan3A_485 = %scan3A_442) -> (vector<16xf32>)  : i32 {
          %mul3A_486 = arith.constant 16 : i32
          %mul3A_487 = arith.muli %scan3A_484, %mul3A_486 : i32
          %get3A_488 = arith.index_cast %mul3A_487 : i32 to index
          %get3A_489 = tpu.vector_load %arg7[%get3A_488] {strides = array<i32>} : memref<128xi32, #tpu.memory_space<vmem>>, vector<16xi32>,
          %shift_right_arithmetic3A_490 = arith.constant 12 : i32
          %shift_right_arithmetic3A_491 = vector.broadcast %shift_right_arithmetic3A_490 : i32 to vector<16xi32>
          %shift_right_arithmetic3A_492 = arith.shrsi %get3A_489, %shift_right_arithmetic3A_491 : vector<16xi32>
          %and3A_493 = arith.constant 1 : i32
          %and3A_494 = vector.broadcast %and3A_493 : i32 to vector<16xi32>
          %and3A_495 = arith.andi %shift_right_arithmetic3A_492, %and3A_494 : vector<16xi32>
          %mul3A_496 = arith.constant 64 : i32
          %mul3A_497 = vector.broadcast %mul3A_496 : i32 to vector<16xi32>
          %mul3A_498 = arith.muli %and3A_495, %mul3A_497 : vector<16xi32>
          %get3A_499 = arith.index_cast %mul3A_444 : i32 to index
          %get3A_500 = arith.index_cast %mul3A_487 : i32 to index
          %get3A_501 = tpu.vector_load %arg8[%get3A_499, %get3A_500] {strides = array<i32>} : memref<21x128xi32, #tpu.memory_space<vmem>>, vector<16xi32>,
          %shift_right_arithmetic3A_502 = arith.constant 12 : i32
          %shift_right_arithmetic3A_503 = vector.broadcast %shift_right_arithmetic3A_502 : i32 to vector<16xi32>
          %shift_right_arithmetic3A_504 = arith.shrsi %get3A_501, %shift_right_arithmetic3A_503 : vector<16xi32>
          %and3A_505 = arith.constant 1 : i32
          %and3A_506 = vector.broadcast %and3A_505 : i32 to vector<16xi32>
          %and3A_507 = arith.andi %shift_right_arithmetic3A_504, %and3A_506 : vector<16xi32>
          %mul3A_508 = arith.constant 64 : i32
          %mul3A_509 = vector.broadcast %mul3A_508 : i32 to vector<16xi32>
          %mul3A_510 = arith.muli %and3A_507, %mul3A_509 : vector<16xi32>
          %add3A_511 = arith.constant 0 : i32
          %add3A_512 = arith.addi %mul3A_487, %add3A_511 : i32
          %slice3A = vector.extract_strided_slice %mul3A_498 {offsets = [0], sizes = [1], strides = [1]} : vector<16xi32> to vector<1xi32>
          %squeeze3A = vector.extract %slice3A[0] : i32 from vector<1xi32>
          %slice3A_513 = vector.extract_strided_slice %mul3A_510 {offsets = [0], sizes = [1], strides = [1]} : vector<16xi32> to vector<1xi32>
          %squeeze3A_514 = vector.extract %slice3A_513[0] : i32 from vector<1xi32>
          %add3A_515 = arith.constant 0 : i32
          %add3A_516 = arith.addi %squeeze3A, %add3A_515 : i32
          %get3A_517 = arith.index_cast %add3A_512 : i32 to index
          %get3A_518 = arith.index_cast %add3A_516 : i32 to index
          %get3A_519 = tpu.vector_load %arg12[%get3A_517, %get3A_518] {strides = array<i32>} : memref<128x128xf32, #tpu.memory_space<vmem>>, vector<16xf32>,
          %add3A_520 = arith.constant 0 : i32
          %add3A_521 = arith.addi %squeeze3A_514, %add3A_520 : i32
          %get3A_522 = arith.index_cast %add3A_512 : i32 to index
          %get3A_523 = arith.index_cast %add3A_521 : i32 to index
          %get3A_524 = tpu.vector_load %arg13[%get3A_522, %get3A_523] {strides = array<i32>} : memref<128x128xf32, #tpu.memory_space<vmem>>, vector<16xf32>,
          %mul3A_525 = arith.mulf %get3A_519, %get3A_524 : vector<16xf32>
          %add3A_526 = arith.constant 16 : i32
          %add3A_527 = arith.addi %squeeze3A, %add3A_526 : i32
          %get3A_528 = arith.index_cast %add3A_512 : i32 to index
          %get3A_529 = arith.index_cast %add3A_527 : i32 to index
          %get3A_530 = tpu.vector_load %arg12[%get3A_528, %get3A_529] {strides = array<i32>} : memref<128x128xf32, #tpu.memory_space<vmem>>, vector<16xf32>,
          %add3A_531 = arith.constant 16 : i32
          %add3A_532 = arith.addi %squeeze3A_514, %add3A_531 : i32
          %get3A_533 = arith.index_cast %add3A_512 : i32 to index
          %get3A_534 = arith.index_cast %add3A_532 : i32 to index
          %get3A_535 = tpu.vector_load %arg13[%get3A_533, %get3A_534] {strides = array<i32>} : memref<128x128xf32, #tpu.memory_space<vmem>>, vector<16xf32>,
          %mul3A_536 = arith.mulf %get3A_530, %get3A_535 : vector<16xf32>
          %add3A_537 = arith.constant 32 : i32
          %add3A_538 = arith.addi %squeeze3A, %add3A_537 : i32
          %get3A_539 = arith.index_cast %add3A_512 : i32 to index
          %get3A_540 = arith.index_cast %add3A_538 : i32 to index
          %get3A_541 = tpu.vector_load %arg12[%get3A_539, %get3A_540] {strides = array<i32>} : memref<128x128xf32, #tpu.memory_space<vmem>>, vector<16xf32>,
          %add3A_542 = arith.constant 32 : i32
          %add3A_543 = arith.addi %squeeze3A_514, %add3A_542 : i32
          %get3A_544 = arith.index_cast %add3A_512 : i32 to index
          %get3A_545 = arith.index_cast %add3A_543 : i32 to index
          %get3A_546 = tpu.vector_load %arg13[%get3A_544, %get3A_545] {strides = array<i32>} : memref<128x128xf32, #tpu.memory_space<vmem>>, vector<16xf32>,
          %mul3A_547 = arith.mulf %get3A_541, %get3A_546 : vector<16xf32>
          %add3A_548 = arith.constant 48 : i32
          %add3A_549 = arith.addi %squeeze3A, %add3A_548 : i32
          %get3A_550 = arith.index_cast %add3A_512 : i32 to index
          %get3A_551 = arith.index_cast %add3A_549 : i32 to index
          %get3A_552 = tpu.vector_load %arg12[%get3A_550, %get3A_551] {strides = array<i32>} : memref<128x128xf32, #tpu.memory_space<vmem>>, vector<16xf32>,
          %add3A_553 = arith.constant 48 : i32
          %add3A_554 = arith.addi %squeeze3A_514, %add3A_553 : i32
          %get3A_555 = arith.index_cast %add3A_512 : i32 to index
          %get3A_556 = arith.index_cast %add3A_554 : i32 to index
          %get3A_557 = tpu.vector_load %arg13[%get3A_555, %get3A_556] {strides = array<i32>} : memref<128x128xf32, #tpu.memory_space<vmem>>, vector<16xf32>,
          %mul3A_558 = arith.mulf %get3A_552, %get3A_557 : vector<16xf32>
          %add3A_559 = arith.addf %mul3A_525, %mul3A_536 : vector<16xf32>
          %add3A_560 = arith.addf %mul3A_547, %mul3A_558 : vector<16xf32>
          %add3A_561 = arith.addf %add3A_559, %add3A_560 : vector<16xf32>
          %swap3A_562 = arith.constant 0 : index
          %swap3A_563 = tpu.vector_load %arg15[%swap3A_562] {strides = array<i32>} : memref<272xf32, #tpu.memory_space<vmem>>, vector<16xf32>,
          tpu.vector_store %arg15[%swap3A_562], %add3A_561 {strides = array<i32>} : memref<272xf32, #tpu.memory_space<vmem>>, vector<16xf32>,
          %add3A_564 = arith.constant 1 : i32
          %add3A_565 = arith.addi %mul3A_487, %add3A_564 : i32
          %slice3A_566 = vector.extract_strided_slice %mul3A_498 {offsets = [1], sizes = [1], strides = [1]} : vector<16xi32> to vector<1xi32>
          %squeeze3A_567 = vector.extract %slice3A_566[0] : i32 from vector<1xi32>
          %slice3A_568 = vector.extract_strided_slice %mul3A_510 {offsets = [1], sizes = [1], strides = [1]} : vector<16xi32> to vector<1xi32>
          %squeeze3A_569 = vector.extract %slice3A_568[0] : i32 from vector<1xi32>
          %add3A_570 = arith.constant 0 : i32
          %add3A_571 = arith.addi %squeeze3A_567, %add3A_570 : i32
          %get3A_572 = arith.index_cast %add3A_565 : i32 to index
          %get3A_573 = arith.index_cast %add3A_571 : i32 to index
          %get3A_574 = tpu.vector_load %arg12[%get3A_572, %get3A_573] {strides = array<i32>} : memref<128x128xf32, #tpu.memory_space<vmem>>, vector<16xf32>,
          %add3A_575 = arith.constant 0 : i32
          %add3A_576 = arith.addi %squeeze3A_569, %add3A_575 : i32
          %get3A_577 = arith.index_cast %add3A_565 : i32 to index
          %get3A_578 = arith.index_cast %add3A_576 : i32 to index
          %get3A_579 = tpu.vector_load %arg13[%get3A_577, %get3A_578] {strides = array<i32>} : memref<128x128xf32, #tpu.memory_space<vmem>>, vector<16xf32>,
          %mul3A_580 = arith.mulf %get3A_574, %get3A_579 : vector<16xf32>
          %add3A_581 = arith.constant 16 : i32
          %add3A_582 = arith.addi %squeeze3A_567, %add3A_581 : i32
          %get3A_583 = arith.index_cast %add3A_565 : i32 to index
          %get3A_584 = arith.index_cast %add3A_582 : i32 to index
          %get3A_585 = tpu.vector_load %arg12[%get3A_583, %get3A_584] {strides = array<i32>} : memref<128x128xf32, #tpu.memory_space<vmem>>, vector<16xf32>,
          %add3A_586 = arith.constant 16 : i32
          %add3A_587 = arith.addi %squeeze3A_569, %add3A_586 : i32
          %get3A_588 = arith.index_cast %add3A_565 : i32 to index
          %get3A_589 = arith.index_cast %add3A_587 : i32 to index
          %get3A_590 = tpu.vector_load %arg13[%get3A_588, %get3A_589] {strides = array<i32>} : memref<128x128xf32, #tpu.memory_space<vmem>>, vector<16xf32>,
          %mul3A_591 = arith.mulf %get3A_585, %get3A_590 : vector<16xf32>
          %add3A_592 = arith.constant 32 : i32
          %add3A_593 = arith.addi %squeeze3A_567, %add3A_592 : i32
          %get3A_594 = arith.index_cast %add3A_565 : i32 to index
          %get3A_595 = arith.index_cast %add3A_593 : i32 to index
          %get3A_596 = tpu.vector_load %arg12[%get3A_594, %get3A_595] {strides = array<i32>} : memref<128x128xf32, #tpu.memory_space<vmem>>, vector<16xf32>,
          %add3A_597 = arith.constant 32 : i32
          %add3A_598 = arith.addi %squeeze3A_569, %add3A_597 : i32
          %get3A_599 = arith.index_cast %add3A_565 : i32 to index
          %get3A_600 = arith.index_cast %add3A_598 : i32 to index
          %get3A_601 = tpu.vector_load %arg13[%get3A_599, %get3A_600] {strides = array<i32>} : memref<128x128xf32, #tpu.memory_space<vmem>>, vector<16xf32>,
          %mul3A_602 = arith.mulf %get3A_596, %get3A_601 : vector<16xf32>
          %add3A_603 = arith.constant 48 : i32
          %add3A_604 = arith.addi %squeeze3A_567, %add3A_603 : i32
          %get3A_605 = arith.index_cast %add3A_565 : i32 to index
          %get3A_606 = arith.index_cast %add3A_604 : i32 to index
          %get3A_607 = tpu.vector_load %arg12[%get3A_605, %get3A_606] {strides = array<i32>} : memref<128x128xf32, #tpu.memory_space<vmem>>, vector<16xf32>,
          %add3A_608 = arith.constant 48 : i32
          %add3A_609 = arith.addi %squeeze3A_569, %add3A_608 : i32
          %get3A_610 = arith.index_cast %add3A_565 : i32 to index
          %get3A_611 = arith.index_cast %add3A_609 : i32 to index
          %get3A_612 = tpu.vector_load %arg13[%get3A_610, %get3A_611] {strides = array<i32>} : memref<128x128xf32, #tpu.memory_space<vmem>>, vector<16xf32>,
          %mul3A_613 = arith.mulf %get3A_607, %get3A_612 : vector<16xf32>
          %add3A_614 = arith.addf %mul3A_580, %mul3A_591 : vector<16xf32>
          %add3A_615 = arith.addf %mul3A_602, %mul3A_613 : vector<16xf32>
          %add3A_616 = arith.addf %add3A_614, %add3A_615 : vector<16xf32>
          %swap3A_617 = arith.constant 17 : index
          %swap3A_618 = tpu.vector_load %arg15[%swap3A_617] {strides = array<i32>} : memref<272xf32, #tpu.memory_space<vmem>>, vector<16xf32>,
          tpu.vector_store %arg15[%swap3A_617], %add3A_616 {strides = array<i32>} : memref<272xf32, #tpu.memory_space<vmem>>, vector<16xf32>,
          %add3A_619 = arith.constant 2 : i32
          %add3A_620 = arith.addi %mul3A_487, %add3A_619 : i32
          %slice3A_621 = vector.extract_strided_slice %mul3A_498 {offsets = [2], sizes = [1], strides = [1]} : vector<16xi32> to vector<1xi32>
          %squeeze3A_622 = vector.extract %slice3A_621[0] : i32 from vector<1xi32>
          %slice3A_623 = vector.extract_strided_slice %mul3A_510 {offsets = [2], sizes = [1], strides = [1]} : vector<16xi32> to vector<1xi32>
          %squeeze3A_624 = vector.extract %slice3A_623[0] : i32 from vector<1xi32>
          %add3A_625 = arith.constant 0 : i32
          %add3A_626 = arith.addi %squeeze3A_622, %add3A_625 : i32
          %get3A_627 = arith.index_cast %add3A_620 : i32 to index
          %get3A_628 = arith.index_cast %add3A_626 : i32 to index
          %get3A_629 = tpu.vector_load %arg12[%get3A_627, %get3A_628] {strides = array<i32>} : memref<128x128xf32, #tpu.memory_space<vmem>>, vector<16xf32>,
          %add3A_630 = arith.constant 0 : i32
          %add3A_631 = arith.addi %squeeze3A_624, %add3A_630 : i32
          %get3A_632 = arith.index_cast %add3A_620 : i32 to index
          %get3A_633 = arith.index_cast %add3A_631 : i32 to index
          %get3A_634 = tpu.vector_load %arg13[%get3A_632, %get3A_633] {strides = array<i32>} : memref<128x128xf32, #tpu.memory_space<vmem>>, vector<16xf32>,
          %mul3A_635 = arith.mulf %get3A_629, %get3A_634 : vector<16xf32>
          %add3A_636 = arith.constant 16 : i32
          %add3A_637 = arith.addi %squeeze3A_622, %add3A_636 : i32
          %get3A_638 = arith.index_cast %add3A_620 : i32 to index
          %get3A_639 = arith.index_cast %add3A_637 : i32 to index
          %get3A_640 = tpu.vector_load %arg12[%get3A_638, %get3A_639] {strides = array<i32>} : memref<128x128xf32, #tpu.memory_space<vmem>>, vector<16xf32>,
          %add3A_641 = arith.constant 16 : i32
          %add3A_642 = arith.addi %squeeze3A_624, %add3A_641 : i32
          %get3A_643 = arith.index_cast %add3A_620 : i32 to index
          %get3A_644 = arith.index_cast %add3A_642 : i32 to index
          %get3A_645 = tpu.vector_load %arg13[%get3A_643, %get3A_644] {strides = array<i32>} : memref<128x128xf32, #tpu.memory_space<vmem>>, vector<16xf32>,
          %mul3A_646 = arith.mulf %get3A_640, %get3A_645 : vector<16xf32>
          %add3A_647 = arith.constant 32 : i32
          %add3A_648 = arith.addi %squeeze3A_622, %add3A_647 : i32
          %get3A_649 = arith.index_cast %add3A_620 : i32 to index
          %get3A_650 = arith.index_cast %add3A_648 : i32 to index
          %get3A_651 = tpu.vector_load %arg12[%get3A_649, %get3A_650] {strides = array<i32>} : memref<128x128xf32, #tpu.memory_space<vmem>>, vector<16xf32>,
          %add3A_652 = arith.constant 32 : i32
          %add3A_653 = arith.addi %squeeze3A_624, %add3A_652 : i32
          %get3A_654 = arith.index_cast %add3A_620 : i32 to index
          %get3A_655 = arith.index_cast %add3A_653 : i32 to index
          %get3A_656 = tpu.vector_load %arg13[%get3A_654, %get3A_655] {strides = array<i32>} : memref<128x128xf32, #tpu.memory_space<vmem>>, vector<16xf32>,
          %mul3A_657 = arith.mulf %get3A_651, %get3A_656 : vector<16xf32>
          %add3A_658 = arith.constant 48 : i32
          %add3A_659 = arith.addi %squeeze3A_622, %add3A_658 : i32
          %get3A_660 = arith.index_cast %add3A_620 : i32 to index
          %get3A_661 = arith.index_cast %add3A_659 : i32 to index
          %get3A_662 = tpu.vector_load %arg12[%get3A_660, %get3A_661] {strides = array<i32>} : memref<128x128xf32, #tpu.memory_space<vmem>>, vector<16xf32>,
          %add3A_663 = arith.constant 48 : i32
          %add3A_664 = arith.addi %squeeze3A_624, %add3A_663 : i32
          %get3A_665 = arith.index_cast %add3A_620 : i32 to index
          %get3A_666 = arith.index_cast %add3A_664 : i32 to index
          %get3A_667 = tpu.vector_load %arg13[%get3A_665, %get3A_666] {strides = array<i32>} : memref<128x128xf32, #tpu.memory_space<vmem>>, vector<16xf32>,
          %mul3A_668 = arith.mulf %get3A_662, %get3A_667 : vector<16xf32>
          %add3A_669 = arith.addf %mul3A_635, %mul3A_646 : vector<16xf32>
          %add3A_670 = arith.addf %mul3A_657, %mul3A_668 : vector<16xf32>
          %add3A_671 = arith.addf %add3A_669, %add3A_670 : vector<16xf32>
          %swap3A_672 = arith.constant 34 : index
          %swap3A_673 = tpu.vector_load %arg15[%swap3A_672] {strides = array<i32>} : memref<272xf32, #tpu.memory_space<vmem>>, vector<16xf32>,
          tpu.vector_store %arg15[%swap3A_672], %add3A_671 {strides = array<i32>} : memref<272xf32, #tpu.memory_space<vmem>>, vector<16xf32>,
          %add3A_674 = arith.constant 3 : i32
          %add3A_675 = arith.addi %mul3A_487, %add3A_674 : i32
          %slice3A_676 = vector.extract_strided_slice %mul3A_498 {offsets = [3], sizes = [1], strides = [1]} : vector<16xi32> to vector<1xi32>
          %squeeze3A_677 = vector.extract %slice3A_676[0] : i32 from vector<1xi32>
          %slice3A_678 = vector.extract_strided_slice %mul3A_510 {offsets = [3], sizes = [1], strides = [1]} : vector<16xi32> to vector<1xi32>
          %squeeze3A_679 = vector.extract %slice3A_678[0] : i32 from vector<1xi32>
          %add3A_680 = arith.constant 0 : i32
          %add3A_681 = arith.addi %squeeze3A_677, %add3A_680 : i32
          %get3A_682 = arith.index_cast %add3A_675 : i32 to index
          %get3A_683 = arith.index_cast %add3A_681 : i32 to index
          %get3A_684 = tpu.vector_load %arg12[%get3A_682, %get3A_683] {strides = array<i32>} : memref<128x128xf32, #tpu.memory_space<vmem>>, vector<16xf32>,
          %add3A_685 = arith.constant 0 : i32
          %add3A_686 = arith.addi %squeeze3A_679, %add3A_685 : i32
          %get3A_687 = arith.index_cast %add3A_675 : i32 to index
          %get3A_688 = arith.index_cast %add3A_686 : i32 to index
          %get3A_689 = tpu.vector_load %arg13[%get3A_687, %get3A_688] {strides = array<i32>} : memref<128x128xf32, #tpu.memory_space<vmem>>, vector<16xf32>,
          %mul3A_690 = arith.mulf %get3A_684, %get3A_689 : vector<16xf32>
          %add3A_691 = arith.constant 16 : i32
          %add3A_692 = arith.addi %squeeze3A_677, %add3A_691 : i32
          %get3A_693 = arith.index_cast %add3A_675 : i32 to index
          %get3A_694 = arith.index_cast %add3A_692 : i32 to index
          %get3A_695 = tpu.vector_load %arg12[%get3A_693, %get3A_694] {strides = array<i32>} : memref<128x128xf32, #tpu.memory_space<vmem>>, vector<16xf32>,
          %add3A_696 = arith.constant 16 : i32
          %add3A_697 = arith.addi %squeeze3A_679, %add3A_696 : i32
          %get3A_698 = arith.index_cast %add3A_675 : i32 to index
          %get3A_699 = arith.index_cast %add3A_697 : i32 to index
          %get3A_700 = tpu.vector_load %arg13[%get3A_698, %get3A_699] {strides = array<i32>} : memref<128x128xf32, #tpu.memory_space<vmem>>, vector<16xf32>,
          %mul3A_701 = arith.mulf %get3A_695, %get3A_700 : vector<16xf32>
          %add3A_702 = arith.constant 32 : i32
          %add3A_703 = arith.addi %squeeze3A_677, %add3A_702 : i32
          %get3A_704 = arith.index_cast %add3A_675 : i32 to index
          %get3A_705 = arith.index_cast %add3A_703 : i32 to index
          %get3A_706 = tpu.vector_load %arg12[%get3A_704, %get3A_705] {strides = array<i32>} : memref<128x128xf32, #tpu.memory_space<vmem>>, vector<16xf32>,
          %add3A_707 = arith.constant 32 : i32
          %add3A_708 = arith.addi %squeeze3A_679, %add3A_707 : i32
          %get3A_709 = arith.index_cast %add3A_675 : i32 to index
          %get3A_710 = arith.index_cast %add3A_708 : i32 to index
          %get3A_711 = tpu.vector_load %arg13[%get3A_709, %get3A_710] {strides = array<i32>} : memref<128x128xf32, #tpu.memory_space<vmem>>, vector<16xf32>,
          %mul3A_712 = arith.mulf %get3A_706, %get3A_711 : vector<16xf32>
          %add3A_713 = arith.constant 48 : i32
          %add3A_714 = arith.addi %squeeze3A_677, %add3A_713 : i32
          %get3A_715 = arith.index_cast %add3A_675 : i32 to index
          %get3A_716 = arith.index_cast %add3A_714 : i32 to index
          %get3A_717 = tpu.vector_load %arg12[%get3A_715, %get3A_716] {strides = array<i32>} : memref<128x128xf32, #tpu.memory_space<vmem>>, vector<16xf32>,
          %add3A_718 = arith.constant 48 : i32
          %add3A_719 = arith.addi %squeeze3A_679, %add3A_718 : i32
          %get3A_720 = arith.index_cast %add3A_675 : i32 to index
          %get3A_721 = arith.index_cast %add3A_719 : i32 to index
          %get3A_722 = tpu.vector_load %arg13[%get3A_720, %get3A_721] {strides = array<i32>} : memref<128x128xf32, #tpu.memory_space<vmem>>, vector<16xf32>,
          %mul3A_723 = arith.mulf %get3A_717, %get3A_722 : vector<16xf32>
          %add3A_724 = arith.addf %mul3A_690, %mul3A_701 : vector<16xf32>
          %add3A_725 = arith.addf %mul3A_712, %mul3A_723 : vector<16xf32>
          %add3A_726 = arith.addf %add3A_724, %add3A_725 : vector<16xf32>
          %swap3A_727 = arith.constant 51 : index
          %swap3A_728 = tpu.vector_load %arg15[%swap3A_727] {strides = array<i32>} : memref<272xf32, #tpu.memory_space<vmem>>, vector<16xf32>,
          tpu.vector_store %arg15[%swap3A_727], %add3A_726 {strides = array<i32>} : memref<272xf32, #tpu.memory_space<vmem>>, vector<16xf32>,
          %add3A_729 = arith.constant 4 : i32
          %add3A_730 = arith.addi %mul3A_487, %add3A_729 : i32
          %slice3A_731 = vector.extract_strided_slice %mul3A_498 {offsets = [4], sizes = [1], strides = [1]} : vector<16xi32> to vector<1xi32>
          %squeeze3A_732 = vector.extract %slice3A_731[0] : i32 from vector<1xi32>
          %slice3A_733 = vector.extract_strided_slice %mul3A_510 {offsets = [4], sizes = [1], strides = [1]} : vector<16xi32> to vector<1xi32>
          %squeeze3A_734 = vector.extract %slice3A_733[0] : i32 from vector<1xi32>
          %add3A_735 = arith.constant 0 : i32
          %add3A_736 = arith.addi %squeeze3A_732, %add3A_735 : i32
          %get3A_737 = arith.index_cast %add3A_730 : i32 to index
          %get3A_738 = arith.index_cast %add3A_736 : i32 to index
          %get3A_739 = tpu.vector_load %arg12[%get3A_737, %get3A_738] {strides = array<i32>} : memref<128x128xf32, #tpu.memory_space<vmem>>, vector<16xf32>,
          %add3A_740 = arith.constant 0 : i32
          %add3A_741 = arith.addi %squeeze3A_734, %add3A_740 : i32
          %get3A_742 = arith.index_cast %add3A_730 : i32 to index
          %get3A_743 = arith.index_cast %add3A_741 : i32 to index
          %get3A_744 = tpu.vector_load %arg13[%get3A_742, %get3A_743] {strides = array<i32>} : memref<128x128xf32, #tpu.memory_space<vmem>>, vector<16xf32>,
          %mul3A_745 = arith.mulf %get3A_739, %get3A_744 : vector<16xf32>
          %add3A_746 = arith.constant 16 : i32
          %add3A_747 = arith.addi %squeeze3A_732, %add3A_746 : i32
          %get3A_748 = arith.index_cast %add3A_730 : i32 to index
          %get3A_749 = arith.index_cast %add3A_747 : i32 to index
          %get3A_750 = tpu.vector_load %arg12[%get3A_748, %get3A_749] {strides = array<i32>} : memref<128x128xf32, #tpu.memory_space<vmem>>, vector<16xf32>,
          %add3A_751 = arith.constant 16 : i32
          %add3A_752 = arith.addi %squeeze3A_734, %add3A_751 : i32
          %get3A_753 = arith.index_cast %add3A_730 : i32 to index
          %get3A_754 = arith.index_cast %add3A_752 : i32 to index
          %get3A_755 = tpu.vector_load %arg13[%get3A_753, %get3A_754] {strides = array<i32>} : memref<128x128xf32, #tpu.memory_space<vmem>>, vector<16xf32>,
          %mul3A_756 = arith.mulf %get3A_750, %get3A_755 : vector<16xf32>
          %add3A_757 = arith.constant 32 : i32
          %add3A_758 = arith.addi %squeeze3A_732, %add3A_757 : i32
          %get3A_759 = arith.index_cast %add3A_730 : i32 to index
          %get3A_760 = arith.index_cast %add3A_758 : i32 to index
          %get3A_761 = tpu.vector_load %arg12[%get3A_759, %get3A_760] {strides = array<i32>} : memref<128x128xf32, #tpu.memory_space<vmem>>, vector<16xf32>,
          %add3A_762 = arith.constant 32 : i32
          %add3A_763 = arith.addi %squeeze3A_734, %add3A_762 : i32
          %get3A_764 = arith.index_cast %add3A_730 : i32 to index
          %get3A_765 = arith.index_cast %add3A_763 : i32 to index
          %get3A_766 = tpu.vector_load %arg13[%get3A_764, %get3A_765] {strides = array<i32>} : memref<128x128xf32, #tpu.memory_space<vmem>>, vector<16xf32>,
          %mul3A_767 = arith.mulf %get3A_761, %get3A_766 : vector<16xf32>
          %add3A_768 = arith.constant 48 : i32
          %add3A_769 = arith.addi %squeeze3A_732, %add3A_768 : i32
          %get3A_770 = arith.index_cast %add3A_730 : i32 to index
          %get3A_771 = arith.index_cast %add3A_769 : i32 to index
          %get3A_772 = tpu.vector_load %arg12[%get3A_770, %get3A_771] {strides = array<i32>} : memref<128x128xf32, #tpu.memory_space<vmem>>, vector<16xf32>,
          %add3A_773 = arith.constant 48 : i32
          %add3A_774 = arith.addi %squeeze3A_734, %add3A_773 : i32
          %get3A_775 = arith.index_cast %add3A_730 : i32 to index
          %get3A_776 = arith.index_cast %add3A_774 : i32 to index
          %get3A_777 = tpu.vector_load %arg13[%get3A_775, %get3A_776] {strides = array<i32>} : memref<128x128xf32, #tpu.memory_space<vmem>>, vector<16xf32>,
          %mul3A_778 = arith.mulf %get3A_772, %get3A_777 : vector<16xf32>
          %add3A_779 = arith.addf %mul3A_745, %mul3A_756 : vector<16xf32>
          %add3A_780 = arith.addf %mul3A_767, %mul3A_778 : vector<16xf32>
          %add3A_781 = arith.addf %add3A_779, %add3A_780 : vector<16xf32>
          %swap3A_782 = arith.constant 68 : index
          %swap3A_783 = tpu.vector_load %arg15[%swap3A_782] {strides = array<i32>} : memref<272xf32, #tpu.memory_space<vmem>>, vector<16xf32>,
          tpu.vector_store %arg15[%swap3A_782], %add3A_781 {strides = array<i32>} : memref<272xf32, #tpu.memory_space<vmem>>, vector<16xf32>,
          %add3A_784 = arith.constant 5 : i32
          %add3A_785 = arith.addi %mul3A_487, %add3A_784 : i32
          %slice3A_786 = vector.extract_strided_slice %mul3A_498 {offsets = [5], sizes = [1], strides = [1]} : vector<16xi32> to vector<1xi32>
          %squeeze3A_787 = vector.extract %slice3A_786[0] : i32 from vector<1xi32>
          %slice3A_788 = vector.extract_strided_slice %mul3A_510 {offsets = [5], sizes = [1], strides = [1]} : vector<16xi32> to vector<1xi32>
          %squeeze3A_789 = vector.extract %slice3A_788[0] : i32 from vector<1xi32>
          %add3A_790 = arith.constant 0 : i32
          %add3A_791 = arith.addi %squeeze3A_787, %add3A_790 : i32
          %get3A_792 = arith.index_cast %add3A_785 : i32 to index
          %get3A_793 = arith.index_cast %add3A_791 : i32 to index
          %get3A_794 = tpu.vector_load %arg12[%get3A_792, %get3A_793] {strides = array<i32>} : memref<128x128xf32, #tpu.memory_space<vmem>>, vector<16xf32>,
          %add3A_795 = arith.constant 0 : i32
          %add3A_796 = arith.addi %squeeze3A_789, %add3A_795 : i32
          %get3A_797 = arith.index_cast %add3A_785 : i32 to index
          %get3A_798 = arith.index_cast %add3A_796 : i32 to index
          %get3A_799 = tpu.vector_load %arg13[%get3A_797, %get3A_798] {strides = array<i32>} : memref<128x128xf32, #tpu.memory_space<vmem>>, vector<16xf32>,
          %mul3A_800 = arith.mulf %get3A_794, %get3A_799 : vector<16xf32>
          %add3A_801 = arith.constant 16 : i32
          %add3A_802 = arith.addi %squeeze3A_787, %add3A_801 : i32
          %get3A_803 = arith.index_cast %add3A_785 : i32 to index
          %get3A_804 = arith.index_cast %add3A_802 : i32 to index
          %get3A_805 = tpu.vector_load %arg12[%get3A_803, %get3A_804] {strides = array<i32>} : memref<128x128xf32, #tpu.memory_space<vmem>>, vector<16xf32>,
          %add3A_806 = arith.constant 16 : i32
          %add3A_807 = arith.addi %squeeze3A_789, %add3A_806 : i32
          %get3A_808 = arith.index_cast %add3A_785 : i32 to index
          %get3A_809 = arith.index_cast %add3A_807 : i32 to index
          %get3A_810 = tpu.vector_load %arg13[%get3A_808, %get3A_809] {strides = array<i32>} : memref<128x128xf32, #tpu.memory_space<vmem>>, vector<16xf32>,
          %mul3A_811 = arith.mulf %get3A_805, %get3A_810 : vector<16xf32>
          %add3A_812 = arith.constant 32 : i32
          %add3A_813 = arith.addi %squeeze3A_787, %add3A_812 : i32
          %get3A_814 = arith.index_cast %add3A_785 : i32 to index
          %get3A_815 = arith.index_cast %add3A_813 : i32 to index
          %get3A_816 = tpu.vector_load %arg12[%get3A_814, %get3A_815] {strides = array<i32>} : memref<128x128xf32, #tpu.memory_space<vmem>>, vector<16xf32>,
          %add3A_817 = arith.constant 32 : i32
          %add3A_818 = arith.addi %squeeze3A_789, %add3A_817 : i32
          %get3A_819 = arith.index_cast %add3A_785 : i32 to index
          %get3A_820 = arith.index_cast %add3A_818 : i32 to index
          %get3A_821 = tpu.vector_load %arg13[%get3A_819, %get3A_820] {strides = array<i32>} : memref<128x128xf32, #tpu.memory_space<vmem>>, vector<16xf32>,
          %mul3A_822 = arith.mulf %get3A_816, %get3A_821 : vector<16xf32>
          %add3A_823 = arith.constant 48 : i32
          %add3A_824 = arith.addi %squeeze3A_787, %add3A_823 : i32
          %get3A_825 = arith.index_cast %add3A_785 : i32 to index
          %get3A_826 = arith.index_cast %add3A_824 : i32 to index
          %get3A_827 = tpu.vector_load %arg12[%get3A_825, %get3A_826] {strides = array<i32>} : memref<128x128xf32, #tpu.memory_space<vmem>>, vector<16xf32>,
          %add3A_828 = arith.constant 48 : i32
          %add3A_829 = arith.addi %squeeze3A_789, %add3A_828 : i32
          %get3A_830 = arith.index_cast %add3A_785 : i32 to index
          %get3A_831 = arith.index_cast %add3A_829 : i32 to index
          %get3A_832 = tpu.vector_load %arg13[%get3A_830, %get3A_831] {strides = array<i32>} : memref<128x128xf32, #tpu.memory_space<vmem>>, vector<16xf32>,
          %mul3A_833 = arith.mulf %get3A_827, %get3A_832 : vector<16xf32>
          %add3A_834 = arith.addf %mul3A_800, %mul3A_811 : vector<16xf32>
          %add3A_835 = arith.addf %mul3A_822, %mul3A_833 : vector<16xf32>
          %add3A_836 = arith.addf %add3A_834, %add3A_835 : vector<16xf32>
          %swap3A_837 = arith.constant 85 : index
          %swap3A_838 = tpu.vector_load %arg15[%swap3A_837] {strides = array<i32>} : memref<272xf32, #tpu.memory_space<vmem>>, vector<16xf32>,
          tpu.vector_store %arg15[%swap3A_837], %add3A_836 {strides = array<i32>} : memref<272xf32, #tpu.memory_space<vmem>>, vector<16xf32>,
          %add3A_839 = arith.constant 6 : i32
          %add3A_840 = arith.addi %mul3A_487, %add3A_839 : i32
          %slice3A_841 = vector.extract_strided_slice %mul3A_498 {offsets = [6], sizes = [1], strides = [1]} : vector<16xi32> to vector<1xi32>
          %squeeze3A_842 = vector.extract %slice3A_841[0] : i32 from vector<1xi32>
          %slice3A_843 = vector.extract_strided_slice %mul3A_510 {offsets = [6], sizes = [1], strides = [1]} : vector<16xi32> to vector<1xi32>
          %squeeze3A_844 = vector.extract %slice3A_843[0] : i32 from vector<1xi32>
          %add3A_845 = arith.constant 0 : i32
          %add3A_846 = arith.addi %squeeze3A_842, %add3A_845 : i32
          %get3A_847 = arith.index_cast %add3A_840 : i32 to index
          %get3A_848 = arith.index_cast %add3A_846 : i32 to index
          %get3A_849 = tpu.vector_load %arg12[%get3A_847, %get3A_848] {strides = array<i32>} : memref<128x128xf32, #tpu.memory_space<vmem>>, vector<16xf32>,
          %add3A_850 = arith.constant 0 : i32
          %add3A_851 = arith.addi %squeeze3A_844, %add3A_850 : i32
          %get3A_852 = arith.index_cast %add3A_840 : i32 to index
          %get3A_853 = arith.index_cast %add3A_851 : i32 to index
          %get3A_854 = tpu.vector_load %arg13[%get3A_852, %get3A_853] {strides = array<i32>} : memref<128x128xf32, #tpu.memory_space<vmem>>, vector<16xf32>,
          %mul3A_855 = arith.mulf %get3A_849, %get3A_854 : vector<16xf32>
          %add3A_856 = arith.constant 16 : i32
          %add3A_857 = arith.addi %squeeze3A_842, %add3A_856 : i32
          %get3A_858 = arith.index_cast %add3A_840 : i32 to index
          %get3A_859 = arith.index_cast %add3A_857 : i32 to index
          %get3A_860 = tpu.vector_load %arg12[%get3A_858, %get3A_859] {strides = array<i32>} : memref<128x128xf32, #tpu.memory_space<vmem>>, vector<16xf32>,
          %add3A_861 = arith.constant 16 : i32
          %add3A_862 = arith.addi %squeeze3A_844, %add3A_861 : i32
          %get3A_863 = arith.index_cast %add3A_840 : i32 to index
          %get3A_864 = arith.index_cast %add3A_862 : i32 to index
          %get3A_865 = tpu.vector_load %arg13[%get3A_863, %get3A_864] {strides = array<i32>} : memref<128x128xf32, #tpu.memory_space<vmem>>, vector<16xf32>,
          %mul3A_866 = arith.mulf %get3A_860, %get3A_865 : vector<16xf32>
          %add3A_867 = arith.constant 32 : i32
          %add3A_868 = arith.addi %squeeze3A_842, %add3A_867 : i32
          %get3A_869 = arith.index_cast %add3A_840 : i32 to index
          %get3A_870 = arith.index_cast %add3A_868 : i32 to index
          %get3A_871 = tpu.vector_load %arg12[%get3A_869, %get3A_870] {strides = array<i32>} : memref<128x128xf32, #tpu.memory_space<vmem>>, vector<16xf32>,
          %add3A_872 = arith.constant 32 : i32
          %add3A_873 = arith.addi %squeeze3A_844, %add3A_872 : i32
          %get3A_874 = arith.index_cast %add3A_840 : i32 to index
          %get3A_875 = arith.index_cast %add3A_873 : i32 to index
          %get3A_876 = tpu.vector_load %arg13[%get3A_874, %get3A_875] {strides = array<i32>} : memref<128x128xf32, #tpu.memory_space<vmem>>, vector<16xf32>,
          %mul3A_877 = arith.mulf %get3A_871, %get3A_876 : vector<16xf32>
          %add3A_878 = arith.constant 48 : i32
          %add3A_879 = arith.addi %squeeze3A_842, %add3A_878 : i32
          %get3A_880 = arith.index_cast %add3A_840 : i32 to index
          %get3A_881 = arith.index_cast %add3A_879 : i32 to index
          %get3A_882 = tpu.vector_load %arg12[%get3A_880, %get3A_881] {strides = array<i32>} : memref<128x128xf32, #tpu.memory_space<vmem>>, vector<16xf32>,
          %add3A_883 = arith.constant 48 : i32
          %add3A_884 = arith.addi %squeeze3A_844, %add3A_883 : i32
          %get3A_885 = arith.index_cast %add3A_840 : i32 to index
          %get3A_886 = arith.index_cast %add3A_884 : i32 to index
          %get3A_887 = tpu.vector_load %arg13[%get3A_885, %get3A_886] {strides = array<i32>} : memref<128x128xf32, #tpu.memory_space<vmem>>, vector<16xf32>,
          %mul3A_888 = arith.mulf %get3A_882, %get3A_887 : vector<16xf32>
          %add3A_889 = arith.addf %mul3A_855, %mul3A_866 : vector<16xf32>
          %add3A_890 = arith.addf %mul3A_877, %mul3A_888 : vector<16xf32>
          %add3A_891 = arith.addf %add3A_889, %add3A_890 : vector<16xf32>
          %swap3A_892 = arith.constant 102 : index
          %swap3A_893 = tpu.vector_load %arg15[%swap3A_892] {strides = array<i32>} : memref<272xf32, #tpu.memory_space<vmem>>, vector<16xf32>,
          tpu.vector_store %arg15[%swap3A_892], %add3A_891 {strides = array<i32>} : memref<272xf32, #tpu.memory_space<vmem>>, vector<16xf32>,
          %add3A_894 = arith.constant 7 : i32
          %add3A_895 = arith.addi %mul3A_487, %add3A_894 : i32
          %slice3A_896 = vector.extract_strided_slice %mul3A_498 {offsets = [7], sizes = [1], strides = [1]} : vector<16xi32> to vector<1xi32>
          %squeeze3A_897 = vector.extract %slice3A_896[0] : i32 from vector<1xi32>
          %slice3A_898 = vector.extract_strided_slice %mul3A_510 {offsets = [7], sizes = [1], strides = [1]} : vector<16xi32> to vector<1xi32>
          %squeeze3A_899 = vector.extract %slice3A_898[0] : i32 from vector<1xi32>
          %add3A_900 = arith.constant 0 : i32
          %add3A_901 = arith.addi %squeeze3A_897, %add3A_900 : i32
          %get3A_902 = arith.index_cast %add3A_895 : i32 to index
          %get3A_903 = arith.index_cast %add3A_901 : i32 to index
          %get3A_904 = tpu.vector_load %arg12[%get3A_902, %get3A_903] {strides = array<i32>} : memref<128x128xf32, #tpu.memory_space<vmem>>, vector<16xf32>,
          %add3A_905 = arith.constant 0 : i32
          %add3A_906 = arith.addi %squeeze3A_899, %add3A_905 : i32
          %get3A_907 = arith.index_cast %add3A_895 : i32 to index
          %get3A_908 = arith.index_cast %add3A_906 : i32 to index
          %get3A_909 = tpu.vector_load %arg13[%get3A_907, %get3A_908] {strides = array<i32>} : memref<128x128xf32, #tpu.memory_space<vmem>>, vector<16xf32>,
          %mul3A_910 = arith.mulf %get3A_904, %get3A_909 : vector<16xf32>
          %add3A_911 = arith.constant 16 : i32
          %add3A_912 = arith.addi %squeeze3A_897, %add3A_911 : i32
          %get3A_913 = arith.index_cast %add3A_895 : i32 to index
          %get3A_914 = arith.index_cast %add3A_912 : i32 to index
          %get3A_915 = tpu.vector_load %arg12[%get3A_913, %get3A_914] {strides = array<i32>} : memref<128x128xf32, #tpu.memory_space<vmem>>, vector<16xf32>,
          %add3A_916 = arith.constant 16 : i32
          %add3A_917 = arith.addi %squeeze3A_899, %add3A_916 : i32
          %get3A_918 = arith.index_cast %add3A_895 : i32 to index
          %get3A_919 = arith.index_cast %add3A_917 : i32 to index
          %get3A_920 = tpu.vector_load %arg13[%get3A_918, %get3A_919] {strides = array<i32>} : memref<128x128xf32, #tpu.memory_space<vmem>>, vector<16xf32>,
          %mul3A_921 = arith.mulf %get3A_915, %get3A_920 : vector<16xf32>
          %add3A_922 = arith.constant 32 : i32
          %add3A_923 = arith.addi %squeeze3A_897, %add3A_922 : i32
          %get3A_924 = arith.index_cast %add3A_895 : i32 to index
          %get3A_925 = arith.index_cast %add3A_923 : i32 to index
          %get3A_926 = tpu.vector_load %arg12[%get3A_924, %get3A_925] {strides = array<i32>} : memref<128x128xf32, #tpu.memory_space<vmem>>, vector<16xf32>,
          %add3A_927 = arith.constant 32 : i32
          %add3A_928 = arith.addi %squeeze3A_899, %add3A_927 : i32
          %get3A_929 = arith.index_cast %add3A_895 : i32 to index
          %get3A_930 = arith.index_cast %add3A_928 : i32 to index
          %get3A_931 = tpu.vector_load %arg13[%get3A_929, %get3A_930] {strides = array<i32>} : memref<128x128xf32, #tpu.memory_space<vmem>>, vector<16xf32>,
          %mul3A_932 = arith.mulf %get3A_926, %get3A_931 : vector<16xf32>
          %add3A_933 = arith.constant 48 : i32
          %add3A_934 = arith.addi %squeeze3A_897, %add3A_933 : i32
          %get3A_935 = arith.index_cast %add3A_895 : i32 to index
          %get3A_936 = arith.index_cast %add3A_934 : i32 to index
          %get3A_937 = tpu.vector_load %arg12[%get3A_935, %get3A_936] {strides = array<i32>} : memref<128x128xf32, #tpu.memory_space<vmem>>, vector<16xf32>,
          %add3A_938 = arith.constant 48 : i32
          %add3A_939 = arith.addi %squeeze3A_899, %add3A_938 : i32
          %get3A_940 = arith.index_cast %add3A_895 : i32 to index
          %get3A_941 = arith.index_cast %add3A_939 : i32 to index
          %get3A_942 = tpu.vector_load %arg13[%get3A_940, %get3A_941] {strides = array<i32>} : memref<128x128xf32, #tpu.memory_space<vmem>>, vector<16xf32>,
          %mul3A_943 = arith.mulf %get3A_937, %get3A_942 : vector<16xf32>
          %add3A_944 = arith.addf %mul3A_910, %mul3A_921 : vector<16xf32>
          %add3A_945 = arith.addf %mul3A_932, %mul3A_943 : vector<16xf32>
          %add3A_946 = arith.addf %add3A_944, %add3A_945 : vector<16xf32>
          %swap3A_947 = arith.constant 119 : index
          %swap3A_948 = tpu.vector_load %arg15[%swap3A_947] {strides = array<i32>} : memref<272xf32, #tpu.memory_space<vmem>>, vector<16xf32>,
          tpu.vector_store %arg15[%swap3A_947], %add3A_946 {strides = array<i32>} : memref<272xf32, #tpu.memory_space<vmem>>, vector<16xf32>,
          %add3A_949 = arith.constant 8 : i32
          %add3A_950 = arith.addi %mul3A_487, %add3A_949 : i32
          %slice3A_951 = vector.extract_strided_slice %mul3A_498 {offsets = [8], sizes = [1], strides = [1]} : vector<16xi32> to vector<1xi32>
          %squeeze3A_952 = vector.extract %slice3A_951[0] : i32 from vector<1xi32>
          %slice3A_953 = vector.extract_strided_slice %mul3A_510 {offsets = [8], sizes = [1], strides = [1]} : vector<16xi32> to vector<1xi32>
          %squeeze3A_954 = vector.extract %slice3A_953[0] : i32 from vector<1xi32>
          %add3A_955 = arith.constant 0 : i32
          %add3A_956 = arith.addi %squeeze3A_952, %add3A_955 : i32
          %get3A_957 = arith.index_cast %add3A_950 : i32 to index
          %get3A_958 = arith.index_cast %add3A_956 : i32 to index
          %get3A_959 = tpu.vector_load %arg12[%get3A_957, %get3A_958] {strides = array<i32>} : memref<128x128xf32, #tpu.memory_space<vmem>>, vector<16xf32>,
          %add3A_960 = arith.constant 0 : i32
          %add3A_961 = arith.addi %squeeze3A_954, %add3A_960 : i32
          %get3A_962 = arith.index_cast %add3A_950 : i32 to index
          %get3A_963 = arith.index_cast %add3A_961 : i32 to index
          %get3A_964 = tpu.vector_load %arg13[%get3A_962, %get3A_963] {strides = array<i32>} : memref<128x128xf32, #tpu.memory_space<vmem>>, vector<16xf32>,
          %mul3A_965 = arith.mulf %get3A_959, %get3A_964 : vector<16xf32>
          %add3A_966 = arith.constant 16 : i32
          %add3A_967 = arith.addi %squeeze3A_952, %add3A_966 : i32
          %get3A_968 = arith.index_cast %add3A_950 : i32 to index
          %get3A_969 = arith.index_cast %add3A_967 : i32 to index
          %get3A_970 = tpu.vector_load %arg12[%get3A_968, %get3A_969] {strides = array<i32>} : memref<128x128xf32, #tpu.memory_space<vmem>>, vector<16xf32>,
          %add3A_971 = arith.constant 16 : i32
          %add3A_972 = arith.addi %squeeze3A_954, %add3A_971 : i32
          %get3A_973 = arith.index_cast %add3A_950 : i32 to index
          %get3A_974 = arith.index_cast %add3A_972 : i32 to index
          %get3A_975 = tpu.vector_load %arg13[%get3A_973, %get3A_974] {strides = array<i32>} : memref<128x128xf32, #tpu.memory_space<vmem>>, vector<16xf32>,
          %mul3A_976 = arith.mulf %get3A_970, %get3A_975 : vector<16xf32>
          %add3A_977 = arith.constant 32 : i32
          %add3A_978 = arith.addi %squeeze3A_952, %add3A_977 : i32
          %get3A_979 = arith.index_cast %add3A_950 : i32 to index
          %get3A_980 = arith.index_cast %add3A_978 : i32 to index
          %get3A_981 = tpu.vector_load %arg12[%get3A_979, %get3A_980] {strides = array<i32>} : memref<128x128xf32, #tpu.memory_space<vmem>>, vector<16xf32>,
          %add3A_982 = arith.constant 32 : i32
          %add3A_983 = arith.addi %squeeze3A_954, %add3A_982 : i32
          %get3A_984 = arith.index_cast %add3A_950 : i32 to index
          %get3A_985 = arith.index_cast %add3A_983 : i32 to index
          %get3A_986 = tpu.vector_load %arg13[%get3A_984, %get3A_985] {strides = array<i32>} : memref<128x128xf32, #tpu.memory_space<vmem>>, vector<16xf32>,
          %mul3A_987 = arith.mulf %get3A_981, %get3A_986 : vector<16xf32>
          %add3A_988 = arith.constant 48 : i32
          %add3A_989 = arith.addi %squeeze3A_952, %add3A_988 : i32
          %get3A_990 = arith.index_cast %add3A_950 : i32 to index
          %get3A_991 = arith.index_cast %add3A_989 : i32 to index
          %get3A_992 = tpu.vector_load %arg12[%get3A_990, %get3A_991] {strides = array<i32>} : memref<128x128xf32, #tpu.memory_space<vmem>>, vector<16xf32>,
          %add3A_993 = arith.constant 48 : i32
          %add3A_994 = arith.addi %squeeze3A_954, %add3A_993 : i32
          %get3A_995 = arith.index_cast %add3A_950 : i32 to index
          %get3A_996 = arith.index_cast %add3A_994 : i32 to index
          %get3A_997 = tpu.vector_load %arg13[%get3A_995, %get3A_996] {strides = array<i32>} : memref<128x128xf32, #tpu.memory_space<vmem>>, vector<16xf32>,
          %mul3A_998 = arith.mulf %get3A_992, %get3A_997 : vector<16xf32>
          %add3A_999 = arith.addf %mul3A_965, %mul3A_976 : vector<16xf32>
          %add3A_1000 = arith.addf %mul3A_987, %mul3A_998 : vector<16xf32>
          %add3A_1001 = arith.addf %add3A_999, %add3A_1000 : vector<16xf32>
          %swap3A_1002 = arith.constant 136 : index
          %swap3A_1003 = tpu.vector_load %arg15[%swap3A_1002] {strides = array<i32>} : memref<272xf32, #tpu.memory_space<vmem>>, vector<16xf32>,
          tpu.vector_store %arg15[%swap3A_1002], %add3A_1001 {strides = array<i32>} : memref<272xf32, #tpu.memory_space<vmem>>, vector<16xf32>,
          %add3A_1004 = arith.constant 9 : i32
          %add3A_1005 = arith.addi %mul3A_487, %add3A_1004 : i32
          %slice3A_1006 = vector.extract_strided_slice %mul3A_498 {offsets = [9], sizes = [1], strides = [1]} : vector<16xi32> to vector<1xi32>
          %squeeze3A_1007 = vector.extract %slice3A_1006[0] : i32 from vector<1xi32>
          %slice3A_1008 = vector.extract_strided_slice %mul3A_510 {offsets = [9], sizes = [1], strides = [1]} : vector<16xi32> to vector<1xi32>
          %squeeze3A_1009 = vector.extract %slice3A_1008[0] : i32 from vector<1xi32>
          %add3A_1010 = arith.constant 0 : i32
          %add3A_1011 = arith.addi %squeeze3A_1007, %add3A_1010 : i32
          %get3A_1012 = arith.index_cast %add3A_1005 : i32 to index
          %get3A_1013 = arith.index_cast %add3A_1011 : i32 to index
          %get3A_1014 = tpu.vector_load %arg12[%get3A_1012, %get3A_1013] {strides = array<i32>} : memref<128x128xf32, #tpu.memory_space<vmem>>, vector<16xf32>,
          %add3A_1015 = arith.constant 0 : i32
          %add3A_1016 = arith.addi %squeeze3A_1009, %add3A_1015 : i32
          %get3A_1017 = arith.index_cast %add3A_1005 : i32 to index
          %get3A_1018 = arith.index_cast %add3A_1016 : i32 to index
          %get3A_1019 = tpu.vector_load %arg13[%get3A_1017, %get3A_1018] {strides = array<i32>} : memref<128x128xf32, #tpu.memory_space<vmem>>, vector<16xf32>,
          %mul3A_1020 = arith.mulf %get3A_1014, %get3A_1019 : vector<16xf32>
          %add3A_1021 = arith.constant 16 : i32
          %add3A_1022 = arith.addi %squeeze3A_1007, %add3A_1021 : i32
          %get3A_1023 = arith.index_cast %add3A_1005 : i32 to index
          %get3A_1024 = arith.index_cast %add3A_1022 : i32 to index
          %get3A_1025 = tpu.vector_load %arg12[%get3A_1023, %get3A_1024] {strides = array<i32>} : memref<128x128xf32, #tpu.memory_space<vmem>>, vector<16xf32>,
          %add3A_1026 = arith.constant 16 : i32
          %add3A_1027 = arith.addi %squeeze3A_1009, %add3A_1026 : i32
          %get3A_1028 = arith.index_cast %add3A_1005 : i32 to index
          %get3A_1029 = arith.index_cast %add3A_1027 : i32 to index
          %get3A_1030 = tpu.vector_load %arg13[%get3A_1028, %get3A_1029] {strides = array<i32>} : memref<128x128xf32, #tpu.memory_space<vmem>>, vector<16xf32>,
          %mul3A_1031 = arith.mulf %get3A_1025, %get3A_1030 : vector<16xf32>
          %add3A_1032 = arith.constant 32 : i32
          %add3A_1033 = arith.addi %squeeze3A_1007, %add3A_1032 : i32
          %get3A_1034 = arith.index_cast %add3A_1005 : i32 to index
          %get3A_1035 = arith.index_cast %add3A_1033 : i32 to index
          %get3A_1036 = tpu.vector_load %arg12[%get3A_1034, %get3A_1035] {strides = array<i32>} : memref<128x128xf32, #tpu.memory_space<vmem>>, vector<16xf32>,
          %add3A_1037 = arith.constant 32 : i32
          %add3A_1038 = arith.addi %squeeze3A_1009, %add3A_1037 : i32
          %get3A_1039 = arith.index_cast %add3A_1005 : i32 to index
          %get3A_1040 = arith.index_cast %add3A_1038 : i32 to index
          %get3A_1041 = tpu.vector_load %arg13[%get3A_1039, %get3A_1040] {strides = array<i32>} : memref<128x128xf32, #tpu.memory_space<vmem>>, vector<16xf32>,
          %mul3A_1042 = arith.mulf %get3A_1036, %get3A_1041 : vector<16xf32>
          %add3A_1043 = arith.constant 48 : i32
          %add3A_1044 = arith.addi %squeeze3A_1007, %add3A_1043 : i32
          %get3A_1045 = arith.index_cast %add3A_1005 : i32 to index
          %get3A_1046 = arith.index_cast %add3A_1044 : i32 to index
          %get3A_1047 = tpu.vector_load %arg12[%get3A_1045, %get3A_1046] {strides = array<i32>} : memref<128x128xf32, #tpu.memory_space<vmem>>, vector<16xf32>,
          %add3A_1048 = arith.constant 48 : i32
          %add3A_1049 = arith.addi %squeeze3A_1009, %add3A_1048 : i32
          %get3A_1050 = arith.index_cast %add3A_1005 : i32 to index
          %get3A_1051 = arith.index_cast %add3A_1049 : i32 to index
          %get3A_1052 = tpu.vector_load %arg13[%get3A_1050, %get3A_1051] {strides = array<i32>} : memref<128x128xf32, #tpu.memory_space<vmem>>, vector<16xf32>,
          %mul3A_1053 = arith.mulf %get3A_1047, %get3A_1052 : vector<16xf32>
          %add3A_1054 = arith.addf %mul3A_1020, %mul3A_1031 : vector<16xf32>
          %add3A_1055 = arith.addf %mul3A_1042, %mul3A_1053 : vector<16xf32>
          %add3A_1056 = arith.addf %add3A_1054, %add3A_1055 : vector<16xf32>
          %swap3A_1057 = arith.constant 153 : index
          %swap3A_1058 = tpu.vector_load %arg15[%swap3A_1057] {strides = array<i32>} : memref<272xf32, #tpu.memory_space<vmem>>, vector<16xf32>,
          tpu.vector_store %arg15[%swap3A_1057], %add3A_1056 {strides = array<i32>} : memref<272xf32, #tpu.memory_space<vmem>>, vector<16xf32>,
          %add3A_1059 = arith.constant 10 : i32
          %add3A_1060 = arith.addi %mul3A_487, %add3A_1059 : i32
          %slice3A_1061 = vector.extract_strided_slice %mul3A_498 {offsets = [10], sizes = [1], strides = [1]} : vector<16xi32> to vector<1xi32>
          %squeeze3A_1062 = vector.extract %slice3A_1061[0] : i32 from vector<1xi32>
          %slice3A_1063 = vector.extract_strided_slice %mul3A_510 {offsets = [10], sizes = [1], strides = [1]} : vector<16xi32> to vector<1xi32>
          %squeeze3A_1064 = vector.extract %slice3A_1063[0] : i32 from vector<1xi32>
          %add3A_1065 = arith.constant 0 : i32
          %add3A_1066 = arith.addi %squeeze3A_1062, %add3A_1065 : i32
          %get3A_1067 = arith.index_cast %add3A_1060 : i32 to index
          %get3A_1068 = arith.index_cast %add3A_1066 : i32 to index
          %get3A_1069 = tpu.vector_load %arg12[%get3A_1067, %get3A_1068] {strides = array<i32>} : memref<128x128xf32, #tpu.memory_space<vmem>>, vector<16xf32>,
          %add3A_1070 = arith.constant 0 : i32
          %add3A_1071 = arith.addi %squeeze3A_1064, %add3A_1070 : i32
          %get3A_1072 = arith.index_cast %add3A_1060 : i32 to index
          %get3A_1073 = arith.index_cast %add3A_1071 : i32 to index
          %get3A_1074 = tpu.vector_load %arg13[%get3A_1072, %get3A_1073] {strides = array<i32>} : memref<128x128xf32, #tpu.memory_space<vmem>>, vector<16xf32>,
          %mul3A_1075 = arith.mulf %get3A_1069, %get3A_1074 : vector<16xf32>
          %add3A_1076 = arith.constant 16 : i32
          %add3A_1077 = arith.addi %squeeze3A_1062, %add3A_1076 : i32
          %get3A_1078 = arith.index_cast %add3A_1060 : i32 to index
          %get3A_1079 = arith.index_cast %add3A_1077 : i32 to index
          %get3A_1080 = tpu.vector_load %arg12[%get3A_1078, %get3A_1079] {strides = array<i32>} : memref<128x128xf32, #tpu.memory_space<vmem>>, vector<16xf32>,
          %add3A_1081 = arith.constant 16 : i32
          %add3A_1082 = arith.addi %squeeze3A_1064, %add3A_1081 : i32
          %get3A_1083 = arith.index_cast %add3A_1060 : i32 to index
          %get3A_1084 = arith.index_cast %add3A_1082 : i32 to index
          %get3A_1085 = tpu.vector_load %arg13[%get3A_1083, %get3A_1084] {strides = array<i32>} : memref<128x128xf32, #tpu.memory_space<vmem>>, vector<16xf32>,
          %mul3A_1086 = arith.mulf %get3A_1080, %get3A_1085 : vector<16xf32>
          %add3A_1087 = arith.constant 32 : i32
          %add3A_1088 = arith.addi %squeeze3A_1062, %add3A_1087 : i32
          %get3A_1089 = arith.index_cast %add3A_1060 : i32 to index
          %get3A_1090 = arith.index_cast %add3A_1088 : i32 to index
          %get3A_1091 = tpu.vector_load %arg12[%get3A_1089, %get3A_1090] {strides = array<i32>} : memref<128x128xf32, #tpu.memory_space<vmem>>, vector<16xf32>,
          %add3A_1092 = arith.constant 32 : i32
          %add3A_1093 = arith.addi %squeeze3A_1064, %add3A_1092 : i32
          %get3A_1094 = arith.index_cast %add3A_1060 : i32 to index
          %get3A_1095 = arith.index_cast %add3A_1093 : i32 to index
          %get3A_1096 = tpu.vector_load %arg13[%get3A_1094, %get3A_1095] {strides = array<i32>} : memref<128x128xf32, #tpu.memory_space<vmem>>, vector<16xf32>,
          %mul3A_1097 = arith.mulf %get3A_1091, %get3A_1096 : vector<16xf32>
          %add3A_1098 = arith.constant 48 : i32
          %add3A_1099 = arith.addi %squeeze3A_1062, %add3A_1098 : i32
          %get3A_1100 = arith.index_cast %add3A_1060 : i32 to index
          %get3A_1101 = arith.index_cast %add3A_1099 : i32 to index
          %get3A_1102 = tpu.vector_load %arg12[%get3A_1100, %get3A_1101] {strides = array<i32>} : memref<128x128xf32, #tpu.memory_space<vmem>>, vector<16xf32>,
          %add3A_1103 = arith.constant 48 : i32
          %add3A_1104 = arith.addi %squeeze3A_1064, %add3A_1103 : i32
          %get3A_1105 = arith.index_cast %add3A_1060 : i32 to index
          %get3A_1106 = arith.index_cast %add3A_1104 : i32 to index
          %get3A_1107 = tpu.vector_load %arg13[%get3A_1105, %get3A_1106] {strides = array<i32>} : memref<128x128xf32, #tpu.memory_space<vmem>>, vector<16xf32>,
          %mul3A_1108 = arith.mulf %get3A_1102, %get3A_1107 : vector<16xf32>
          %add3A_1109 = arith.addf %mul3A_1075, %mul3A_1086 : vector<16xf32>
          %add3A_1110 = arith.addf %mul3A_1097, %mul3A_1108 : vector<16xf32>
          %add3A_1111 = arith.addf %add3A_1109, %add3A_1110 : vector<16xf32>
          %swap3A_1112 = arith.constant 170 : index
          %swap3A_1113 = tpu.vector_load %arg15[%swap3A_1112] {strides = array<i32>} : memref<272xf32, #tpu.memory_space<vmem>>, vector<16xf32>,
          tpu.vector_store %arg15[%swap3A_1112], %add3A_1111 {strides = array<i32>} : memref<272xf32, #tpu.memory_space<vmem>>, vector<16xf32>,
          %add3A_1114 = arith.constant 11 : i32
          %add3A_1115 = arith.addi %mul3A_487, %add3A_1114 : i32
          %slice3A_1116 = vector.extract_strided_slice %mul3A_498 {offsets = [11], sizes = [1], strides = [1]} : vector<16xi32> to vector<1xi32>
          %squeeze3A_1117 = vector.extract %slice3A_1116[0] : i32 from vector<1xi32>
          %slice3A_1118 = vector.extract_strided_slice %mul3A_510 {offsets = [11], sizes = [1], strides = [1]} : vector<16xi32> to vector<1xi32>
          %squeeze3A_1119 = vector.extract %slice3A_1118[0] : i32 from vector<1xi32>
          %add3A_1120 = arith.constant 0 : i32
          %add3A_1121 = arith.addi %squeeze3A_1117, %add3A_1120 : i32
          %get3A_1122 = arith.index_cast %add3A_1115 : i32 to index
          %get3A_1123 = arith.index_cast %add3A_1121 : i32 to index
          %get3A_1124 = tpu.vector_load %arg12[%get3A_1122, %get3A_1123] {strides = array<i32>} : memref<128x128xf32, #tpu.memory_space<vmem>>, vector<16xf32>,
          %add3A_1125 = arith.constant 0 : i32
          %add3A_1126 = arith.addi %squeeze3A_1119, %add3A_1125 : i32
          %get3A_1127 = arith.index_cast %add3A_1115 : i32 to index
          %get3A_1128 = arith.index_cast %add3A_1126 : i32 to index
          %get3A_1129 = tpu.vector_load %arg13[%get3A_1127, %get3A_1128] {strides = array<i32>} : memref<128x128xf32, #tpu.memory_space<vmem>>, vector<16xf32>,
          %mul3A_1130 = arith.mulf %get3A_1124, %get3A_1129 : vector<16xf32>
          %add3A_1131 = arith.constant 16 : i32
          %add3A_1132 = arith.addi %squeeze3A_1117, %add3A_1131 : i32
          %get3A_1133 = arith.index_cast %add3A_1115 : i32 to index
          %get3A_1134 = arith.index_cast %add3A_1132 : i32 to index
          %get3A_1135 = tpu.vector_load %arg12[%get3A_1133, %get3A_1134] {strides = array<i32>} : memref<128x128xf32, #tpu.memory_space<vmem>>, vector<16xf32>,
          %add3A_1136 = arith.constant 16 : i32
          %add3A_1137 = arith.addi %squeeze3A_1119, %add3A_1136 : i32
          %get3A_1138 = arith.index_cast %add3A_1115 : i32 to index
          %get3A_1139 = arith.index_cast %add3A_1137 : i32 to index
          %get3A_1140 = tpu.vector_load %arg13[%get3A_1138, %get3A_1139] {strides = array<i32>} : memref<128x128xf32, #tpu.memory_space<vmem>>, vector<16xf32>,
          %mul3A_1141 = arith.mulf %get3A_1135, %get3A_1140 : vector<16xf32>
          %add3A_1142 = arith.constant 32 : i32
          %add3A_1143 = arith.addi %squeeze3A_1117, %add3A_1142 : i32
          %get3A_1144 = arith.index_cast %add3A_1115 : i32 to index
          %get3A_1145 = arith.index_cast %add3A_1143 : i32 to index
          %get3A_1146 = tpu.vector_load %arg12[%get3A_1144, %get3A_1145] {strides = array<i32>} : memref<128x128xf32, #tpu.memory_space<vmem>>, vector<16xf32>,
          %add3A_1147 = arith.constant 32 : i32
          %add3A_1148 = arith.addi %squeeze3A_1119, %add3A_1147 : i32
          %get3A_1149 = arith.index_cast %add3A_1115 : i32 to index
          %get3A_1150 = arith.index_cast %add3A_1148 : i32 to index
          %get3A_1151 = tpu.vector_load %arg13[%get3A_1149, %get3A_1150] {strides = array<i32>} : memref<128x128xf32, #tpu.memory_space<vmem>>, vector<16xf32>,
          %mul3A_1152 = arith.mulf %get3A_1146, %get3A_1151 : vector<16xf32>
          %add3A_1153 = arith.constant 48 : i32
          %add3A_1154 = arith.addi %squeeze3A_1117, %add3A_1153 : i32
          %get3A_1155 = arith.index_cast %add3A_1115 : i32 to index
          %get3A_1156 = arith.index_cast %add3A_1154 : i32 to index
          %get3A_1157 = tpu.vector_load %arg12[%get3A_1155, %get3A_1156] {strides = array<i32>} : memref<128x128xf32, #tpu.memory_space<vmem>>, vector<16xf32>,
          %add3A_1158 = arith.constant 48 : i32
          %add3A_1159 = arith.addi %squeeze3A_1119, %add3A_1158 : i32
          %get3A_1160 = arith.index_cast %add3A_1115 : i32 to index
          %get3A_1161 = arith.index_cast %add3A_1159 : i32 to index
          %get3A_1162 = tpu.vector_load %arg13[%get3A_1160, %get3A_1161] {strides = array<i32>} : memref<128x128xf32, #tpu.memory_space<vmem>>, vector<16xf32>,
          %mul3A_1163 = arith.mulf %get3A_1157, %get3A_1162 : vector<16xf32>
          %add3A_1164 = arith.addf %mul3A_1130, %mul3A_1141 : vector<16xf32>
          %add3A_1165 = arith.addf %mul3A_1152, %mul3A_1163 : vector<16xf32>
          %add3A_1166 = arith.addf %add3A_1164, %add3A_1165 : vector<16xf32>
          %swap3A_1167 = arith.constant 187 : index
          %swap3A_1168 = tpu.vector_load %arg15[%swap3A_1167] {strides = array<i32>} : memref<272xf32, #tpu.memory_space<vmem>>, vector<16xf32>,
          tpu.vector_store %arg15[%swap3A_1167], %add3A_1166 {strides = array<i32>} : memref<272xf32, #tpu.memory_space<vmem>>, vector<16xf32>,
          %add3A_1169 = arith.constant 12 : i32
          %add3A_1170 = arith.addi %mul3A_487, %add3A_1169 : i32
          %slice3A_1171 = vector.extract_strided_slice %mul3A_498 {offsets = [12], sizes = [1], strides = [1]} : vector<16xi32> to vector<1xi32>
          %squeeze3A_1172 = vector.extract %slice3A_1171[0] : i32 from vector<1xi32>
          %slice3A_1173 = vector.extract_strided_slice %mul3A_510 {offsets = [12], sizes = [1], strides = [1]} : vector<16xi32> to vector<1xi32>
          %squeeze3A_1174 = vector.extract %slice3A_1173[0] : i32 from vector<1xi32>
          %add3A_1175 = arith.constant 0 : i32
          %add3A_1176 = arith.addi %squeeze3A_1172, %add3A_1175 : i32
          %get3A_1177 = arith.index_cast %add3A_1170 : i32 to index
          %get3A_1178 = arith.index_cast %add3A_1176 : i32 to index
          %get3A_1179 = tpu.vector_load %arg12[%get3A_1177, %get3A_1178] {strides = array<i32>} : memref<128x128xf32, #tpu.memory_space<vmem>>, vector<16xf32>,
          %add3A_1180 = arith.constant 0 : i32
          %add3A_1181 = arith.addi %squeeze3A_1174, %add3A_1180 : i32
          %get3A_1182 = arith.index_cast %add3A_1170 : i32 to index
          %get3A_1183 = arith.index_cast %add3A_1181 : i32 to index
          %get3A_1184 = tpu.vector_load %arg13[%get3A_1182, %get3A_1183] {strides = array<i32>} : memref<128x128xf32, #tpu.memory_space<vmem>>, vector<16xf32>,
          %mul3A_1185 = arith.mulf %get3A_1179, %get3A_1184 : vector<16xf32>
          %add3A_1186 = arith.constant 16 : i32
          %add3A_1187 = arith.addi %squeeze3A_1172, %add3A_1186 : i32
          %get3A_1188 = arith.index_cast %add3A_1170 : i32 to index
          %get3A_1189 = arith.index_cast %add3A_1187 : i32 to index
          %get3A_1190 = tpu.vector_load %arg12[%get3A_1188, %get3A_1189] {strides = array<i32>} : memref<128x128xf32, #tpu.memory_space<vmem>>, vector<16xf32>,
          %add3A_1191 = arith.constant 16 : i32
          %add3A_1192 = arith.addi %squeeze3A_1174, %add3A_1191 : i32
          %get3A_1193 = arith.index_cast %add3A_1170 : i32 to index
          %get3A_1194 = arith.index_cast %add3A_1192 : i32 to index
          %get3A_1195 = tpu.vector_load %arg13[%get3A_1193, %get3A_1194] {strides = array<i32>} : memref<128x128xf32, #tpu.memory_space<vmem>>, vector<16xf32>,
          %mul3A_1196 = arith.mulf %get3A_1190, %get3A_1195 : vector<16xf32>
          %add3A_1197 = arith.constant 32 : i32
          %add3A_1198 = arith.addi %squeeze3A_1172, %add3A_1197 : i32
          %get3A_1199 = arith.index_cast %add3A_1170 : i32 to index
          %get3A_1200 = arith.index_cast %add3A_1198 : i32 to index
          %get3A_1201 = tpu.vector_load %arg12[%get3A_1199, %get3A_1200] {strides = array<i32>} : memref<128x128xf32, #tpu.memory_space<vmem>>, vector<16xf32>,
          %add3A_1202 = arith.constant 32 : i32
          %add3A_1203 = arith.addi %squeeze3A_1174, %add3A_1202 : i32
          %get3A_1204 = arith.index_cast %add3A_1170 : i32 to index
          %get3A_1205 = arith.index_cast %add3A_1203 : i32 to index
          %get3A_1206 = tpu.vector_load %arg13[%get3A_1204, %get3A_1205] {strides = array<i32>} : memref<128x128xf32, #tpu.memory_space<vmem>>, vector<16xf32>,
          %mul3A_1207 = arith.mulf %get3A_1201, %get3A_1206 : vector<16xf32>
          %add3A_1208 = arith.constant 48 : i32
          %add3A_1209 = arith.addi %squeeze3A_1172, %add3A_1208 : i32
          %get3A_1210 = arith.index_cast %add3A_1170 : i32 to index
          %get3A_1211 = arith.index_cast %add3A_1209 : i32 to index
          %get3A_1212 = tpu.vector_load %arg12[%get3A_1210, %get3A_1211] {strides = array<i32>} : memref<128x128xf32, #tpu.memory_space<vmem>>, vector<16xf32>,
          %add3A_1213 = arith.constant 48 : i32
          %add3A_1214 = arith.addi %squeeze3A_1174, %add3A_1213 : i32
          %get3A_1215 = arith.index_cast %add3A_1170 : i32 to index
          %get3A_1216 = arith.index_cast %add3A_1214 : i32 to index
          %get3A_1217 = tpu.vector_load %arg13[%get3A_1215, %get3A_1216] {strides = array<i32>} : memref<128x128xf32, #tpu.memory_space<vmem>>, vector<16xf32>,
          %mul3A_1218 = arith.mulf %get3A_1212, %get3A_1217 : vector<16xf32>
          %add3A_1219 = arith.addf %mul3A_1185, %mul3A_1196 : vector<16xf32>
          %add3A_1220 = arith.addf %mul3A_1207, %mul3A_1218 : vector<16xf32>
          %add3A_1221 = arith.addf %add3A_1219, %add3A_1220 : vector<16xf32>
          %swap3A_1222 = arith.constant 204 : index
          %swap3A_1223 = tpu.vector_load %arg15[%swap3A_1222] {strides = array<i32>} : memref<272xf32, #tpu.memory_space<vmem>>, vector<16xf32>,
          tpu.vector_store %arg15[%swap3A_1222], %add3A_1221 {strides = array<i32>} : memref<272xf32, #tpu.memory_space<vmem>>, vector<16xf32>,
          %add3A_1224 = arith.constant 13 : i32
          %add3A_1225 = arith.addi %mul3A_487, %add3A_1224 : i32
          %slice3A_1226 = vector.extract_strided_slice %mul3A_498 {offsets = [13], sizes = [1], strides = [1]} : vector<16xi32> to vector<1xi32>
          %squeeze3A_1227 = vector.extract %slice3A_1226[0] : i32 from vector<1xi32>
          %slice3A_1228 = vector.extract_strided_slice %mul3A_510 {offsets = [13], sizes = [1], strides = [1]} : vector<16xi32> to vector<1xi32>
          %squeeze3A_1229 = vector.extract %slice3A_1228[0] : i32 from vector<1xi32>
          %add3A_1230 = arith.constant 0 : i32
          %add3A_1231 = arith.addi %squeeze3A_1227, %add3A_1230 : i32
          %get3A_1232 = arith.index_cast %add3A_1225 : i32 to index
          %get3A_1233 = arith.index_cast %add3A_1231 : i32 to index
          %get3A_1234 = tpu.vector_load %arg12[%get3A_1232, %get3A_1233] {strides = array<i32>} : memref<128x128xf32, #tpu.memory_space<vmem>>, vector<16xf32>,
          %add3A_1235 = arith.constant 0 : i32
          %add3A_1236 = arith.addi %squeeze3A_1229, %add3A_1235 : i32
          %get3A_1237 = arith.index_cast %add3A_1225 : i32 to index
          %get3A_1238 = arith.index_cast %add3A_1236 : i32 to index
          %get3A_1239 = tpu.vector_load %arg13[%get3A_1237, %get3A_1238] {strides = array<i32>} : memref<128x128xf32, #tpu.memory_space<vmem>>, vector<16xf32>,
          %mul3A_1240 = arith.mulf %get3A_1234, %get3A_1239 : vector<16xf32>
          %add3A_1241 = arith.constant 16 : i32
          %add3A_1242 = arith.addi %squeeze3A_1227, %add3A_1241 : i32
          %get3A_1243 = arith.index_cast %add3A_1225 : i32 to index
          %get3A_1244 = arith.index_cast %add3A_1242 : i32 to index
          %get3A_1245 = tpu.vector_load %arg12[%get3A_1243, %get3A_1244] {strides = array<i32>} : memref<128x128xf32, #tpu.memory_space<vmem>>, vector<16xf32>,
          %add3A_1246 = arith.constant 16 : i32
          %add3A_1247 = arith.addi %squeeze3A_1229, %add3A_1246 : i32
          %get3A_1248 = arith.index_cast %add3A_1225 : i32 to index
          %get3A_1249 = arith.index_cast %add3A_1247 : i32 to index
          %get3A_1250 = tpu.vector_load %arg13[%get3A_1248, %get3A_1249] {strides = array<i32>} : memref<128x128xf32, #tpu.memory_space<vmem>>, vector<16xf32>,
          %mul3A_1251 = arith.mulf %get3A_1245, %get3A_1250 : vector<16xf32>
          %add3A_1252 = arith.constant 32 : i32
          %add3A_1253 = arith.addi %squeeze3A_1227, %add3A_1252 : i32
          %get3A_1254 = arith.index_cast %add3A_1225 : i32 to index
          %get3A_1255 = arith.index_cast %add3A_1253 : i32 to index
          %get3A_1256 = tpu.vector_load %arg12[%get3A_1254, %get3A_1255] {strides = array<i32>} : memref<128x128xf32, #tpu.memory_space<vmem>>, vector<16xf32>,
          %add3A_1257 = arith.constant 32 : i32
          %add3A_1258 = arith.addi %squeeze3A_1229, %add3A_1257 : i32
          %get3A_1259 = arith.index_cast %add3A_1225 : i32 to index
          %get3A_1260 = arith.index_cast %add3A_1258 : i32 to index
          %get3A_1261 = tpu.vector_load %arg13[%get3A_1259, %get3A_1260] {strides = array<i32>} : memref<128x128xf32, #tpu.memory_space<vmem>>, vector<16xf32>,
          %mul3A_1262 = arith.mulf %get3A_1256, %get3A_1261 : vector<16xf32>
          %add3A_1263 = arith.constant 48 : i32
          %add3A_1264 = arith.addi %squeeze3A_1227, %add3A_1263 : i32
          %get3A_1265 = arith.index_cast %add3A_1225 : i32 to index
          %get3A_1266 = arith.index_cast %add3A_1264 : i32 to index
          %get3A_1267 = tpu.vector_load %arg12[%get3A_1265, %get3A_1266] {strides = array<i32>} : memref<128x128xf32, #tpu.memory_space<vmem>>, vector<16xf32>,
          %add3A_1268 = arith.constant 48 : i32
          %add3A_1269 = arith.addi %squeeze3A_1229, %add3A_1268 : i32
          %get3A_1270 = arith.index_cast %add3A_1225 : i32 to index
          %get3A_1271 = arith.index_cast %add3A_1269 : i32 to index
          %get3A_1272 = tpu.vector_load %arg13[%get3A_1270, %get3A_1271] {strides = array<i32>} : memref<128x128xf32, #tpu.memory_space<vmem>>, vector<16xf32>,
          %mul3A_1273 = arith.mulf %get3A_1267, %get3A_1272 : vector<16xf32>
          %add3A_1274 = arith.addf %mul3A_1240, %mul3A_1251 : vector<16xf32>
          %add3A_1275 = arith.addf %mul3A_1262, %mul3A_1273 : vector<16xf32>
          %add3A_1276 = arith.addf %add3A_1274, %add3A_1275 : vector<16xf32>
          %swap3A_1277 = arith.constant 221 : index
          %swap3A_1278 = tpu.vector_load %arg15[%swap3A_1277] {strides = array<i32>} : memref<272xf32, #tpu.memory_space<vmem>>, vector<16xf32>,
          tpu.vector_store %arg15[%swap3A_1277], %add3A_1276 {strides = array<i32>} : memref<272xf32, #tpu.memory_space<vmem>>, vector<16xf32>,
          %add3A_1279 = arith.constant 14 : i32
          %add3A_1280 = arith.addi %mul3A_487, %add3A_1279 : i32
          %slice3A_1281 = vector.extract_strided_slice %mul3A_498 {offsets = [14], sizes = [1], strides = [1]} : vector<16xi32> to vector<1xi32>
          %squeeze3A_1282 = vector.extract %slice3A_1281[0] : i32 from vector<1xi32>
          %slice3A_1283 = vector.extract_strided_slice %mul3A_510 {offsets = [14], sizes = [1], strides = [1]} : vector<16xi32> to vector<1xi32>
          %squeeze3A_1284 = vector.extract %slice3A_1283[0] : i32 from vector<1xi32>
          %add3A_1285 = arith.constant 0 : i32
          %add3A_1286 = arith.addi %squeeze3A_1282, %add3A_1285 : i32
          %get3A_1287 = arith.index_cast %add3A_1280 : i32 to index
          %get3A_1288 = arith.index_cast %add3A_1286 : i32 to index
          %get3A_1289 = tpu.vector_load %arg12[%get3A_1287, %get3A_1288] {strides = array<i32>} : memref<128x128xf32, #tpu.memory_space<vmem>>, vector<16xf32>,
          %add3A_1290 = arith.constant 0 : i32
          %add3A_1291 = arith.addi %squeeze3A_1284, %add3A_1290 : i32
          %get3A_1292 = arith.index_cast %add3A_1280 : i32 to index
          %get3A_1293 = arith.index_cast %add3A_1291 : i32 to index
          %get3A_1294 = tpu.vector_load %arg13[%get3A_1292, %get3A_1293] {strides = array<i32>} : memref<128x128xf32, #tpu.memory_space<vmem>>, vector<16xf32>,
          %mul3A_1295 = arith.mulf %get3A_1289, %get3A_1294 : vector<16xf32>
          %add3A_1296 = arith.constant 16 : i32
          %add3A_1297 = arith.addi %squeeze3A_1282, %add3A_1296 : i32
          %get3A_1298 = arith.index_cast %add3A_1280 : i32 to index
          %get3A_1299 = arith.index_cast %add3A_1297 : i32 to index
          %get3A_1300 = tpu.vector_load %arg12[%get3A_1298, %get3A_1299] {strides = array<i32>} : memref<128x128xf32, #tpu.memory_space<vmem>>, vector<16xf32>,
          %add3A_1301 = arith.constant 16 : i32
          %add3A_1302 = arith.addi %squeeze3A_1284, %add3A_1301 : i32
          %get3A_1303 = arith.index_cast %add3A_1280 : i32 to index
          %get3A_1304 = arith.index_cast %add3A_1302 : i32 to index
          %get3A_1305 = tpu.vector_load %arg13[%get3A_1303, %get3A_1304] {strides = array<i32>} : memref<128x128xf32, #tpu.memory_space<vmem>>, vector<16xf32>,
          %mul3A_1306 = arith.mulf %get3A_1300, %get3A_1305 : vector<16xf32>
          %add3A_1307 = arith.constant 32 : i32
          %add3A_1308 = arith.addi %squeeze3A_1282, %add3A_1307 : i32
          %get3A_1309 = arith.index_cast %add3A_1280 : i32 to index
          %get3A_1310 = arith.index_cast %add3A_1308 : i32 to index
          %get3A_1311 = tpu.vector_load %arg12[%get3A_1309, %get3A_1310] {strides = array<i32>} : memref<128x128xf32, #tpu.memory_space<vmem>>, vector<16xf32>,
          %add3A_1312 = arith.constant 32 : i32
          %add3A_1313 = arith.addi %squeeze3A_1284, %add3A_1312 : i32
          %get3A_1314 = arith.index_cast %add3A_1280 : i32 to index
          %get3A_1315 = arith.index_cast %add3A_1313 : i32 to index
          %get3A_1316 = tpu.vector_load %arg13[%get3A_1314, %get3A_1315] {strides = array<i32>} : memref<128x128xf32, #tpu.memory_space<vmem>>, vector<16xf32>,
          %mul3A_1317 = arith.mulf %get3A_1311, %get3A_1316 : vector<16xf32>
          %add3A_1318 = arith.constant 48 : i32
          %add3A_1319 = arith.addi %squeeze3A_1282, %add3A_1318 : i32
          %get3A_1320 = arith.index_cast %add3A_1280 : i32 to index
          %get3A_1321 = arith.index_cast %add3A_1319 : i32 to index
          %get3A_1322 = tpu.vector_load %arg12[%get3A_1320, %get3A_1321] {strides = array<i32>} : memref<128x128xf32, #tpu.memory_space<vmem>>, vector<16xf32>,
          %add3A_1323 = arith.constant 48 : i32
          %add3A_1324 = arith.addi %squeeze3A_1284, %add3A_1323 : i32
          %get3A_1325 = arith.index_cast %add3A_1280 : i32 to index
          %get3A_1326 = arith.index_cast %add3A_1324 : i32 to index
          %get3A_1327 = tpu.vector_load %arg13[%get3A_1325, %get3A_1326] {strides = array<i32>} : memref<128x128xf32, #tpu.memory_space<vmem>>, vector<16xf32>,
          %mul3A_1328 = arith.mulf %get3A_1322, %get3A_1327 : vector<16xf32>
          %add3A_1329 = arith.addf %mul3A_1295, %mul3A_1306 : vector<16xf32>
          %add3A_1330 = arith.addf %mul3A_1317, %mul3A_1328 : vector<16xf32>
          %add3A_1331 = arith.addf %add3A_1329, %add3A_1330 : vector<16xf32>
          %swap3A_1332 = arith.constant 238 : index
          %swap3A_1333 = tpu.vector_load %arg15[%swap3A_1332] {strides = array<i32>} : memref<272xf32, #tpu.memory_space<vmem>>, vector<16xf32>,
          tpu.vector_store %arg15[%swap3A_1332], %add3A_1331 {strides = array<i32>} : memref<272xf32, #tpu.memory_space<vmem>>, vector<16xf32>,
          %add3A_1334 = arith.constant 15 : i32
          %add3A_1335 = arith.addi %mul3A_487, %add3A_1334 : i32
          %slice3A_1336 = vector.extract_strided_slice %mul3A_498 {offsets = [15], sizes = [1], strides = [1]} : vector<16xi32> to vector<1xi32>
          %squeeze3A_1337 = vector.extract %slice3A_1336[0] : i32 from vector<1xi32>
          %slice3A_1338 = vector.extract_strided_slice %mul3A_510 {offsets = [15], sizes = [1], strides = [1]} : vector<16xi32> to vector<1xi32>
          %squeeze3A_1339 = vector.extract %slice3A_1338[0] : i32 from vector<1xi32>
          %add3A_1340 = arith.constant 0 : i32
          %add3A_1341 = arith.addi %squeeze3A_1337, %add3A_1340 : i32
          %get3A_1342 = arith.index_cast %add3A_1335 : i32 to index
          %get3A_1343 = arith.index_cast %add3A_1341 : i32 to index
          %get3A_1344 = tpu.vector_load %arg12[%get3A_1342, %get3A_1343] {strides = array<i32>} : memref<128x128xf32, #tpu.memory_space<vmem>>, vector<16xf32>,
          %add3A_1345 = arith.constant 0 : i32
          %add3A_1346 = arith.addi %squeeze3A_1339, %add3A_1345 : i32
          %get3A_1347 = arith.index_cast %add3A_1335 : i32 to index
          %get3A_1348 = arith.index_cast %add3A_1346 : i32 to index
          %get3A_1349 = tpu.vector_load %arg13[%get3A_1347, %get3A_1348] {strides = array<i32>} : memref<128x128xf32, #tpu.memory_space<vmem>>, vector<16xf32>,
          %mul3A_1350 = arith.mulf %get3A_1344, %get3A_1349 : vector<16xf32>
          %add3A_1351 = arith.constant 16 : i32
          %add3A_1352 = arith.addi %squeeze3A_1337, %add3A_1351 : i32
          %get3A_1353 = arith.index_cast %add3A_1335 : i32 to index
          %get3A_1354 = arith.index_cast %add3A_1352 : i32 to index
          %get3A_1355 = tpu.vector_load %arg12[%get3A_1353, %get3A_1354] {strides = array<i32>} : memref<128x128xf32, #tpu.memory_space<vmem>>, vector<16xf32>,
          %add3A_1356 = arith.constant 16 : i32
          %add3A_1357 = arith.addi %squeeze3A_1339, %add3A_1356 : i32
          %get3A_1358 = arith.index_cast %add3A_1335 : i32 to index
          %get3A_1359 = arith.index_cast %add3A_1357 : i32 to index
          %get3A_1360 = tpu.vector_load %arg13[%get3A_1358, %get3A_1359] {strides = array<i32>} : memref<128x128xf32, #tpu.memory_space<vmem>>, vector<16xf32>,
          %mul3A_1361 = arith.mulf %get3A_1355, %get3A_1360 : vector<16xf32>
          %add3A_1362 = arith.constant 32 : i32
          %add3A_1363 = arith.addi %squeeze3A_1337, %add3A_1362 : i32
          %get3A_1364 = arith.index_cast %add3A_1335 : i32 to index
          %get3A_1365 = arith.index_cast %add3A_1363 : i32 to index
          %get3A_1366 = tpu.vector_load %arg12[%get3A_1364, %get3A_1365] {strides = array<i32>} : memref<128x128xf32, #tpu.memory_space<vmem>>, vector<16xf32>,
          %add3A_1367 = arith.constant 32 : i32
          %add3A_1368 = arith.addi %squeeze3A_1339, %add3A_1367 : i32
          %get3A_1369 = arith.index_cast %add3A_1335 : i32 to index
          %get3A_1370 = arith.index_cast %add3A_1368 : i32 to index
          %get3A_1371 = tpu.vector_load %arg13[%get3A_1369, %get3A_1370] {strides = array<i32>} : memref<128x128xf32, #tpu.memory_space<vmem>>, vector<16xf32>,
          %mul3A_1372 = arith.mulf %get3A_1366, %get3A_1371 : vector<16xf32>
          %add3A_1373 = arith.constant 48 : i32
          %add3A_1374 = arith.addi %squeeze3A_1337, %add3A_1373 : i32
          %get3A_1375 = arith.index_cast %add3A_1335 : i32 to index
          %get3A_1376 = arith.index_cast %add3A_1374 : i32 to index
          %get3A_1377 = tpu.vector_load %arg12[%get3A_1375, %get3A_1376] {strides = array<i32>} : memref<128x128xf32, #tpu.memory_space<vmem>>, vector<16xf32>,
          %add3A_1378 = arith.constant 48 : i32
          %add3A_1379 = arith.addi %squeeze3A_1339, %add3A_1378 : i32
          %get3A_1380 = arith.index_cast %add3A_1335 : i32 to index
          %get3A_1381 = arith.index_cast %add3A_1379 : i32 to index
          %get3A_1382 = tpu.vector_load %arg13[%get3A_1380, %get3A_1381] {strides = array<i32>} : memref<128x128xf32, #tpu.memory_space<vmem>>, vector<16xf32>,
          %mul3A_1383 = arith.mulf %get3A_1377, %get3A_1382 : vector<16xf32>
          %add3A_1384 = arith.addf %mul3A_1350, %mul3A_1361 : vector<16xf32>
          %add3A_1385 = arith.addf %mul3A_1372, %mul3A_1383 : vector<16xf32>
          %add3A_1386 = arith.addf %add3A_1384, %add3A_1385 : vector<16xf32>
          %swap3A_1387 = arith.constant 255 : index
          %swap3A_1388 = tpu.vector_load %arg15[%swap3A_1387] {strides = array<i32>} : memref<272xf32, #tpu.memory_space<vmem>>, vector<16xf32>,
          tpu.vector_store %arg15[%swap3A_1387], %add3A_1386 {strides = array<i32>} : memref<272xf32, #tpu.memory_space<vmem>>, vector<16xf32>,
          %add3A_1389 = arith.constant 0 : i32
          %add3A_1390 = vector.broadcast %add3A_1389 : i32 to vector<16xi32>
          %add3A_1391 = arith.addi %mul3A_3, %add3A_1390 : vector<16xi32>
          %gather3A = tpu.vector_load_idx %arg15[%add3A_1391] : memref<272xf32, #tpu.memory_space<vmem>>[vector<16xi32>], vector<16xf32>,
          %add3A_1392 = arith.constant 1 : i32
          %add3A_1393 = vector.broadcast %add3A_1392 : i32 to vector<16xi32>
          %add3A_1394 = arith.addi %mul3A_3, %add3A_1393 : vector<16xi32>
          %gather3A_1395 = tpu.vector_load_idx %arg15[%add3A_1394] : memref<272xf32, #tpu.memory_space<vmem>>[vector<16xi32>], vector<16xf32>,
          %add3A_1396 = arith.constant 2 : i32
          %add3A_1397 = vector.broadcast %add3A_1396 : i32 to vector<16xi32>
          %add3A_1398 = arith.addi %mul3A_3, %add3A_1397 : vector<16xi32>
          %gather3A_1399 = tpu.vector_load_idx %arg15[%add3A_1398] : memref<272xf32, #tpu.memory_space<vmem>>[vector<16xi32>], vector<16xf32>,
          %add3A_1400 = arith.constant 3 : i32
          %add3A_1401 = vector.broadcast %add3A_1400 : i32 to vector<16xi32>
          %add3A_1402 = arith.addi %mul3A_3, %add3A_1401 : vector<16xi32>
          %gather3A_1403 = tpu.vector_load_idx %arg15[%add3A_1402] : memref<272xf32, #tpu.memory_space<vmem>>[vector<16xi32>], vector<16xf32>,
          %add3A_1404 = arith.constant 4 : i32
          %add3A_1405 = vector.broadcast %add3A_1404 : i32 to vector<16xi32>
          %add3A_1406 = arith.addi %mul3A_3, %add3A_1405 : vector<16xi32>
          %gather3A_1407 = tpu.vector_load_idx %arg15[%add3A_1406] : memref<272xf32, #tpu.memory_space<vmem>>[vector<16xi32>], vector<16xf32>,
          %add3A_1408 = arith.constant 5 : i32
          %add3A_1409 = vector.broadcast %add3A_1408 : i32 to vector<16xi32>
          %add3A_1410 = arith.addi %mul3A_3, %add3A_1409 : vector<16xi32>
          %gather3A_1411 = tpu.vector_load_idx %arg15[%add3A_1410] : memref<272xf32, #tpu.memory_space<vmem>>[vector<16xi32>], vector<16xf32>,
          %add3A_1412 = arith.constant 6 : i32
          %add3A_1413 = vector.broadcast %add3A_1412 : i32 to vector<16xi32>
          %add3A_1414 = arith.addi %mul3A_3, %add3A_1413 : vector<16xi32>
          %gather3A_1415 = tpu.vector_load_idx %arg15[%add3A_1414] : memref<272xf32, #tpu.memory_space<vmem>>[vector<16xi32>], vector<16xf32>,
          %add3A_1416 = arith.constant 7 : i32
          %add3A_1417 = vector.broadcast %add3A_1416 : i32 to vector<16xi32>
          %add3A_1418 = arith.addi %mul3A_3, %add3A_1417 : vector<16xi32>
          %gather3A_1419 = tpu.vector_load_idx %arg15[%add3A_1418] : memref<272xf32, #tpu.memory_space<vmem>>[vector<16xi32>], vector<16xf32>,
          %add3A_1420 = arith.constant 8 : i32
          %add3A_1421 = vector.broadcast %add3A_1420 : i32 to vector<16xi32>
          %add3A_1422 = arith.addi %mul3A_3, %add3A_1421 : vector<16xi32>
          %gather3A_1423 = tpu.vector_load_idx %arg15[%add3A_1422] : memref<272xf32, #tpu.memory_space<vmem>>[vector<16xi32>], vector<16xf32>,
          %add3A_1424 = arith.constant 9 : i32
          %add3A_1425 = vector.broadcast %add3A_1424 : i32 to vector<16xi32>
          %add3A_1426 = arith.addi %mul3A_3, %add3A_1425 : vector<16xi32>
          %gather3A_1427 = tpu.vector_load_idx %arg15[%add3A_1426] : memref<272xf32, #tpu.memory_space<vmem>>[vector<16xi32>], vector<16xf32>,
          %add3A_1428 = arith.constant 10 : i32
          %add3A_1429 = vector.broadcast %add3A_1428 : i32 to vector<16xi32>
          %add3A_1430 = arith.addi %mul3A_3, %add3A_1429 : vector<16xi32>
          %gather3A_1431 = tpu.vector_load_idx %arg15[%add3A_1430] : memref<272xf32, #tpu.memory_space<vmem>>[vector<16xi32>], vector<16xf32>,
          %add3A_1432 = arith.constant 11 : i32
          %add3A_1433 = vector.broadcast %add3A_1432 : i32 to vector<16xi32>
          %add3A_1434 = arith.addi %mul3A_3, %add3A_1433 : vector<16xi32>
          %gather3A_1435 = tpu.vector_load_idx %arg15[%add3A_1434] : memref<272xf32, #tpu.memory_space<vmem>>[vector<16xi32>], vector<16xf32>,
          %add3A_1436 = arith.constant 12 : i32
          %add3A_1437 = vector.broadcast %add3A_1436 : i32 to vector<16xi32>
          %add3A_1438 = arith.addi %mul3A_3, %add3A_1437 : vector<16xi32>
          %gather3A_1439 = tpu.vector_load_idx %arg15[%add3A_1438] : memref<272xf32, #tpu.memory_space<vmem>>[vector<16xi32>], vector<16xf32>,
          %add3A_1440 = arith.constant 13 : i32
          %add3A_1441 = vector.broadcast %add3A_1440 : i32 to vector<16xi32>
          %add3A_1442 = arith.addi %mul3A_3, %add3A_1441 : vector<16xi32>
          %gather3A_1443 = tpu.vector_load_idx %arg15[%add3A_1442] : memref<272xf32, #tpu.memory_space<vmem>>[vector<16xi32>], vector<16xf32>,
          %add3A_1444 = arith.constant 14 : i32
          %add3A_1445 = vector.broadcast %add3A_1444 : i32 to vector<16xi32>
          %add3A_1446 = arith.addi %mul3A_3, %add3A_1445 : vector<16xi32>
          %gather3A_1447 = tpu.vector_load_idx %arg15[%add3A_1446] : memref<272xf32, #tpu.memory_space<vmem>>[vector<16xi32>], vector<16xf32>,
          %add3A_1448 = arith.constant 15 : i32
          %add3A_1449 = vector.broadcast %add3A_1448 : i32 to vector<16xi32>
          %add3A_1450 = arith.addi %mul3A_3, %add3A_1449 : vector<16xi32>
          %gather3A_1451 = tpu.vector_load_idx %arg15[%add3A_1450] : memref<272xf32, #tpu.memory_space<vmem>>[vector<16xi32>], vector<16xf32>,
          %add3A_1452 = arith.addf %gather3A, %gather3A_1395 : vector<16xf32>
          %add3A_1453 = arith.addf %gather3A_1399, %gather3A_1403 : vector<16xf32>
          %add3A_1454 = arith.addf %gather3A_1407, %gather3A_1411 : vector<16xf32>
          %add3A_1455 = arith.addf %gather3A_1415, %gather3A_1419 : vector<16xf32>
          %add3A_1456 = arith.addf %gather3A_1423, %gather3A_1427 : vector<16xf32>
          %add3A_1457 = arith.addf %gather3A_1431, %gather3A_1435 : vector<16xf32>
          %add3A_1458 = arith.addf %gather3A_1439, %gather3A_1443 : vector<16xf32>
          %add3A_1459 = arith.addf %gather3A_1447, %gather3A_1451 : vector<16xf32>
          %add3A_1460 = arith.addf %add3A_1452, %add3A_1453 : vector<16xf32>
          %add3A_1461 = arith.addf %add3A_1454, %add3A_1455 : vector<16xf32>
          %add3A_1462 = arith.addf %add3A_1456, %add3A_1457 : vector<16xf32>
          %add3A_1463 = arith.addf %add3A_1458, %add3A_1459 : vector<16xf32>
          %add3A_1464 = arith.addf %add3A_1460, %add3A_1461 : vector<16xf32>
          %add3A_1465 = arith.addf %add3A_1462, %add3A_1463 : vector<16xf32>
          %add3A_1466 = arith.addf %add3A_1464, %add3A_1465 : vector<16xf32>
          %mul3A_1467 = vector.broadcast %select_n3A : f32 to vector<16xf32>
          %mul3A_1468 = arith.mulf %mul3A_1467, %add3A_1466 : vector<16xf32>
          %abs3A = math.absf %mul3A_1468 : vector<16xf32>
          %neg3A = arith.constant 0.000000e+00 : f32
          %neg3A_1469 = vector.broadcast %neg3A : f32 to vector<16xf32>
          %neg3A_1470 = arith.subf %neg3A_1469, %abs3A : vector<16xf32>
          %exp3A = math.exp %neg3A_1470 : vector<16xf32>
          %add3A_1471 = arith.constant 2.000000e+00 : f32
          %add3A_1472 = vector.broadcast %add3A_1471 : f32 to vector<16xf32>
          %add3A_1473 = arith.addf %add3A_1472, %exp3A : vector<16xf32>
          %div3A = arith.divf %exp3A, %add3A_1473 : vector<16xf32>
          %mul3A_1474 = arith.mulf %div3A, %div3A : vector<16xf32>
          %mul3A_1475 = arith.constant 0.0769230798 : f32
          %mul3A_1476 = vector.broadcast %mul3A_1475 : f32 to vector<16xf32>
          %mul3A_1477 = arith.mulf %mul3A_1476, %mul3A_1474 : vector<16xf32>
          %add3A_1478 = arith.constant 0.0909090936 : f32
          %add3A_1479 = vector.broadcast %add3A_1478 : f32 to vector<16xf32>
          %add3A_1480 = arith.addf %mul3A_1477, %add3A_1479 : vector<16xf32>
          %mul3A_1481 = arith.mulf %add3A_1480, %mul3A_1474 : vector<16xf32>
          %add3A_1482 = arith.constant 0.111111112 : f32
          %add3A_1483 = vector.broadcast %add3A_1482 : f32 to vector<16xf32>
          %add3A_1484 = arith.addf %mul3A_1481, %add3A_1483 : vector<16xf32>
          %mul3A_1485 = arith.mulf %add3A_1484, %mul3A_1474 : vector<16xf32>
          %add3A_1486 = arith.constant 0.142857149 : f32
          %add3A_1487 = vector.broadcast %add3A_1486 : f32 to vector<16xf32>
          %add3A_1488 = arith.addf %mul3A_1485, %add3A_1487 : vector<16xf32>
          %mul3A_1489 = arith.mulf %add3A_1488, %mul3A_1474 : vector<16xf32>
          %add3A_1490 = arith.constant 2.000000e-01 : f32
          %add3A_1491 = vector.broadcast %add3A_1490 : f32 to vector<16xf32>
          %add3A_1492 = arith.addf %mul3A_1489, %add3A_1491 : vector<16xf32>
          %mul3A_1493 = arith.mulf %add3A_1492, %mul3A_1474 : vector<16xf32>
          %add3A_1494 = arith.constant 0.333333343 : f32
          %add3A_1495 = vector.broadcast %add3A_1494 : f32 to vector<16xf32>
          %add3A_1496 = arith.addf %mul3A_1493, %add3A_1495 : vector<16xf32>
          %mul3A_1497 = arith.mulf %add3A_1496, %mul3A_1474 : vector<16xf32>
          %add3A_1498 = arith.constant 1.000000e+00 : f32
          %add3A_1499 = vector.broadcast %add3A_1498 : f32 to vector<16xf32>
          %add3A_1500 = arith.addf %mul3A_1497, %add3A_1499 : vector<16xf32>
          %min3A = arith.constant 0.000000e+00 : f32
          %min3A_1501 = vector.broadcast %min3A : f32 to vector<16xf32>
          %min3A_1502 = arith.minimumf %mul3A_1468, %min3A_1501 : vector<16xf32>
          %mul3A_1503 = arith.constant 2.000000e+00 : f32
          %mul3A_1504 = vector.broadcast %mul3A_1503 : f32 to vector<16xf32>
          %mul3A_1505 = arith.mulf %mul3A_1504, %div3A : vector<16xf32>
          %mul3A_1506 = arith.mulf %mul3A_1505, %add3A_1500 : vector<16xf32>
          %sub3A = arith.subf %min3A_1502, %mul3A_1506 : vector<16xf32>
          %add3A_1507 = arith.addf %scan3A_485, %sub3A : vector<16xf32>
          scf.yield %add3A_1507 : vector<16xf32>
        }
        %scan3A_458 = arith.constant 8 : i32
        %add3A_459 = arith.constant 2 : i32
        %add3A_460 = arith.addi %mul3A_444, %add3A_459 : i32
        %lt3A = arith.constant 21 : i32
        %lt3A_461 = arith.cmpi slt, %add3A_460, %lt3A : i32
        %convert_element_type3A = arith.extui %lt3A_461 : i1 to i32
        %cond3A = arith.constant 0 : i32
        %cond3A_462 = arith.cmpi ne, %convert_element_type3A, %cond3A : i32
        scf.if %cond3A_462 {
          %add3A_484 = arith.constant 2 : i32
          %add3A_485 = arith.addi %mul3A_444, %add3A_484 : i32
          %get3A_486 = arith.constant 0 : i32
          %get3A_487 = tpu.memref_slice %arg8[%add3A_485, %get3A_486] : memref<21x128xi32, #tpu.memory_space<vmem>> -> memref<1x128xi32, #tpu.memory_space<vmem>>
          %get3A_488 = tpu.memref_squeeze %get3A_487 : memref<1x128xi32, #tpu.memory_space<vmem>> -> memref<128xi32, #tpu.memory_space<vmem>>
          %get3A_489 = arith.constant 0 : index
          %get3A_490 = tpu.vector_load %get3A_488[%get3A_489] {strides = array<i32>} : memref<128xi32, #tpu.memory_space<vmem>>, vector<16xi32>,
          %shift_right_arithmetic3A_491 = arith.constant 13 : i32
          %shift_right_arithmetic3A_492 = vector.broadcast %shift_right_arithmetic3A_491 : i32 to vector<16xi32>
          %shift_right_arithmetic3A_493 = arith.shrsi %get3A_490, %shift_right_arithmetic3A_492 : vector<16xi32>
          %shift_left3A_494 = arith.constant 12 : i32
          %shift_left3A_495 = vector.broadcast %shift_left3A_494 : i32 to vector<16xi32>
          %shift_left3A_496 = arith.shli %shift_right_arithmetic3A_493, %shift_left3A_495 : vector<16xi32>
          %and3A_497 = arith.constant 4095 : i32
          %and3A_498 = vector.broadcast %and3A_497 : i32 to vector<16xi32>
          %and3A_499 = arith.andi %get3A_490, %and3A_498 : vector<16xi32>
          %add3A_500 = arith.addi %shift_left3A_496, %and3A_499 : vector<16xi32>
          %swap3A_501 = arith.constant 0 : index
          %swap3A_502 = tpu.vector_load %arg10[%swap3A_501] {strides = array<i32>} : memref<128xi32, #tpu.memory_space<vmem>>, vector<16xi32>,
          tpu.vector_store %arg10[%swap3A_501], %add3A_500 {strides = array<i32>} : memref<128xi32, #tpu.memory_space<vmem>>, vector<16xi32>,
          %get3A_503 = arith.constant 0 : i32
          %get3A_504 = tpu.memref_slice %arg8[%add3A_485, %get3A_503] : memref<21x128xi32, #tpu.memory_space<vmem>> -> memref<1x128xi32, #tpu.memory_space<vmem>>
          %get3A_505 = tpu.memref_squeeze %get3A_504 : memref<1x128xi32, #tpu.memory_space<vmem>> -> memref<128xi32, #tpu.memory_space<vmem>>
          %get3A_506 = arith.constant 16 : index
          %get3A_507 = tpu.vector_load %get3A_505[%get3A_506] {strides = array<i32>} : memref<128xi32, #tpu.memory_space<vmem>>, vector<16xi32>,
          %shift_right_arithmetic3A_508 = arith.constant 13 : i32
          %shift_right_arithmetic3A_509 = vector.broadcast %shift_right_arithmetic3A_508 : i32 to vector<16xi32>
          %shift_right_arithmetic3A_510 = arith.shrsi %get3A_507, %shift_right_arithmetic3A_509 : vector<16xi32>
          %shift_left3A_511 = arith.constant 12 : i32
          %shift_left3A_512 = vector.broadcast %shift_left3A_511 : i32 to vector<16xi32>
          %shift_left3A_513 = arith.shli %shift_right_arithmetic3A_510, %shift_left3A_512 : vector<16xi32>
          %and3A_514 = arith.constant 4095 : i32
          %and3A_515 = vector.broadcast %and3A_514 : i32 to vector<16xi32>
          %and3A_516 = arith.andi %get3A_507, %and3A_515 : vector<16xi32>
          %add3A_517 = arith.addi %shift_left3A_513, %and3A_516 : vector<16xi32>
          %swap3A_518 = arith.constant 16 : index
          %swap3A_519 = tpu.vector_load %arg10[%swap3A_518] {strides = array<i32>} : memref<128xi32, #tpu.memory_space<vmem>>, vector<16xi32>,
          tpu.vector_store %arg10[%swap3A_518], %add3A_517 {strides = array<i32>} : memref<128xi32, #tpu.memory_space<vmem>>, vector<16xi32>,
          %get3A_520 = arith.constant 0 : i32
          %get3A_521 = tpu.memref_slice %arg8[%add3A_485, %get3A_520] : memref<21x128xi32, #tpu.memory_space<vmem>> -> memref<1x128xi32, #tpu.memory_space<vmem>>
          %get3A_522 = tpu.memref_squeeze %get3A_521 : memref<1x128xi32, #tpu.memory_space<vmem>> -> memref<128xi32, #tpu.memory_space<vmem>>
          %get3A_523 = arith.constant 32 : index
          %get3A_524 = tpu.vector_load %get3A_522[%get3A_523] {strides = array<i32>} : memref<128xi32, #tpu.memory_space<vmem>>, vector<16xi32>,
          %shift_right_arithmetic3A_525 = arith.constant 13 : i32
          %shift_right_arithmetic3A_526 = vector.broadcast %shift_right_arithmetic3A_525 : i32 to vector<16xi32>
          %shift_right_arithmetic3A_527 = arith.shrsi %get3A_524, %shift_right_arithmetic3A_526 : vector<16xi32>
          %shift_left3A_528 = arith.constant 12 : i32
          %shift_left3A_529 = vector.broadcast %shift_left3A_528 : i32 to vector<16xi32>
          %shift_left3A_530 = arith.shli %shift_right_arithmetic3A_527, %shift_left3A_529 : vector<16xi32>
          %and3A_531 = arith.constant 4095 : i32
          %and3A_532 = vector.broadcast %and3A_531 : i32 to vector<16xi32>
          %and3A_533 = arith.andi %get3A_524, %and3A_532 : vector<16xi32>
          %add3A_534 = arith.addi %shift_left3A_530, %and3A_533 : vector<16xi32>
          %swap3A_535 = arith.constant 32 : index
          %swap3A_536 = tpu.vector_load %arg10[%swap3A_535] {strides = array<i32>} : memref<128xi32, #tpu.memory_space<vmem>>, vector<16xi32>,
          tpu.vector_store %arg10[%swap3A_535], %add3A_534 {strides = array<i32>} : memref<128xi32, #tpu.memory_space<vmem>>, vector<16xi32>,
          %get3A_537 = arith.constant 0 : i32
          %get3A_538 = tpu.memref_slice %arg8[%add3A_485, %get3A_537] : memref<21x128xi32, #tpu.memory_space<vmem>> -> memref<1x128xi32, #tpu.memory_space<vmem>>
          %get3A_539 = tpu.memref_squeeze %get3A_538 : memref<1x128xi32, #tpu.memory_space<vmem>> -> memref<128xi32, #tpu.memory_space<vmem>>
          %get3A_540 = arith.constant 48 : index
          %get3A_541 = tpu.vector_load %get3A_539[%get3A_540] {strides = array<i32>} : memref<128xi32, #tpu.memory_space<vmem>>, vector<16xi32>,
          %shift_right_arithmetic3A_542 = arith.constant 13 : i32
          %shift_right_arithmetic3A_543 = vector.broadcast %shift_right_arithmetic3A_542 : i32 to vector<16xi32>
          %shift_right_arithmetic3A_544 = arith.shrsi %get3A_541, %shift_right_arithmetic3A_543 : vector<16xi32>
          %shift_left3A_545 = arith.constant 12 : i32
          %shift_left3A_546 = vector.broadcast %shift_left3A_545 : i32 to vector<16xi32>
          %shift_left3A_547 = arith.shli %shift_right_arithmetic3A_544, %shift_left3A_546 : vector<16xi32>
          %and3A_548 = arith.constant 4095 : i32
          %and3A_549 = vector.broadcast %and3A_548 : i32 to vector<16xi32>
          %and3A_550 = arith.andi %get3A_541, %and3A_549 : vector<16xi32>
          %add3A_551 = arith.addi %shift_left3A_547, %and3A_550 : vector<16xi32>
          %swap3A_552 = arith.constant 48 : index
          %swap3A_553 = tpu.vector_load %arg10[%swap3A_552] {strides = array<i32>} : memref<128xi32, #tpu.memory_space<vmem>>, vector<16xi32>,
          tpu.vector_store %arg10[%swap3A_552], %add3A_551 {strides = array<i32>} : memref<128xi32, #tpu.memory_space<vmem>>, vector<16xi32>,
          %get3A_554 = arith.constant 0 : i32
          %get3A_555 = tpu.memref_slice %arg8[%add3A_485, %get3A_554] : memref<21x128xi32, #tpu.memory_space<vmem>> -> memref<1x128xi32, #tpu.memory_space<vmem>>
          %get3A_556 = tpu.memref_squeeze %get3A_555 : memref<1x128xi32, #tpu.memory_space<vmem>> -> memref<128xi32, #tpu.memory_space<vmem>>
          %get3A_557 = arith.constant 64 : index
          %get3A_558 = tpu.vector_load %get3A_556[%get3A_557] {strides = array<i32>} : memref<128xi32, #tpu.memory_space<vmem>>, vector<16xi32>,
          %shift_right_arithmetic3A_559 = arith.constant 13 : i32
          %shift_right_arithmetic3A_560 = vector.broadcast %shift_right_arithmetic3A_559 : i32 to vector<16xi32>
          %shift_right_arithmetic3A_561 = arith.shrsi %get3A_558, %shift_right_arithmetic3A_560 : vector<16xi32>
          %shift_left3A_562 = arith.constant 12 : i32
          %shift_left3A_563 = vector.broadcast %shift_left3A_562 : i32 to vector<16xi32>
          %shift_left3A_564 = arith.shli %shift_right_arithmetic3A_561, %shift_left3A_563 : vector<16xi32>
          %and3A_565 = arith.constant 4095 : i32
          %and3A_566 = vector.broadcast %and3A_565 : i32 to vector<16xi32>
          %and3A_567 = arith.andi %get3A_558, %and3A_566 : vector<16xi32>
          %add3A_568 = arith.addi %shift_left3A_564, %and3A_567 : vector<16xi32>
          %swap3A_569 = arith.constant 64 : index
          %swap3A_570 = tpu.vector_load %arg10[%swap3A_569] {strides = array<i32>} : memref<128xi32, #tpu.memory_space<vmem>>, vector<16xi32>,
          tpu.vector_store %arg10[%swap3A_569], %add3A_568 {strides = array<i32>} : memref<128xi32, #tpu.memory_space<vmem>>, vector<16xi32>,
          %get3A_571 = arith.constant 0 : i32
          %get3A_572 = tpu.memref_slice %arg8[%add3A_485, %get3A_571] : memref<21x128xi32, #tpu.memory_space<vmem>> -> memref<1x128xi32, #tpu.memory_space<vmem>>
          %get3A_573 = tpu.memref_squeeze %get3A_572 : memref<1x128xi32, #tpu.memory_space<vmem>> -> memref<128xi32, #tpu.memory_space<vmem>>
          %get3A_574 = arith.constant 80 : index
          %get3A_575 = tpu.vector_load %get3A_573[%get3A_574] {strides = array<i32>} : memref<128xi32, #tpu.memory_space<vmem>>, vector<16xi32>,
          %shift_right_arithmetic3A_576 = arith.constant 13 : i32
          %shift_right_arithmetic3A_577 = vector.broadcast %shift_right_arithmetic3A_576 : i32 to vector<16xi32>
          %shift_right_arithmetic3A_578 = arith.shrsi %get3A_575, %shift_right_arithmetic3A_577 : vector<16xi32>
          %shift_left3A_579 = arith.constant 12 : i32
          %shift_left3A_580 = vector.broadcast %shift_left3A_579 : i32 to vector<16xi32>
          %shift_left3A_581 = arith.shli %shift_right_arithmetic3A_578, %shift_left3A_580 : vector<16xi32>
          %and3A_582 = arith.constant 4095 : i32
          %and3A_583 = vector.broadcast %and3A_582 : i32 to vector<16xi32>
          %and3A_584 = arith.andi %get3A_575, %and3A_583 : vector<16xi32>
          %add3A_585 = arith.addi %shift_left3A_581, %and3A_584 : vector<16xi32>
          %swap3A_586 = arith.constant 80 : index
          %swap3A_587 = tpu.vector_load %arg10[%swap3A_586] {strides = array<i32>} : memref<128xi32, #tpu.memory_space<vmem>>, vector<16xi32>,
          tpu.vector_store %arg10[%swap3A_586], %add3A_585 {strides = array<i32>} : memref<128xi32, #tpu.memory_space<vmem>>, vector<16xi32>,
          %get3A_588 = arith.constant 0 : i32
          %get3A_589 = tpu.memref_slice %arg8[%add3A_485, %get3A_588] : memref<21x128xi32, #tpu.memory_space<vmem>> -> memref<1x128xi32, #tpu.memory_space<vmem>>
          %get3A_590 = tpu.memref_squeeze %get3A_589 : memref<1x128xi32, #tpu.memory_space<vmem>> -> memref<128xi32, #tpu.memory_space<vmem>>
          %get3A_591 = arith.constant 96 : index
          %get3A_592 = tpu.vector_load %get3A_590[%get3A_591] {strides = array<i32>} : memref<128xi32, #tpu.memory_space<vmem>>, vector<16xi32>,
          %shift_right_arithmetic3A_593 = arith.constant 13 : i32
          %shift_right_arithmetic3A_594 = vector.broadcast %shift_right_arithmetic3A_593 : i32 to vector<16xi32>
          %shift_right_arithmetic3A_595 = arith.shrsi %get3A_592, %shift_right_arithmetic3A_594 : vector<16xi32>
          %shift_left3A_596 = arith.constant 12 : i32
          %shift_left3A_597 = vector.broadcast %shift_left3A_596 : i32 to vector<16xi32>
          %shift_left3A_598 = arith.shli %shift_right_arithmetic3A_595, %shift_left3A_597 : vector<16xi32>
          %and3A_599 = arith.constant 4095 : i32
          %and3A_600 = vector.broadcast %and3A_599 : i32 to vector<16xi32>
          %and3A_601 = arith.andi %get3A_592, %and3A_600 : vector<16xi32>
          %add3A_602 = arith.addi %shift_left3A_598, %and3A_601 : vector<16xi32>
          %swap3A_603 = arith.constant 96 : index
          %swap3A_604 = tpu.vector_load %arg10[%swap3A_603] {strides = array<i32>} : memref<128xi32, #tpu.memory_space<vmem>>, vector<16xi32>,
          tpu.vector_store %arg10[%swap3A_603], %add3A_602 {strides = array<i32>} : memref<128xi32, #tpu.memory_space<vmem>>, vector<16xi32>,
          %get3A_605 = arith.constant 0 : i32
          %get3A_606 = tpu.memref_slice %arg8[%add3A_485, %get3A_605] : memref<21x128xi32, #tpu.memory_space<vmem>> -> memref<1x128xi32, #tpu.memory_space<vmem>>
          %get3A_607 = tpu.memref_squeeze %get3A_606 : memref<1x128xi32, #tpu.memory_space<vmem>> -> memref<128xi32, #tpu.memory_space<vmem>>
          %get3A_608 = arith.constant 112 : index
          %get3A_609 = tpu.vector_load %get3A_607[%get3A_608] {strides = array<i32>} : memref<128xi32, #tpu.memory_space<vmem>>, vector<16xi32>,
          %shift_right_arithmetic3A_610 = arith.constant 13 : i32
          %shift_right_arithmetic3A_611 = vector.broadcast %shift_right_arithmetic3A_610 : i32 to vector<16xi32>
          %shift_right_arithmetic3A_612 = arith.shrsi %get3A_609, %shift_right_arithmetic3A_611 : vector<16xi32>
          %shift_left3A_613 = arith.constant 12 : i32
          %shift_left3A_614 = vector.broadcast %shift_left3A_613 : i32 to vector<16xi32>
          %shift_left3A_615 = arith.shli %shift_right_arithmetic3A_612, %shift_left3A_614 : vector<16xi32>
          %and3A_616 = arith.constant 4095 : i32
          %and3A_617 = vector.broadcast %and3A_616 : i32 to vector<16xi32>
          %and3A_618 = arith.andi %get3A_609, %and3A_617 : vector<16xi32>
          %add3A_619 = arith.addi %shift_left3A_615, %and3A_618 : vector<16xi32>
          %swap3A_620 = arith.constant 112 : index
          %swap3A_621 = tpu.vector_load %arg10[%swap3A_620] {strides = array<i32>} : memref<128xi32, #tpu.memory_space<vmem>>, vector<16xi32>,
          tpu.vector_store %arg10[%swap3A_620], %add3A_619 {strides = array<i32>} : memref<128xi32, #tpu.memory_space<vmem>>, vector<16xi32>,
          %dma_start3A_622 = arith.constant 0 : i32
          %dma_start3A_623 = arith.constant 0 : i32
          %dma_start3A_624 = tpu.memref_slice %arg5[%dma_start3A_622, %dma_start3A_623] : memref<503808x128xf32, #tpu.memory_space<hbm>> -> memref<503808x128xf32, #tpu.memory_space<hbm>>
          tpu.enqueue_indirect_dma source(%dma_start3A_624 : memref<503808x128xf32, #tpu.memory_space<hbm>>) target(%arg13 : memref<128x128xf32, #tpu.memory_space<vmem>>) offsets(%arg10 : memref<128xi32, #tpu.memory_space<vmem>>) semaphore(%arg18 : memref<!tpu.dma_semaphore, #tpu.memory_space<semaphore_mem>>)
        } else {
        }
        %dma_wait3A_463 = arith.constant 0 : i32
        %dma_wait3A_464 = arith.constant 0 : i32
        %dma_wait3A_465 = tpu.memref_slice %arg5[%dma_wait3A_463, %dma_wait3A_464] : memref<503808x128xf32, #tpu.memory_space<hbm>> -> memref<128x128xf32, #tpu.memory_space<hbm>>
        %dma_wait3A_466 = arith.constant 0 : i32
        %dma_wait3A_467 = arith.constant 0 : i32
        %dma_wait3A_468 = tpu.memref_slice %arg5[%dma_wait3A_466, %dma_wait3A_467] : memref<503808x128xf32, #tpu.memory_space<hbm>> -> memref<128x128xf32, #tpu.memory_space<hbm>>
        tpu.wait_dma2 semaphore(%arg19 : memref<!tpu.dma_semaphore, #tpu.memory_space<semaphore_mem>>) src(%dma_wait3A_468 : memref<128x128xf32, #tpu.memory_space<hbm>>) dst(%arg14 : memref<128x128xf32, #tpu.memory_space<vmem>>)
        %add3A_469 = arith.constant 1 : i32
        %add3A_470 = arith.addi %mul3A_444, %add3A_469 : i32
        %scan3A_471 = arith.constant 0 : i32
        %scan3A_472 = arith.constant 8 : i32
        %scan3A_473 = arith.addi %scan3A_471, %scan3A_472 : i32
        %scan3A_474 = arith.constant 1 : i32
        %scan3A_475 = scf.for %scan3A_484 = %scan3A_471 to %scan3A_473 step %scan3A_474 iter_args(%scan3A_485 = %scan3A_457) -> (vector<16xf32>)  : i32 {
          %mul3A_486 = arith.constant 16 : i32
          %mul3A_487 = arith.muli %scan3A_484, %mul3A_486 : i32
          %get3A_488 = arith.index_cast %mul3A_487 : i32 to index
          %get3A_489 = tpu.vector_load %arg7[%get3A_488] {strides = array<i32>} : memref<128xi32, #tpu.memory_space<vmem>>, vector<16xi32>,
          %shift_right_arithmetic3A_490 = arith.constant 12 : i32
          %shift_right_arithmetic3A_491 = vector.broadcast %shift_right_arithmetic3A_490 : i32 to vector<16xi32>
          %shift_right_arithmetic3A_492 = arith.shrsi %get3A_489, %shift_right_arithmetic3A_491 : vector<16xi32>
          %and3A_493 = arith.constant 1 : i32
          %and3A_494 = vector.broadcast %and3A_493 : i32 to vector<16xi32>
          %and3A_495 = arith.andi %shift_right_arithmetic3A_492, %and3A_494 : vector<16xi32>
          %mul3A_496 = arith.constant 64 : i32
          %mul3A_497 = vector.broadcast %mul3A_496 : i32 to vector<16xi32>
          %mul3A_498 = arith.muli %and3A_495, %mul3A_497 : vector<16xi32>
          %get3A_499 = arith.index_cast %add3A_470 : i32 to index
          %get3A_500 = arith.index_cast %mul3A_487 : i32 to index
          %get3A_501 = tpu.vector_load %arg8[%get3A_499, %get3A_500] {strides = array<i32>} : memref<21x128xi32, #tpu.memory_space<vmem>>, vector<16xi32>,
          %shift_right_arithmetic3A_502 = arith.constant 12 : i32
          %shift_right_arithmetic3A_503 = vector.broadcast %shift_right_arithmetic3A_502 : i32 to vector<16xi32>
          %shift_right_arithmetic3A_504 = arith.shrsi %get3A_501, %shift_right_arithmetic3A_503 : vector<16xi32>
          %and3A_505 = arith.constant 1 : i32
          %and3A_506 = vector.broadcast %and3A_505 : i32 to vector<16xi32>
          %and3A_507 = arith.andi %shift_right_arithmetic3A_504, %and3A_506 : vector<16xi32>
          %mul3A_508 = arith.constant 64 : i32
          %mul3A_509 = vector.broadcast %mul3A_508 : i32 to vector<16xi32>
          %mul3A_510 = arith.muli %and3A_507, %mul3A_509 : vector<16xi32>
          %add3A_511 = arith.constant 0 : i32
          %add3A_512 = arith.addi %mul3A_487, %add3A_511 : i32
          %slice3A = vector.extract_strided_slice %mul3A_498 {offsets = [0], sizes = [1], strides = [1]} : vector<16xi32> to vector<1xi32>
          %squeeze3A = vector.extract %slice3A[0] : i32 from vector<1xi32>
          %slice3A_513 = vector.extract_strided_slice %mul3A_510 {offsets = [0], sizes = [1], strides = [1]} : vector<16xi32> to vector<1xi32>
          %squeeze3A_514 = vector.extract %slice3A_513[0] : i32 from vector<1xi32>
          %add3A_515 = arith.constant 0 : i32
          %add3A_516 = arith.addi %squeeze3A, %add3A_515 : i32
          %get3A_517 = arith.index_cast %add3A_512 : i32 to index
          %get3A_518 = arith.index_cast %add3A_516 : i32 to index
          %get3A_519 = tpu.vector_load %arg12[%get3A_517, %get3A_518] {strides = array<i32>} : memref<128x128xf32, #tpu.memory_space<vmem>>, vector<16xf32>,
          %add3A_520 = arith.constant 0 : i32
          %add3A_521 = arith.addi %squeeze3A_514, %add3A_520 : i32
          %get3A_522 = arith.index_cast %add3A_512 : i32 to index
          %get3A_523 = arith.index_cast %add3A_521 : i32 to index
          %get3A_524 = tpu.vector_load %arg14[%get3A_522, %get3A_523] {strides = array<i32>} : memref<128x128xf32, #tpu.memory_space<vmem>>, vector<16xf32>,
          %mul3A_525 = arith.mulf %get3A_519, %get3A_524 : vector<16xf32>
          %add3A_526 = arith.constant 16 : i32
          %add3A_527 = arith.addi %squeeze3A, %add3A_526 : i32
          %get3A_528 = arith.index_cast %add3A_512 : i32 to index
          %get3A_529 = arith.index_cast %add3A_527 : i32 to index
          %get3A_530 = tpu.vector_load %arg12[%get3A_528, %get3A_529] {strides = array<i32>} : memref<128x128xf32, #tpu.memory_space<vmem>>, vector<16xf32>,
          %add3A_531 = arith.constant 16 : i32
          %add3A_532 = arith.addi %squeeze3A_514, %add3A_531 : i32
          %get3A_533 = arith.index_cast %add3A_512 : i32 to index
          %get3A_534 = arith.index_cast %add3A_532 : i32 to index
          %get3A_535 = tpu.vector_load %arg14[%get3A_533, %get3A_534] {strides = array<i32>} : memref<128x128xf32, #tpu.memory_space<vmem>>, vector<16xf32>,
          %mul3A_536 = arith.mulf %get3A_530, %get3A_535 : vector<16xf32>
          %add3A_537 = arith.constant 32 : i32
          %add3A_538 = arith.addi %squeeze3A, %add3A_537 : i32
          %get3A_539 = arith.index_cast %add3A_512 : i32 to index
          %get3A_540 = arith.index_cast %add3A_538 : i32 to index
          %get3A_541 = tpu.vector_load %arg12[%get3A_539, %get3A_540] {strides = array<i32>} : memref<128x128xf32, #tpu.memory_space<vmem>>, vector<16xf32>,
          %add3A_542 = arith.constant 32 : i32
          %add3A_543 = arith.addi %squeeze3A_514, %add3A_542 : i32
          %get3A_544 = arith.index_cast %add3A_512 : i32 to index
          %get3A_545 = arith.index_cast %add3A_543 : i32 to index
          %get3A_546 = tpu.vector_load %arg14[%get3A_544, %get3A_545] {strides = array<i32>} : memref<128x128xf32, #tpu.memory_space<vmem>>, vector<16xf32>,
          %mul3A_547 = arith.mulf %get3A_541, %get3A_546 : vector<16xf32>
          %add3A_548 = arith.constant 48 : i32
          %add3A_549 = arith.addi %squeeze3A, %add3A_548 : i32
          %get3A_550 = arith.index_cast %add3A_512 : i32 to index
          %get3A_551 = arith.index_cast %add3A_549 : i32 to index
          %get3A_552 = tpu.vector_load %arg12[%get3A_550, %get3A_551] {strides = array<i32>} : memref<128x128xf32, #tpu.memory_space<vmem>>, vector<16xf32>,
          %add3A_553 = arith.constant 48 : i32
          %add3A_554 = arith.addi %squeeze3A_514, %add3A_553 : i32
          %get3A_555 = arith.index_cast %add3A_512 : i32 to index
          %get3A_556 = arith.index_cast %add3A_554 : i32 to index
          %get3A_557 = tpu.vector_load %arg14[%get3A_555, %get3A_556] {strides = array<i32>} : memref<128x128xf32, #tpu.memory_space<vmem>>, vector<16xf32>,
          %mul3A_558 = arith.mulf %get3A_552, %get3A_557 : vector<16xf32>
          %add3A_559 = arith.addf %mul3A_525, %mul3A_536 : vector<16xf32>
          %add3A_560 = arith.addf %mul3A_547, %mul3A_558 : vector<16xf32>
          %add3A_561 = arith.addf %add3A_559, %add3A_560 : vector<16xf32>
          %swap3A_562 = arith.constant 0 : index
          %swap3A_563 = tpu.vector_load %arg15[%swap3A_562] {strides = array<i32>} : memref<272xf32, #tpu.memory_space<vmem>>, vector<16xf32>,
          tpu.vector_store %arg15[%swap3A_562], %add3A_561 {strides = array<i32>} : memref<272xf32, #tpu.memory_space<vmem>>, vector<16xf32>,
          %add3A_564 = arith.constant 1 : i32
          %add3A_565 = arith.addi %mul3A_487, %add3A_564 : i32
          %slice3A_566 = vector.extract_strided_slice %mul3A_498 {offsets = [1], sizes = [1], strides = [1]} : vector<16xi32> to vector<1xi32>
          %squeeze3A_567 = vector.extract %slice3A_566[0] : i32 from vector<1xi32>
          %slice3A_568 = vector.extract_strided_slice %mul3A_510 {offsets = [1], sizes = [1], strides = [1]} : vector<16xi32> to vector<1xi32>
          %squeeze3A_569 = vector.extract %slice3A_568[0] : i32 from vector<1xi32>
          %add3A_570 = arith.constant 0 : i32
          %add3A_571 = arith.addi %squeeze3A_567, %add3A_570 : i32
          %get3A_572 = arith.index_cast %add3A_565 : i32 to index
          %get3A_573 = arith.index_cast %add3A_571 : i32 to index
          %get3A_574 = tpu.vector_load %arg12[%get3A_572, %get3A_573] {strides = array<i32>} : memref<128x128xf32, #tpu.memory_space<vmem>>, vector<16xf32>,
          %add3A_575 = arith.constant 0 : i32
          %add3A_576 = arith.addi %squeeze3A_569, %add3A_575 : i32
          %get3A_577 = arith.index_cast %add3A_565 : i32 to index
          %get3A_578 = arith.index_cast %add3A_576 : i32 to index
          %get3A_579 = tpu.vector_load %arg14[%get3A_577, %get3A_578] {strides = array<i32>} : memref<128x128xf32, #tpu.memory_space<vmem>>, vector<16xf32>,
          %mul3A_580 = arith.mulf %get3A_574, %get3A_579 : vector<16xf32>
          %add3A_581 = arith.constant 16 : i32
          %add3A_582 = arith.addi %squeeze3A_567, %add3A_581 : i32
          %get3A_583 = arith.index_cast %add3A_565 : i32 to index
          %get3A_584 = arith.index_cast %add3A_582 : i32 to index
          %get3A_585 = tpu.vector_load %arg12[%get3A_583, %get3A_584] {strides = array<i32>} : memref<128x128xf32, #tpu.memory_space<vmem>>, vector<16xf32>,
          %add3A_586 = arith.constant 16 : i32
          %add3A_587 = arith.addi %squeeze3A_569, %add3A_586 : i32
          %get3A_588 = arith.index_cast %add3A_565 : i32 to index
          %get3A_589 = arith.index_cast %add3A_587 : i32 to index
          %get3A_590 = tpu.vector_load %arg14[%get3A_588, %get3A_589] {strides = array<i32>} : memref<128x128xf32, #tpu.memory_space<vmem>>, vector<16xf32>,
          %mul3A_591 = arith.mulf %get3A_585, %get3A_590 : vector<16xf32>
          %add3A_592 = arith.constant 32 : i32
          %add3A_593 = arith.addi %squeeze3A_567, %add3A_592 : i32
          %get3A_594 = arith.index_cast %add3A_565 : i32 to index
          %get3A_595 = arith.index_cast %add3A_593 : i32 to index
          %get3A_596 = tpu.vector_load %arg12[%get3A_594, %get3A_595] {strides = array<i32>} : memref<128x128xf32, #tpu.memory_space<vmem>>, vector<16xf32>,
          %add3A_597 = arith.constant 32 : i32
          %add3A_598 = arith.addi %squeeze3A_569, %add3A_597 : i32
          %get3A_599 = arith.index_cast %add3A_565 : i32 to index
          %get3A_600 = arith.index_cast %add3A_598 : i32 to index
          %get3A_601 = tpu.vector_load %arg14[%get3A_599, %get3A_600] {strides = array<i32>} : memref<128x128xf32, #tpu.memory_space<vmem>>, vector<16xf32>,
          %mul3A_602 = arith.mulf %get3A_596, %get3A_601 : vector<16xf32>
          %add3A_603 = arith.constant 48 : i32
          %add3A_604 = arith.addi %squeeze3A_567, %add3A_603 : i32
          %get3A_605 = arith.index_cast %add3A_565 : i32 to index
          %get3A_606 = arith.index_cast %add3A_604 : i32 to index
          %get3A_607 = tpu.vector_load %arg12[%get3A_605, %get3A_606] {strides = array<i32>} : memref<128x128xf32, #tpu.memory_space<vmem>>, vector<16xf32>,
          %add3A_608 = arith.constant 48 : i32
          %add3A_609 = arith.addi %squeeze3A_569, %add3A_608 : i32
          %get3A_610 = arith.index_cast %add3A_565 : i32 to index
          %get3A_611 = arith.index_cast %add3A_609 : i32 to index
          %get3A_612 = tpu.vector_load %arg14[%get3A_610, %get3A_611] {strides = array<i32>} : memref<128x128xf32, #tpu.memory_space<vmem>>, vector<16xf32>,
          %mul3A_613 = arith.mulf %get3A_607, %get3A_612 : vector<16xf32>
          %add3A_614 = arith.addf %mul3A_580, %mul3A_591 : vector<16xf32>
          %add3A_615 = arith.addf %mul3A_602, %mul3A_613 : vector<16xf32>
          %add3A_616 = arith.addf %add3A_614, %add3A_615 : vector<16xf32>
          %swap3A_617 = arith.constant 17 : index
          %swap3A_618 = tpu.vector_load %arg15[%swap3A_617] {strides = array<i32>} : memref<272xf32, #tpu.memory_space<vmem>>, vector<16xf32>,
          tpu.vector_store %arg15[%swap3A_617], %add3A_616 {strides = array<i32>} : memref<272xf32, #tpu.memory_space<vmem>>, vector<16xf32>,
          %add3A_619 = arith.constant 2 : i32
          %add3A_620 = arith.addi %mul3A_487, %add3A_619 : i32
          %slice3A_621 = vector.extract_strided_slice %mul3A_498 {offsets = [2], sizes = [1], strides = [1]} : vector<16xi32> to vector<1xi32>
          %squeeze3A_622 = vector.extract %slice3A_621[0] : i32 from vector<1xi32>
          %slice3A_623 = vector.extract_strided_slice %mul3A_510 {offsets = [2], sizes = [1], strides = [1]} : vector<16xi32> to vector<1xi32>
          %squeeze3A_624 = vector.extract %slice3A_623[0] : i32 from vector<1xi32>
          %add3A_625 = arith.constant 0 : i32
          %add3A_626 = arith.addi %squeeze3A_622, %add3A_625 : i32
          %get3A_627 = arith.index_cast %add3A_620 : i32 to index
          %get3A_628 = arith.index_cast %add3A_626 : i32 to index
          %get3A_629 = tpu.vector_load %arg12[%get3A_627, %get3A_628] {strides = array<i32>} : memref<128x128xf32, #tpu.memory_space<vmem>>, vector<16xf32>,
          %add3A_630 = arith.constant 0 : i32
          %add3A_631 = arith.addi %squeeze3A_624, %add3A_630 : i32
          %get3A_632 = arith.index_cast %add3A_620 : i32 to index
          %get3A_633 = arith.index_cast %add3A_631 : i32 to index
          %get3A_634 = tpu.vector_load %arg14[%get3A_632, %get3A_633] {strides = array<i32>} : memref<128x128xf32, #tpu.memory_space<vmem>>, vector<16xf32>,
          %mul3A_635 = arith.mulf %get3A_629, %get3A_634 : vector<16xf32>
          %add3A_636 = arith.constant 16 : i32
          %add3A_637 = arith.addi %squeeze3A_622, %add3A_636 : i32
          %get3A_638 = arith.index_cast %add3A_620 : i32 to index
          %get3A_639 = arith.index_cast %add3A_637 : i32 to index
          %get3A_640 = tpu.vector_load %arg12[%get3A_638, %get3A_639] {strides = array<i32>} : memref<128x128xf32, #tpu.memory_space<vmem>>, vector<16xf32>,
          %add3A_641 = arith.constant 16 : i32
          %add3A_642 = arith.addi %squeeze3A_624, %add3A_641 : i32
          %get3A_643 = arith.index_cast %add3A_620 : i32 to index
          %get3A_644 = arith.index_cast %add3A_642 : i32 to index
          %get3A_645 = tpu.vector_load %arg14[%get3A_643, %get3A_644] {strides = array<i32>} : memref<128x128xf32, #tpu.memory_space<vmem>>, vector<16xf32>,
          %mul3A_646 = arith.mulf %get3A_640, %get3A_645 : vector<16xf32>
          %add3A_647 = arith.constant 32 : i32
          %add3A_648 = arith.addi %squeeze3A_622, %add3A_647 : i32
          %get3A_649 = arith.index_cast %add3A_620 : i32 to index
          %get3A_650 = arith.index_cast %add3A_648 : i32 to index
          %get3A_651 = tpu.vector_load %arg12[%get3A_649, %get3A_650] {strides = array<i32>} : memref<128x128xf32, #tpu.memory_space<vmem>>, vector<16xf32>,
          %add3A_652 = arith.constant 32 : i32
          %add3A_653 = arith.addi %squeeze3A_624, %add3A_652 : i32
          %get3A_654 = arith.index_cast %add3A_620 : i32 to index
          %get3A_655 = arith.index_cast %add3A_653 : i32 to index
          %get3A_656 = tpu.vector_load %arg14[%get3A_654, %get3A_655] {strides = array<i32>} : memref<128x128xf32, #tpu.memory_space<vmem>>, vector<16xf32>,
          %mul3A_657 = arith.mulf %get3A_651, %get3A_656 : vector<16xf32>
          %add3A_658 = arith.constant 48 : i32
          %add3A_659 = arith.addi %squeeze3A_622, %add3A_658 : i32
          %get3A_660 = arith.index_cast %add3A_620 : i32 to index
          %get3A_661 = arith.index_cast %add3A_659 : i32 to index
          %get3A_662 = tpu.vector_load %arg12[%get3A_660, %get3A_661] {strides = array<i32>} : memref<128x128xf32, #tpu.memory_space<vmem>>, vector<16xf32>,
          %add3A_663 = arith.constant 48 : i32
          %add3A_664 = arith.addi %squeeze3A_624, %add3A_663 : i32
          %get3A_665 = arith.index_cast %add3A_620 : i32 to index
          %get3A_666 = arith.index_cast %add3A_664 : i32 to index
          %get3A_667 = tpu.vector_load %arg14[%get3A_665, %get3A_666] {strides = array<i32>} : memref<128x128xf32, #tpu.memory_space<vmem>>, vector<16xf32>,
          %mul3A_668 = arith.mulf %get3A_662, %get3A_667 : vector<16xf32>
          %add3A_669 = arith.addf %mul3A_635, %mul3A_646 : vector<16xf32>
          %add3A_670 = arith.addf %mul3A_657, %mul3A_668 : vector<16xf32>
          %add3A_671 = arith.addf %add3A_669, %add3A_670 : vector<16xf32>
          %swap3A_672 = arith.constant 34 : index
          %swap3A_673 = tpu.vector_load %arg15[%swap3A_672] {strides = array<i32>} : memref<272xf32, #tpu.memory_space<vmem>>, vector<16xf32>,
          tpu.vector_store %arg15[%swap3A_672], %add3A_671 {strides = array<i32>} : memref<272xf32, #tpu.memory_space<vmem>>, vector<16xf32>,
          %add3A_674 = arith.constant 3 : i32
          %add3A_675 = arith.addi %mul3A_487, %add3A_674 : i32
          %slice3A_676 = vector.extract_strided_slice %mul3A_498 {offsets = [3], sizes = [1], strides = [1]} : vector<16xi32> to vector<1xi32>
          %squeeze3A_677 = vector.extract %slice3A_676[0] : i32 from vector<1xi32>
          %slice3A_678 = vector.extract_strided_slice %mul3A_510 {offsets = [3], sizes = [1], strides = [1]} : vector<16xi32> to vector<1xi32>
          %squeeze3A_679 = vector.extract %slice3A_678[0] : i32 from vector<1xi32>
          %add3A_680 = arith.constant 0 : i32
          %add3A_681 = arith.addi %squeeze3A_677, %add3A_680 : i32
          %get3A_682 = arith.index_cast %add3A_675 : i32 to index
          %get3A_683 = arith.index_cast %add3A_681 : i32 to index
          %get3A_684 = tpu.vector_load %arg12[%get3A_682, %get3A_683] {strides = array<i32>} : memref<128x128xf32, #tpu.memory_space<vmem>>, vector<16xf32>,
          %add3A_685 = arith.constant 0 : i32
          %add3A_686 = arith.addi %squeeze3A_679, %add3A_685 : i32
          %get3A_687 = arith.index_cast %add3A_675 : i32 to index
          %get3A_688 = arith.index_cast %add3A_686 : i32 to index
          %get3A_689 = tpu.vector_load %arg14[%get3A_687, %get3A_688] {strides = array<i32>} : memref<128x128xf32, #tpu.memory_space<vmem>>, vector<16xf32>,
          %mul3A_690 = arith.mulf %get3A_684, %get3A_689 : vector<16xf32>
          %add3A_691 = arith.constant 16 : i32
          %add3A_692 = arith.addi %squeeze3A_677, %add3A_691 : i32
          %get3A_693 = arith.index_cast %add3A_675 : i32 to index
          %get3A_694 = arith.index_cast %add3A_692 : i32 to index
          %get3A_695 = tpu.vector_load %arg12[%get3A_693, %get3A_694] {strides = array<i32>} : memref<128x128xf32, #tpu.memory_space<vmem>>, vector<16xf32>,
          %add3A_696 = arith.constant 16 : i32
          %add3A_697 = arith.addi %squeeze3A_679, %add3A_696 : i32
          %get3A_698 = arith.index_cast %add3A_675 : i32 to index
          %get3A_699 = arith.index_cast %add3A_697 : i32 to index
          %get3A_700 = tpu.vector_load %arg14[%get3A_698, %get3A_699] {strides = array<i32>} : memref<128x128xf32, #tpu.memory_space<vmem>>, vector<16xf32>,
          %mul3A_701 = arith.mulf %get3A_695, %get3A_700 : vector<16xf32>
          %add3A_702 = arith.constant 32 : i32
          %add3A_703 = arith.addi %squeeze3A_677, %add3A_702 : i32
          %get3A_704 = arith.index_cast %add3A_675 : i32 to index
          %get3A_705 = arith.index_cast %add3A_703 : i32 to index
          %get3A_706 = tpu.vector_load %arg12[%get3A_704, %get3A_705] {strides = array<i32>} : memref<128x128xf32, #tpu.memory_space<vmem>>, vector<16xf32>,
          %add3A_707 = arith.constant 32 : i32
          %add3A_708 = arith.addi %squeeze3A_679, %add3A_707 : i32
          %get3A_709 = arith.index_cast %add3A_675 : i32 to index
          %get3A_710 = arith.index_cast %add3A_708 : i32 to index
          %get3A_711 = tpu.vector_load %arg14[%get3A_709, %get3A_710] {strides = array<i32>} : memref<128x128xf32, #tpu.memory_space<vmem>>, vector<16xf32>,
          %mul3A_712 = arith.mulf %get3A_706, %get3A_711 : vector<16xf32>
          %add3A_713 = arith.constant 48 : i32
          %add3A_714 = arith.addi %squeeze3A_677, %add3A_713 : i32
          %get3A_715 = arith.index_cast %add3A_675 : i32 to index
          %get3A_716 = arith.index_cast %add3A_714 : i32 to index
          %get3A_717 = tpu.vector_load %arg12[%get3A_715, %get3A_716] {strides = array<i32>} : memref<128x128xf32, #tpu.memory_space<vmem>>, vector<16xf32>,
          %add3A_718 = arith.constant 48 : i32
          %add3A_719 = arith.addi %squeeze3A_679, %add3A_718 : i32
          %get3A_720 = arith.index_cast %add3A_675 : i32 to index
          %get3A_721 = arith.index_cast %add3A_719 : i32 to index
          %get3A_722 = tpu.vector_load %arg14[%get3A_720, %get3A_721] {strides = array<i32>} : memref<128x128xf32, #tpu.memory_space<vmem>>, vector<16xf32>,
          %mul3A_723 = arith.mulf %get3A_717, %get3A_722 : vector<16xf32>
          %add3A_724 = arith.addf %mul3A_690, %mul3A_701 : vector<16xf32>
          %add3A_725 = arith.addf %mul3A_712, %mul3A_723 : vector<16xf32>
          %add3A_726 = arith.addf %add3A_724, %add3A_725 : vector<16xf32>
          %swap3A_727 = arith.constant 51 : index
          %swap3A_728 = tpu.vector_load %arg15[%swap3A_727] {strides = array<i32>} : memref<272xf32, #tpu.memory_space<vmem>>, vector<16xf32>,
          tpu.vector_store %arg15[%swap3A_727], %add3A_726 {strides = array<i32>} : memref<272xf32, #tpu.memory_space<vmem>>, vector<16xf32>,
          %add3A_729 = arith.constant 4 : i32
          %add3A_730 = arith.addi %mul3A_487, %add3A_729 : i32
          %slice3A_731 = vector.extract_strided_slice %mul3A_498 {offsets = [4], sizes = [1], strides = [1]} : vector<16xi32> to vector<1xi32>
          %squeeze3A_732 = vector.extract %slice3A_731[0] : i32 from vector<1xi32>
          %slice3A_733 = vector.extract_strided_slice %mul3A_510 {offsets = [4], sizes = [1], strides = [1]} : vector<16xi32> to vector<1xi32>
          %squeeze3A_734 = vector.extract %slice3A_733[0] : i32 from vector<1xi32>
          %add3A_735 = arith.constant 0 : i32
          %add3A_736 = arith.addi %squeeze3A_732, %add3A_735 : i32
          %get3A_737 = arith.index_cast %add3A_730 : i32 to index
          %get3A_738 = arith.index_cast %add3A_736 : i32 to index
          %get3A_739 = tpu.vector_load %arg12[%get3A_737, %get3A_738] {strides = array<i32>} : memref<128x128xf32, #tpu.memory_space<vmem>>, vector<16xf32>,
          %add3A_740 = arith.constant 0 : i32
          %add3A_741 = arith.addi %squeeze3A_734, %add3A_740 : i32
          %get3A_742 = arith.index_cast %add3A_730 : i32 to index
          %get3A_743 = arith.index_cast %add3A_741 : i32 to index
          %get3A_744 = tpu.vector_load %arg14[%get3A_742, %get3A_743] {strides = array<i32>} : memref<128x128xf32, #tpu.memory_space<vmem>>, vector<16xf32>,
          %mul3A_745 = arith.mulf %get3A_739, %get3A_744 : vector<16xf32>
          %add3A_746 = arith.constant 16 : i32
          %add3A_747 = arith.addi %squeeze3A_732, %add3A_746 : i32
          %get3A_748 = arith.index_cast %add3A_730 : i32 to index
          %get3A_749 = arith.index_cast %add3A_747 : i32 to index
          %get3A_750 = tpu.vector_load %arg12[%get3A_748, %get3A_749] {strides = array<i32>} : memref<128x128xf32, #tpu.memory_space<vmem>>, vector<16xf32>,
          %add3A_751 = arith.constant 16 : i32
          %add3A_752 = arith.addi %squeeze3A_734, %add3A_751 : i32
          %get3A_753 = arith.index_cast %add3A_730 : i32 to index
          %get3A_754 = arith.index_cast %add3A_752 : i32 to index
          %get3A_755 = tpu.vector_load %arg14[%get3A_753, %get3A_754] {strides = array<i32>} : memref<128x128xf32, #tpu.memory_space<vmem>>, vector<16xf32>,
          %mul3A_756 = arith.mulf %get3A_750, %get3A_755 : vector<16xf32>
          %add3A_757 = arith.constant 32 : i32
          %add3A_758 = arith.addi %squeeze3A_732, %add3A_757 : i32
          %get3A_759 = arith.index_cast %add3A_730 : i32 to index
          %get3A_760 = arith.index_cast %add3A_758 : i32 to index
          %get3A_761 = tpu.vector_load %arg12[%get3A_759, %get3A_760] {strides = array<i32>} : memref<128x128xf32, #tpu.memory_space<vmem>>, vector<16xf32>,
          %add3A_762 = arith.constant 32 : i32
          %add3A_763 = arith.addi %squeeze3A_734, %add3A_762 : i32
          %get3A_764 = arith.index_cast %add3A_730 : i32 to index
          %get3A_765 = arith.index_cast %add3A_763 : i32 to index
          %get3A_766 = tpu.vector_load %arg14[%get3A_764, %get3A_765] {strides = array<i32>} : memref<128x128xf32, #tpu.memory_space<vmem>>, vector<16xf32>,
          %mul3A_767 = arith.mulf %get3A_761, %get3A_766 : vector<16xf32>
          %add3A_768 = arith.constant 48 : i32
          %add3A_769 = arith.addi %squeeze3A_732, %add3A_768 : i32
          %get3A_770 = arith.index_cast %add3A_730 : i32 to index
          %get3A_771 = arith.index_cast %add3A_769 : i32 to index
          %get3A_772 = tpu.vector_load %arg12[%get3A_770, %get3A_771] {strides = array<i32>} : memref<128x128xf32, #tpu.memory_space<vmem>>, vector<16xf32>,
          %add3A_773 = arith.constant 48 : i32
          %add3A_774 = arith.addi %squeeze3A_734, %add3A_773 : i32
          %get3A_775 = arith.index_cast %add3A_730 : i32 to index
          %get3A_776 = arith.index_cast %add3A_774 : i32 to index
          %get3A_777 = tpu.vector_load %arg14[%get3A_775, %get3A_776] {strides = array<i32>} : memref<128x128xf32, #tpu.memory_space<vmem>>, vector<16xf32>,
          %mul3A_778 = arith.mulf %get3A_772, %get3A_777 : vector<16xf32>
          %add3A_779 = arith.addf %mul3A_745, %mul3A_756 : vector<16xf32>
          %add3A_780 = arith.addf %mul3A_767, %mul3A_778 : vector<16xf32>
          %add3A_781 = arith.addf %add3A_779, %add3A_780 : vector<16xf32>
          %swap3A_782 = arith.constant 68 : index
          %swap3A_783 = tpu.vector_load %arg15[%swap3A_782] {strides = array<i32>} : memref<272xf32, #tpu.memory_space<vmem>>, vector<16xf32>,
          tpu.vector_store %arg15[%swap3A_782], %add3A_781 {strides = array<i32>} : memref<272xf32, #tpu.memory_space<vmem>>, vector<16xf32>,
          %add3A_784 = arith.constant 5 : i32
          %add3A_785 = arith.addi %mul3A_487, %add3A_784 : i32
          %slice3A_786 = vector.extract_strided_slice %mul3A_498 {offsets = [5], sizes = [1], strides = [1]} : vector<16xi32> to vector<1xi32>
          %squeeze3A_787 = vector.extract %slice3A_786[0] : i32 from vector<1xi32>
          %slice3A_788 = vector.extract_strided_slice %mul3A_510 {offsets = [5], sizes = [1], strides = [1]} : vector<16xi32> to vector<1xi32>
          %squeeze3A_789 = vector.extract %slice3A_788[0] : i32 from vector<1xi32>
          %add3A_790 = arith.constant 0 : i32
          %add3A_791 = arith.addi %squeeze3A_787, %add3A_790 : i32
          %get3A_792 = arith.index_cast %add3A_785 : i32 to index
          %get3A_793 = arith.index_cast %add3A_791 : i32 to index
          %get3A_794 = tpu.vector_load %arg12[%get3A_792, %get3A_793] {strides = array<i32>} : memref<128x128xf32, #tpu.memory_space<vmem>>, vector<16xf32>,
          %add3A_795 = arith.constant 0 : i32
          %add3A_796 = arith.addi %squeeze3A_789, %add3A_795 : i32
          %get3A_797 = arith.index_cast %add3A_785 : i32 to index
          %get3A_798 = arith.index_cast %add3A_796 : i32 to index
          %get3A_799 = tpu.vector_load %arg14[%get3A_797, %get3A_798] {strides = array<i32>} : memref<128x128xf32, #tpu.memory_space<vmem>>, vector<16xf32>,
          %mul3A_800 = arith.mulf %get3A_794, %get3A_799 : vector<16xf32>
          %add3A_801 = arith.constant 16 : i32
          %add3A_802 = arith.addi %squeeze3A_787, %add3A_801 : i32
          %get3A_803 = arith.index_cast %add3A_785 : i32 to index
          %get3A_804 = arith.index_cast %add3A_802 : i32 to index
          %get3A_805 = tpu.vector_load %arg12[%get3A_803, %get3A_804] {strides = array<i32>} : memref<128x128xf32, #tpu.memory_space<vmem>>, vector<16xf32>,
          %add3A_806 = arith.constant 16 : i32
          %add3A_807 = arith.addi %squeeze3A_789, %add3A_806 : i32
          %get3A_808 = arith.index_cast %add3A_785 : i32 to index
          %get3A_809 = arith.index_cast %add3A_807 : i32 to index
          %get3A_810 = tpu.vector_load %arg14[%get3A_808, %get3A_809] {strides = array<i32>} : memref<128x128xf32, #tpu.memory_space<vmem>>, vector<16xf32>,
          %mul3A_811 = arith.mulf %get3A_805, %get3A_810 : vector<16xf32>
          %add3A_812 = arith.constant 32 : i32
          %add3A_813 = arith.addi %squeeze3A_787, %add3A_812 : i32
          %get3A_814 = arith.index_cast %add3A_785 : i32 to index
          %get3A_815 = arith.index_cast %add3A_813 : i32 to index
          %get3A_816 = tpu.vector_load %arg12[%get3A_814, %get3A_815] {strides = array<i32>} : memref<128x128xf32, #tpu.memory_space<vmem>>, vector<16xf32>,
          %add3A_817 = arith.constant 32 : i32
          %add3A_818 = arith.addi %squeeze3A_789, %add3A_817 : i32
          %get3A_819 = arith.index_cast %add3A_785 : i32 to index
          %get3A_820 = arith.index_cast %add3A_818 : i32 to index
          %get3A_821 = tpu.vector_load %arg14[%get3A_819, %get3A_820] {strides = array<i32>} : memref<128x128xf32, #tpu.memory_space<vmem>>, vector<16xf32>,
          %mul3A_822 = arith.mulf %get3A_816, %get3A_821 : vector<16xf32>
          %add3A_823 = arith.constant 48 : i32
          %add3A_824 = arith.addi %squeeze3A_787, %add3A_823 : i32
          %get3A_825 = arith.index_cast %add3A_785 : i32 to index
          %get3A_826 = arith.index_cast %add3A_824 : i32 to index
          %get3A_827 = tpu.vector_load %arg12[%get3A_825, %get3A_826] {strides = array<i32>} : memref<128x128xf32, #tpu.memory_space<vmem>>, vector<16xf32>,
          %add3A_828 = arith.constant 48 : i32
          %add3A_829 = arith.addi %squeeze3A_789, %add3A_828 : i32
          %get3A_830 = arith.index_cast %add3A_785 : i32 to index
          %get3A_831 = arith.index_cast %add3A_829 : i32 to index
          %get3A_832 = tpu.vector_load %arg14[%get3A_830, %get3A_831] {strides = array<i32>} : memref<128x128xf32, #tpu.memory_space<vmem>>, vector<16xf32>,
          %mul3A_833 = arith.mulf %get3A_827, %get3A_832 : vector<16xf32>
          %add3A_834 = arith.addf %mul3A_800, %mul3A_811 : vector<16xf32>
          %add3A_835 = arith.addf %mul3A_822, %mul3A_833 : vector<16xf32>
          %add3A_836 = arith.addf %add3A_834, %add3A_835 : vector<16xf32>
          %swap3A_837 = arith.constant 85 : index
          %swap3A_838 = tpu.vector_load %arg15[%swap3A_837] {strides = array<i32>} : memref<272xf32, #tpu.memory_space<vmem>>, vector<16xf32>,
          tpu.vector_store %arg15[%swap3A_837], %add3A_836 {strides = array<i32>} : memref<272xf32, #tpu.memory_space<vmem>>, vector<16xf32>,
          %add3A_839 = arith.constant 6 : i32
          %add3A_840 = arith.addi %mul3A_487, %add3A_839 : i32
          %slice3A_841 = vector.extract_strided_slice %mul3A_498 {offsets = [6], sizes = [1], strides = [1]} : vector<16xi32> to vector<1xi32>
          %squeeze3A_842 = vector.extract %slice3A_841[0] : i32 from vector<1xi32>
          %slice3A_843 = vector.extract_strided_slice %mul3A_510 {offsets = [6], sizes = [1], strides = [1]} : vector<16xi32> to vector<1xi32>
          %squeeze3A_844 = vector.extract %slice3A_843[0] : i32 from vector<1xi32>
          %add3A_845 = arith.constant 0 : i32
          %add3A_846 = arith.addi %squeeze3A_842, %add3A_845 : i32
          %get3A_847 = arith.index_cast %add3A_840 : i32 to index
          %get3A_848 = arith.index_cast %add3A_846 : i32 to index
          %get3A_849 = tpu.vector_load %arg12[%get3A_847, %get3A_848] {strides = array<i32>} : memref<128x128xf32, #tpu.memory_space<vmem>>, vector<16xf32>,
          %add3A_850 = arith.constant 0 : i32
          %add3A_851 = arith.addi %squeeze3A_844, %add3A_850 : i32
          %get3A_852 = arith.index_cast %add3A_840 : i32 to index
          %get3A_853 = arith.index_cast %add3A_851 : i32 to index
          %get3A_854 = tpu.vector_load %arg14[%get3A_852, %get3A_853] {strides = array<i32>} : memref<128x128xf32, #tpu.memory_space<vmem>>, vector<16xf32>,
          %mul3A_855 = arith.mulf %get3A_849, %get3A_854 : vector<16xf32>
          %add3A_856 = arith.constant 16 : i32
          %add3A_857 = arith.addi %squeeze3A_842, %add3A_856 : i32
          %get3A_858 = arith.index_cast %add3A_840 : i32 to index
          %get3A_859 = arith.index_cast %add3A_857 : i32 to index
          %get3A_860 = tpu.vector_load %arg12[%get3A_858, %get3A_859] {strides = array<i32>} : memref<128x128xf32, #tpu.memory_space<vmem>>, vector<16xf32>,
          %add3A_861 = arith.constant 16 : i32
          %add3A_862 = arith.addi %squeeze3A_844, %add3A_861 : i32
          %get3A_863 = arith.index_cast %add3A_840 : i32 to index
          %get3A_864 = arith.index_cast %add3A_862 : i32 to index
          %get3A_865 = tpu.vector_load %arg14[%get3A_863, %get3A_864] {strides = array<i32>} : memref<128x128xf32, #tpu.memory_space<vmem>>, vector<16xf32>,
          %mul3A_866 = arith.mulf %get3A_860, %get3A_865 : vector<16xf32>
          %add3A_867 = arith.constant 32 : i32
          %add3A_868 = arith.addi %squeeze3A_842, %add3A_867 : i32
          %get3A_869 = arith.index_cast %add3A_840 : i32 to index
          %get3A_870 = arith.index_cast %add3A_868 : i32 to index
          %get3A_871 = tpu.vector_load %arg12[%get3A_869, %get3A_870] {strides = array<i32>} : memref<128x128xf32, #tpu.memory_space<vmem>>, vector<16xf32>,
          %add3A_872 = arith.constant 32 : i32
          %add3A_873 = arith.addi %squeeze3A_844, %add3A_872 : i32
          %get3A_874 = arith.index_cast %add3A_840 : i32 to index
          %get3A_875 = arith.index_cast %add3A_873 : i32 to index
          %get3A_876 = tpu.vector_load %arg14[%get3A_874, %get3A_875] {strides = array<i32>} : memref<128x128xf32, #tpu.memory_space<vmem>>, vector<16xf32>,
          %mul3A_877 = arith.mulf %get3A_871, %get3A_876 : vector<16xf32>
          %add3A_878 = arith.constant 48 : i32
          %add3A_879 = arith.addi %squeeze3A_842, %add3A_878 : i32
          %get3A_880 = arith.index_cast %add3A_840 : i32 to index
          %get3A_881 = arith.index_cast %add3A_879 : i32 to index
          %get3A_882 = tpu.vector_load %arg12[%get3A_880, %get3A_881] {strides = array<i32>} : memref<128x128xf32, #tpu.memory_space<vmem>>, vector<16xf32>,
          %add3A_883 = arith.constant 48 : i32
          %add3A_884 = arith.addi %squeeze3A_844, %add3A_883 : i32
          %get3A_885 = arith.index_cast %add3A_840 : i32 to index
          %get3A_886 = arith.index_cast %add3A_884 : i32 to index
          %get3A_887 = tpu.vector_load %arg14[%get3A_885, %get3A_886] {strides = array<i32>} : memref<128x128xf32, #tpu.memory_space<vmem>>, vector<16xf32>,
          %mul3A_888 = arith.mulf %get3A_882, %get3A_887 : vector<16xf32>
          %add3A_889 = arith.addf %mul3A_855, %mul3A_866 : vector<16xf32>
          %add3A_890 = arith.addf %mul3A_877, %mul3A_888 : vector<16xf32>
          %add3A_891 = arith.addf %add3A_889, %add3A_890 : vector<16xf32>
          %swap3A_892 = arith.constant 102 : index
          %swap3A_893 = tpu.vector_load %arg15[%swap3A_892] {strides = array<i32>} : memref<272xf32, #tpu.memory_space<vmem>>, vector<16xf32>,
          tpu.vector_store %arg15[%swap3A_892], %add3A_891 {strides = array<i32>} : memref<272xf32, #tpu.memory_space<vmem>>, vector<16xf32>,
          %add3A_894 = arith.constant 7 : i32
          %add3A_895 = arith.addi %mul3A_487, %add3A_894 : i32
          %slice3A_896 = vector.extract_strided_slice %mul3A_498 {offsets = [7], sizes = [1], strides = [1]} : vector<16xi32> to vector<1xi32>
          %squeeze3A_897 = vector.extract %slice3A_896[0] : i32 from vector<1xi32>
          %slice3A_898 = vector.extract_strided_slice %mul3A_510 {offsets = [7], sizes = [1], strides = [1]} : vector<16xi32> to vector<1xi32>
          %squeeze3A_899 = vector.extract %slice3A_898[0] : i32 from vector<1xi32>
          %add3A_900 = arith.constant 0 : i32
          %add3A_901 = arith.addi %squeeze3A_897, %add3A_900 : i32
          %get3A_902 = arith.index_cast %add3A_895 : i32 to index
          %get3A_903 = arith.index_cast %add3A_901 : i32 to index
          %get3A_904 = tpu.vector_load %arg12[%get3A_902, %get3A_903] {strides = array<i32>} : memref<128x128xf32, #tpu.memory_space<vmem>>, vector<16xf32>,
          %add3A_905 = arith.constant 0 : i32
          %add3A_906 = arith.addi %squeeze3A_899, %add3A_905 : i32
          %get3A_907 = arith.index_cast %add3A_895 : i32 to index
          %get3A_908 = arith.index_cast %add3A_906 : i32 to index
          %get3A_909 = tpu.vector_load %arg14[%get3A_907, %get3A_908] {strides = array<i32>} : memref<128x128xf32, #tpu.memory_space<vmem>>, vector<16xf32>,
          %mul3A_910 = arith.mulf %get3A_904, %get3A_909 : vector<16xf32>
          %add3A_911 = arith.constant 16 : i32
          %add3A_912 = arith.addi %squeeze3A_897, %add3A_911 : i32
          %get3A_913 = arith.index_cast %add3A_895 : i32 to index
          %get3A_914 = arith.index_cast %add3A_912 : i32 to index
          %get3A_915 = tpu.vector_load %arg12[%get3A_913, %get3A_914] {strides = array<i32>} : memref<128x128xf32, #tpu.memory_space<vmem>>, vector<16xf32>,
          %add3A_916 = arith.constant 16 : i32
          %add3A_917 = arith.addi %squeeze3A_899, %add3A_916 : i32
          %get3A_918 = arith.index_cast %add3A_895 : i32 to index
          %get3A_919 = arith.index_cast %add3A_917 : i32 to index
          %get3A_920 = tpu.vector_load %arg14[%get3A_918, %get3A_919] {strides = array<i32>} : memref<128x128xf32, #tpu.memory_space<vmem>>, vector<16xf32>,
          %mul3A_921 = arith.mulf %get3A_915, %get3A_920 : vector<16xf32>
          %add3A_922 = arith.constant 32 : i32
          %add3A_923 = arith.addi %squeeze3A_897, %add3A_922 : i32
          %get3A_924 = arith.index_cast %add3A_895 : i32 to index
          %get3A_925 = arith.index_cast %add3A_923 : i32 to index
          %get3A_926 = tpu.vector_load %arg12[%get3A_924, %get3A_925] {strides = array<i32>} : memref<128x128xf32, #tpu.memory_space<vmem>>, vector<16xf32>,
          %add3A_927 = arith.constant 32 : i32
          %add3A_928 = arith.addi %squeeze3A_899, %add3A_927 : i32
          %get3A_929 = arith.index_cast %add3A_895 : i32 to index
          %get3A_930 = arith.index_cast %add3A_928 : i32 to index
          %get3A_931 = tpu.vector_load %arg14[%get3A_929, %get3A_930] {strides = array<i32>} : memref<128x128xf32, #tpu.memory_space<vmem>>, vector<16xf32>,
          %mul3A_932 = arith.mulf %get3A_926, %get3A_931 : vector<16xf32>
          %add3A_933 = arith.constant 48 : i32
          %add3A_934 = arith.addi %squeeze3A_897, %add3A_933 : i32
          %get3A_935 = arith.index_cast %add3A_895 : i32 to index
          %get3A_936 = arith.index_cast %add3A_934 : i32 to index
          %get3A_937 = tpu.vector_load %arg12[%get3A_935, %get3A_936] {strides = array<i32>} : memref<128x128xf32, #tpu.memory_space<vmem>>, vector<16xf32>,
          %add3A_938 = arith.constant 48 : i32
          %add3A_939 = arith.addi %squeeze3A_899, %add3A_938 : i32
          %get3A_940 = arith.index_cast %add3A_895 : i32 to index
          %get3A_941 = arith.index_cast %add3A_939 : i32 to index
          %get3A_942 = tpu.vector_load %arg14[%get3A_940, %get3A_941] {strides = array<i32>} : memref<128x128xf32, #tpu.memory_space<vmem>>, vector<16xf32>,
          %mul3A_943 = arith.mulf %get3A_937, %get3A_942 : vector<16xf32>
          %add3A_944 = arith.addf %mul3A_910, %mul3A_921 : vector<16xf32>
          %add3A_945 = arith.addf %mul3A_932, %mul3A_943 : vector<16xf32>
          %add3A_946 = arith.addf %add3A_944, %add3A_945 : vector<16xf32>
          %swap3A_947 = arith.constant 119 : index
          %swap3A_948 = tpu.vector_load %arg15[%swap3A_947] {strides = array<i32>} : memref<272xf32, #tpu.memory_space<vmem>>, vector<16xf32>,
          tpu.vector_store %arg15[%swap3A_947], %add3A_946 {strides = array<i32>} : memref<272xf32, #tpu.memory_space<vmem>>, vector<16xf32>,
          %add3A_949 = arith.constant 8 : i32
          %add3A_950 = arith.addi %mul3A_487, %add3A_949 : i32
          %slice3A_951 = vector.extract_strided_slice %mul3A_498 {offsets = [8], sizes = [1], strides = [1]} : vector<16xi32> to vector<1xi32>
          %squeeze3A_952 = vector.extract %slice3A_951[0] : i32 from vector<1xi32>
          %slice3A_953 = vector.extract_strided_slice %mul3A_510 {offsets = [8], sizes = [1], strides = [1]} : vector<16xi32> to vector<1xi32>
          %squeeze3A_954 = vector.extract %slice3A_953[0] : i32 from vector<1xi32>
          %add3A_955 = arith.constant 0 : i32
          %add3A_956 = arith.addi %squeeze3A_952, %add3A_955 : i32
          %get3A_957 = arith.index_cast %add3A_950 : i32 to index
          %get3A_958 = arith.index_cast %add3A_956 : i32 to index
          %get3A_959 = tpu.vector_load %arg12[%get3A_957, %get3A_958] {strides = array<i32>} : memref<128x128xf32, #tpu.memory_space<vmem>>, vector<16xf32>,
          %add3A_960 = arith.constant 0 : i32
          %add3A_961 = arith.addi %squeeze3A_954, %add3A_960 : i32
          %get3A_962 = arith.index_cast %add3A_950 : i32 to index
          %get3A_963 = arith.index_cast %add3A_961 : i32 to index
          %get3A_964 = tpu.vector_load %arg14[%get3A_962, %get3A_963] {strides = array<i32>} : memref<128x128xf32, #tpu.memory_space<vmem>>, vector<16xf32>,
          %mul3A_965 = arith.mulf %get3A_959, %get3A_964 : vector<16xf32>
          %add3A_966 = arith.constant 16 : i32
          %add3A_967 = arith.addi %squeeze3A_952, %add3A_966 : i32
          %get3A_968 = arith.index_cast %add3A_950 : i32 to index
          %get3A_969 = arith.index_cast %add3A_967 : i32 to index
          %get3A_970 = tpu.vector_load %arg12[%get3A_968, %get3A_969] {strides = array<i32>} : memref<128x128xf32, #tpu.memory_space<vmem>>, vector<16xf32>,
          %add3A_971 = arith.constant 16 : i32
          %add3A_972 = arith.addi %squeeze3A_954, %add3A_971 : i32
          %get3A_973 = arith.index_cast %add3A_950 : i32 to index
          %get3A_974 = arith.index_cast %add3A_972 : i32 to index
          %get3A_975 = tpu.vector_load %arg14[%get3A_973, %get3A_974] {strides = array<i32>} : memref<128x128xf32, #tpu.memory_space<vmem>>, vector<16xf32>,
          %mul3A_976 = arith.mulf %get3A_970, %get3A_975 : vector<16xf32>
          %add3A_977 = arith.constant 32 : i32
          %add3A_978 = arith.addi %squeeze3A_952, %add3A_977 : i32
          %get3A_979 = arith.index_cast %add3A_950 : i32 to index
          %get3A_980 = arith.index_cast %add3A_978 : i32 to index
          %get3A_981 = tpu.vector_load %arg12[%get3A_979, %get3A_980] {strides = array<i32>} : memref<128x128xf32, #tpu.memory_space<vmem>>, vector<16xf32>,
          %add3A_982 = arith.constant 32 : i32
          %add3A_983 = arith.addi %squeeze3A_954, %add3A_982 : i32
          %get3A_984 = arith.index_cast %add3A_950 : i32 to index
          %get3A_985 = arith.index_cast %add3A_983 : i32 to index
          %get3A_986 = tpu.vector_load %arg14[%get3A_984, %get3A_985] {strides = array<i32>} : memref<128x128xf32, #tpu.memory_space<vmem>>, vector<16xf32>,
          %mul3A_987 = arith.mulf %get3A_981, %get3A_986 : vector<16xf32>
          %add3A_988 = arith.constant 48 : i32
          %add3A_989 = arith.addi %squeeze3A_952, %add3A_988 : i32
          %get3A_990 = arith.index_cast %add3A_950 : i32 to index
          %get3A_991 = arith.index_cast %add3A_989 : i32 to index
          %get3A_992 = tpu.vector_load %arg12[%get3A_990, %get3A_991] {strides = array<i32>} : memref<128x128xf32, #tpu.memory_space<vmem>>, vector<16xf32>,
          %add3A_993 = arith.constant 48 : i32
          %add3A_994 = arith.addi %squeeze3A_954, %add3A_993 : i32
          %get3A_995 = arith.index_cast %add3A_950 : i32 to index
          %get3A_996 = arith.index_cast %add3A_994 : i32 to index
          %get3A_997 = tpu.vector_load %arg14[%get3A_995, %get3A_996] {strides = array<i32>} : memref<128x128xf32, #tpu.memory_space<vmem>>, vector<16xf32>,
          %mul3A_998 = arith.mulf %get3A_992, %get3A_997 : vector<16xf32>
          %add3A_999 = arith.addf %mul3A_965, %mul3A_976 : vector<16xf32>
          %add3A_1000 = arith.addf %mul3A_987, %mul3A_998 : vector<16xf32>
          %add3A_1001 = arith.addf %add3A_999, %add3A_1000 : vector<16xf32>
          %swap3A_1002 = arith.constant 136 : index
          %swap3A_1003 = tpu.vector_load %arg15[%swap3A_1002] {strides = array<i32>} : memref<272xf32, #tpu.memory_space<vmem>>, vector<16xf32>,
          tpu.vector_store %arg15[%swap3A_1002], %add3A_1001 {strides = array<i32>} : memref<272xf32, #tpu.memory_space<vmem>>, vector<16xf32>,
          %add3A_1004 = arith.constant 9 : i32
          %add3A_1005 = arith.addi %mul3A_487, %add3A_1004 : i32
          %slice3A_1006 = vector.extract_strided_slice %mul3A_498 {offsets = [9], sizes = [1], strides = [1]} : vector<16xi32> to vector<1xi32>
          %squeeze3A_1007 = vector.extract %slice3A_1006[0] : i32 from vector<1xi32>
          %slice3A_1008 = vector.extract_strided_slice %mul3A_510 {offsets = [9], sizes = [1], strides = [1]} : vector<16xi32> to vector<1xi32>
          %squeeze3A_1009 = vector.extract %slice3A_1008[0] : i32 from vector<1xi32>
          %add3A_1010 = arith.constant 0 : i32
          %add3A_1011 = arith.addi %squeeze3A_1007, %add3A_1010 : i32
          %get3A_1012 = arith.index_cast %add3A_1005 : i32 to index
          %get3A_1013 = arith.index_cast %add3A_1011 : i32 to index
          %get3A_1014 = tpu.vector_load %arg12[%get3A_1012, %get3A_1013] {strides = array<i32>} : memref<128x128xf32, #tpu.memory_space<vmem>>, vector<16xf32>,
          %add3A_1015 = arith.constant 0 : i32
          %add3A_1016 = arith.addi %squeeze3A_1009, %add3A_1015 : i32
          %get3A_1017 = arith.index_cast %add3A_1005 : i32 to index
          %get3A_1018 = arith.index_cast %add3A_1016 : i32 to index
          %get3A_1019 = tpu.vector_load %arg14[%get3A_1017, %get3A_1018] {strides = array<i32>} : memref<128x128xf32, #tpu.memory_space<vmem>>, vector<16xf32>,
          %mul3A_1020 = arith.mulf %get3A_1014, %get3A_1019 : vector<16xf32>
          %add3A_1021 = arith.constant 16 : i32
          %add3A_1022 = arith.addi %squeeze3A_1007, %add3A_1021 : i32
          %get3A_1023 = arith.index_cast %add3A_1005 : i32 to index
          %get3A_1024 = arith.index_cast %add3A_1022 : i32 to index
          %get3A_1025 = tpu.vector_load %arg12[%get3A_1023, %get3A_1024] {strides = array<i32>} : memref<128x128xf32, #tpu.memory_space<vmem>>, vector<16xf32>,
          %add3A_1026 = arith.constant 16 : i32
          %add3A_1027 = arith.addi %squeeze3A_1009, %add3A_1026 : i32
          %get3A_1028 = arith.index_cast %add3A_1005 : i32 to index
          %get3A_1029 = arith.index_cast %add3A_1027 : i32 to index
          %get3A_1030 = tpu.vector_load %arg14[%get3A_1028, %get3A_1029] {strides = array<i32>} : memref<128x128xf32, #tpu.memory_space<vmem>>, vector<16xf32>,
          %mul3A_1031 = arith.mulf %get3A_1025, %get3A_1030 : vector<16xf32>
          %add3A_1032 = arith.constant 32 : i32
          %add3A_1033 = arith.addi %squeeze3A_1007, %add3A_1032 : i32
          %get3A_1034 = arith.index_cast %add3A_1005 : i32 to index
          %get3A_1035 = arith.index_cast %add3A_1033 : i32 to index
          %get3A_1036 = tpu.vector_load %arg12[%get3A_1034, %get3A_1035] {strides = array<i32>} : memref<128x128xf32, #tpu.memory_space<vmem>>, vector<16xf32>,
          %add3A_1037 = arith.constant 32 : i32
          %add3A_1038 = arith.addi %squeeze3A_1009, %add3A_1037 : i32
          %get3A_1039 = arith.index_cast %add3A_1005 : i32 to index
          %get3A_1040 = arith.index_cast %add3A_1038 : i32 to index
          %get3A_1041 = tpu.vector_load %arg14[%get3A_1039, %get3A_1040] {strides = array<i32>} : memref<128x128xf32, #tpu.memory_space<vmem>>, vector<16xf32>,
          %mul3A_1042 = arith.mulf %get3A_1036, %get3A_1041 : vector<16xf32>
          %add3A_1043 = arith.constant 48 : i32
          %add3A_1044 = arith.addi %squeeze3A_1007, %add3A_1043 : i32
          %get3A_1045 = arith.index_cast %add3A_1005 : i32 to index
          %get3A_1046 = arith.index_cast %add3A_1044 : i32 to index
          %get3A_1047 = tpu.vector_load %arg12[%get3A_1045, %get3A_1046] {strides = array<i32>} : memref<128x128xf32, #tpu.memory_space<vmem>>, vector<16xf32>,
          %add3A_1048 = arith.constant 48 : i32
          %add3A_1049 = arith.addi %squeeze3A_1009, %add3A_1048 : i32
          %get3A_1050 = arith.index_cast %add3A_1005 : i32 to index
          %get3A_1051 = arith.index_cast %add3A_1049 : i32 to index
          %get3A_1052 = tpu.vector_load %arg14[%get3A_1050, %get3A_1051] {strides = array<i32>} : memref<128x128xf32, #tpu.memory_space<vmem>>, vector<16xf32>,
          %mul3A_1053 = arith.mulf %get3A_1047, %get3A_1052 : vector<16xf32>
          %add3A_1054 = arith.addf %mul3A_1020, %mul3A_1031 : vector<16xf32>
          %add3A_1055 = arith.addf %mul3A_1042, %mul3A_1053 : vector<16xf32>
          %add3A_1056 = arith.addf %add3A_1054, %add3A_1055 : vector<16xf32>
          %swap3A_1057 = arith.constant 153 : index
          %swap3A_1058 = tpu.vector_load %arg15[%swap3A_1057] {strides = array<i32>} : memref<272xf32, #tpu.memory_space<vmem>>, vector<16xf32>,
          tpu.vector_store %arg15[%swap3A_1057], %add3A_1056 {strides = array<i32>} : memref<272xf32, #tpu.memory_space<vmem>>, vector<16xf32>,
          %add3A_1059 = arith.constant 10 : i32
          %add3A_1060 = arith.addi %mul3A_487, %add3A_1059 : i32
          %slice3A_1061 = vector.extract_strided_slice %mul3A_498 {offsets = [10], sizes = [1], strides = [1]} : vector<16xi32> to vector<1xi32>
          %squeeze3A_1062 = vector.extract %slice3A_1061[0] : i32 from vector<1xi32>
          %slice3A_1063 = vector.extract_strided_slice %mul3A_510 {offsets = [10], sizes = [1], strides = [1]} : vector<16xi32> to vector<1xi32>
          %squeeze3A_1064 = vector.extract %slice3A_1063[0] : i32 from vector<1xi32>
          %add3A_1065 = arith.constant 0 : i32
          %add3A_1066 = arith.addi %squeeze3A_1062, %add3A_1065 : i32
          %get3A_1067 = arith.index_cast %add3A_1060 : i32 to index
          %get3A_1068 = arith.index_cast %add3A_1066 : i32 to index
          %get3A_1069 = tpu.vector_load %arg12[%get3A_1067, %get3A_1068] {strides = array<i32>} : memref<128x128xf32, #tpu.memory_space<vmem>>, vector<16xf32>,
          %add3A_1070 = arith.constant 0 : i32
          %add3A_1071 = arith.addi %squeeze3A_1064, %add3A_1070 : i32
          %get3A_1072 = arith.index_cast %add3A_1060 : i32 to index
          %get3A_1073 = arith.index_cast %add3A_1071 : i32 to index
          %get3A_1074 = tpu.vector_load %arg14[%get3A_1072, %get3A_1073] {strides = array<i32>} : memref<128x128xf32, #tpu.memory_space<vmem>>, vector<16xf32>,
          %mul3A_1075 = arith.mulf %get3A_1069, %get3A_1074 : vector<16xf32>
          %add3A_1076 = arith.constant 16 : i32
          %add3A_1077 = arith.addi %squeeze3A_1062, %add3A_1076 : i32
          %get3A_1078 = arith.index_cast %add3A_1060 : i32 to index
          %get3A_1079 = arith.index_cast %add3A_1077 : i32 to index
          %get3A_1080 = tpu.vector_load %arg12[%get3A_1078, %get3A_1079] {strides = array<i32>} : memref<128x128xf32, #tpu.memory_space<vmem>>, vector<16xf32>,
          %add3A_1081 = arith.constant 16 : i32
          %add3A_1082 = arith.addi %squeeze3A_1064, %add3A_1081 : i32
          %get3A_1083 = arith.index_cast %add3A_1060 : i32 to index
          %get3A_1084 = arith.index_cast %add3A_1082 : i32 to index
          %get3A_1085 = tpu.vector_load %arg14[%get3A_1083, %get3A_1084] {strides = array<i32>} : memref<128x128xf32, #tpu.memory_space<vmem>>, vector<16xf32>,
          %mul3A_1086 = arith.mulf %get3A_1080, %get3A_1085 : vector<16xf32>
          %add3A_1087 = arith.constant 32 : i32
          %add3A_1088 = arith.addi %squeeze3A_1062, %add3A_1087 : i32
          %get3A_1089 = arith.index_cast %add3A_1060 : i32 to index
          %get3A_1090 = arith.index_cast %add3A_1088 : i32 to index
          %get3A_1091 = tpu.vector_load %arg12[%get3A_1089, %get3A_1090] {strides = array<i32>} : memref<128x128xf32, #tpu.memory_space<vmem>>, vector<16xf32>,
          %add3A_1092 = arith.constant 32 : i32
          %add3A_1093 = arith.addi %squeeze3A_1064, %add3A_1092 : i32
          %get3A_1094 = arith.index_cast %add3A_1060 : i32 to index
          %get3A_1095 = arith.index_cast %add3A_1093 : i32 to index
          %get3A_1096 = tpu.vector_load %arg14[%get3A_1094, %get3A_1095] {strides = array<i32>} : memref<128x128xf32, #tpu.memory_space<vmem>>, vector<16xf32>,
          %mul3A_1097 = arith.mulf %get3A_1091, %get3A_1096 : vector<16xf32>
          %add3A_1098 = arith.constant 48 : i32
          %add3A_1099 = arith.addi %squeeze3A_1062, %add3A_1098 : i32
          %get3A_1100 = arith.index_cast %add3A_1060 : i32 to index
          %get3A_1101 = arith.index_cast %add3A_1099 : i32 to index
          %get3A_1102 = tpu.vector_load %arg12[%get3A_1100, %get3A_1101] {strides = array<i32>} : memref<128x128xf32, #tpu.memory_space<vmem>>, vector<16xf32>,
          %add3A_1103 = arith.constant 48 : i32
          %add3A_1104 = arith.addi %squeeze3A_1064, %add3A_1103 : i32
          %get3A_1105 = arith.index_cast %add3A_1060 : i32 to index
          %get3A_1106 = arith.index_cast %add3A_1104 : i32 to index
          %get3A_1107 = tpu.vector_load %arg14[%get3A_1105, %get3A_1106] {strides = array<i32>} : memref<128x128xf32, #tpu.memory_space<vmem>>, vector<16xf32>,
          %mul3A_1108 = arith.mulf %get3A_1102, %get3A_1107 : vector<16xf32>
          %add3A_1109 = arith.addf %mul3A_1075, %mul3A_1086 : vector<16xf32>
          %add3A_1110 = arith.addf %mul3A_1097, %mul3A_1108 : vector<16xf32>
          %add3A_1111 = arith.addf %add3A_1109, %add3A_1110 : vector<16xf32>
          %swap3A_1112 = arith.constant 170 : index
          %swap3A_1113 = tpu.vector_load %arg15[%swap3A_1112] {strides = array<i32>} : memref<272xf32, #tpu.memory_space<vmem>>, vector<16xf32>,
          tpu.vector_store %arg15[%swap3A_1112], %add3A_1111 {strides = array<i32>} : memref<272xf32, #tpu.memory_space<vmem>>, vector<16xf32>,
          %add3A_1114 = arith.constant 11 : i32
          %add3A_1115 = arith.addi %mul3A_487, %add3A_1114 : i32
          %slice3A_1116 = vector.extract_strided_slice %mul3A_498 {offsets = [11], sizes = [1], strides = [1]} : vector<16xi32> to vector<1xi32>
          %squeeze3A_1117 = vector.extract %slice3A_1116[0] : i32 from vector<1xi32>
          %slice3A_1118 = vector.extract_strided_slice %mul3A_510 {offsets = [11], sizes = [1], strides = [1]} : vector<16xi32> to vector<1xi32>
          %squeeze3A_1119 = vector.extract %slice3A_1118[0] : i32 from vector<1xi32>
          %add3A_1120 = arith.constant 0 : i32
          %add3A_1121 = arith.addi %squeeze3A_1117, %add3A_1120 : i32
          %get3A_1122 = arith.index_cast %add3A_1115 : i32 to index
          %get3A_1123 = arith.index_cast %add3A_1121 : i32 to index
          %get3A_1124 = tpu.vector_load %arg12[%get3A_1122, %get3A_1123] {strides = array<i32>} : memref<128x128xf32, #tpu.memory_space<vmem>>, vector<16xf32>,
          %add3A_1125 = arith.constant 0 : i32
          %add3A_1126 = arith.addi %squeeze3A_1119, %add3A_1125 : i32
          %get3A_1127 = arith.index_cast %add3A_1115 : i32 to index
          %get3A_1128 = arith.index_cast %add3A_1126 : i32 to index
          %get3A_1129 = tpu.vector_load %arg14[%get3A_1127, %get3A_1128] {strides = array<i32>} : memref<128x128xf32, #tpu.memory_space<vmem>>, vector<16xf32>,
          %mul3A_1130 = arith.mulf %get3A_1124, %get3A_1129 : vector<16xf32>
          %add3A_1131 = arith.constant 16 : i32
          %add3A_1132 = arith.addi %squeeze3A_1117, %add3A_1131 : i32
          %get3A_1133 = arith.index_cast %add3A_1115 : i32 to index
          %get3A_1134 = arith.index_cast %add3A_1132 : i32 to index
          %get3A_1135 = tpu.vector_load %arg12[%get3A_1133, %get3A_1134] {strides = array<i32>} : memref<128x128xf32, #tpu.memory_space<vmem>>, vector<16xf32>,
          %add3A_1136 = arith.constant 16 : i32
          %add3A_1137 = arith.addi %squeeze3A_1119, %add3A_1136 : i32
          %get3A_1138 = arith.index_cast %add3A_1115 : i32 to index
          %get3A_1139 = arith.index_cast %add3A_1137 : i32 to index
          %get3A_1140 = tpu.vector_load %arg14[%get3A_1138, %get3A_1139] {strides = array<i32>} : memref<128x128xf32, #tpu.memory_space<vmem>>, vector<16xf32>,
          %mul3A_1141 = arith.mulf %get3A_1135, %get3A_1140 : vector<16xf32>
          %add3A_1142 = arith.constant 32 : i32
          %add3A_1143 = arith.addi %squeeze3A_1117, %add3A_1142 : i32
          %get3A_1144 = arith.index_cast %add3A_1115 : i32 to index
          %get3A_1145 = arith.index_cast %add3A_1143 : i32 to index
          %get3A_1146 = tpu.vector_load %arg12[%get3A_1144, %get3A_1145] {strides = array<i32>} : memref<128x128xf32, #tpu.memory_space<vmem>>, vector<16xf32>,
          %add3A_1147 = arith.constant 32 : i32
          %add3A_1148 = arith.addi %squeeze3A_1119, %add3A_1147 : i32
          %get3A_1149 = arith.index_cast %add3A_1115 : i32 to index
          %get3A_1150 = arith.index_cast %add3A_1148 : i32 to index
          %get3A_1151 = tpu.vector_load %arg14[%get3A_1149, %get3A_1150] {strides = array<i32>} : memref<128x128xf32, #tpu.memory_space<vmem>>, vector<16xf32>,
          %mul3A_1152 = arith.mulf %get3A_1146, %get3A_1151 : vector<16xf32>
          %add3A_1153 = arith.constant 48 : i32
          %add3A_1154 = arith.addi %squeeze3A_1117, %add3A_1153 : i32
          %get3A_1155 = arith.index_cast %add3A_1115 : i32 to index
          %get3A_1156 = arith.index_cast %add3A_1154 : i32 to index
          %get3A_1157 = tpu.vector_load %arg12[%get3A_1155, %get3A_1156] {strides = array<i32>} : memref<128x128xf32, #tpu.memory_space<vmem>>, vector<16xf32>,
          %add3A_1158 = arith.constant 48 : i32
          %add3A_1159 = arith.addi %squeeze3A_1119, %add3A_1158 : i32
          %get3A_1160 = arith.index_cast %add3A_1115 : i32 to index
          %get3A_1161 = arith.index_cast %add3A_1159 : i32 to index
          %get3A_1162 = tpu.vector_load %arg14[%get3A_1160, %get3A_1161] {strides = array<i32>} : memref<128x128xf32, #tpu.memory_space<vmem>>, vector<16xf32>,
          %mul3A_1163 = arith.mulf %get3A_1157, %get3A_1162 : vector<16xf32>
          %add3A_1164 = arith.addf %mul3A_1130, %mul3A_1141 : vector<16xf32>
          %add3A_1165 = arith.addf %mul3A_1152, %mul3A_1163 : vector<16xf32>
          %add3A_1166 = arith.addf %add3A_1164, %add3A_1165 : vector<16xf32>
          %swap3A_1167 = arith.constant 187 : index
          %swap3A_1168 = tpu.vector_load %arg15[%swap3A_1167] {strides = array<i32>} : memref<272xf32, #tpu.memory_space<vmem>>, vector<16xf32>,
          tpu.vector_store %arg15[%swap3A_1167], %add3A_1166 {strides = array<i32>} : memref<272xf32, #tpu.memory_space<vmem>>, vector<16xf32>,
          %add3A_1169 = arith.constant 12 : i32
          %add3A_1170 = arith.addi %mul3A_487, %add3A_1169 : i32
          %slice3A_1171 = vector.extract_strided_slice %mul3A_498 {offsets = [12], sizes = [1], strides = [1]} : vector<16xi32> to vector<1xi32>
          %squeeze3A_1172 = vector.extract %slice3A_1171[0] : i32 from vector<1xi32>
          %slice3A_1173 = vector.extract_strided_slice %mul3A_510 {offsets = [12], sizes = [1], strides = [1]} : vector<16xi32> to vector<1xi32>
          %squeeze3A_1174 = vector.extract %slice3A_1173[0] : i32 from vector<1xi32>
          %add3A_1175 = arith.constant 0 : i32
          %add3A_1176 = arith.addi %squeeze3A_1172, %add3A_1175 : i32
          %get3A_1177 = arith.index_cast %add3A_1170 : i32 to index
          %get3A_1178 = arith.index_cast %add3A_1176 : i32 to index
          %get3A_1179 = tpu.vector_load %arg12[%get3A_1177, %get3A_1178] {strides = array<i32>} : memref<128x128xf32, #tpu.memory_space<vmem>>, vector<16xf32>,
          %add3A_1180 = arith.constant 0 : i32
          %add3A_1181 = arith.addi %squeeze3A_1174, %add3A_1180 : i32
          %get3A_1182 = arith.index_cast %add3A_1170 : i32 to index
          %get3A_1183 = arith.index_cast %add3A_1181 : i32 to index
          %get3A_1184 = tpu.vector_load %arg14[%get3A_1182, %get3A_1183] {strides = array<i32>} : memref<128x128xf32, #tpu.memory_space<vmem>>, vector<16xf32>,
          %mul3A_1185 = arith.mulf %get3A_1179, %get3A_1184 : vector<16xf32>
          %add3A_1186 = arith.constant 16 : i32
          %add3A_1187 = arith.addi %squeeze3A_1172, %add3A_1186 : i32
          %get3A_1188 = arith.index_cast %add3A_1170 : i32 to index
          %get3A_1189 = arith.index_cast %add3A_1187 : i32 to index
          %get3A_1190 = tpu.vector_load %arg12[%get3A_1188, %get3A_1189] {strides = array<i32>} : memref<128x128xf32, #tpu.memory_space<vmem>>, vector<16xf32>,
          %add3A_1191 = arith.constant 16 : i32
          %add3A_1192 = arith.addi %squeeze3A_1174, %add3A_1191 : i32
          %get3A_1193 = arith.index_cast %add3A_1170 : i32 to index
          %get3A_1194 = arith.index_cast %add3A_1192 : i32 to index
          %get3A_1195 = tpu.vector_load %arg14[%get3A_1193, %get3A_1194] {strides = array<i32>} : memref<128x128xf32, #tpu.memory_space<vmem>>, vector<16xf32>,
          %mul3A_1196 = arith.mulf %get3A_1190, %get3A_1195 : vector<16xf32>
          %add3A_1197 = arith.constant 32 : i32
          %add3A_1198 = arith.addi %squeeze3A_1172, %add3A_1197 : i32
          %get3A_1199 = arith.index_cast %add3A_1170 : i32 to index
          %get3A_1200 = arith.index_cast %add3A_1198 : i32 to index
          %get3A_1201 = tpu.vector_load %arg12[%get3A_1199, %get3A_1200] {strides = array<i32>} : memref<128x128xf32, #tpu.memory_space<vmem>>, vector<16xf32>,
          %add3A_1202 = arith.constant 32 : i32
          %add3A_1203 = arith.addi %squeeze3A_1174, %add3A_1202 : i32
          %get3A_1204 = arith.index_cast %add3A_1170 : i32 to index
          %get3A_1205 = arith.index_cast %add3A_1203 : i32 to index
          %get3A_1206 = tpu.vector_load %arg14[%get3A_1204, %get3A_1205] {strides = array<i32>} : memref<128x128xf32, #tpu.memory_space<vmem>>, vector<16xf32>,
          %mul3A_1207 = arith.mulf %get3A_1201, %get3A_1206 : vector<16xf32>
          %add3A_1208 = arith.constant 48 : i32
          %add3A_1209 = arith.addi %squeeze3A_1172, %add3A_1208 : i32
          %get3A_1210 = arith.index_cast %add3A_1170 : i32 to index
          %get3A_1211 = arith.index_cast %add3A_1209 : i32 to index
          %get3A_1212 = tpu.vector_load %arg12[%get3A_1210, %get3A_1211] {strides = array<i32>} : memref<128x128xf32, #tpu.memory_space<vmem>>, vector<16xf32>,
          %add3A_1213 = arith.constant 48 : i32
          %add3A_1214 = arith.addi %squeeze3A_1174, %add3A_1213 : i32
          %get3A_1215 = arith.index_cast %add3A_1170 : i32 to index
          %get3A_1216 = arith.index_cast %add3A_1214 : i32 to index
          %get3A_1217 = tpu.vector_load %arg14[%get3A_1215, %get3A_1216] {strides = array<i32>} : memref<128x128xf32, #tpu.memory_space<vmem>>, vector<16xf32>,
          %mul3A_1218 = arith.mulf %get3A_1212, %get3A_1217 : vector<16xf32>
          %add3A_1219 = arith.addf %mul3A_1185, %mul3A_1196 : vector<16xf32>
          %add3A_1220 = arith.addf %mul3A_1207, %mul3A_1218 : vector<16xf32>
          %add3A_1221 = arith.addf %add3A_1219, %add3A_1220 : vector<16xf32>
          %swap3A_1222 = arith.constant 204 : index
          %swap3A_1223 = tpu.vector_load %arg15[%swap3A_1222] {strides = array<i32>} : memref<272xf32, #tpu.memory_space<vmem>>, vector<16xf32>,
          tpu.vector_store %arg15[%swap3A_1222], %add3A_1221 {strides = array<i32>} : memref<272xf32, #tpu.memory_space<vmem>>, vector<16xf32>,
          %add3A_1224 = arith.constant 13 : i32
          %add3A_1225 = arith.addi %mul3A_487, %add3A_1224 : i32
          %slice3A_1226 = vector.extract_strided_slice %mul3A_498 {offsets = [13], sizes = [1], strides = [1]} : vector<16xi32> to vector<1xi32>
          %squeeze3A_1227 = vector.extract %slice3A_1226[0] : i32 from vector<1xi32>
          %slice3A_1228 = vector.extract_strided_slice %mul3A_510 {offsets = [13], sizes = [1], strides = [1]} : vector<16xi32> to vector<1xi32>
          %squeeze3A_1229 = vector.extract %slice3A_1228[0] : i32 from vector<1xi32>
          %add3A_1230 = arith.constant 0 : i32
          %add3A_1231 = arith.addi %squeeze3A_1227, %add3A_1230 : i32
          %get3A_1232 = arith.index_cast %add3A_1225 : i32 to index
          %get3A_1233 = arith.index_cast %add3A_1231 : i32 to index
          %get3A_1234 = tpu.vector_load %arg12[%get3A_1232, %get3A_1233] {strides = array<i32>} : memref<128x128xf32, #tpu.memory_space<vmem>>, vector<16xf32>,
          %add3A_1235 = arith.constant 0 : i32
          %add3A_1236 = arith.addi %squeeze3A_1229, %add3A_1235 : i32
          %get3A_1237 = arith.index_cast %add3A_1225 : i32 to index
          %get3A_1238 = arith.index_cast %add3A_1236 : i32 to index
          %get3A_1239 = tpu.vector_load %arg14[%get3A_1237, %get3A_1238] {strides = array<i32>} : memref<128x128xf32, #tpu.memory_space<vmem>>, vector<16xf32>,
          %mul3A_1240 = arith.mulf %get3A_1234, %get3A_1239 : vector<16xf32>
          %add3A_1241 = arith.constant 16 : i32
          %add3A_1242 = arith.addi %squeeze3A_1227, %add3A_1241 : i32
          %get3A_1243 = arith.index_cast %add3A_1225 : i32 to index
          %get3A_1244 = arith.index_cast %add3A_1242 : i32 to index
          %get3A_1245 = tpu.vector_load %arg12[%get3A_1243, %get3A_1244] {strides = array<i32>} : memref<128x128xf32, #tpu.memory_space<vmem>>, vector<16xf32>,
          %add3A_1246 = arith.constant 16 : i32
          %add3A_1247 = arith.addi %squeeze3A_1229, %add3A_1246 : i32
          %get3A_1248 = arith.index_cast %add3A_1225 : i32 to index
          %get3A_1249 = arith.index_cast %add3A_1247 : i32 to index
          %get3A_1250 = tpu.vector_load %arg14[%get3A_1248, %get3A_1249] {strides = array<i32>} : memref<128x128xf32, #tpu.memory_space<vmem>>, vector<16xf32>,
          %mul3A_1251 = arith.mulf %get3A_1245, %get3A_1250 : vector<16xf32>
          %add3A_1252 = arith.constant 32 : i32
          %add3A_1253 = arith.addi %squeeze3A_1227, %add3A_1252 : i32
          %get3A_1254 = arith.index_cast %add3A_1225 : i32 to index
          %get3A_1255 = arith.index_cast %add3A_1253 : i32 to index
          %get3A_1256 = tpu.vector_load %arg12[%get3A_1254, %get3A_1255] {strides = array<i32>} : memref<128x128xf32, #tpu.memory_space<vmem>>, vector<16xf32>,
          %add3A_1257 = arith.constant 32 : i32
          %add3A_1258 = arith.addi %squeeze3A_1229, %add3A_1257 : i32
          %get3A_1259 = arith.index_cast %add3A_1225 : i32 to index
          %get3A_1260 = arith.index_cast %add3A_1258 : i32 to index
          %get3A_1261 = tpu.vector_load %arg14[%get3A_1259, %get3A_1260] {strides = array<i32>} : memref<128x128xf32, #tpu.memory_space<vmem>>, vector<16xf32>,
          %mul3A_1262 = arith.mulf %get3A_1256, %get3A_1261 : vector<16xf32>
          %add3A_1263 = arith.constant 48 : i32
          %add3A_1264 = arith.addi %squeeze3A_1227, %add3A_1263 : i32
          %get3A_1265 = arith.index_cast %add3A_1225 : i32 to index
          %get3A_1266 = arith.index_cast %add3A_1264 : i32 to index
          %get3A_1267 = tpu.vector_load %arg12[%get3A_1265, %get3A_1266] {strides = array<i32>} : memref<128x128xf32, #tpu.memory_space<vmem>>, vector<16xf32>,
          %add3A_1268 = arith.constant 48 : i32
          %add3A_1269 = arith.addi %squeeze3A_1229, %add3A_1268 : i32
          %get3A_1270 = arith.index_cast %add3A_1225 : i32 to index
          %get3A_1271 = arith.index_cast %add3A_1269 : i32 to index
          %get3A_1272 = tpu.vector_load %arg14[%get3A_1270, %get3A_1271] {strides = array<i32>} : memref<128x128xf32, #tpu.memory_space<vmem>>, vector<16xf32>,
          %mul3A_1273 = arith.mulf %get3A_1267, %get3A_1272 : vector<16xf32>
          %add3A_1274 = arith.addf %mul3A_1240, %mul3A_1251 : vector<16xf32>
          %add3A_1275 = arith.addf %mul3A_1262, %mul3A_1273 : vector<16xf32>
          %add3A_1276 = arith.addf %add3A_1274, %add3A_1275 : vector<16xf32>
          %swap3A_1277 = arith.constant 221 : index
          %swap3A_1278 = tpu.vector_load %arg15[%swap3A_1277] {strides = array<i32>} : memref<272xf32, #tpu.memory_space<vmem>>, vector<16xf32>,
          tpu.vector_store %arg15[%swap3A_1277], %add3A_1276 {strides = array<i32>} : memref<272xf32, #tpu.memory_space<vmem>>, vector<16xf32>,
          %add3A_1279 = arith.constant 14 : i32
          %add3A_1280 = arith.addi %mul3A_487, %add3A_1279 : i32
          %slice3A_1281 = vector.extract_strided_slice %mul3A_498 {offsets = [14], sizes = [1], strides = [1]} : vector<16xi32> to vector<1xi32>
          %squeeze3A_1282 = vector.extract %slice3A_1281[0] : i32 from vector<1xi32>
          %slice3A_1283 = vector.extract_strided_slice %mul3A_510 {offsets = [14], sizes = [1], strides = [1]} : vector<16xi32> to vector<1xi32>
          %squeeze3A_1284 = vector.extract %slice3A_1283[0] : i32 from vector<1xi32>
          %add3A_1285 = arith.constant 0 : i32
          %add3A_1286 = arith.addi %squeeze3A_1282, %add3A_1285 : i32
          %get3A_1287 = arith.index_cast %add3A_1280 : i32 to index
          %get3A_1288 = arith.index_cast %add3A_1286 : i32 to index
          %get3A_1289 = tpu.vector_load %arg12[%get3A_1287, %get3A_1288] {strides = array<i32>} : memref<128x128xf32, #tpu.memory_space<vmem>>, vector<16xf32>,
          %add3A_1290 = arith.constant 0 : i32
          %add3A_1291 = arith.addi %squeeze3A_1284, %add3A_1290 : i32
          %get3A_1292 = arith.index_cast %add3A_1280 : i32 to index
          %get3A_1293 = arith.index_cast %add3A_1291 : i32 to index
          %get3A_1294 = tpu.vector_load %arg14[%get3A_1292, %get3A_1293] {strides = array<i32>} : memref<128x128xf32, #tpu.memory_space<vmem>>, vector<16xf32>,
          %mul3A_1295 = arith.mulf %get3A_1289, %get3A_1294 : vector<16xf32>
          %add3A_1296 = arith.constant 16 : i32
          %add3A_1297 = arith.addi %squeeze3A_1282, %add3A_1296 : i32
          %get3A_1298 = arith.index_cast %add3A_1280 : i32 to index
          %get3A_1299 = arith.index_cast %add3A_1297 : i32 to index
          %get3A_1300 = tpu.vector_load %arg12[%get3A_1298, %get3A_1299] {strides = array<i32>} : memref<128x128xf32, #tpu.memory_space<vmem>>, vector<16xf32>,
          %add3A_1301 = arith.constant 16 : i32
          %add3A_1302 = arith.addi %squeeze3A_1284, %add3A_1301 : i32
          %get3A_1303 = arith.index_cast %add3A_1280 : i32 to index
          %get3A_1304 = arith.index_cast %add3A_1302 : i32 to index
          %get3A_1305 = tpu.vector_load %arg14[%get3A_1303, %get3A_1304] {strides = array<i32>} : memref<128x128xf32, #tpu.memory_space<vmem>>, vector<16xf32>,
          %mul3A_1306 = arith.mulf %get3A_1300, %get3A_1305 : vector<16xf32>
          %add3A_1307 = arith.constant 32 : i32
          %add3A_1308 = arith.addi %squeeze3A_1282, %add3A_1307 : i32
          %get3A_1309 = arith.index_cast %add3A_1280 : i32 to index
          %get3A_1310 = arith.index_cast %add3A_1308 : i32 to index
          %get3A_1311 = tpu.vector_load %arg12[%get3A_1309, %get3A_1310] {strides = array<i32>} : memref<128x128xf32, #tpu.memory_space<vmem>>, vector<16xf32>,
          %add3A_1312 = arith.constant 32 : i32
          %add3A_1313 = arith.addi %squeeze3A_1284, %add3A_1312 : i32
          %get3A_1314 = arith.index_cast %add3A_1280 : i32 to index
          %get3A_1315 = arith.index_cast %add3A_1313 : i32 to index
          %get3A_1316 = tpu.vector_load %arg14[%get3A_1314, %get3A_1315] {strides = array<i32>} : memref<128x128xf32, #tpu.memory_space<vmem>>, vector<16xf32>,
          %mul3A_1317 = arith.mulf %get3A_1311, %get3A_1316 : vector<16xf32>
          %add3A_1318 = arith.constant 48 : i32
          %add3A_1319 = arith.addi %squeeze3A_1282, %add3A_1318 : i32
          %get3A_1320 = arith.index_cast %add3A_1280 : i32 to index
          %get3A_1321 = arith.index_cast %add3A_1319 : i32 to index
          %get3A_1322 = tpu.vector_load %arg12[%get3A_1320, %get3A_1321] {strides = array<i32>} : memref<128x128xf32, #tpu.memory_space<vmem>>, vector<16xf32>,
          %add3A_1323 = arith.constant 48 : i32
          %add3A_1324 = arith.addi %squeeze3A_1284, %add3A_1323 : i32
          %get3A_1325 = arith.index_cast %add3A_1280 : i32 to index
          %get3A_1326 = arith.index_cast %add3A_1324 : i32 to index
          %get3A_1327 = tpu.vector_load %arg14[%get3A_1325, %get3A_1326] {strides = array<i32>} : memref<128x128xf32, #tpu.memory_space<vmem>>, vector<16xf32>,
          %mul3A_1328 = arith.mulf %get3A_1322, %get3A_1327 : vector<16xf32>
          %add3A_1329 = arith.addf %mul3A_1295, %mul3A_1306 : vector<16xf32>
          %add3A_1330 = arith.addf %mul3A_1317, %mul3A_1328 : vector<16xf32>
          %add3A_1331 = arith.addf %add3A_1329, %add3A_1330 : vector<16xf32>
          %swap3A_1332 = arith.constant 238 : index
          %swap3A_1333 = tpu.vector_load %arg15[%swap3A_1332] {strides = array<i32>} : memref<272xf32, #tpu.memory_space<vmem>>, vector<16xf32>,
          tpu.vector_store %arg15[%swap3A_1332], %add3A_1331 {strides = array<i32>} : memref<272xf32, #tpu.memory_space<vmem>>, vector<16xf32>,
          %add3A_1334 = arith.constant 15 : i32
          %add3A_1335 = arith.addi %mul3A_487, %add3A_1334 : i32
          %slice3A_1336 = vector.extract_strided_slice %mul3A_498 {offsets = [15], sizes = [1], strides = [1]} : vector<16xi32> to vector<1xi32>
          %squeeze3A_1337 = vector.extract %slice3A_1336[0] : i32 from vector<1xi32>
          %slice3A_1338 = vector.extract_strided_slice %mul3A_510 {offsets = [15], sizes = [1], strides = [1]} : vector<16xi32> to vector<1xi32>
          %squeeze3A_1339 = vector.extract %slice3A_1338[0] : i32 from vector<1xi32>
          %add3A_1340 = arith.constant 0 : i32
          %add3A_1341 = arith.addi %squeeze3A_1337, %add3A_1340 : i32
          %get3A_1342 = arith.index_cast %add3A_1335 : i32 to index
          %get3A_1343 = arith.index_cast %add3A_1341 : i32 to index
          %get3A_1344 = tpu.vector_load %arg12[%get3A_1342, %get3A_1343] {strides = array<i32>} : memref<128x128xf32, #tpu.memory_space<vmem>>, vector<16xf32>,
          %add3A_1345 = arith.constant 0 : i32
          %add3A_1346 = arith.addi %squeeze3A_1339, %add3A_1345 : i32
          %get3A_1347 = arith.index_cast %add3A_1335 : i32 to index
          %get3A_1348 = arith.index_cast %add3A_1346 : i32 to index
          %get3A_1349 = tpu.vector_load %arg14[%get3A_1347, %get3A_1348] {strides = array<i32>} : memref<128x128xf32, #tpu.memory_space<vmem>>, vector<16xf32>,
          %mul3A_1350 = arith.mulf %get3A_1344, %get3A_1349 : vector<16xf32>
          %add3A_1351 = arith.constant 16 : i32
          %add3A_1352 = arith.addi %squeeze3A_1337, %add3A_1351 : i32
          %get3A_1353 = arith.index_cast %add3A_1335 : i32 to index
          %get3A_1354 = arith.index_cast %add3A_1352 : i32 to index
          %get3A_1355 = tpu.vector_load %arg12[%get3A_1353, %get3A_1354] {strides = array<i32>} : memref<128x128xf32, #tpu.memory_space<vmem>>, vector<16xf32>,
          %add3A_1356 = arith.constant 16 : i32
          %add3A_1357 = arith.addi %squeeze3A_1339, %add3A_1356 : i32
          %get3A_1358 = arith.index_cast %add3A_1335 : i32 to index
          %get3A_1359 = arith.index_cast %add3A_1357 : i32 to index
          %get3A_1360 = tpu.vector_load %arg14[%get3A_1358, %get3A_1359] {strides = array<i32>} : memref<128x128xf32, #tpu.memory_space<vmem>>, vector<16xf32>,
          %mul3A_1361 = arith.mulf %get3A_1355, %get3A_1360 : vector<16xf32>
          %add3A_1362 = arith.constant 32 : i32
          %add3A_1363 = arith.addi %squeeze3A_1337, %add3A_1362 : i32
          %get3A_1364 = arith.index_cast %add3A_1335 : i32 to index
          %get3A_1365 = arith.index_cast %add3A_1363 : i32 to index
          %get3A_1366 = tpu.vector_load %arg12[%get3A_1364, %get3A_1365] {strides = array<i32>} : memref<128x128xf32, #tpu.memory_space<vmem>>, vector<16xf32>,
          %add3A_1367 = arith.constant 32 : i32
          %add3A_1368 = arith.addi %squeeze3A_1339, %add3A_1367 : i32
          %get3A_1369 = arith.index_cast %add3A_1335 : i32 to index
          %get3A_1370 = arith.index_cast %add3A_1368 : i32 to index
          %get3A_1371 = tpu.vector_load %arg14[%get3A_1369, %get3A_1370] {strides = array<i32>} : memref<128x128xf32, #tpu.memory_space<vmem>>, vector<16xf32>,
          %mul3A_1372 = arith.mulf %get3A_1366, %get3A_1371 : vector<16xf32>
          %add3A_1373 = arith.constant 48 : i32
          %add3A_1374 = arith.addi %squeeze3A_1337, %add3A_1373 : i32
          %get3A_1375 = arith.index_cast %add3A_1335 : i32 to index
          %get3A_1376 = arith.index_cast %add3A_1374 : i32 to index
          %get3A_1377 = tpu.vector_load %arg12[%get3A_1375, %get3A_1376] {strides = array<i32>} : memref<128x128xf32, #tpu.memory_space<vmem>>, vector<16xf32>,
          %add3A_1378 = arith.constant 48 : i32
          %add3A_1379 = arith.addi %squeeze3A_1339, %add3A_1378 : i32
          %get3A_1380 = arith.index_cast %add3A_1335 : i32 to index
          %get3A_1381 = arith.index_cast %add3A_1379 : i32 to index
          %get3A_1382 = tpu.vector_load %arg14[%get3A_1380, %get3A_1381] {strides = array<i32>} : memref<128x128xf32, #tpu.memory_space<vmem>>, vector<16xf32>,
          %mul3A_1383 = arith.mulf %get3A_1377, %get3A_1382 : vector<16xf32>
          %add3A_1384 = arith.addf %mul3A_1350, %mul3A_1361 : vector<16xf32>
          %add3A_1385 = arith.addf %mul3A_1372, %mul3A_1383 : vector<16xf32>
          %add3A_1386 = arith.addf %add3A_1384, %add3A_1385 : vector<16xf32>
          %swap3A_1387 = arith.constant 255 : index
          %swap3A_1388 = tpu.vector_load %arg15[%swap3A_1387] {strides = array<i32>} : memref<272xf32, #tpu.memory_space<vmem>>, vector<16xf32>,
          tpu.vector_store %arg15[%swap3A_1387], %add3A_1386 {strides = array<i32>} : memref<272xf32, #tpu.memory_space<vmem>>, vector<16xf32>,
          %add3A_1389 = arith.constant 0 : i32
          %add3A_1390 = vector.broadcast %add3A_1389 : i32 to vector<16xi32>
          %add3A_1391 = arith.addi %mul3A_3, %add3A_1390 : vector<16xi32>
          %gather3A = tpu.vector_load_idx %arg15[%add3A_1391] : memref<272xf32, #tpu.memory_space<vmem>>[vector<16xi32>], vector<16xf32>,
          %add3A_1392 = arith.constant 1 : i32
          %add3A_1393 = vector.broadcast %add3A_1392 : i32 to vector<16xi32>
          %add3A_1394 = arith.addi %mul3A_3, %add3A_1393 : vector<16xi32>
          %gather3A_1395 = tpu.vector_load_idx %arg15[%add3A_1394] : memref<272xf32, #tpu.memory_space<vmem>>[vector<16xi32>], vector<16xf32>,
          %add3A_1396 = arith.constant 2 : i32
          %add3A_1397 = vector.broadcast %add3A_1396 : i32 to vector<16xi32>
          %add3A_1398 = arith.addi %mul3A_3, %add3A_1397 : vector<16xi32>
          %gather3A_1399 = tpu.vector_load_idx %arg15[%add3A_1398] : memref<272xf32, #tpu.memory_space<vmem>>[vector<16xi32>], vector<16xf32>,
          %add3A_1400 = arith.constant 3 : i32
          %add3A_1401 = vector.broadcast %add3A_1400 : i32 to vector<16xi32>
          %add3A_1402 = arith.addi %mul3A_3, %add3A_1401 : vector<16xi32>
          %gather3A_1403 = tpu.vector_load_idx %arg15[%add3A_1402] : memref<272xf32, #tpu.memory_space<vmem>>[vector<16xi32>], vector<16xf32>,
          %add3A_1404 = arith.constant 4 : i32
          %add3A_1405 = vector.broadcast %add3A_1404 : i32 to vector<16xi32>
          %add3A_1406 = arith.addi %mul3A_3, %add3A_1405 : vector<16xi32>
          %gather3A_1407 = tpu.vector_load_idx %arg15[%add3A_1406] : memref<272xf32, #tpu.memory_space<vmem>>[vector<16xi32>], vector<16xf32>,
          %add3A_1408 = arith.constant 5 : i32
          %add3A_1409 = vector.broadcast %add3A_1408 : i32 to vector<16xi32>
          %add3A_1410 = arith.addi %mul3A_3, %add3A_1409 : vector<16xi32>
          %gather3A_1411 = tpu.vector_load_idx %arg15[%add3A_1410] : memref<272xf32, #tpu.memory_space<vmem>>[vector<16xi32>], vector<16xf32>,
          %add3A_1412 = arith.constant 6 : i32
          %add3A_1413 = vector.broadcast %add3A_1412 : i32 to vector<16xi32>
          %add3A_1414 = arith.addi %mul3A_3, %add3A_1413 : vector<16xi32>
          %gather3A_1415 = tpu.vector_load_idx %arg15[%add3A_1414] : memref<272xf32, #tpu.memory_space<vmem>>[vector<16xi32>], vector<16xf32>,
          %add3A_1416 = arith.constant 7 : i32
          %add3A_1417 = vector.broadcast %add3A_1416 : i32 to vector<16xi32>
          %add3A_1418 = arith.addi %mul3A_3, %add3A_1417 : vector<16xi32>
          %gather3A_1419 = tpu.vector_load_idx %arg15[%add3A_1418] : memref<272xf32, #tpu.memory_space<vmem>>[vector<16xi32>], vector<16xf32>,
          %add3A_1420 = arith.constant 8 : i32
          %add3A_1421 = vector.broadcast %add3A_1420 : i32 to vector<16xi32>
          %add3A_1422 = arith.addi %mul3A_3, %add3A_1421 : vector<16xi32>
          %gather3A_1423 = tpu.vector_load_idx %arg15[%add3A_1422] : memref<272xf32, #tpu.memory_space<vmem>>[vector<16xi32>], vector<16xf32>,
          %add3A_1424 = arith.constant 9 : i32
          %add3A_1425 = vector.broadcast %add3A_1424 : i32 to vector<16xi32>
          %add3A_1426 = arith.addi %mul3A_3, %add3A_1425 : vector<16xi32>
          %gather3A_1427 = tpu.vector_load_idx %arg15[%add3A_1426] : memref<272xf32, #tpu.memory_space<vmem>>[vector<16xi32>], vector<16xf32>,
          %add3A_1428 = arith.constant 10 : i32
          %add3A_1429 = vector.broadcast %add3A_1428 : i32 to vector<16xi32>
          %add3A_1430 = arith.addi %mul3A_3, %add3A_1429 : vector<16xi32>
          %gather3A_1431 = tpu.vector_load_idx %arg15[%add3A_1430] : memref<272xf32, #tpu.memory_space<vmem>>[vector<16xi32>], vector<16xf32>,
          %add3A_1432 = arith.constant 11 : i32
          %add3A_1433 = vector.broadcast %add3A_1432 : i32 to vector<16xi32>
          %add3A_1434 = arith.addi %mul3A_3, %add3A_1433 : vector<16xi32>
          %gather3A_1435 = tpu.vector_load_idx %arg15[%add3A_1434] : memref<272xf32, #tpu.memory_space<vmem>>[vector<16xi32>], vector<16xf32>,
          %add3A_1436 = arith.constant 12 : i32
          %add3A_1437 = vector.broadcast %add3A_1436 : i32 to vector<16xi32>
          %add3A_1438 = arith.addi %mul3A_3, %add3A_1437 : vector<16xi32>
          %gather3A_1439 = tpu.vector_load_idx %arg15[%add3A_1438] : memref<272xf32, #tpu.memory_space<vmem>>[vector<16xi32>], vector<16xf32>,
          %add3A_1440 = arith.constant 13 : i32
          %add3A_1441 = vector.broadcast %add3A_1440 : i32 to vector<16xi32>
          %add3A_1442 = arith.addi %mul3A_3, %add3A_1441 : vector<16xi32>
          %gather3A_1443 = tpu.vector_load_idx %arg15[%add3A_1442] : memref<272xf32, #tpu.memory_space<vmem>>[vector<16xi32>], vector<16xf32>,
          %add3A_1444 = arith.constant 14 : i32
          %add3A_1445 = vector.broadcast %add3A_1444 : i32 to vector<16xi32>
          %add3A_1446 = arith.addi %mul3A_3, %add3A_1445 : vector<16xi32>
          %gather3A_1447 = tpu.vector_load_idx %arg15[%add3A_1446] : memref<272xf32, #tpu.memory_space<vmem>>[vector<16xi32>], vector<16xf32>,
          %add3A_1448 = arith.constant 15 : i32
          %add3A_1449 = vector.broadcast %add3A_1448 : i32 to vector<16xi32>
          %add3A_1450 = arith.addi %mul3A_3, %add3A_1449 : vector<16xi32>
          %gather3A_1451 = tpu.vector_load_idx %arg15[%add3A_1450] : memref<272xf32, #tpu.memory_space<vmem>>[vector<16xi32>], vector<16xf32>,
          %add3A_1452 = arith.addf %gather3A, %gather3A_1395 : vector<16xf32>
          %add3A_1453 = arith.addf %gather3A_1399, %gather3A_1403 : vector<16xf32>
          %add3A_1454 = arith.addf %gather3A_1407, %gather3A_1411 : vector<16xf32>
          %add3A_1455 = arith.addf %gather3A_1415, %gather3A_1419 : vector<16xf32>
          %add3A_1456 = arith.addf %gather3A_1423, %gather3A_1427 : vector<16xf32>
          %add3A_1457 = arith.addf %gather3A_1431, %gather3A_1435 : vector<16xf32>
          %add3A_1458 = arith.addf %gather3A_1439, %gather3A_1443 : vector<16xf32>
          %add3A_1459 = arith.addf %gather3A_1447, %gather3A_1451 : vector<16xf32>
          %add3A_1460 = arith.addf %add3A_1452, %add3A_1453 : vector<16xf32>
          %add3A_1461 = arith.addf %add3A_1454, %add3A_1455 : vector<16xf32>
          %add3A_1462 = arith.addf %add3A_1456, %add3A_1457 : vector<16xf32>
          %add3A_1463 = arith.addf %add3A_1458, %add3A_1459 : vector<16xf32>
          %add3A_1464 = arith.addf %add3A_1460, %add3A_1461 : vector<16xf32>
          %add3A_1465 = arith.addf %add3A_1462, %add3A_1463 : vector<16xf32>
          %add3A_1466 = arith.addf %add3A_1464, %add3A_1465 : vector<16xf32>
          %mul3A_1467 = arith.constant -1.000000e+00 : f32
          %mul3A_1468 = vector.broadcast %mul3A_1467 : f32 to vector<16xf32>
          %mul3A_1469 = arith.mulf %mul3A_1468, %add3A_1466 : vector<16xf32>
          %abs3A = math.absf %mul3A_1469 : vector<16xf32>
          %neg3A = arith.constant 0.000000e+00 : f32
          %neg3A_1470 = vector.broadcast %neg3A : f32 to vector<16xf32>
          %neg3A_1471 = arith.subf %neg3A_1470, %abs3A : vector<16xf32>
          %exp3A = math.exp %neg3A_1471 : vector<16xf32>
          %add3A_1472 = arith.constant 2.000000e+00 : f32
          %add3A_1473 = vector.broadcast %add3A_1472 : f32 to vector<16xf32>
          %add3A_1474 = arith.addf %add3A_1473, %exp3A : vector<16xf32>
          %div3A = arith.divf %exp3A, %add3A_1474 : vector<16xf32>
          %mul3A_1475 = arith.mulf %div3A, %div3A : vector<16xf32>
          %mul3A_1476 = arith.constant 0.0769230798 : f32
          %mul3A_1477 = vector.broadcast %mul3A_1476 : f32 to vector<16xf32>
          %mul3A_1478 = arith.mulf %mul3A_1477, %mul3A_1475 : vector<16xf32>
          %add3A_1479 = arith.constant 0.0909090936 : f32
          %add3A_1480 = vector.broadcast %add3A_1479 : f32 to vector<16xf32>
          %add3A_1481 = arith.addf %mul3A_1478, %add3A_1480 : vector<16xf32>
          %mul3A_1482 = arith.mulf %add3A_1481, %mul3A_1475 : vector<16xf32>
          %add3A_1483 = arith.constant 0.111111112 : f32
          %add3A_1484 = vector.broadcast %add3A_1483 : f32 to vector<16xf32>
          %add3A_1485 = arith.addf %mul3A_1482, %add3A_1484 : vector<16xf32>
          %mul3A_1486 = arith.mulf %add3A_1485, %mul3A_1475 : vector<16xf32>
          %add3A_1487 = arith.constant 0.142857149 : f32
          %add3A_1488 = vector.broadcast %add3A_1487 : f32 to vector<16xf32>
          %add3A_1489 = arith.addf %mul3A_1486, %add3A_1488 : vector<16xf32>
          %mul3A_1490 = arith.mulf %add3A_1489, %mul3A_1475 : vector<16xf32>
          %add3A_1491 = arith.constant 2.000000e-01 : f32
          %add3A_1492 = vector.broadcast %add3A_1491 : f32 to vector<16xf32>
          %add3A_1493 = arith.addf %mul3A_1490, %add3A_1492 : vector<16xf32>
          %mul3A_1494 = arith.mulf %add3A_1493, %mul3A_1475 : vector<16xf32>
          %add3A_1495 = arith.constant 0.333333343 : f32
          %add3A_1496 = vector.broadcast %add3A_1495 : f32 to vector<16xf32>
          %add3A_1497 = arith.addf %mul3A_1494, %add3A_1496 : vector<16xf32>
          %mul3A_1498 = arith.mulf %add3A_1497, %mul3A_1475 : vector<16xf32>
          %add3A_1499 = arith.constant 1.000000e+00 : f32
          %add3A_1500 = vector.broadcast %add3A_1499 : f32 to vector<16xf32>
          %add3A_1501 = arith.addf %mul3A_1498, %add3A_1500 : vector<16xf32>
          %min3A = arith.constant 0.000000e+00 : f32
          %min3A_1502 = vector.broadcast %min3A : f32 to vector<16xf32>
          %min3A_1503 = arith.minimumf %mul3A_1469, %min3A_1502 : vector<16xf32>
          %mul3A_1504 = arith.constant 2.000000e+00 : f32
          %mul3A_1505 = vector.broadcast %mul3A_1504 : f32 to vector<16xf32>
          %mul3A_1506 = arith.mulf %mul3A_1505, %div3A : vector<16xf32>
          %mul3A_1507 = arith.mulf %mul3A_1506, %add3A_1501 : vector<16xf32>
          %sub3A = arith.subf %min3A_1503, %mul3A_1507 : vector<16xf32>
          %add3A_1508 = arith.addf %scan3A_485, %sub3A : vector<16xf32>
          scf.yield %add3A_1508 : vector<16xf32>
        }
        %scan3A_476 = arith.constant 8 : i32
        %add3A_477 = arith.constant 3 : i32
        %add3A_478 = arith.addi %mul3A_444, %add3A_477 : i32
        %lt3A_479 = arith.constant 21 : i32
        %lt3A_480 = arith.cmpi slt, %add3A_478, %lt3A_479 : i32
        %convert_element_type3A_481 = arith.extui %lt3A_480 : i1 to i32
        %cond3A_482 = arith.constant 0 : i32
        %cond3A_483 = arith.cmpi ne, %convert_element_type3A_481, %cond3A_482 : i32
        scf.if %cond3A_483 {
          %add3A_484 = arith.constant 3 : i32
          %add3A_485 = arith.addi %mul3A_444, %add3A_484 : i32
          %get3A_486 = arith.constant 0 : i32
          %get3A_487 = tpu.memref_slice %arg8[%add3A_485, %get3A_486] : memref<21x128xi32, #tpu.memory_space<vmem>> -> memref<1x128xi32, #tpu.memory_space<vmem>>
          %get3A_488 = tpu.memref_squeeze %get3A_487 : memref<1x128xi32, #tpu.memory_space<vmem>> -> memref<128xi32, #tpu.memory_space<vmem>>
          %get3A_489 = arith.constant 0 : index
          %get3A_490 = tpu.vector_load %get3A_488[%get3A_489] {strides = array<i32>} : memref<128xi32, #tpu.memory_space<vmem>>, vector<16xi32>,
          %shift_right_arithmetic3A_491 = arith.constant 13 : i32
          %shift_right_arithmetic3A_492 = vector.broadcast %shift_right_arithmetic3A_491 : i32 to vector<16xi32>
          %shift_right_arithmetic3A_493 = arith.shrsi %get3A_490, %shift_right_arithmetic3A_492 : vector<16xi32>
          %shift_left3A_494 = arith.constant 12 : i32
          %shift_left3A_495 = vector.broadcast %shift_left3A_494 : i32 to vector<16xi32>
          %shift_left3A_496 = arith.shli %shift_right_arithmetic3A_493, %shift_left3A_495 : vector<16xi32>
          %and3A_497 = arith.constant 4095 : i32
          %and3A_498 = vector.broadcast %and3A_497 : i32 to vector<16xi32>
          %and3A_499 = arith.andi %get3A_490, %and3A_498 : vector<16xi32>
          %add3A_500 = arith.addi %shift_left3A_496, %and3A_499 : vector<16xi32>
          %swap3A_501 = arith.constant 0 : index
          %swap3A_502 = tpu.vector_load %arg11[%swap3A_501] {strides = array<i32>} : memref<128xi32, #tpu.memory_space<vmem>>, vector<16xi32>,
          tpu.vector_store %arg11[%swap3A_501], %add3A_500 {strides = array<i32>} : memref<128xi32, #tpu.memory_space<vmem>>, vector<16xi32>,
          %get3A_503 = arith.constant 0 : i32
          %get3A_504 = tpu.memref_slice %arg8[%add3A_485, %get3A_503] : memref<21x128xi32, #tpu.memory_space<vmem>> -> memref<1x128xi32, #tpu.memory_space<vmem>>
          %get3A_505 = tpu.memref_squeeze %get3A_504 : memref<1x128xi32, #tpu.memory_space<vmem>> -> memref<128xi32, #tpu.memory_space<vmem>>
          %get3A_506 = arith.constant 16 : index
          %get3A_507 = tpu.vector_load %get3A_505[%get3A_506] {strides = array<i32>} : memref<128xi32, #tpu.memory_space<vmem>>, vector<16xi32>,
          %shift_right_arithmetic3A_508 = arith.constant 13 : i32
          %shift_right_arithmetic3A_509 = vector.broadcast %shift_right_arithmetic3A_508 : i32 to vector<16xi32>
          %shift_right_arithmetic3A_510 = arith.shrsi %get3A_507, %shift_right_arithmetic3A_509 : vector<16xi32>
          %shift_left3A_511 = arith.constant 12 : i32
          %shift_left3A_512 = vector.broadcast %shift_left3A_511 : i32 to vector<16xi32>
          %shift_left3A_513 = arith.shli %shift_right_arithmetic3A_510, %shift_left3A_512 : vector<16xi32>
          %and3A_514 = arith.constant 4095 : i32
          %and3A_515 = vector.broadcast %and3A_514 : i32 to vector<16xi32>
          %and3A_516 = arith.andi %get3A_507, %and3A_515 : vector<16xi32>
          %add3A_517 = arith.addi %shift_left3A_513, %and3A_516 : vector<16xi32>
          %swap3A_518 = arith.constant 16 : index
          %swap3A_519 = tpu.vector_load %arg11[%swap3A_518] {strides = array<i32>} : memref<128xi32, #tpu.memory_space<vmem>>, vector<16xi32>,
          tpu.vector_store %arg11[%swap3A_518], %add3A_517 {strides = array<i32>} : memref<128xi32, #tpu.memory_space<vmem>>, vector<16xi32>,
          %get3A_520 = arith.constant 0 : i32
          %get3A_521 = tpu.memref_slice %arg8[%add3A_485, %get3A_520] : memref<21x128xi32, #tpu.memory_space<vmem>> -> memref<1x128xi32, #tpu.memory_space<vmem>>
          %get3A_522 = tpu.memref_squeeze %get3A_521 : memref<1x128xi32, #tpu.memory_space<vmem>> -> memref<128xi32, #tpu.memory_space<vmem>>
          %get3A_523 = arith.constant 32 : index
          %get3A_524 = tpu.vector_load %get3A_522[%get3A_523] {strides = array<i32>} : memref<128xi32, #tpu.memory_space<vmem>>, vector<16xi32>,
          %shift_right_arithmetic3A_525 = arith.constant 13 : i32
          %shift_right_arithmetic3A_526 = vector.broadcast %shift_right_arithmetic3A_525 : i32 to vector<16xi32>
          %shift_right_arithmetic3A_527 = arith.shrsi %get3A_524, %shift_right_arithmetic3A_526 : vector<16xi32>
          %shift_left3A_528 = arith.constant 12 : i32
          %shift_left3A_529 = vector.broadcast %shift_left3A_528 : i32 to vector<16xi32>
          %shift_left3A_530 = arith.shli %shift_right_arithmetic3A_527, %shift_left3A_529 : vector<16xi32>
          %and3A_531 = arith.constant 4095 : i32
          %and3A_532 = vector.broadcast %and3A_531 : i32 to vector<16xi32>
          %and3A_533 = arith.andi %get3A_524, %and3A_532 : vector<16xi32>
          %add3A_534 = arith.addi %shift_left3A_530, %and3A_533 : vector<16xi32>
          %swap3A_535 = arith.constant 32 : index
          %swap3A_536 = tpu.vector_load %arg11[%swap3A_535] {strides = array<i32>} : memref<128xi32, #tpu.memory_space<vmem>>, vector<16xi32>,
          tpu.vector_store %arg11[%swap3A_535], %add3A_534 {strides = array<i32>} : memref<128xi32, #tpu.memory_space<vmem>>, vector<16xi32>,
          %get3A_537 = arith.constant 0 : i32
          %get3A_538 = tpu.memref_slice %arg8[%add3A_485, %get3A_537] : memref<21x128xi32, #tpu.memory_space<vmem>> -> memref<1x128xi32, #tpu.memory_space<vmem>>
          %get3A_539 = tpu.memref_squeeze %get3A_538 : memref<1x128xi32, #tpu.memory_space<vmem>> -> memref<128xi32, #tpu.memory_space<vmem>>
          %get3A_540 = arith.constant 48 : index
          %get3A_541 = tpu.vector_load %get3A_539[%get3A_540] {strides = array<i32>} : memref<128xi32, #tpu.memory_space<vmem>>, vector<16xi32>,
          %shift_right_arithmetic3A_542 = arith.constant 13 : i32
          %shift_right_arithmetic3A_543 = vector.broadcast %shift_right_arithmetic3A_542 : i32 to vector<16xi32>
          %shift_right_arithmetic3A_544 = arith.shrsi %get3A_541, %shift_right_arithmetic3A_543 : vector<16xi32>
          %shift_left3A_545 = arith.constant 12 : i32
          %shift_left3A_546 = vector.broadcast %shift_left3A_545 : i32 to vector<16xi32>
          %shift_left3A_547 = arith.shli %shift_right_arithmetic3A_544, %shift_left3A_546 : vector<16xi32>
          %and3A_548 = arith.constant 4095 : i32
          %and3A_549 = vector.broadcast %and3A_548 : i32 to vector<16xi32>
          %and3A_550 = arith.andi %get3A_541, %and3A_549 : vector<16xi32>
          %add3A_551 = arith.addi %shift_left3A_547, %and3A_550 : vector<16xi32>
          %swap3A_552 = arith.constant 48 : index
          %swap3A_553 = tpu.vector_load %arg11[%swap3A_552] {strides = array<i32>} : memref<128xi32, #tpu.memory_space<vmem>>, vector<16xi32>,
          tpu.vector_store %arg11[%swap3A_552], %add3A_551 {strides = array<i32>} : memref<128xi32, #tpu.memory_space<vmem>>, vector<16xi32>,
          %get3A_554 = arith.constant 0 : i32
          %get3A_555 = tpu.memref_slice %arg8[%add3A_485, %get3A_554] : memref<21x128xi32, #tpu.memory_space<vmem>> -> memref<1x128xi32, #tpu.memory_space<vmem>>
          %get3A_556 = tpu.memref_squeeze %get3A_555 : memref<1x128xi32, #tpu.memory_space<vmem>> -> memref<128xi32, #tpu.memory_space<vmem>>
          %get3A_557 = arith.constant 64 : index
          %get3A_558 = tpu.vector_load %get3A_556[%get3A_557] {strides = array<i32>} : memref<128xi32, #tpu.memory_space<vmem>>, vector<16xi32>,
          %shift_right_arithmetic3A_559 = arith.constant 13 : i32
          %shift_right_arithmetic3A_560 = vector.broadcast %shift_right_arithmetic3A_559 : i32 to vector<16xi32>
          %shift_right_arithmetic3A_561 = arith.shrsi %get3A_558, %shift_right_arithmetic3A_560 : vector<16xi32>
          %shift_left3A_562 = arith.constant 12 : i32
          %shift_left3A_563 = vector.broadcast %shift_left3A_562 : i32 to vector<16xi32>
          %shift_left3A_564 = arith.shli %shift_right_arithmetic3A_561, %shift_left3A_563 : vector<16xi32>
          %and3A_565 = arith.constant 4095 : i32
          %and3A_566 = vector.broadcast %and3A_565 : i32 to vector<16xi32>
          %and3A_567 = arith.andi %get3A_558, %and3A_566 : vector<16xi32>
          %add3A_568 = arith.addi %shift_left3A_564, %and3A_567 : vector<16xi32>
          %swap3A_569 = arith.constant 64 : index
          %swap3A_570 = tpu.vector_load %arg11[%swap3A_569] {strides = array<i32>} : memref<128xi32, #tpu.memory_space<vmem>>, vector<16xi32>,
          tpu.vector_store %arg11[%swap3A_569], %add3A_568 {strides = array<i32>} : memref<128xi32, #tpu.memory_space<vmem>>, vector<16xi32>,
          %get3A_571 = arith.constant 0 : i32
          %get3A_572 = tpu.memref_slice %arg8[%add3A_485, %get3A_571] : memref<21x128xi32, #tpu.memory_space<vmem>> -> memref<1x128xi32, #tpu.memory_space<vmem>>
          %get3A_573 = tpu.memref_squeeze %get3A_572 : memref<1x128xi32, #tpu.memory_space<vmem>> -> memref<128xi32, #tpu.memory_space<vmem>>
          %get3A_574 = arith.constant 80 : index
          %get3A_575 = tpu.vector_load %get3A_573[%get3A_574] {strides = array<i32>} : memref<128xi32, #tpu.memory_space<vmem>>, vector<16xi32>,
          %shift_right_arithmetic3A_576 = arith.constant 13 : i32
          %shift_right_arithmetic3A_577 = vector.broadcast %shift_right_arithmetic3A_576 : i32 to vector<16xi32>
          %shift_right_arithmetic3A_578 = arith.shrsi %get3A_575, %shift_right_arithmetic3A_577 : vector<16xi32>
          %shift_left3A_579 = arith.constant 12 : i32
          %shift_left3A_580 = vector.broadcast %shift_left3A_579 : i32 to vector<16xi32>
          %shift_left3A_581 = arith.shli %shift_right_arithmetic3A_578, %shift_left3A_580 : vector<16xi32>
          %and3A_582 = arith.constant 4095 : i32
          %and3A_583 = vector.broadcast %and3A_582 : i32 to vector<16xi32>
          %and3A_584 = arith.andi %get3A_575, %and3A_583 : vector<16xi32>
          %add3A_585 = arith.addi %shift_left3A_581, %and3A_584 : vector<16xi32>
          %swap3A_586 = arith.constant 80 : index
          %swap3A_587 = tpu.vector_load %arg11[%swap3A_586] {strides = array<i32>} : memref<128xi32, #tpu.memory_space<vmem>>, vector<16xi32>,
          tpu.vector_store %arg11[%swap3A_586], %add3A_585 {strides = array<i32>} : memref<128xi32, #tpu.memory_space<vmem>>, vector<16xi32>,
          %get3A_588 = arith.constant 0 : i32
          %get3A_589 = tpu.memref_slice %arg8[%add3A_485, %get3A_588] : memref<21x128xi32, #tpu.memory_space<vmem>> -> memref<1x128xi32, #tpu.memory_space<vmem>>
          %get3A_590 = tpu.memref_squeeze %get3A_589 : memref<1x128xi32, #tpu.memory_space<vmem>> -> memref<128xi32, #tpu.memory_space<vmem>>
          %get3A_591 = arith.constant 96 : index
          %get3A_592 = tpu.vector_load %get3A_590[%get3A_591] {strides = array<i32>} : memref<128xi32, #tpu.memory_space<vmem>>, vector<16xi32>,
          %shift_right_arithmetic3A_593 = arith.constant 13 : i32
          %shift_right_arithmetic3A_594 = vector.broadcast %shift_right_arithmetic3A_593 : i32 to vector<16xi32>
          %shift_right_arithmetic3A_595 = arith.shrsi %get3A_592, %shift_right_arithmetic3A_594 : vector<16xi32>
          %shift_left3A_596 = arith.constant 12 : i32
          %shift_left3A_597 = vector.broadcast %shift_left3A_596 : i32 to vector<16xi32>
          %shift_left3A_598 = arith.shli %shift_right_arithmetic3A_595, %shift_left3A_597 : vector<16xi32>
          %and3A_599 = arith.constant 4095 : i32
          %and3A_600 = vector.broadcast %and3A_599 : i32 to vector<16xi32>
          %and3A_601 = arith.andi %get3A_592, %and3A_600 : vector<16xi32>
          %add3A_602 = arith.addi %shift_left3A_598, %and3A_601 : vector<16xi32>
          %swap3A_603 = arith.constant 96 : index
          %swap3A_604 = tpu.vector_load %arg11[%swap3A_603] {strides = array<i32>} : memref<128xi32, #tpu.memory_space<vmem>>, vector<16xi32>,
          tpu.vector_store %arg11[%swap3A_603], %add3A_602 {strides = array<i32>} : memref<128xi32, #tpu.memory_space<vmem>>, vector<16xi32>,
          %get3A_605 = arith.constant 0 : i32
          %get3A_606 = tpu.memref_slice %arg8[%add3A_485, %get3A_605] : memref<21x128xi32, #tpu.memory_space<vmem>> -> memref<1x128xi32, #tpu.memory_space<vmem>>
          %get3A_607 = tpu.memref_squeeze %get3A_606 : memref<1x128xi32, #tpu.memory_space<vmem>> -> memref<128xi32, #tpu.memory_space<vmem>>
          %get3A_608 = arith.constant 112 : index
          %get3A_609 = tpu.vector_load %get3A_607[%get3A_608] {strides = array<i32>} : memref<128xi32, #tpu.memory_space<vmem>>, vector<16xi32>,
          %shift_right_arithmetic3A_610 = arith.constant 13 : i32
          %shift_right_arithmetic3A_611 = vector.broadcast %shift_right_arithmetic3A_610 : i32 to vector<16xi32>
          %shift_right_arithmetic3A_612 = arith.shrsi %get3A_609, %shift_right_arithmetic3A_611 : vector<16xi32>
          %shift_left3A_613 = arith.constant 12 : i32
          %shift_left3A_614 = vector.broadcast %shift_left3A_613 : i32 to vector<16xi32>
          %shift_left3A_615 = arith.shli %shift_right_arithmetic3A_612, %shift_left3A_614 : vector<16xi32>
          %and3A_616 = arith.constant 4095 : i32
          %and3A_617 = vector.broadcast %and3A_616 : i32 to vector<16xi32>
          %and3A_618 = arith.andi %get3A_609, %and3A_617 : vector<16xi32>
          %add3A_619 = arith.addi %shift_left3A_615, %and3A_618 : vector<16xi32>
          %swap3A_620 = arith.constant 112 : index
          %swap3A_621 = tpu.vector_load %arg11[%swap3A_620] {strides = array<i32>} : memref<128xi32, #tpu.memory_space<vmem>>, vector<16xi32>,
          tpu.vector_store %arg11[%swap3A_620], %add3A_619 {strides = array<i32>} : memref<128xi32, #tpu.memory_space<vmem>>, vector<16xi32>,
          %dma_start3A_622 = arith.constant 0 : i32
          %dma_start3A_623 = arith.constant 0 : i32
          %dma_start3A_624 = tpu.memref_slice %arg5[%dma_start3A_622, %dma_start3A_623] : memref<503808x128xf32, #tpu.memory_space<hbm>> -> memref<503808x128xf32, #tpu.memory_space<hbm>>
          tpu.enqueue_indirect_dma source(%dma_start3A_624 : memref<503808x128xf32, #tpu.memory_space<hbm>>) target(%arg14 : memref<128x128xf32, #tpu.memory_space<vmem>>) offsets(%arg11 : memref<128xi32, #tpu.memory_space<vmem>>) semaphore(%arg19 : memref<!tpu.dma_semaphore, #tpu.memory_space<semaphore_mem>>)
        } else {
        }
        scf.yield %scan3A_475 : vector<16xf32>
      }
      %scan3A_427 = arith.constant 10 : i32
      %dma_wait3A_428 = arith.constant 0 : i32
      %dma_wait3A_429 = arith.constant 0 : i32
      %dma_wait3A_430 = tpu.memref_slice %arg5[%dma_wait3A_428, %dma_wait3A_429] : memref<503808x128xf32, #tpu.memory_space<hbm>> -> memref<128x128xf32, #tpu.memory_space<hbm>>
      %dma_wait3A_431 = arith.constant 0 : i32
      %dma_wait3A_432 = arith.constant 0 : i32
      %dma_wait3A_433 = tpu.memref_slice %arg5[%dma_wait3A_431, %dma_wait3A_432] : memref<503808x128xf32, #tpu.memory_space<hbm>> -> memref<128x128xf32, #tpu.memory_space<hbm>>
      tpu.wait_dma2 semaphore(%arg18 : memref<!tpu.dma_semaphore, #tpu.memory_space<semaphore_mem>>) src(%dma_wait3A_433 : memref<128x128xf32, #tpu.memory_space<hbm>>) dst(%arg13 : memref<128x128xf32, #tpu.memory_space<vmem>>)
      %scan3A_434 = arith.constant 20 : i32
      %scan3A_435 = arith.constant 0 : i32
      %scan3A_436 = arith.constant 8 : i32
      %scan3A_437 = arith.addi %scan3A_435, %scan3A_436 : i32
      %scan3A_438 = arith.constant 1 : i32
      %scan3A_439 = scf.for %scan3A_441 = %scan3A_435 to %scan3A_437 step %scan3A_438 iter_args(%scan3A_442 = %scan3A_426) -> (vector<16xf32>)  : i32 {
        %mul3A_443 = arith.constant 16 : i32
        %mul3A_444 = arith.muli %scan3A_441, %mul3A_443 : i32
        %get3A_445 = arith.index_cast %mul3A_444 : i32 to index
        %get3A_446 = tpu.vector_load %arg7[%get3A_445] {strides = array<i32>} : memref<128xi32, #tpu.memory_space<vmem>>, vector<16xi32>,
        %shift_right_arithmetic3A_447 = arith.constant 12 : i32
        %shift_right_arithmetic3A_448 = vector.broadcast %shift_right_arithmetic3A_447 : i32 to vector<16xi32>
        %shift_right_arithmetic3A_449 = arith.shrsi %get3A_446, %shift_right_arithmetic3A_448 : vector<16xi32>
        %and3A_450 = arith.constant 1 : i32
        %and3A_451 = vector.broadcast %and3A_450 : i32 to vector<16xi32>
        %and3A_452 = arith.andi %shift_right_arithmetic3A_449, %and3A_451 : vector<16xi32>
        %mul3A_453 = arith.constant 64 : i32
        %mul3A_454 = vector.broadcast %mul3A_453 : i32 to vector<16xi32>
        %mul3A_455 = arith.muli %and3A_452, %mul3A_454 : vector<16xi32>
        %get3A_456 = arith.index_cast %scan3A_434 : i32 to index
        %get3A_457 = arith.index_cast %mul3A_444 : i32 to index
        %get3A_458 = tpu.vector_load %arg8[%get3A_456, %get3A_457] {strides = array<i32>} : memref<21x128xi32, #tpu.memory_space<vmem>>, vector<16xi32>,
        %shift_right_arithmetic3A_459 = arith.constant 12 : i32
        %shift_right_arithmetic3A_460 = vector.broadcast %shift_right_arithmetic3A_459 : i32 to vector<16xi32>
        %shift_right_arithmetic3A_461 = arith.shrsi %get3A_458, %shift_right_arithmetic3A_460 : vector<16xi32>
        %and3A_462 = arith.constant 1 : i32
        %and3A_463 = vector.broadcast %and3A_462 : i32 to vector<16xi32>
        %and3A_464 = arith.andi %shift_right_arithmetic3A_461, %and3A_463 : vector<16xi32>
        %mul3A_465 = arith.constant 64 : i32
        %mul3A_466 = vector.broadcast %mul3A_465 : i32 to vector<16xi32>
        %mul3A_467 = arith.muli %and3A_464, %mul3A_466 : vector<16xi32>
        %add3A_468 = arith.constant 0 : i32
        %add3A_469 = arith.addi %mul3A_444, %add3A_468 : i32
        %slice3A = vector.extract_strided_slice %mul3A_455 {offsets = [0], sizes = [1], strides = [1]} : vector<16xi32> to vector<1xi32>
        %squeeze3A = vector.extract %slice3A[0] : i32 from vector<1xi32>
        %slice3A_470 = vector.extract_strided_slice %mul3A_467 {offsets = [0], sizes = [1], strides = [1]} : vector<16xi32> to vector<1xi32>
        %squeeze3A_471 = vector.extract %slice3A_470[0] : i32 from vector<1xi32>
        %add3A_472 = arith.constant 0 : i32
        %add3A_473 = arith.addi %squeeze3A, %add3A_472 : i32
        %get3A_474 = arith.index_cast %add3A_469 : i32 to index
        %get3A_475 = arith.index_cast %add3A_473 : i32 to index
        %get3A_476 = tpu.vector_load %arg12[%get3A_474, %get3A_475] {strides = array<i32>} : memref<128x128xf32, #tpu.memory_space<vmem>>, vector<16xf32>,
        %add3A_477 = arith.constant 0 : i32
        %add3A_478 = arith.addi %squeeze3A_471, %add3A_477 : i32
        %get3A_479 = arith.index_cast %add3A_469 : i32 to index
        %get3A_480 = arith.index_cast %add3A_478 : i32 to index
        %get3A_481 = tpu.vector_load %arg13[%get3A_479, %get3A_480] {strides = array<i32>} : memref<128x128xf32, #tpu.memory_space<vmem>>, vector<16xf32>,
        %mul3A_482 = arith.mulf %get3A_476, %get3A_481 : vector<16xf32>
        %add3A_483 = arith.constant 16 : i32
        %add3A_484 = arith.addi %squeeze3A, %add3A_483 : i32
        %get3A_485 = arith.index_cast %add3A_469 : i32 to index
        %get3A_486 = arith.index_cast %add3A_484 : i32 to index
        %get3A_487 = tpu.vector_load %arg12[%get3A_485, %get3A_486] {strides = array<i32>} : memref<128x128xf32, #tpu.memory_space<vmem>>, vector<16xf32>,
        %add3A_488 = arith.constant 16 : i32
        %add3A_489 = arith.addi %squeeze3A_471, %add3A_488 : i32
        %get3A_490 = arith.index_cast %add3A_469 : i32 to index
        %get3A_491 = arith.index_cast %add3A_489 : i32 to index
        %get3A_492 = tpu.vector_load %arg13[%get3A_490, %get3A_491] {strides = array<i32>} : memref<128x128xf32, #tpu.memory_space<vmem>>, vector<16xf32>,
        %mul3A_493 = arith.mulf %get3A_487, %get3A_492 : vector<16xf32>
        %add3A_494 = arith.constant 32 : i32
        %add3A_495 = arith.addi %squeeze3A, %add3A_494 : i32
        %get3A_496 = arith.index_cast %add3A_469 : i32 to index
        %get3A_497 = arith.index_cast %add3A_495 : i32 to index
        %get3A_498 = tpu.vector_load %arg12[%get3A_496, %get3A_497] {strides = array<i32>} : memref<128x128xf32, #tpu.memory_space<vmem>>, vector<16xf32>,
        %add3A_499 = arith.constant 32 : i32
        %add3A_500 = arith.addi %squeeze3A_471, %add3A_499 : i32
        %get3A_501 = arith.index_cast %add3A_469 : i32 to index
        %get3A_502 = arith.index_cast %add3A_500 : i32 to index
        %get3A_503 = tpu.vector_load %arg13[%get3A_501, %get3A_502] {strides = array<i32>} : memref<128x128xf32, #tpu.memory_space<vmem>>, vector<16xf32>,
        %mul3A_504 = arith.mulf %get3A_498, %get3A_503 : vector<16xf32>
        %add3A_505 = arith.constant 48 : i32
        %add3A_506 = arith.addi %squeeze3A, %add3A_505 : i32
        %get3A_507 = arith.index_cast %add3A_469 : i32 to index
        %get3A_508 = arith.index_cast %add3A_506 : i32 to index
        %get3A_509 = tpu.vector_load %arg12[%get3A_507, %get3A_508] {strides = array<i32>} : memref<128x128xf32, #tpu.memory_space<vmem>>, vector<16xf32>,
        %add3A_510 = arith.constant 48 : i32
        %add3A_511 = arith.addi %squeeze3A_471, %add3A_510 : i32
        %get3A_512 = arith.index_cast %add3A_469 : i32 to index
        %get3A_513 = arith.index_cast %add3A_511 : i32 to index
        %get3A_514 = tpu.vector_load %arg13[%get3A_512, %get3A_513] {strides = array<i32>} : memref<128x128xf32, #tpu.memory_space<vmem>>, vector<16xf32>,
        %mul3A_515 = arith.mulf %get3A_509, %get3A_514 : vector<16xf32>
        %add3A_516 = arith.addf %mul3A_482, %mul3A_493 : vector<16xf32>
        %add3A_517 = arith.addf %mul3A_504, %mul3A_515 : vector<16xf32>
        %add3A_518 = arith.addf %add3A_516, %add3A_517 : vector<16xf32>
        %swap3A_519 = arith.constant 0 : index
        %swap3A_520 = tpu.vector_load %arg15[%swap3A_519] {strides = array<i32>} : memref<272xf32, #tpu.memory_space<vmem>>, vector<16xf32>,
        tpu.vector_store %arg15[%swap3A_519], %add3A_518 {strides = array<i32>} : memref<272xf32, #tpu.memory_space<vmem>>, vector<16xf32>,
        %add3A_521 = arith.constant 1 : i32
        %add3A_522 = arith.addi %mul3A_444, %add3A_521 : i32
        %slice3A_523 = vector.extract_strided_slice %mul3A_455 {offsets = [1], sizes = [1], strides = [1]} : vector<16xi32> to vector<1xi32>
        %squeeze3A_524 = vector.extract %slice3A_523[0] : i32 from vector<1xi32>
        %slice3A_525 = vector.extract_strided_slice %mul3A_467 {offsets = [1], sizes = [1], strides = [1]} : vector<16xi32> to vector<1xi32>
        %squeeze3A_526 = vector.extract %slice3A_525[0] : i32 from vector<1xi32>
        %add3A_527 = arith.constant 0 : i32
        %add3A_528 = arith.addi %squeeze3A_524, %add3A_527 : i32
        %get3A_529 = arith.index_cast %add3A_522 : i32 to index
        %get3A_530 = arith.index_cast %add3A_528 : i32 to index
        %get3A_531 = tpu.vector_load %arg12[%get3A_529, %get3A_530] {strides = array<i32>} : memref<128x128xf32, #tpu.memory_space<vmem>>, vector<16xf32>,
        %add3A_532 = arith.constant 0 : i32
        %add3A_533 = arith.addi %squeeze3A_526, %add3A_532 : i32
        %get3A_534 = arith.index_cast %add3A_522 : i32 to index
        %get3A_535 = arith.index_cast %add3A_533 : i32 to index
        %get3A_536 = tpu.vector_load %arg13[%get3A_534, %get3A_535] {strides = array<i32>} : memref<128x128xf32, #tpu.memory_space<vmem>>, vector<16xf32>,
        %mul3A_537 = arith.mulf %get3A_531, %get3A_536 : vector<16xf32>
        %add3A_538 = arith.constant 16 : i32
        %add3A_539 = arith.addi %squeeze3A_524, %add3A_538 : i32
        %get3A_540 = arith.index_cast %add3A_522 : i32 to index
        %get3A_541 = arith.index_cast %add3A_539 : i32 to index
        %get3A_542 = tpu.vector_load %arg12[%get3A_540, %get3A_541] {strides = array<i32>} : memref<128x128xf32, #tpu.memory_space<vmem>>, vector<16xf32>,
        %add3A_543 = arith.constant 16 : i32
        %add3A_544 = arith.addi %squeeze3A_526, %add3A_543 : i32
        %get3A_545 = arith.index_cast %add3A_522 : i32 to index
        %get3A_546 = arith.index_cast %add3A_544 : i32 to index
        %get3A_547 = tpu.vector_load %arg13[%get3A_545, %get3A_546] {strides = array<i32>} : memref<128x128xf32, #tpu.memory_space<vmem>>, vector<16xf32>,
        %mul3A_548 = arith.mulf %get3A_542, %get3A_547 : vector<16xf32>
        %add3A_549 = arith.constant 32 : i32
        %add3A_550 = arith.addi %squeeze3A_524, %add3A_549 : i32
        %get3A_551 = arith.index_cast %add3A_522 : i32 to index
        %get3A_552 = arith.index_cast %add3A_550 : i32 to index
        %get3A_553 = tpu.vector_load %arg12[%get3A_551, %get3A_552] {strides = array<i32>} : memref<128x128xf32, #tpu.memory_space<vmem>>, vector<16xf32>,
        %add3A_554 = arith.constant 32 : i32
        %add3A_555 = arith.addi %squeeze3A_526, %add3A_554 : i32
        %get3A_556 = arith.index_cast %add3A_522 : i32 to index
        %get3A_557 = arith.index_cast %add3A_555 : i32 to index
        %get3A_558 = tpu.vector_load %arg13[%get3A_556, %get3A_557] {strides = array<i32>} : memref<128x128xf32, #tpu.memory_space<vmem>>, vector<16xf32>,
        %mul3A_559 = arith.mulf %get3A_553, %get3A_558 : vector<16xf32>
        %add3A_560 = arith.constant 48 : i32
        %add3A_561 = arith.addi %squeeze3A_524, %add3A_560 : i32
        %get3A_562 = arith.index_cast %add3A_522 : i32 to index
        %get3A_563 = arith.index_cast %add3A_561 : i32 to index
        %get3A_564 = tpu.vector_load %arg12[%get3A_562, %get3A_563] {strides = array<i32>} : memref<128x128xf32, #tpu.memory_space<vmem>>, vector<16xf32>,
        %add3A_565 = arith.constant 48 : i32
        %add3A_566 = arith.addi %squeeze3A_526, %add3A_565 : i32
        %get3A_567 = arith.index_cast %add3A_522 : i32 to index
        %get3A_568 = arith.index_cast %add3A_566 : i32 to index
        %get3A_569 = tpu.vector_load %arg13[%get3A_567, %get3A_568] {strides = array<i32>} : memref<128x128xf32, #tpu.memory_space<vmem>>, vector<16xf32>,
        %mul3A_570 = arith.mulf %get3A_564, %get3A_569 : vector<16xf32>
        %add3A_571 = arith.addf %mul3A_537, %mul3A_548 : vector<16xf32>
        %add3A_572 = arith.addf %mul3A_559, %mul3A_570 : vector<16xf32>
        %add3A_573 = arith.addf %add3A_571, %add3A_572 : vector<16xf32>
        %swap3A_574 = arith.constant 17 : index
        %swap3A_575 = tpu.vector_load %arg15[%swap3A_574] {strides = array<i32>} : memref<272xf32, #tpu.memory_space<vmem>>, vector<16xf32>,
        tpu.vector_store %arg15[%swap3A_574], %add3A_573 {strides = array<i32>} : memref<272xf32, #tpu.memory_space<vmem>>, vector<16xf32>,
        %add3A_576 = arith.constant 2 : i32
        %add3A_577 = arith.addi %mul3A_444, %add3A_576 : i32
        %slice3A_578 = vector.extract_strided_slice %mul3A_455 {offsets = [2], sizes = [1], strides = [1]} : vector<16xi32> to vector<1xi32>
        %squeeze3A_579 = vector.extract %slice3A_578[0] : i32 from vector<1xi32>
        %slice3A_580 = vector.extract_strided_slice %mul3A_467 {offsets = [2], sizes = [1], strides = [1]} : vector<16xi32> to vector<1xi32>
        %squeeze3A_581 = vector.extract %slice3A_580[0] : i32 from vector<1xi32>
        %add3A_582 = arith.constant 0 : i32
        %add3A_583 = arith.addi %squeeze3A_579, %add3A_582 : i32
        %get3A_584 = arith.index_cast %add3A_577 : i32 to index
        %get3A_585 = arith.index_cast %add3A_583 : i32 to index
        %get3A_586 = tpu.vector_load %arg12[%get3A_584, %get3A_585] {strides = array<i32>} : memref<128x128xf32, #tpu.memory_space<vmem>>, vector<16xf32>,
        %add3A_587 = arith.constant 0 : i32
        %add3A_588 = arith.addi %squeeze3A_581, %add3A_587 : i32
        %get3A_589 = arith.index_cast %add3A_577 : i32 to index
        %get3A_590 = arith.index_cast %add3A_588 : i32 to index
        %get3A_591 = tpu.vector_load %arg13[%get3A_589, %get3A_590] {strides = array<i32>} : memref<128x128xf32, #tpu.memory_space<vmem>>, vector<16xf32>,
        %mul3A_592 = arith.mulf %get3A_586, %get3A_591 : vector<16xf32>
        %add3A_593 = arith.constant 16 : i32
        %add3A_594 = arith.addi %squeeze3A_579, %add3A_593 : i32
        %get3A_595 = arith.index_cast %add3A_577 : i32 to index
        %get3A_596 = arith.index_cast %add3A_594 : i32 to index
        %get3A_597 = tpu.vector_load %arg12[%get3A_595, %get3A_596] {strides = array<i32>} : memref<128x128xf32, #tpu.memory_space<vmem>>, vector<16xf32>,
        %add3A_598 = arith.constant 16 : i32
        %add3A_599 = arith.addi %squeeze3A_581, %add3A_598 : i32
        %get3A_600 = arith.index_cast %add3A_577 : i32 to index
        %get3A_601 = arith.index_cast %add3A_599 : i32 to index
        %get3A_602 = tpu.vector_load %arg13[%get3A_600, %get3A_601] {strides = array<i32>} : memref<128x128xf32, #tpu.memory_space<vmem>>, vector<16xf32>,
        %mul3A_603 = arith.mulf %get3A_597, %get3A_602 : vector<16xf32>
        %add3A_604 = arith.constant 32 : i32
        %add3A_605 = arith.addi %squeeze3A_579, %add3A_604 : i32
        %get3A_606 = arith.index_cast %add3A_577 : i32 to index
        %get3A_607 = arith.index_cast %add3A_605 : i32 to index
        %get3A_608 = tpu.vector_load %arg12[%get3A_606, %get3A_607] {strides = array<i32>} : memref<128x128xf32, #tpu.memory_space<vmem>>, vector<16xf32>,
        %add3A_609 = arith.constant 32 : i32
        %add3A_610 = arith.addi %squeeze3A_581, %add3A_609 : i32
        %get3A_611 = arith.index_cast %add3A_577 : i32 to index
        %get3A_612 = arith.index_cast %add3A_610 : i32 to index
        %get3A_613 = tpu.vector_load %arg13[%get3A_611, %get3A_612] {strides = array<i32>} : memref<128x128xf32, #tpu.memory_space<vmem>>, vector<16xf32>,
        %mul3A_614 = arith.mulf %get3A_608, %get3A_613 : vector<16xf32>
        %add3A_615 = arith.constant 48 : i32
        %add3A_616 = arith.addi %squeeze3A_579, %add3A_615 : i32
        %get3A_617 = arith.index_cast %add3A_577 : i32 to index
        %get3A_618 = arith.index_cast %add3A_616 : i32 to index
        %get3A_619 = tpu.vector_load %arg12[%get3A_617, %get3A_618] {strides = array<i32>} : memref<128x128xf32, #tpu.memory_space<vmem>>, vector<16xf32>,
        %add3A_620 = arith.constant 48 : i32
        %add3A_621 = arith.addi %squeeze3A_581, %add3A_620 : i32
        %get3A_622 = arith.index_cast %add3A_577 : i32 to index
        %get3A_623 = arith.index_cast %add3A_621 : i32 to index
        %get3A_624 = tpu.vector_load %arg13[%get3A_622, %get3A_623] {strides = array<i32>} : memref<128x128xf32, #tpu.memory_space<vmem>>, vector<16xf32>,
        %mul3A_625 = arith.mulf %get3A_619, %get3A_624 : vector<16xf32>
        %add3A_626 = arith.addf %mul3A_592, %mul3A_603 : vector<16xf32>
        %add3A_627 = arith.addf %mul3A_614, %mul3A_625 : vector<16xf32>
        %add3A_628 = arith.addf %add3A_626, %add3A_627 : vector<16xf32>
        %swap3A_629 = arith.constant 34 : index
        %swap3A_630 = tpu.vector_load %arg15[%swap3A_629] {strides = array<i32>} : memref<272xf32, #tpu.memory_space<vmem>>, vector<16xf32>,
        tpu.vector_store %arg15[%swap3A_629], %add3A_628 {strides = array<i32>} : memref<272xf32, #tpu.memory_space<vmem>>, vector<16xf32>,
        %add3A_631 = arith.constant 3 : i32
        %add3A_632 = arith.addi %mul3A_444, %add3A_631 : i32
        %slice3A_633 = vector.extract_strided_slice %mul3A_455 {offsets = [3], sizes = [1], strides = [1]} : vector<16xi32> to vector<1xi32>
        %squeeze3A_634 = vector.extract %slice3A_633[0] : i32 from vector<1xi32>
        %slice3A_635 = vector.extract_strided_slice %mul3A_467 {offsets = [3], sizes = [1], strides = [1]} : vector<16xi32> to vector<1xi32>
        %squeeze3A_636 = vector.extract %slice3A_635[0] : i32 from vector<1xi32>
        %add3A_637 = arith.constant 0 : i32
        %add3A_638 = arith.addi %squeeze3A_634, %add3A_637 : i32
        %get3A_639 = arith.index_cast %add3A_632 : i32 to index
        %get3A_640 = arith.index_cast %add3A_638 : i32 to index
        %get3A_641 = tpu.vector_load %arg12[%get3A_639, %get3A_640] {strides = array<i32>} : memref<128x128xf32, #tpu.memory_space<vmem>>, vector<16xf32>,
        %add3A_642 = arith.constant 0 : i32
        %add3A_643 = arith.addi %squeeze3A_636, %add3A_642 : i32
        %get3A_644 = arith.index_cast %add3A_632 : i32 to index
        %get3A_645 = arith.index_cast %add3A_643 : i32 to index
        %get3A_646 = tpu.vector_load %arg13[%get3A_644, %get3A_645] {strides = array<i32>} : memref<128x128xf32, #tpu.memory_space<vmem>>, vector<16xf32>,
        %mul3A_647 = arith.mulf %get3A_641, %get3A_646 : vector<16xf32>
        %add3A_648 = arith.constant 16 : i32
        %add3A_649 = arith.addi %squeeze3A_634, %add3A_648 : i32
        %get3A_650 = arith.index_cast %add3A_632 : i32 to index
        %get3A_651 = arith.index_cast %add3A_649 : i32 to index
        %get3A_652 = tpu.vector_load %arg12[%get3A_650, %get3A_651] {strides = array<i32>} : memref<128x128xf32, #tpu.memory_space<vmem>>, vector<16xf32>,
        %add3A_653 = arith.constant 16 : i32
        %add3A_654 = arith.addi %squeeze3A_636, %add3A_653 : i32
        %get3A_655 = arith.index_cast %add3A_632 : i32 to index
        %get3A_656 = arith.index_cast %add3A_654 : i32 to index
        %get3A_657 = tpu.vector_load %arg13[%get3A_655, %get3A_656] {strides = array<i32>} : memref<128x128xf32, #tpu.memory_space<vmem>>, vector<16xf32>,
        %mul3A_658 = arith.mulf %get3A_652, %get3A_657 : vector<16xf32>
        %add3A_659 = arith.constant 32 : i32
        %add3A_660 = arith.addi %squeeze3A_634, %add3A_659 : i32
        %get3A_661 = arith.index_cast %add3A_632 : i32 to index
        %get3A_662 = arith.index_cast %add3A_660 : i32 to index
        %get3A_663 = tpu.vector_load %arg12[%get3A_661, %get3A_662] {strides = array<i32>} : memref<128x128xf32, #tpu.memory_space<vmem>>, vector<16xf32>,
        %add3A_664 = arith.constant 32 : i32
        %add3A_665 = arith.addi %squeeze3A_636, %add3A_664 : i32
        %get3A_666 = arith.index_cast %add3A_632 : i32 to index
        %get3A_667 = arith.index_cast %add3A_665 : i32 to index
        %get3A_668 = tpu.vector_load %arg13[%get3A_666, %get3A_667] {strides = array<i32>} : memref<128x128xf32, #tpu.memory_space<vmem>>, vector<16xf32>,
        %mul3A_669 = arith.mulf %get3A_663, %get3A_668 : vector<16xf32>
        %add3A_670 = arith.constant 48 : i32
        %add3A_671 = arith.addi %squeeze3A_634, %add3A_670 : i32
        %get3A_672 = arith.index_cast %add3A_632 : i32 to index
        %get3A_673 = arith.index_cast %add3A_671 : i32 to index
        %get3A_674 = tpu.vector_load %arg12[%get3A_672, %get3A_673] {strides = array<i32>} : memref<128x128xf32, #tpu.memory_space<vmem>>, vector<16xf32>,
        %add3A_675 = arith.constant 48 : i32
        %add3A_676 = arith.addi %squeeze3A_636, %add3A_675 : i32
        %get3A_677 = arith.index_cast %add3A_632 : i32 to index
        %get3A_678 = arith.index_cast %add3A_676 : i32 to index
        %get3A_679 = tpu.vector_load %arg13[%get3A_677, %get3A_678] {strides = array<i32>} : memref<128x128xf32, #tpu.memory_space<vmem>>, vector<16xf32>,
        %mul3A_680 = arith.mulf %get3A_674, %get3A_679 : vector<16xf32>
        %add3A_681 = arith.addf %mul3A_647, %mul3A_658 : vector<16xf32>
        %add3A_682 = arith.addf %mul3A_669, %mul3A_680 : vector<16xf32>
        %add3A_683 = arith.addf %add3A_681, %add3A_682 : vector<16xf32>
        %swap3A_684 = arith.constant 51 : index
        %swap3A_685 = tpu.vector_load %arg15[%swap3A_684] {strides = array<i32>} : memref<272xf32, #tpu.memory_space<vmem>>, vector<16xf32>,
        tpu.vector_store %arg15[%swap3A_684], %add3A_683 {strides = array<i32>} : memref<272xf32, #tpu.memory_space<vmem>>, vector<16xf32>,
        %add3A_686 = arith.constant 4 : i32
        %add3A_687 = arith.addi %mul3A_444, %add3A_686 : i32
        %slice3A_688 = vector.extract_strided_slice %mul3A_455 {offsets = [4], sizes = [1], strides = [1]} : vector<16xi32> to vector<1xi32>
        %squeeze3A_689 = vector.extract %slice3A_688[0] : i32 from vector<1xi32>
        %slice3A_690 = vector.extract_strided_slice %mul3A_467 {offsets = [4], sizes = [1], strides = [1]} : vector<16xi32> to vector<1xi32>
        %squeeze3A_691 = vector.extract %slice3A_690[0] : i32 from vector<1xi32>
        %add3A_692 = arith.constant 0 : i32
        %add3A_693 = arith.addi %squeeze3A_689, %add3A_692 : i32
        %get3A_694 = arith.index_cast %add3A_687 : i32 to index
        %get3A_695 = arith.index_cast %add3A_693 : i32 to index
        %get3A_696 = tpu.vector_load %arg12[%get3A_694, %get3A_695] {strides = array<i32>} : memref<128x128xf32, #tpu.memory_space<vmem>>, vector<16xf32>,
        %add3A_697 = arith.constant 0 : i32
        %add3A_698 = arith.addi %squeeze3A_691, %add3A_697 : i32
        %get3A_699 = arith.index_cast %add3A_687 : i32 to index
        %get3A_700 = arith.index_cast %add3A_698 : i32 to index
        %get3A_701 = tpu.vector_load %arg13[%get3A_699, %get3A_700] {strides = array<i32>} : memref<128x128xf32, #tpu.memory_space<vmem>>, vector<16xf32>,
        %mul3A_702 = arith.mulf %get3A_696, %get3A_701 : vector<16xf32>
        %add3A_703 = arith.constant 16 : i32
        %add3A_704 = arith.addi %squeeze3A_689, %add3A_703 : i32
        %get3A_705 = arith.index_cast %add3A_687 : i32 to index
        %get3A_706 = arith.index_cast %add3A_704 : i32 to index
        %get3A_707 = tpu.vector_load %arg12[%get3A_705, %get3A_706] {strides = array<i32>} : memref<128x128xf32, #tpu.memory_space<vmem>>, vector<16xf32>,
        %add3A_708 = arith.constant 16 : i32
        %add3A_709 = arith.addi %squeeze3A_691, %add3A_708 : i32
        %get3A_710 = arith.index_cast %add3A_687 : i32 to index
        %get3A_711 = arith.index_cast %add3A_709 : i32 to index
        %get3A_712 = tpu.vector_load %arg13[%get3A_710, %get3A_711] {strides = array<i32>} : memref<128x128xf32, #tpu.memory_space<vmem>>, vector<16xf32>,
        %mul3A_713 = arith.mulf %get3A_707, %get3A_712 : vector<16xf32>
        %add3A_714 = arith.constant 32 : i32
        %add3A_715 = arith.addi %squeeze3A_689, %add3A_714 : i32
        %get3A_716 = arith.index_cast %add3A_687 : i32 to index
        %get3A_717 = arith.index_cast %add3A_715 : i32 to index
        %get3A_718 = tpu.vector_load %arg12[%get3A_716, %get3A_717] {strides = array<i32>} : memref<128x128xf32, #tpu.memory_space<vmem>>, vector<16xf32>,
        %add3A_719 = arith.constant 32 : i32
        %add3A_720 = arith.addi %squeeze3A_691, %add3A_719 : i32
        %get3A_721 = arith.index_cast %add3A_687 : i32 to index
        %get3A_722 = arith.index_cast %add3A_720 : i32 to index
        %get3A_723 = tpu.vector_load %arg13[%get3A_721, %get3A_722] {strides = array<i32>} : memref<128x128xf32, #tpu.memory_space<vmem>>, vector<16xf32>,
        %mul3A_724 = arith.mulf %get3A_718, %get3A_723 : vector<16xf32>
        %add3A_725 = arith.constant 48 : i32
        %add3A_726 = arith.addi %squeeze3A_689, %add3A_725 : i32
        %get3A_727 = arith.index_cast %add3A_687 : i32 to index
        %get3A_728 = arith.index_cast %add3A_726 : i32 to index
        %get3A_729 = tpu.vector_load %arg12[%get3A_727, %get3A_728] {strides = array<i32>} : memref<128x128xf32, #tpu.memory_space<vmem>>, vector<16xf32>,
        %add3A_730 = arith.constant 48 : i32
        %add3A_731 = arith.addi %squeeze3A_691, %add3A_730 : i32
        %get3A_732 = arith.index_cast %add3A_687 : i32 to index
        %get3A_733 = arith.index_cast %add3A_731 : i32 to index
        %get3A_734 = tpu.vector_load %arg13[%get3A_732, %get3A_733] {strides = array<i32>} : memref<128x128xf32, #tpu.memory_space<vmem>>, vector<16xf32>,
        %mul3A_735 = arith.mulf %get3A_729, %get3A_734 : vector<16xf32>
        %add3A_736 = arith.addf %mul3A_702, %mul3A_713 : vector<16xf32>
        %add3A_737 = arith.addf %mul3A_724, %mul3A_735 : vector<16xf32>
        %add3A_738 = arith.addf %add3A_736, %add3A_737 : vector<16xf32>
        %swap3A_739 = arith.constant 68 : index
        %swap3A_740 = tpu.vector_load %arg15[%swap3A_739] {strides = array<i32>} : memref<272xf32, #tpu.memory_space<vmem>>, vector<16xf32>,
        tpu.vector_store %arg15[%swap3A_739], %add3A_738 {strides = array<i32>} : memref<272xf32, #tpu.memory_space<vmem>>, vector<16xf32>,
        %add3A_741 = arith.constant 5 : i32
        %add3A_742 = arith.addi %mul3A_444, %add3A_741 : i32
        %slice3A_743 = vector.extract_strided_slice %mul3A_455 {offsets = [5], sizes = [1], strides = [1]} : vector<16xi32> to vector<1xi32>
        %squeeze3A_744 = vector.extract %slice3A_743[0] : i32 from vector<1xi32>
        %slice3A_745 = vector.extract_strided_slice %mul3A_467 {offsets = [5], sizes = [1], strides = [1]} : vector<16xi32> to vector<1xi32>
        %squeeze3A_746 = vector.extract %slice3A_745[0] : i32 from vector<1xi32>
        %add3A_747 = arith.constant 0 : i32
        %add3A_748 = arith.addi %squeeze3A_744, %add3A_747 : i32
        %get3A_749 = arith.index_cast %add3A_742 : i32 to index
        %get3A_750 = arith.index_cast %add3A_748 : i32 to index
        %get3A_751 = tpu.vector_load %arg12[%get3A_749, %get3A_750] {strides = array<i32>} : memref<128x128xf32, #tpu.memory_space<vmem>>, vector<16xf32>,
        %add3A_752 = arith.constant 0 : i32
        %add3A_753 = arith.addi %squeeze3A_746, %add3A_752 : i32
        %get3A_754 = arith.index_cast %add3A_742 : i32 to index
        %get3A_755 = arith.index_cast %add3A_753 : i32 to index
        %get3A_756 = tpu.vector_load %arg13[%get3A_754, %get3A_755] {strides = array<i32>} : memref<128x128xf32, #tpu.memory_space<vmem>>, vector<16xf32>,
        %mul3A_757 = arith.mulf %get3A_751, %get3A_756 : vector<16xf32>
        %add3A_758 = arith.constant 16 : i32
        %add3A_759 = arith.addi %squeeze3A_744, %add3A_758 : i32
        %get3A_760 = arith.index_cast %add3A_742 : i32 to index
        %get3A_761 = arith.index_cast %add3A_759 : i32 to index
        %get3A_762 = tpu.vector_load %arg12[%get3A_760, %get3A_761] {strides = array<i32>} : memref<128x128xf32, #tpu.memory_space<vmem>>, vector<16xf32>,
        %add3A_763 = arith.constant 16 : i32
        %add3A_764 = arith.addi %squeeze3A_746, %add3A_763 : i32
        %get3A_765 = arith.index_cast %add3A_742 : i32 to index
        %get3A_766 = arith.index_cast %add3A_764 : i32 to index
        %get3A_767 = tpu.vector_load %arg13[%get3A_765, %get3A_766] {strides = array<i32>} : memref<128x128xf32, #tpu.memory_space<vmem>>, vector<16xf32>,
        %mul3A_768 = arith.mulf %get3A_762, %get3A_767 : vector<16xf32>
        %add3A_769 = arith.constant 32 : i32
        %add3A_770 = arith.addi %squeeze3A_744, %add3A_769 : i32
        %get3A_771 = arith.index_cast %add3A_742 : i32 to index
        %get3A_772 = arith.index_cast %add3A_770 : i32 to index
        %get3A_773 = tpu.vector_load %arg12[%get3A_771, %get3A_772] {strides = array<i32>} : memref<128x128xf32, #tpu.memory_space<vmem>>, vector<16xf32>,
        %add3A_774 = arith.constant 32 : i32
        %add3A_775 = arith.addi %squeeze3A_746, %add3A_774 : i32
        %get3A_776 = arith.index_cast %add3A_742 : i32 to index
        %get3A_777 = arith.index_cast %add3A_775 : i32 to index
        %get3A_778 = tpu.vector_load %arg13[%get3A_776, %get3A_777] {strides = array<i32>} : memref<128x128xf32, #tpu.memory_space<vmem>>, vector<16xf32>,
        %mul3A_779 = arith.mulf %get3A_773, %get3A_778 : vector<16xf32>
        %add3A_780 = arith.constant 48 : i32
        %add3A_781 = arith.addi %squeeze3A_744, %add3A_780 : i32
        %get3A_782 = arith.index_cast %add3A_742 : i32 to index
        %get3A_783 = arith.index_cast %add3A_781 : i32 to index
        %get3A_784 = tpu.vector_load %arg12[%get3A_782, %get3A_783] {strides = array<i32>} : memref<128x128xf32, #tpu.memory_space<vmem>>, vector<16xf32>,
        %add3A_785 = arith.constant 48 : i32
        %add3A_786 = arith.addi %squeeze3A_746, %add3A_785 : i32
        %get3A_787 = arith.index_cast %add3A_742 : i32 to index
        %get3A_788 = arith.index_cast %add3A_786 : i32 to index
        %get3A_789 = tpu.vector_load %arg13[%get3A_787, %get3A_788] {strides = array<i32>} : memref<128x128xf32, #tpu.memory_space<vmem>>, vector<16xf32>,
        %mul3A_790 = arith.mulf %get3A_784, %get3A_789 : vector<16xf32>
        %add3A_791 = arith.addf %mul3A_757, %mul3A_768 : vector<16xf32>
        %add3A_792 = arith.addf %mul3A_779, %mul3A_790 : vector<16xf32>
        %add3A_793 = arith.addf %add3A_791, %add3A_792 : vector<16xf32>
        %swap3A_794 = arith.constant 85 : index
        %swap3A_795 = tpu.vector_load %arg15[%swap3A_794] {strides = array<i32>} : memref<272xf32, #tpu.memory_space<vmem>>, vector<16xf32>,
        tpu.vector_store %arg15[%swap3A_794], %add3A_793 {strides = array<i32>} : memref<272xf32, #tpu.memory_space<vmem>>, vector<16xf32>,
        %add3A_796 = arith.constant 6 : i32
        %add3A_797 = arith.addi %mul3A_444, %add3A_796 : i32
        %slice3A_798 = vector.extract_strided_slice %mul3A_455 {offsets = [6], sizes = [1], strides = [1]} : vector<16xi32> to vector<1xi32>
        %squeeze3A_799 = vector.extract %slice3A_798[0] : i32 from vector<1xi32>
        %slice3A_800 = vector.extract_strided_slice %mul3A_467 {offsets = [6], sizes = [1], strides = [1]} : vector<16xi32> to vector<1xi32>
        %squeeze3A_801 = vector.extract %slice3A_800[0] : i32 from vector<1xi32>
        %add3A_802 = arith.constant 0 : i32
        %add3A_803 = arith.addi %squeeze3A_799, %add3A_802 : i32
        %get3A_804 = arith.index_cast %add3A_797 : i32 to index
        %get3A_805 = arith.index_cast %add3A_803 : i32 to index
        %get3A_806 = tpu.vector_load %arg12[%get3A_804, %get3A_805] {strides = array<i32>} : memref<128x128xf32, #tpu.memory_space<vmem>>, vector<16xf32>,
        %add3A_807 = arith.constant 0 : i32
        %add3A_808 = arith.addi %squeeze3A_801, %add3A_807 : i32
        %get3A_809 = arith.index_cast %add3A_797 : i32 to index
        %get3A_810 = arith.index_cast %add3A_808 : i32 to index
        %get3A_811 = tpu.vector_load %arg13[%get3A_809, %get3A_810] {strides = array<i32>} : memref<128x128xf32, #tpu.memory_space<vmem>>, vector<16xf32>,
        %mul3A_812 = arith.mulf %get3A_806, %get3A_811 : vector<16xf32>
        %add3A_813 = arith.constant 16 : i32
        %add3A_814 = arith.addi %squeeze3A_799, %add3A_813 : i32
        %get3A_815 = arith.index_cast %add3A_797 : i32 to index
        %get3A_816 = arith.index_cast %add3A_814 : i32 to index
        %get3A_817 = tpu.vector_load %arg12[%get3A_815, %get3A_816] {strides = array<i32>} : memref<128x128xf32, #tpu.memory_space<vmem>>, vector<16xf32>,
        %add3A_818 = arith.constant 16 : i32
        %add3A_819 = arith.addi %squeeze3A_801, %add3A_818 : i32
        %get3A_820 = arith.index_cast %add3A_797 : i32 to index
        %get3A_821 = arith.index_cast %add3A_819 : i32 to index
        %get3A_822 = tpu.vector_load %arg13[%get3A_820, %get3A_821] {strides = array<i32>} : memref<128x128xf32, #tpu.memory_space<vmem>>, vector<16xf32>,
        %mul3A_823 = arith.mulf %get3A_817, %get3A_822 : vector<16xf32>
        %add3A_824 = arith.constant 32 : i32
        %add3A_825 = arith.addi %squeeze3A_799, %add3A_824 : i32
        %get3A_826 = arith.index_cast %add3A_797 : i32 to index
        %get3A_827 = arith.index_cast %add3A_825 : i32 to index
        %get3A_828 = tpu.vector_load %arg12[%get3A_826, %get3A_827] {strides = array<i32>} : memref<128x128xf32, #tpu.memory_space<vmem>>, vector<16xf32>,
        %add3A_829 = arith.constant 32 : i32
        %add3A_830 = arith.addi %squeeze3A_801, %add3A_829 : i32
        %get3A_831 = arith.index_cast %add3A_797 : i32 to index
        %get3A_832 = arith.index_cast %add3A_830 : i32 to index
        %get3A_833 = tpu.vector_load %arg13[%get3A_831, %get3A_832] {strides = array<i32>} : memref<128x128xf32, #tpu.memory_space<vmem>>, vector<16xf32>,
        %mul3A_834 = arith.mulf %get3A_828, %get3A_833 : vector<16xf32>
        %add3A_835 = arith.constant 48 : i32
        %add3A_836 = arith.addi %squeeze3A_799, %add3A_835 : i32
        %get3A_837 = arith.index_cast %add3A_797 : i32 to index
        %get3A_838 = arith.index_cast %add3A_836 : i32 to index
        %get3A_839 = tpu.vector_load %arg12[%get3A_837, %get3A_838] {strides = array<i32>} : memref<128x128xf32, #tpu.memory_space<vmem>>, vector<16xf32>,
        %add3A_840 = arith.constant 48 : i32
        %add3A_841 = arith.addi %squeeze3A_801, %add3A_840 : i32
        %get3A_842 = arith.index_cast %add3A_797 : i32 to index
        %get3A_843 = arith.index_cast %add3A_841 : i32 to index
        %get3A_844 = tpu.vector_load %arg13[%get3A_842, %get3A_843] {strides = array<i32>} : memref<128x128xf32, #tpu.memory_space<vmem>>, vector<16xf32>,
        %mul3A_845 = arith.mulf %get3A_839, %get3A_844 : vector<16xf32>
        %add3A_846 = arith.addf %mul3A_812, %mul3A_823 : vector<16xf32>
        %add3A_847 = arith.addf %mul3A_834, %mul3A_845 : vector<16xf32>
        %add3A_848 = arith.addf %add3A_846, %add3A_847 : vector<16xf32>
        %swap3A_849 = arith.constant 102 : index
        %swap3A_850 = tpu.vector_load %arg15[%swap3A_849] {strides = array<i32>} : memref<272xf32, #tpu.memory_space<vmem>>, vector<16xf32>,
        tpu.vector_store %arg15[%swap3A_849], %add3A_848 {strides = array<i32>} : memref<272xf32, #tpu.memory_space<vmem>>, vector<16xf32>,
        %add3A_851 = arith.constant 7 : i32
        %add3A_852 = arith.addi %mul3A_444, %add3A_851 : i32
        %slice3A_853 = vector.extract_strided_slice %mul3A_455 {offsets = [7], sizes = [1], strides = [1]} : vector<16xi32> to vector<1xi32>
        %squeeze3A_854 = vector.extract %slice3A_853[0] : i32 from vector<1xi32>
        %slice3A_855 = vector.extract_strided_slice %mul3A_467 {offsets = [7], sizes = [1], strides = [1]} : vector<16xi32> to vector<1xi32>
        %squeeze3A_856 = vector.extract %slice3A_855[0] : i32 from vector<1xi32>
        %add3A_857 = arith.constant 0 : i32
        %add3A_858 = arith.addi %squeeze3A_854, %add3A_857 : i32
        %get3A_859 = arith.index_cast %add3A_852 : i32 to index
        %get3A_860 = arith.index_cast %add3A_858 : i32 to index
        %get3A_861 = tpu.vector_load %arg12[%get3A_859, %get3A_860] {strides = array<i32>} : memref<128x128xf32, #tpu.memory_space<vmem>>, vector<16xf32>,
        %add3A_862 = arith.constant 0 : i32
        %add3A_863 = arith.addi %squeeze3A_856, %add3A_862 : i32
        %get3A_864 = arith.index_cast %add3A_852 : i32 to index
        %get3A_865 = arith.index_cast %add3A_863 : i32 to index
        %get3A_866 = tpu.vector_load %arg13[%get3A_864, %get3A_865] {strides = array<i32>} : memref<128x128xf32, #tpu.memory_space<vmem>>, vector<16xf32>,
        %mul3A_867 = arith.mulf %get3A_861, %get3A_866 : vector<16xf32>
        %add3A_868 = arith.constant 16 : i32
        %add3A_869 = arith.addi %squeeze3A_854, %add3A_868 : i32
        %get3A_870 = arith.index_cast %add3A_852 : i32 to index
        %get3A_871 = arith.index_cast %add3A_869 : i32 to index
        %get3A_872 = tpu.vector_load %arg12[%get3A_870, %get3A_871] {strides = array<i32>} : memref<128x128xf32, #tpu.memory_space<vmem>>, vector<16xf32>,
        %add3A_873 = arith.constant 16 : i32
        %add3A_874 = arith.addi %squeeze3A_856, %add3A_873 : i32
        %get3A_875 = arith.index_cast %add3A_852 : i32 to index
        %get3A_876 = arith.index_cast %add3A_874 : i32 to index
        %get3A_877 = tpu.vector_load %arg13[%get3A_875, %get3A_876] {strides = array<i32>} : memref<128x128xf32, #tpu.memory_space<vmem>>, vector<16xf32>,
        %mul3A_878 = arith.mulf %get3A_872, %get3A_877 : vector<16xf32>
        %add3A_879 = arith.constant 32 : i32
        %add3A_880 = arith.addi %squeeze3A_854, %add3A_879 : i32
        %get3A_881 = arith.index_cast %add3A_852 : i32 to index
        %get3A_882 = arith.index_cast %add3A_880 : i32 to index
        %get3A_883 = tpu.vector_load %arg12[%get3A_881, %get3A_882] {strides = array<i32>} : memref<128x128xf32, #tpu.memory_space<vmem>>, vector<16xf32>,
        %add3A_884 = arith.constant 32 : i32
        %add3A_885 = arith.addi %squeeze3A_856, %add3A_884 : i32
        %get3A_886 = arith.index_cast %add3A_852 : i32 to index
        %get3A_887 = arith.index_cast %add3A_885 : i32 to index
        %get3A_888 = tpu.vector_load %arg13[%get3A_886, %get3A_887] {strides = array<i32>} : memref<128x128xf32, #tpu.memory_space<vmem>>, vector<16xf32>,
        %mul3A_889 = arith.mulf %get3A_883, %get3A_888 : vector<16xf32>
        %add3A_890 = arith.constant 48 : i32
        %add3A_891 = arith.addi %squeeze3A_854, %add3A_890 : i32
        %get3A_892 = arith.index_cast %add3A_852 : i32 to index
        %get3A_893 = arith.index_cast %add3A_891 : i32 to index
        %get3A_894 = tpu.vector_load %arg12[%get3A_892, %get3A_893] {strides = array<i32>} : memref<128x128xf32, #tpu.memory_space<vmem>>, vector<16xf32>,
        %add3A_895 = arith.constant 48 : i32
        %add3A_896 = arith.addi %squeeze3A_856, %add3A_895 : i32
        %get3A_897 = arith.index_cast %add3A_852 : i32 to index
        %get3A_898 = arith.index_cast %add3A_896 : i32 to index
        %get3A_899 = tpu.vector_load %arg13[%get3A_897, %get3A_898] {strides = array<i32>} : memref<128x128xf32, #tpu.memory_space<vmem>>, vector<16xf32>,
        %mul3A_900 = arith.mulf %get3A_894, %get3A_899 : vector<16xf32>
        %add3A_901 = arith.addf %mul3A_867, %mul3A_878 : vector<16xf32>
        %add3A_902 = arith.addf %mul3A_889, %mul3A_900 : vector<16xf32>
        %add3A_903 = arith.addf %add3A_901, %add3A_902 : vector<16xf32>
        %swap3A_904 = arith.constant 119 : index
        %swap3A_905 = tpu.vector_load %arg15[%swap3A_904] {strides = array<i32>} : memref<272xf32, #tpu.memory_space<vmem>>, vector<16xf32>,
        tpu.vector_store %arg15[%swap3A_904], %add3A_903 {strides = array<i32>} : memref<272xf32, #tpu.memory_space<vmem>>, vector<16xf32>,
        %add3A_906 = arith.constant 8 : i32
        %add3A_907 = arith.addi %mul3A_444, %add3A_906 : i32
        %slice3A_908 = vector.extract_strided_slice %mul3A_455 {offsets = [8], sizes = [1], strides = [1]} : vector<16xi32> to vector<1xi32>
        %squeeze3A_909 = vector.extract %slice3A_908[0] : i32 from vector<1xi32>
        %slice3A_910 = vector.extract_strided_slice %mul3A_467 {offsets = [8], sizes = [1], strides = [1]} : vector<16xi32> to vector<1xi32>
        %squeeze3A_911 = vector.extract %slice3A_910[0] : i32 from vector<1xi32>
        %add3A_912 = arith.constant 0 : i32
        %add3A_913 = arith.addi %squeeze3A_909, %add3A_912 : i32
        %get3A_914 = arith.index_cast %add3A_907 : i32 to index
        %get3A_915 = arith.index_cast %add3A_913 : i32 to index
        %get3A_916 = tpu.vector_load %arg12[%get3A_914, %get3A_915] {strides = array<i32>} : memref<128x128xf32, #tpu.memory_space<vmem>>, vector<16xf32>,
        %add3A_917 = arith.constant 0 : i32
        %add3A_918 = arith.addi %squeeze3A_911, %add3A_917 : i32
        %get3A_919 = arith.index_cast %add3A_907 : i32 to index
        %get3A_920 = arith.index_cast %add3A_918 : i32 to index
        %get3A_921 = tpu.vector_load %arg13[%get3A_919, %get3A_920] {strides = array<i32>} : memref<128x128xf32, #tpu.memory_space<vmem>>, vector<16xf32>,
        %mul3A_922 = arith.mulf %get3A_916, %get3A_921 : vector<16xf32>
        %add3A_923 = arith.constant 16 : i32
        %add3A_924 = arith.addi %squeeze3A_909, %add3A_923 : i32
        %get3A_925 = arith.index_cast %add3A_907 : i32 to index
        %get3A_926 = arith.index_cast %add3A_924 : i32 to index
        %get3A_927 = tpu.vector_load %arg12[%get3A_925, %get3A_926] {strides = array<i32>} : memref<128x128xf32, #tpu.memory_space<vmem>>, vector<16xf32>,
        %add3A_928 = arith.constant 16 : i32
        %add3A_929 = arith.addi %squeeze3A_911, %add3A_928 : i32
        %get3A_930 = arith.index_cast %add3A_907 : i32 to index
        %get3A_931 = arith.index_cast %add3A_929 : i32 to index
        %get3A_932 = tpu.vector_load %arg13[%get3A_930, %get3A_931] {strides = array<i32>} : memref<128x128xf32, #tpu.memory_space<vmem>>, vector<16xf32>,
        %mul3A_933 = arith.mulf %get3A_927, %get3A_932 : vector<16xf32>
        %add3A_934 = arith.constant 32 : i32
        %add3A_935 = arith.addi %squeeze3A_909, %add3A_934 : i32
        %get3A_936 = arith.index_cast %add3A_907 : i32 to index
        %get3A_937 = arith.index_cast %add3A_935 : i32 to index
        %get3A_938 = tpu.vector_load %arg12[%get3A_936, %get3A_937] {strides = array<i32>} : memref<128x128xf32, #tpu.memory_space<vmem>>, vector<16xf32>,
        %add3A_939 = arith.constant 32 : i32
        %add3A_940 = arith.addi %squeeze3A_911, %add3A_939 : i32
        %get3A_941 = arith.index_cast %add3A_907 : i32 to index
        %get3A_942 = arith.index_cast %add3A_940 : i32 to index
        %get3A_943 = tpu.vector_load %arg13[%get3A_941, %get3A_942] {strides = array<i32>} : memref<128x128xf32, #tpu.memory_space<vmem>>, vector<16xf32>,
        %mul3A_944 = arith.mulf %get3A_938, %get3A_943 : vector<16xf32>
        %add3A_945 = arith.constant 48 : i32
        %add3A_946 = arith.addi %squeeze3A_909, %add3A_945 : i32
        %get3A_947 = arith.index_cast %add3A_907 : i32 to index
        %get3A_948 = arith.index_cast %add3A_946 : i32 to index
        %get3A_949 = tpu.vector_load %arg12[%get3A_947, %get3A_948] {strides = array<i32>} : memref<128x128xf32, #tpu.memory_space<vmem>>, vector<16xf32>,
        %add3A_950 = arith.constant 48 : i32
        %add3A_951 = arith.addi %squeeze3A_911, %add3A_950 : i32
        %get3A_952 = arith.index_cast %add3A_907 : i32 to index
        %get3A_953 = arith.index_cast %add3A_951 : i32 to index
        %get3A_954 = tpu.vector_load %arg13[%get3A_952, %get3A_953] {strides = array<i32>} : memref<128x128xf32, #tpu.memory_space<vmem>>, vector<16xf32>,
        %mul3A_955 = arith.mulf %get3A_949, %get3A_954 : vector<16xf32>
        %add3A_956 = arith.addf %mul3A_922, %mul3A_933 : vector<16xf32>
        %add3A_957 = arith.addf %mul3A_944, %mul3A_955 : vector<16xf32>
        %add3A_958 = arith.addf %add3A_956, %add3A_957 : vector<16xf32>
        %swap3A_959 = arith.constant 136 : index
        %swap3A_960 = tpu.vector_load %arg15[%swap3A_959] {strides = array<i32>} : memref<272xf32, #tpu.memory_space<vmem>>, vector<16xf32>,
        tpu.vector_store %arg15[%swap3A_959], %add3A_958 {strides = array<i32>} : memref<272xf32, #tpu.memory_space<vmem>>, vector<16xf32>,
        %add3A_961 = arith.constant 9 : i32
        %add3A_962 = arith.addi %mul3A_444, %add3A_961 : i32
        %slice3A_963 = vector.extract_strided_slice %mul3A_455 {offsets = [9], sizes = [1], strides = [1]} : vector<16xi32> to vector<1xi32>
        %squeeze3A_964 = vector.extract %slice3A_963[0] : i32 from vector<1xi32>
        %slice3A_965 = vector.extract_strided_slice %mul3A_467 {offsets = [9], sizes = [1], strides = [1]} : vector<16xi32> to vector<1xi32>
        %squeeze3A_966 = vector.extract %slice3A_965[0] : i32 from vector<1xi32>
        %add3A_967 = arith.constant 0 : i32
        %add3A_968 = arith.addi %squeeze3A_964, %add3A_967 : i32
        %get3A_969 = arith.index_cast %add3A_962 : i32 to index
        %get3A_970 = arith.index_cast %add3A_968 : i32 to index
        %get3A_971 = tpu.vector_load %arg12[%get3A_969, %get3A_970] {strides = array<i32>} : memref<128x128xf32, #tpu.memory_space<vmem>>, vector<16xf32>,
        %add3A_972 = arith.constant 0 : i32
        %add3A_973 = arith.addi %squeeze3A_966, %add3A_972 : i32
        %get3A_974 = arith.index_cast %add3A_962 : i32 to index
        %get3A_975 = arith.index_cast %add3A_973 : i32 to index
        %get3A_976 = tpu.vector_load %arg13[%get3A_974, %get3A_975] {strides = array<i32>} : memref<128x128xf32, #tpu.memory_space<vmem>>, vector<16xf32>,
        %mul3A_977 = arith.mulf %get3A_971, %get3A_976 : vector<16xf32>
        %add3A_978 = arith.constant 16 : i32
        %add3A_979 = arith.addi %squeeze3A_964, %add3A_978 : i32
        %get3A_980 = arith.index_cast %add3A_962 : i32 to index
        %get3A_981 = arith.index_cast %add3A_979 : i32 to index
        %get3A_982 = tpu.vector_load %arg12[%get3A_980, %get3A_981] {strides = array<i32>} : memref<128x128xf32, #tpu.memory_space<vmem>>, vector<16xf32>,
        %add3A_983 = arith.constant 16 : i32
        %add3A_984 = arith.addi %squeeze3A_966, %add3A_983 : i32
        %get3A_985 = arith.index_cast %add3A_962 : i32 to index
        %get3A_986 = arith.index_cast %add3A_984 : i32 to index
        %get3A_987 = tpu.vector_load %arg13[%get3A_985, %get3A_986] {strides = array<i32>} : memref<128x128xf32, #tpu.memory_space<vmem>>, vector<16xf32>,
        %mul3A_988 = arith.mulf %get3A_982, %get3A_987 : vector<16xf32>
        %add3A_989 = arith.constant 32 : i32
        %add3A_990 = arith.addi %squeeze3A_964, %add3A_989 : i32
        %get3A_991 = arith.index_cast %add3A_962 : i32 to index
        %get3A_992 = arith.index_cast %add3A_990 : i32 to index
        %get3A_993 = tpu.vector_load %arg12[%get3A_991, %get3A_992] {strides = array<i32>} : memref<128x128xf32, #tpu.memory_space<vmem>>, vector<16xf32>,
        %add3A_994 = arith.constant 32 : i32
        %add3A_995 = arith.addi %squeeze3A_966, %add3A_994 : i32
        %get3A_996 = arith.index_cast %add3A_962 : i32 to index
        %get3A_997 = arith.index_cast %add3A_995 : i32 to index
        %get3A_998 = tpu.vector_load %arg13[%get3A_996, %get3A_997] {strides = array<i32>} : memref<128x128xf32, #tpu.memory_space<vmem>>, vector<16xf32>,
        %mul3A_999 = arith.mulf %get3A_993, %get3A_998 : vector<16xf32>
        %add3A_1000 = arith.constant 48 : i32
        %add3A_1001 = arith.addi %squeeze3A_964, %add3A_1000 : i32
        %get3A_1002 = arith.index_cast %add3A_962 : i32 to index
        %get3A_1003 = arith.index_cast %add3A_1001 : i32 to index
        %get3A_1004 = tpu.vector_load %arg12[%get3A_1002, %get3A_1003] {strides = array<i32>} : memref<128x128xf32, #tpu.memory_space<vmem>>, vector<16xf32>,
        %add3A_1005 = arith.constant 48 : i32
        %add3A_1006 = arith.addi %squeeze3A_966, %add3A_1005 : i32
        %get3A_1007 = arith.index_cast %add3A_962 : i32 to index
        %get3A_1008 = arith.index_cast %add3A_1006 : i32 to index
        %get3A_1009 = tpu.vector_load %arg13[%get3A_1007, %get3A_1008] {strides = array<i32>} : memref<128x128xf32, #tpu.memory_space<vmem>>, vector<16xf32>,
        %mul3A_1010 = arith.mulf %get3A_1004, %get3A_1009 : vector<16xf32>
        %add3A_1011 = arith.addf %mul3A_977, %mul3A_988 : vector<16xf32>
        %add3A_1012 = arith.addf %mul3A_999, %mul3A_1010 : vector<16xf32>
        %add3A_1013 = arith.addf %add3A_1011, %add3A_1012 : vector<16xf32>
        %swap3A_1014 = arith.constant 153 : index
        %swap3A_1015 = tpu.vector_load %arg15[%swap3A_1014] {strides = array<i32>} : memref<272xf32, #tpu.memory_space<vmem>>, vector<16xf32>,
        tpu.vector_store %arg15[%swap3A_1014], %add3A_1013 {strides = array<i32>} : memref<272xf32, #tpu.memory_space<vmem>>, vector<16xf32>,
        %add3A_1016 = arith.constant 10 : i32
        %add3A_1017 = arith.addi %mul3A_444, %add3A_1016 : i32
        %slice3A_1018 = vector.extract_strided_slice %mul3A_455 {offsets = [10], sizes = [1], strides = [1]} : vector<16xi32> to vector<1xi32>
        %squeeze3A_1019 = vector.extract %slice3A_1018[0] : i32 from vector<1xi32>
        %slice3A_1020 = vector.extract_strided_slice %mul3A_467 {offsets = [10], sizes = [1], strides = [1]} : vector<16xi32> to vector<1xi32>
        %squeeze3A_1021 = vector.extract %slice3A_1020[0] : i32 from vector<1xi32>
        %add3A_1022 = arith.constant 0 : i32
        %add3A_1023 = arith.addi %squeeze3A_1019, %add3A_1022 : i32
        %get3A_1024 = arith.index_cast %add3A_1017 : i32 to index
        %get3A_1025 = arith.index_cast %add3A_1023 : i32 to index
        %get3A_1026 = tpu.vector_load %arg12[%get3A_1024, %get3A_1025] {strides = array<i32>} : memref<128x128xf32, #tpu.memory_space<vmem>>, vector<16xf32>,
        %add3A_1027 = arith.constant 0 : i32
        %add3A_1028 = arith.addi %squeeze3A_1021, %add3A_1027 : i32
        %get3A_1029 = arith.index_cast %add3A_1017 : i32 to index
        %get3A_1030 = arith.index_cast %add3A_1028 : i32 to index
        %get3A_1031 = tpu.vector_load %arg13[%get3A_1029, %get3A_1030] {strides = array<i32>} : memref<128x128xf32, #tpu.memory_space<vmem>>, vector<16xf32>,
        %mul3A_1032 = arith.mulf %get3A_1026, %get3A_1031 : vector<16xf32>
        %add3A_1033 = arith.constant 16 : i32
        %add3A_1034 = arith.addi %squeeze3A_1019, %add3A_1033 : i32
        %get3A_1035 = arith.index_cast %add3A_1017 : i32 to index
        %get3A_1036 = arith.index_cast %add3A_1034 : i32 to index
        %get3A_1037 = tpu.vector_load %arg12[%get3A_1035, %get3A_1036] {strides = array<i32>} : memref<128x128xf32, #tpu.memory_space<vmem>>, vector<16xf32>,
        %add3A_1038 = arith.constant 16 : i32
        %add3A_1039 = arith.addi %squeeze3A_1021, %add3A_1038 : i32
        %get3A_1040 = arith.index_cast %add3A_1017 : i32 to index
        %get3A_1041 = arith.index_cast %add3A_1039 : i32 to index
        %get3A_1042 = tpu.vector_load %arg13[%get3A_1040, %get3A_1041] {strides = array<i32>} : memref<128x128xf32, #tpu.memory_space<vmem>>, vector<16xf32>,
        %mul3A_1043 = arith.mulf %get3A_1037, %get3A_1042 : vector<16xf32>
        %add3A_1044 = arith.constant 32 : i32
        %add3A_1045 = arith.addi %squeeze3A_1019, %add3A_1044 : i32
        %get3A_1046 = arith.index_cast %add3A_1017 : i32 to index
        %get3A_1047 = arith.index_cast %add3A_1045 : i32 to index
        %get3A_1048 = tpu.vector_load %arg12[%get3A_1046, %get3A_1047] {strides = array<i32>} : memref<128x128xf32, #tpu.memory_space<vmem>>, vector<16xf32>,
        %add3A_1049 = arith.constant 32 : i32
        %add3A_1050 = arith.addi %squeeze3A_1021, %add3A_1049 : i32
        %get3A_1051 = arith.index_cast %add3A_1017 : i32 to index
        %get3A_1052 = arith.index_cast %add3A_1050 : i32 to index
        %get3A_1053 = tpu.vector_load %arg13[%get3A_1051, %get3A_1052] {strides = array<i32>} : memref<128x128xf32, #tpu.memory_space<vmem>>, vector<16xf32>,
        %mul3A_1054 = arith.mulf %get3A_1048, %get3A_1053 : vector<16xf32>
        %add3A_1055 = arith.constant 48 : i32
        %add3A_1056 = arith.addi %squeeze3A_1019, %add3A_1055 : i32
        %get3A_1057 = arith.index_cast %add3A_1017 : i32 to index
        %get3A_1058 = arith.index_cast %add3A_1056 : i32 to index
        %get3A_1059 = tpu.vector_load %arg12[%get3A_1057, %get3A_1058] {strides = array<i32>} : memref<128x128xf32, #tpu.memory_space<vmem>>, vector<16xf32>,
        %add3A_1060 = arith.constant 48 : i32
        %add3A_1061 = arith.addi %squeeze3A_1021, %add3A_1060 : i32
        %get3A_1062 = arith.index_cast %add3A_1017 : i32 to index
        %get3A_1063 = arith.index_cast %add3A_1061 : i32 to index
        %get3A_1064 = tpu.vector_load %arg13[%get3A_1062, %get3A_1063] {strides = array<i32>} : memref<128x128xf32, #tpu.memory_space<vmem>>, vector<16xf32>,
        %mul3A_1065 = arith.mulf %get3A_1059, %get3A_1064 : vector<16xf32>
        %add3A_1066 = arith.addf %mul3A_1032, %mul3A_1043 : vector<16xf32>
        %add3A_1067 = arith.addf %mul3A_1054, %mul3A_1065 : vector<16xf32>
        %add3A_1068 = arith.addf %add3A_1066, %add3A_1067 : vector<16xf32>
        %swap3A_1069 = arith.constant 170 : index
        %swap3A_1070 = tpu.vector_load %arg15[%swap3A_1069] {strides = array<i32>} : memref<272xf32, #tpu.memory_space<vmem>>, vector<16xf32>,
        tpu.vector_store %arg15[%swap3A_1069], %add3A_1068 {strides = array<i32>} : memref<272xf32, #tpu.memory_space<vmem>>, vector<16xf32>,
        %add3A_1071 = arith.constant 11 : i32
        %add3A_1072 = arith.addi %mul3A_444, %add3A_1071 : i32
        %slice3A_1073 = vector.extract_strided_slice %mul3A_455 {offsets = [11], sizes = [1], strides = [1]} : vector<16xi32> to vector<1xi32>
        %squeeze3A_1074 = vector.extract %slice3A_1073[0] : i32 from vector<1xi32>
        %slice3A_1075 = vector.extract_strided_slice %mul3A_467 {offsets = [11], sizes = [1], strides = [1]} : vector<16xi32> to vector<1xi32>
        %squeeze3A_1076 = vector.extract %slice3A_1075[0] : i32 from vector<1xi32>
        %add3A_1077 = arith.constant 0 : i32
        %add3A_1078 = arith.addi %squeeze3A_1074, %add3A_1077 : i32
        %get3A_1079 = arith.index_cast %add3A_1072 : i32 to index
        %get3A_1080 = arith.index_cast %add3A_1078 : i32 to index
        %get3A_1081 = tpu.vector_load %arg12[%get3A_1079, %get3A_1080] {strides = array<i32>} : memref<128x128xf32, #tpu.memory_space<vmem>>, vector<16xf32>,
        %add3A_1082 = arith.constant 0 : i32
        %add3A_1083 = arith.addi %squeeze3A_1076, %add3A_1082 : i32
        %get3A_1084 = arith.index_cast %add3A_1072 : i32 to index
        %get3A_1085 = arith.index_cast %add3A_1083 : i32 to index
        %get3A_1086 = tpu.vector_load %arg13[%get3A_1084, %get3A_1085] {strides = array<i32>} : memref<128x128xf32, #tpu.memory_space<vmem>>, vector<16xf32>,
        %mul3A_1087 = arith.mulf %get3A_1081, %get3A_1086 : vector<16xf32>
        %add3A_1088 = arith.constant 16 : i32
        %add3A_1089 = arith.addi %squeeze3A_1074, %add3A_1088 : i32
        %get3A_1090 = arith.index_cast %add3A_1072 : i32 to index
        %get3A_1091 = arith.index_cast %add3A_1089 : i32 to index
        %get3A_1092 = tpu.vector_load %arg12[%get3A_1090, %get3A_1091] {strides = array<i32>} : memref<128x128xf32, #tpu.memory_space<vmem>>, vector<16xf32>,
        %add3A_1093 = arith.constant 16 : i32
        %add3A_1094 = arith.addi %squeeze3A_1076, %add3A_1093 : i32
        %get3A_1095 = arith.index_cast %add3A_1072 : i32 to index
        %get3A_1096 = arith.index_cast %add3A_1094 : i32 to index
        %get3A_1097 = tpu.vector_load %arg13[%get3A_1095, %get3A_1096] {strides = array<i32>} : memref<128x128xf32, #tpu.memory_space<vmem>>, vector<16xf32>,
        %mul3A_1098 = arith.mulf %get3A_1092, %get3A_1097 : vector<16xf32>
        %add3A_1099 = arith.constant 32 : i32
        %add3A_1100 = arith.addi %squeeze3A_1074, %add3A_1099 : i32
        %get3A_1101 = arith.index_cast %add3A_1072 : i32 to index
        %get3A_1102 = arith.index_cast %add3A_1100 : i32 to index
        %get3A_1103 = tpu.vector_load %arg12[%get3A_1101, %get3A_1102] {strides = array<i32>} : memref<128x128xf32, #tpu.memory_space<vmem>>, vector<16xf32>,
        %add3A_1104 = arith.constant 32 : i32
        %add3A_1105 = arith.addi %squeeze3A_1076, %add3A_1104 : i32
        %get3A_1106 = arith.index_cast %add3A_1072 : i32 to index
        %get3A_1107 = arith.index_cast %add3A_1105 : i32 to index
        %get3A_1108 = tpu.vector_load %arg13[%get3A_1106, %get3A_1107] {strides = array<i32>} : memref<128x128xf32, #tpu.memory_space<vmem>>, vector<16xf32>,
        %mul3A_1109 = arith.mulf %get3A_1103, %get3A_1108 : vector<16xf32>
        %add3A_1110 = arith.constant 48 : i32
        %add3A_1111 = arith.addi %squeeze3A_1074, %add3A_1110 : i32
        %get3A_1112 = arith.index_cast %add3A_1072 : i32 to index
        %get3A_1113 = arith.index_cast %add3A_1111 : i32 to index
        %get3A_1114 = tpu.vector_load %arg12[%get3A_1112, %get3A_1113] {strides = array<i32>} : memref<128x128xf32, #tpu.memory_space<vmem>>, vector<16xf32>,
        %add3A_1115 = arith.constant 48 : i32
        %add3A_1116 = arith.addi %squeeze3A_1076, %add3A_1115 : i32
        %get3A_1117 = arith.index_cast %add3A_1072 : i32 to index
        %get3A_1118 = arith.index_cast %add3A_1116 : i32 to index
        %get3A_1119 = tpu.vector_load %arg13[%get3A_1117, %get3A_1118] {strides = array<i32>} : memref<128x128xf32, #tpu.memory_space<vmem>>, vector<16xf32>,
        %mul3A_1120 = arith.mulf %get3A_1114, %get3A_1119 : vector<16xf32>
        %add3A_1121 = arith.addf %mul3A_1087, %mul3A_1098 : vector<16xf32>
        %add3A_1122 = arith.addf %mul3A_1109, %mul3A_1120 : vector<16xf32>
        %add3A_1123 = arith.addf %add3A_1121, %add3A_1122 : vector<16xf32>
        %swap3A_1124 = arith.constant 187 : index
        %swap3A_1125 = tpu.vector_load %arg15[%swap3A_1124] {strides = array<i32>} : memref<272xf32, #tpu.memory_space<vmem>>, vector<16xf32>,
        tpu.vector_store %arg15[%swap3A_1124], %add3A_1123 {strides = array<i32>} : memref<272xf32, #tpu.memory_space<vmem>>, vector<16xf32>,
        %add3A_1126 = arith.constant 12 : i32
        %add3A_1127 = arith.addi %mul3A_444, %add3A_1126 : i32
        %slice3A_1128 = vector.extract_strided_slice %mul3A_455 {offsets = [12], sizes = [1], strides = [1]} : vector<16xi32> to vector<1xi32>
        %squeeze3A_1129 = vector.extract %slice3A_1128[0] : i32 from vector<1xi32>
        %slice3A_1130 = vector.extract_strided_slice %mul3A_467 {offsets = [12], sizes = [1], strides = [1]} : vector<16xi32> to vector<1xi32>
        %squeeze3A_1131 = vector.extract %slice3A_1130[0] : i32 from vector<1xi32>
        %add3A_1132 = arith.constant 0 : i32
        %add3A_1133 = arith.addi %squeeze3A_1129, %add3A_1132 : i32
        %get3A_1134 = arith.index_cast %add3A_1127 : i32 to index
        %get3A_1135 = arith.index_cast %add3A_1133 : i32 to index
        %get3A_1136 = tpu.vector_load %arg12[%get3A_1134, %get3A_1135] {strides = array<i32>} : memref<128x128xf32, #tpu.memory_space<vmem>>, vector<16xf32>,
        %add3A_1137 = arith.constant 0 : i32
        %add3A_1138 = arith.addi %squeeze3A_1131, %add3A_1137 : i32
        %get3A_1139 = arith.index_cast %add3A_1127 : i32 to index
        %get3A_1140 = arith.index_cast %add3A_1138 : i32 to index
        %get3A_1141 = tpu.vector_load %arg13[%get3A_1139, %get3A_1140] {strides = array<i32>} : memref<128x128xf32, #tpu.memory_space<vmem>>, vector<16xf32>,
        %mul3A_1142 = arith.mulf %get3A_1136, %get3A_1141 : vector<16xf32>
        %add3A_1143 = arith.constant 16 : i32
        %add3A_1144 = arith.addi %squeeze3A_1129, %add3A_1143 : i32
        %get3A_1145 = arith.index_cast %add3A_1127 : i32 to index
        %get3A_1146 = arith.index_cast %add3A_1144 : i32 to index
        %get3A_1147 = tpu.vector_load %arg12[%get3A_1145, %get3A_1146] {strides = array<i32>} : memref<128x128xf32, #tpu.memory_space<vmem>>, vector<16xf32>,
        %add3A_1148 = arith.constant 16 : i32
        %add3A_1149 = arith.addi %squeeze3A_1131, %add3A_1148 : i32
        %get3A_1150 = arith.index_cast %add3A_1127 : i32 to index
        %get3A_1151 = arith.index_cast %add3A_1149 : i32 to index
        %get3A_1152 = tpu.vector_load %arg13[%get3A_1150, %get3A_1151] {strides = array<i32>} : memref<128x128xf32, #tpu.memory_space<vmem>>, vector<16xf32>,
        %mul3A_1153 = arith.mulf %get3A_1147, %get3A_1152 : vector<16xf32>
        %add3A_1154 = arith.constant 32 : i32
        %add3A_1155 = arith.addi %squeeze3A_1129, %add3A_1154 : i32
        %get3A_1156 = arith.index_cast %add3A_1127 : i32 to index
        %get3A_1157 = arith.index_cast %add3A_1155 : i32 to index
        %get3A_1158 = tpu.vector_load %arg12[%get3A_1156, %get3A_1157] {strides = array<i32>} : memref<128x128xf32, #tpu.memory_space<vmem>>, vector<16xf32>,
        %add3A_1159 = arith.constant 32 : i32
        %add3A_1160 = arith.addi %squeeze3A_1131, %add3A_1159 : i32
        %get3A_1161 = arith.index_cast %add3A_1127 : i32 to index
        %get3A_1162 = arith.index_cast %add3A_1160 : i32 to index
        %get3A_1163 = tpu.vector_load %arg13[%get3A_1161, %get3A_1162] {strides = array<i32>} : memref<128x128xf32, #tpu.memory_space<vmem>>, vector<16xf32>,
        %mul3A_1164 = arith.mulf %get3A_1158, %get3A_1163 : vector<16xf32>
        %add3A_1165 = arith.constant 48 : i32
        %add3A_1166 = arith.addi %squeeze3A_1129, %add3A_1165 : i32
        %get3A_1167 = arith.index_cast %add3A_1127 : i32 to index
        %get3A_1168 = arith.index_cast %add3A_1166 : i32 to index
        %get3A_1169 = tpu.vector_load %arg12[%get3A_1167, %get3A_1168] {strides = array<i32>} : memref<128x128xf32, #tpu.memory_space<vmem>>, vector<16xf32>,
        %add3A_1170 = arith.constant 48 : i32
        %add3A_1171 = arith.addi %squeeze3A_1131, %add3A_1170 : i32
        %get3A_1172 = arith.index_cast %add3A_1127 : i32 to index
        %get3A_1173 = arith.index_cast %add3A_1171 : i32 to index
        %get3A_1174 = tpu.vector_load %arg13[%get3A_1172, %get3A_1173] {strides = array<i32>} : memref<128x128xf32, #tpu.memory_space<vmem>>, vector<16xf32>,
        %mul3A_1175 = arith.mulf %get3A_1169, %get3A_1174 : vector<16xf32>
        %add3A_1176 = arith.addf %mul3A_1142, %mul3A_1153 : vector<16xf32>
        %add3A_1177 = arith.addf %mul3A_1164, %mul3A_1175 : vector<16xf32>
        %add3A_1178 = arith.addf %add3A_1176, %add3A_1177 : vector<16xf32>
        %swap3A_1179 = arith.constant 204 : index
        %swap3A_1180 = tpu.vector_load %arg15[%swap3A_1179] {strides = array<i32>} : memref<272xf32, #tpu.memory_space<vmem>>, vector<16xf32>,
        tpu.vector_store %arg15[%swap3A_1179], %add3A_1178 {strides = array<i32>} : memref<272xf32, #tpu.memory_space<vmem>>, vector<16xf32>,
        %add3A_1181 = arith.constant 13 : i32
        %add3A_1182 = arith.addi %mul3A_444, %add3A_1181 : i32
        %slice3A_1183 = vector.extract_strided_slice %mul3A_455 {offsets = [13], sizes = [1], strides = [1]} : vector<16xi32> to vector<1xi32>
        %squeeze3A_1184 = vector.extract %slice3A_1183[0] : i32 from vector<1xi32>
        %slice3A_1185 = vector.extract_strided_slice %mul3A_467 {offsets = [13], sizes = [1], strides = [1]} : vector<16xi32> to vector<1xi32>
        %squeeze3A_1186 = vector.extract %slice3A_1185[0] : i32 from vector<1xi32>
        %add3A_1187 = arith.constant 0 : i32
        %add3A_1188 = arith.addi %squeeze3A_1184, %add3A_1187 : i32
        %get3A_1189 = arith.index_cast %add3A_1182 : i32 to index
        %get3A_1190 = arith.index_cast %add3A_1188 : i32 to index
        %get3A_1191 = tpu.vector_load %arg12[%get3A_1189, %get3A_1190] {strides = array<i32>} : memref<128x128xf32, #tpu.memory_space<vmem>>, vector<16xf32>,
        %add3A_1192 = arith.constant 0 : i32
        %add3A_1193 = arith.addi %squeeze3A_1186, %add3A_1192 : i32
        %get3A_1194 = arith.index_cast %add3A_1182 : i32 to index
        %get3A_1195 = arith.index_cast %add3A_1193 : i32 to index
        %get3A_1196 = tpu.vector_load %arg13[%get3A_1194, %get3A_1195] {strides = array<i32>} : memref<128x128xf32, #tpu.memory_space<vmem>>, vector<16xf32>,
        %mul3A_1197 = arith.mulf %get3A_1191, %get3A_1196 : vector<16xf32>
        %add3A_1198 = arith.constant 16 : i32
        %add3A_1199 = arith.addi %squeeze3A_1184, %add3A_1198 : i32
        %get3A_1200 = arith.index_cast %add3A_1182 : i32 to index
        %get3A_1201 = arith.index_cast %add3A_1199 : i32 to index
        %get3A_1202 = tpu.vector_load %arg12[%get3A_1200, %get3A_1201] {strides = array<i32>} : memref<128x128xf32, #tpu.memory_space<vmem>>, vector<16xf32>,
        %add3A_1203 = arith.constant 16 : i32
        %add3A_1204 = arith.addi %squeeze3A_1186, %add3A_1203 : i32
        %get3A_1205 = arith.index_cast %add3A_1182 : i32 to index
        %get3A_1206 = arith.index_cast %add3A_1204 : i32 to index
        %get3A_1207 = tpu.vector_load %arg13[%get3A_1205, %get3A_1206] {strides = array<i32>} : memref<128x128xf32, #tpu.memory_space<vmem>>, vector<16xf32>,
        %mul3A_1208 = arith.mulf %get3A_1202, %get3A_1207 : vector<16xf32>
        %add3A_1209 = arith.constant 32 : i32
        %add3A_1210 = arith.addi %squeeze3A_1184, %add3A_1209 : i32
        %get3A_1211 = arith.index_cast %add3A_1182 : i32 to index
        %get3A_1212 = arith.index_cast %add3A_1210 : i32 to index
        %get3A_1213 = tpu.vector_load %arg12[%get3A_1211, %get3A_1212] {strides = array<i32>} : memref<128x128xf32, #tpu.memory_space<vmem>>, vector<16xf32>,
        %add3A_1214 = arith.constant 32 : i32
        %add3A_1215 = arith.addi %squeeze3A_1186, %add3A_1214 : i32
        %get3A_1216 = arith.index_cast %add3A_1182 : i32 to index
        %get3A_1217 = arith.index_cast %add3A_1215 : i32 to index
        %get3A_1218 = tpu.vector_load %arg13[%get3A_1216, %get3A_1217] {strides = array<i32>} : memref<128x128xf32, #tpu.memory_space<vmem>>, vector<16xf32>,
        %mul3A_1219 = arith.mulf %get3A_1213, %get3A_1218 : vector<16xf32>
        %add3A_1220 = arith.constant 48 : i32
        %add3A_1221 = arith.addi %squeeze3A_1184, %add3A_1220 : i32
        %get3A_1222 = arith.index_cast %add3A_1182 : i32 to index
        %get3A_1223 = arith.index_cast %add3A_1221 : i32 to index
        %get3A_1224 = tpu.vector_load %arg12[%get3A_1222, %get3A_1223] {strides = array<i32>} : memref<128x128xf32, #tpu.memory_space<vmem>>, vector<16xf32>,
        %add3A_1225 = arith.constant 48 : i32
        %add3A_1226 = arith.addi %squeeze3A_1186, %add3A_1225 : i32
        %get3A_1227 = arith.index_cast %add3A_1182 : i32 to index
        %get3A_1228 = arith.index_cast %add3A_1226 : i32 to index
        %get3A_1229 = tpu.vector_load %arg13[%get3A_1227, %get3A_1228] {strides = array<i32>} : memref<128x128xf32, #tpu.memory_space<vmem>>, vector<16xf32>,
        %mul3A_1230 = arith.mulf %get3A_1224, %get3A_1229 : vector<16xf32>
        %add3A_1231 = arith.addf %mul3A_1197, %mul3A_1208 : vector<16xf32>
        %add3A_1232 = arith.addf %mul3A_1219, %mul3A_1230 : vector<16xf32>
        %add3A_1233 = arith.addf %add3A_1231, %add3A_1232 : vector<16xf32>
        %swap3A_1234 = arith.constant 221 : index
        %swap3A_1235 = tpu.vector_load %arg15[%swap3A_1234] {strides = array<i32>} : memref<272xf32, #tpu.memory_space<vmem>>, vector<16xf32>,
        tpu.vector_store %arg15[%swap3A_1234], %add3A_1233 {strides = array<i32>} : memref<272xf32, #tpu.memory_space<vmem>>, vector<16xf32>,
        %add3A_1236 = arith.constant 14 : i32
        %add3A_1237 = arith.addi %mul3A_444, %add3A_1236 : i32
        %slice3A_1238 = vector.extract_strided_slice %mul3A_455 {offsets = [14], sizes = [1], strides = [1]} : vector<16xi32> to vector<1xi32>
        %squeeze3A_1239 = vector.extract %slice3A_1238[0] : i32 from vector<1xi32>
        %slice3A_1240 = vector.extract_strided_slice %mul3A_467 {offsets = [14], sizes = [1], strides = [1]} : vector<16xi32> to vector<1xi32>
        %squeeze3A_1241 = vector.extract %slice3A_1240[0] : i32 from vector<1xi32>
        %add3A_1242 = arith.constant 0 : i32
        %add3A_1243 = arith.addi %squeeze3A_1239, %add3A_1242 : i32
        %get3A_1244 = arith.index_cast %add3A_1237 : i32 to index
        %get3A_1245 = arith.index_cast %add3A_1243 : i32 to index
        %get3A_1246 = tpu.vector_load %arg12[%get3A_1244, %get3A_1245] {strides = array<i32>} : memref<128x128xf32, #tpu.memory_space<vmem>>, vector<16xf32>,
        %add3A_1247 = arith.constant 0 : i32
        %add3A_1248 = arith.addi %squeeze3A_1241, %add3A_1247 : i32
        %get3A_1249 = arith.index_cast %add3A_1237 : i32 to index
        %get3A_1250 = arith.index_cast %add3A_1248 : i32 to index
        %get3A_1251 = tpu.vector_load %arg13[%get3A_1249, %get3A_1250] {strides = array<i32>} : memref<128x128xf32, #tpu.memory_space<vmem>>, vector<16xf32>,
        %mul3A_1252 = arith.mulf %get3A_1246, %get3A_1251 : vector<16xf32>
        %add3A_1253 = arith.constant 16 : i32
        %add3A_1254 = arith.addi %squeeze3A_1239, %add3A_1253 : i32
        %get3A_1255 = arith.index_cast %add3A_1237 : i32 to index
        %get3A_1256 = arith.index_cast %add3A_1254 : i32 to index
        %get3A_1257 = tpu.vector_load %arg12[%get3A_1255, %get3A_1256] {strides = array<i32>} : memref<128x128xf32, #tpu.memory_space<vmem>>, vector<16xf32>,
        %add3A_1258 = arith.constant 16 : i32
        %add3A_1259 = arith.addi %squeeze3A_1241, %add3A_1258 : i32
        %get3A_1260 = arith.index_cast %add3A_1237 : i32 to index
        %get3A_1261 = arith.index_cast %add3A_1259 : i32 to index
        %get3A_1262 = tpu.vector_load %arg13[%get3A_1260, %get3A_1261] {strides = array<i32>} : memref<128x128xf32, #tpu.memory_space<vmem>>, vector<16xf32>,
        %mul3A_1263 = arith.mulf %get3A_1257, %get3A_1262 : vector<16xf32>
        %add3A_1264 = arith.constant 32 : i32
        %add3A_1265 = arith.addi %squeeze3A_1239, %add3A_1264 : i32
        %get3A_1266 = arith.index_cast %add3A_1237 : i32 to index
        %get3A_1267 = arith.index_cast %add3A_1265 : i32 to index
        %get3A_1268 = tpu.vector_load %arg12[%get3A_1266, %get3A_1267] {strides = array<i32>} : memref<128x128xf32, #tpu.memory_space<vmem>>, vector<16xf32>,
        %add3A_1269 = arith.constant 32 : i32
        %add3A_1270 = arith.addi %squeeze3A_1241, %add3A_1269 : i32
        %get3A_1271 = arith.index_cast %add3A_1237 : i32 to index
        %get3A_1272 = arith.index_cast %add3A_1270 : i32 to index
        %get3A_1273 = tpu.vector_load %arg13[%get3A_1271, %get3A_1272] {strides = array<i32>} : memref<128x128xf32, #tpu.memory_space<vmem>>, vector<16xf32>,
        %mul3A_1274 = arith.mulf %get3A_1268, %get3A_1273 : vector<16xf32>
        %add3A_1275 = arith.constant 48 : i32
        %add3A_1276 = arith.addi %squeeze3A_1239, %add3A_1275 : i32
        %get3A_1277 = arith.index_cast %add3A_1237 : i32 to index
        %get3A_1278 = arith.index_cast %add3A_1276 : i32 to index
        %get3A_1279 = tpu.vector_load %arg12[%get3A_1277, %get3A_1278] {strides = array<i32>} : memref<128x128xf32, #tpu.memory_space<vmem>>, vector<16xf32>,
        %add3A_1280 = arith.constant 48 : i32
        %add3A_1281 = arith.addi %squeeze3A_1241, %add3A_1280 : i32
        %get3A_1282 = arith.index_cast %add3A_1237 : i32 to index
        %get3A_1283 = arith.index_cast %add3A_1281 : i32 to index
        %get3A_1284 = tpu.vector_load %arg13[%get3A_1282, %get3A_1283] {strides = array<i32>} : memref<128x128xf32, #tpu.memory_space<vmem>>, vector<16xf32>,
        %mul3A_1285 = arith.mulf %get3A_1279, %get3A_1284 : vector<16xf32>
        %add3A_1286 = arith.addf %mul3A_1252, %mul3A_1263 : vector<16xf32>
        %add3A_1287 = arith.addf %mul3A_1274, %mul3A_1285 : vector<16xf32>
        %add3A_1288 = arith.addf %add3A_1286, %add3A_1287 : vector<16xf32>
        %swap3A_1289 = arith.constant 238 : index
        %swap3A_1290 = tpu.vector_load %arg15[%swap3A_1289] {strides = array<i32>} : memref<272xf32, #tpu.memory_space<vmem>>, vector<16xf32>,
        tpu.vector_store %arg15[%swap3A_1289], %add3A_1288 {strides = array<i32>} : memref<272xf32, #tpu.memory_space<vmem>>, vector<16xf32>,
        %add3A_1291 = arith.constant 15 : i32
        %add3A_1292 = arith.addi %mul3A_444, %add3A_1291 : i32
        %slice3A_1293 = vector.extract_strided_slice %mul3A_455 {offsets = [15], sizes = [1], strides = [1]} : vector<16xi32> to vector<1xi32>
        %squeeze3A_1294 = vector.extract %slice3A_1293[0] : i32 from vector<1xi32>
        %slice3A_1295 = vector.extract_strided_slice %mul3A_467 {offsets = [15], sizes = [1], strides = [1]} : vector<16xi32> to vector<1xi32>
        %squeeze3A_1296 = vector.extract %slice3A_1295[0] : i32 from vector<1xi32>
        %add3A_1297 = arith.constant 0 : i32
        %add3A_1298 = arith.addi %squeeze3A_1294, %add3A_1297 : i32
        %get3A_1299 = arith.index_cast %add3A_1292 : i32 to index
        %get3A_1300 = arith.index_cast %add3A_1298 : i32 to index
        %get3A_1301 = tpu.vector_load %arg12[%get3A_1299, %get3A_1300] {strides = array<i32>} : memref<128x128xf32, #tpu.memory_space<vmem>>, vector<16xf32>,
        %add3A_1302 = arith.constant 0 : i32
        %add3A_1303 = arith.addi %squeeze3A_1296, %add3A_1302 : i32
        %get3A_1304 = arith.index_cast %add3A_1292 : i32 to index
        %get3A_1305 = arith.index_cast %add3A_1303 : i32 to index
        %get3A_1306 = tpu.vector_load %arg13[%get3A_1304, %get3A_1305] {strides = array<i32>} : memref<128x128xf32, #tpu.memory_space<vmem>>, vector<16xf32>,
        %mul3A_1307 = arith.mulf %get3A_1301, %get3A_1306 : vector<16xf32>
        %add3A_1308 = arith.constant 16 : i32
        %add3A_1309 = arith.addi %squeeze3A_1294, %add3A_1308 : i32
        %get3A_1310 = arith.index_cast %add3A_1292 : i32 to index
        %get3A_1311 = arith.index_cast %add3A_1309 : i32 to index
        %get3A_1312 = tpu.vector_load %arg12[%get3A_1310, %get3A_1311] {strides = array<i32>} : memref<128x128xf32, #tpu.memory_space<vmem>>, vector<16xf32>,
        %add3A_1313 = arith.constant 16 : i32
        %add3A_1314 = arith.addi %squeeze3A_1296, %add3A_1313 : i32
        %get3A_1315 = arith.index_cast %add3A_1292 : i32 to index
        %get3A_1316 = arith.index_cast %add3A_1314 : i32 to index
        %get3A_1317 = tpu.vector_load %arg13[%get3A_1315, %get3A_1316] {strides = array<i32>} : memref<128x128xf32, #tpu.memory_space<vmem>>, vector<16xf32>,
        %mul3A_1318 = arith.mulf %get3A_1312, %get3A_1317 : vector<16xf32>
        %add3A_1319 = arith.constant 32 : i32
        %add3A_1320 = arith.addi %squeeze3A_1294, %add3A_1319 : i32
        %get3A_1321 = arith.index_cast %add3A_1292 : i32 to index
        %get3A_1322 = arith.index_cast %add3A_1320 : i32 to index
        %get3A_1323 = tpu.vector_load %arg12[%get3A_1321, %get3A_1322] {strides = array<i32>} : memref<128x128xf32, #tpu.memory_space<vmem>>, vector<16xf32>,
        %add3A_1324 = arith.constant 32 : i32
        %add3A_1325 = arith.addi %squeeze3A_1296, %add3A_1324 : i32
        %get3A_1326 = arith.index_cast %add3A_1292 : i32 to index
        %get3A_1327 = arith.index_cast %add3A_1325 : i32 to index
        %get3A_1328 = tpu.vector_load %arg13[%get3A_1326, %get3A_1327] {strides = array<i32>} : memref<128x128xf32, #tpu.memory_space<vmem>>, vector<16xf32>,
        %mul3A_1329 = arith.mulf %get3A_1323, %get3A_1328 : vector<16xf32>
        %add3A_1330 = arith.constant 48 : i32
        %add3A_1331 = arith.addi %squeeze3A_1294, %add3A_1330 : i32
        %get3A_1332 = arith.index_cast %add3A_1292 : i32 to index
        %get3A_1333 = arith.index_cast %add3A_1331 : i32 to index
        %get3A_1334 = tpu.vector_load %arg12[%get3A_1332, %get3A_1333] {strides = array<i32>} : memref<128x128xf32, #tpu.memory_space<vmem>>, vector<16xf32>,
        %add3A_1335 = arith.constant 48 : i32
        %add3A_1336 = arith.addi %squeeze3A_1296, %add3A_1335 : i32
        %get3A_1337 = arith.index_cast %add3A_1292 : i32 to index
        %get3A_1338 = arith.index_cast %add3A_1336 : i32 to index
        %get3A_1339 = tpu.vector_load %arg13[%get3A_1337, %get3A_1338] {strides = array<i32>} : memref<128x128xf32, #tpu.memory_space<vmem>>, vector<16xf32>,
        %mul3A_1340 = arith.mulf %get3A_1334, %get3A_1339 : vector<16xf32>
        %add3A_1341 = arith.addf %mul3A_1307, %mul3A_1318 : vector<16xf32>
        %add3A_1342 = arith.addf %mul3A_1329, %mul3A_1340 : vector<16xf32>
        %add3A_1343 = arith.addf %add3A_1341, %add3A_1342 : vector<16xf32>
        %swap3A_1344 = arith.constant 255 : index
        %swap3A_1345 = tpu.vector_load %arg15[%swap3A_1344] {strides = array<i32>} : memref<272xf32, #tpu.memory_space<vmem>>, vector<16xf32>,
        tpu.vector_store %arg15[%swap3A_1344], %add3A_1343 {strides = array<i32>} : memref<272xf32, #tpu.memory_space<vmem>>, vector<16xf32>,
        %add3A_1346 = arith.constant 0 : i32
        %add3A_1347 = vector.broadcast %add3A_1346 : i32 to vector<16xi32>
        %add3A_1348 = arith.addi %mul3A_3, %add3A_1347 : vector<16xi32>
        %gather3A = tpu.vector_load_idx %arg15[%add3A_1348] : memref<272xf32, #tpu.memory_space<vmem>>[vector<16xi32>], vector<16xf32>,
        %add3A_1349 = arith.constant 1 : i32
        %add3A_1350 = vector.broadcast %add3A_1349 : i32 to vector<16xi32>
        %add3A_1351 = arith.addi %mul3A_3, %add3A_1350 : vector<16xi32>
        %gather3A_1352 = tpu.vector_load_idx %arg15[%add3A_1351] : memref<272xf32, #tpu.memory_space<vmem>>[vector<16xi32>], vector<16xf32>,
        %add3A_1353 = arith.constant 2 : i32
        %add3A_1354 = vector.broadcast %add3A_1353 : i32 to vector<16xi32>
        %add3A_1355 = arith.addi %mul3A_3, %add3A_1354 : vector<16xi32>
        %gather3A_1356 = tpu.vector_load_idx %arg15[%add3A_1355] : memref<272xf32, #tpu.memory_space<vmem>>[vector<16xi32>], vector<16xf32>,
        %add3A_1357 = arith.constant 3 : i32
        %add3A_1358 = vector.broadcast %add3A_1357 : i32 to vector<16xi32>
        %add3A_1359 = arith.addi %mul3A_3, %add3A_1358 : vector<16xi32>
        %gather3A_1360 = tpu.vector_load_idx %arg15[%add3A_1359] : memref<272xf32, #tpu.memory_space<vmem>>[vector<16xi32>], vector<16xf32>,
        %add3A_1361 = arith.constant 4 : i32
        %add3A_1362 = vector.broadcast %add3A_1361 : i32 to vector<16xi32>
        %add3A_1363 = arith.addi %mul3A_3, %add3A_1362 : vector<16xi32>
        %gather3A_1364 = tpu.vector_load_idx %arg15[%add3A_1363] : memref<272xf32, #tpu.memory_space<vmem>>[vector<16xi32>], vector<16xf32>,
        %add3A_1365 = arith.constant 5 : i32
        %add3A_1366 = vector.broadcast %add3A_1365 : i32 to vector<16xi32>
        %add3A_1367 = arith.addi %mul3A_3, %add3A_1366 : vector<16xi32>
        %gather3A_1368 = tpu.vector_load_idx %arg15[%add3A_1367] : memref<272xf32, #tpu.memory_space<vmem>>[vector<16xi32>], vector<16xf32>,
        %add3A_1369 = arith.constant 6 : i32
        %add3A_1370 = vector.broadcast %add3A_1369 : i32 to vector<16xi32>
        %add3A_1371 = arith.addi %mul3A_3, %add3A_1370 : vector<16xi32>
        %gather3A_1372 = tpu.vector_load_idx %arg15[%add3A_1371] : memref<272xf32, #tpu.memory_space<vmem>>[vector<16xi32>], vector<16xf32>,
        %add3A_1373 = arith.constant 7 : i32
        %add3A_1374 = vector.broadcast %add3A_1373 : i32 to vector<16xi32>
        %add3A_1375 = arith.addi %mul3A_3, %add3A_1374 : vector<16xi32>
        %gather3A_1376 = tpu.vector_load_idx %arg15[%add3A_1375] : memref<272xf32, #tpu.memory_space<vmem>>[vector<16xi32>], vector<16xf32>,
        %add3A_1377 = arith.constant 8 : i32
        %add3A_1378 = vector.broadcast %add3A_1377 : i32 to vector<16xi32>
        %add3A_1379 = arith.addi %mul3A_3, %add3A_1378 : vector<16xi32>
        %gather3A_1380 = tpu.vector_load_idx %arg15[%add3A_1379] : memref<272xf32, #tpu.memory_space<vmem>>[vector<16xi32>], vector<16xf32>,
        %add3A_1381 = arith.constant 9 : i32
        %add3A_1382 = vector.broadcast %add3A_1381 : i32 to vector<16xi32>
        %add3A_1383 = arith.addi %mul3A_3, %add3A_1382 : vector<16xi32>
        %gather3A_1384 = tpu.vector_load_idx %arg15[%add3A_1383] : memref<272xf32, #tpu.memory_space<vmem>>[vector<16xi32>], vector<16xf32>,
        %add3A_1385 = arith.constant 10 : i32
        %add3A_1386 = vector.broadcast %add3A_1385 : i32 to vector<16xi32>
        %add3A_1387 = arith.addi %mul3A_3, %add3A_1386 : vector<16xi32>
        %gather3A_1388 = tpu.vector_load_idx %arg15[%add3A_1387] : memref<272xf32, #tpu.memory_space<vmem>>[vector<16xi32>], vector<16xf32>,
        %add3A_1389 = arith.constant 11 : i32
        %add3A_1390 = vector.broadcast %add3A_1389 : i32 to vector<16xi32>
        %add3A_1391 = arith.addi %mul3A_3, %add3A_1390 : vector<16xi32>
        %gather3A_1392 = tpu.vector_load_idx %arg15[%add3A_1391] : memref<272xf32, #tpu.memory_space<vmem>>[vector<16xi32>], vector<16xf32>,
        %add3A_1393 = arith.constant 12 : i32
        %add3A_1394 = vector.broadcast %add3A_1393 : i32 to vector<16xi32>
        %add3A_1395 = arith.addi %mul3A_3, %add3A_1394 : vector<16xi32>
        %gather3A_1396 = tpu.vector_load_idx %arg15[%add3A_1395] : memref<272xf32, #tpu.memory_space<vmem>>[vector<16xi32>], vector<16xf32>,
        %add3A_1397 = arith.constant 13 : i32
        %add3A_1398 = vector.broadcast %add3A_1397 : i32 to vector<16xi32>
        %add3A_1399 = arith.addi %mul3A_3, %add3A_1398 : vector<16xi32>
        %gather3A_1400 = tpu.vector_load_idx %arg15[%add3A_1399] : memref<272xf32, #tpu.memory_space<vmem>>[vector<16xi32>], vector<16xf32>,
        %add3A_1401 = arith.constant 14 : i32
        %add3A_1402 = vector.broadcast %add3A_1401 : i32 to vector<16xi32>
        %add3A_1403 = arith.addi %mul3A_3, %add3A_1402 : vector<16xi32>
        %gather3A_1404 = tpu.vector_load_idx %arg15[%add3A_1403] : memref<272xf32, #tpu.memory_space<vmem>>[vector<16xi32>], vector<16xf32>,
        %add3A_1405 = arith.constant 15 : i32
        %add3A_1406 = vector.broadcast %add3A_1405 : i32 to vector<16xi32>
        %add3A_1407 = arith.addi %mul3A_3, %add3A_1406 : vector<16xi32>
        %gather3A_1408 = tpu.vector_load_idx %arg15[%add3A_1407] : memref<272xf32, #tpu.memory_space<vmem>>[vector<16xi32>], vector<16xf32>,
        %add3A_1409 = arith.addf %gather3A, %gather3A_1352 : vector<16xf32>
        %add3A_1410 = arith.addf %gather3A_1356, %gather3A_1360 : vector<16xf32>
        %add3A_1411 = arith.addf %gather3A_1364, %gather3A_1368 : vector<16xf32>
        %add3A_1412 = arith.addf %gather3A_1372, %gather3A_1376 : vector<16xf32>
        %add3A_1413 = arith.addf %gather3A_1380, %gather3A_1384 : vector<16xf32>
        %add3A_1414 = arith.addf %gather3A_1388, %gather3A_1392 : vector<16xf32>
        %add3A_1415 = arith.addf %gather3A_1396, %gather3A_1400 : vector<16xf32>
        %add3A_1416 = arith.addf %gather3A_1404, %gather3A_1408 : vector<16xf32>
        %add3A_1417 = arith.addf %add3A_1409, %add3A_1410 : vector<16xf32>
        %add3A_1418 = arith.addf %add3A_1411, %add3A_1412 : vector<16xf32>
        %add3A_1419 = arith.addf %add3A_1413, %add3A_1414 : vector<16xf32>
        %add3A_1420 = arith.addf %add3A_1415, %add3A_1416 : vector<16xf32>
        %add3A_1421 = arith.addf %add3A_1417, %add3A_1418 : vector<16xf32>
        %add3A_1422 = arith.addf %add3A_1419, %add3A_1420 : vector<16xf32>
        %add3A_1423 = arith.addf %add3A_1421, %add3A_1422 : vector<16xf32>
        %mul3A_1424 = arith.constant -1.000000e+00 : f32
        %mul3A_1425 = vector.broadcast %mul3A_1424 : f32 to vector<16xf32>
        %mul3A_1426 = arith.mulf %mul3A_1425, %add3A_1423 : vector<16xf32>
        %abs3A = math.absf %mul3A_1426 : vector<16xf32>
        %neg3A = arith.constant 0.000000e+00 : f32
        %neg3A_1427 = vector.broadcast %neg3A : f32 to vector<16xf32>
        %neg3A_1428 = arith.subf %neg3A_1427, %abs3A : vector<16xf32>
        %exp3A = math.exp %neg3A_1428 : vector<16xf32>
        %add3A_1429 = arith.constant 2.000000e+00 : f32
        %add3A_1430 = vector.broadcast %add3A_1429 : f32 to vector<16xf32>
        %add3A_1431 = arith.addf %add3A_1430, %exp3A : vector<16xf32>
        %div3A = arith.divf %exp3A, %add3A_1431 : vector<16xf32>
        %mul3A_1432 = arith.mulf %div3A, %div3A : vector<16xf32>
        %mul3A_1433 = arith.constant 0.0769230798 : f32
        %mul3A_1434 = vector.broadcast %mul3A_1433 : f32 to vector<16xf32>
        %mul3A_1435 = arith.mulf %mul3A_1434, %mul3A_1432 : vector<16xf32>
        %add3A_1436 = arith.constant 0.0909090936 : f32
        %add3A_1437 = vector.broadcast %add3A_1436 : f32 to vector<16xf32>
        %add3A_1438 = arith.addf %mul3A_1435, %add3A_1437 : vector<16xf32>
        %mul3A_1439 = arith.mulf %add3A_1438, %mul3A_1432 : vector<16xf32>
        %add3A_1440 = arith.constant 0.111111112 : f32
        %add3A_1441 = vector.broadcast %add3A_1440 : f32 to vector<16xf32>
        %add3A_1442 = arith.addf %mul3A_1439, %add3A_1441 : vector<16xf32>
        %mul3A_1443 = arith.mulf %add3A_1442, %mul3A_1432 : vector<16xf32>
        %add3A_1444 = arith.constant 0.142857149 : f32
        %add3A_1445 = vector.broadcast %add3A_1444 : f32 to vector<16xf32>
        %add3A_1446 = arith.addf %mul3A_1443, %add3A_1445 : vector<16xf32>
        %mul3A_1447 = arith.mulf %add3A_1446, %mul3A_1432 : vector<16xf32>
        %add3A_1448 = arith.constant 2.000000e-01 : f32
        %add3A_1449 = vector.broadcast %add3A_1448 : f32 to vector<16xf32>
        %add3A_1450 = arith.addf %mul3A_1447, %add3A_1449 : vector<16xf32>
        %mul3A_1451 = arith.mulf %add3A_1450, %mul3A_1432 : vector<16xf32>
        %add3A_1452 = arith.constant 0.333333343 : f32
        %add3A_1453 = vector.broadcast %add3A_1452 : f32 to vector<16xf32>
        %add3A_1454 = arith.addf %mul3A_1451, %add3A_1453 : vector<16xf32>
        %mul3A_1455 = arith.mulf %add3A_1454, %mul3A_1432 : vector<16xf32>
        %add3A_1456 = arith.constant 1.000000e+00 : f32
        %add3A_1457 = vector.broadcast %add3A_1456 : f32 to vector<16xf32>
        %add3A_1458 = arith.addf %mul3A_1455, %add3A_1457 : vector<16xf32>
        %min3A = arith.constant 0.000000e+00 : f32
        %min3A_1459 = vector.broadcast %min3A : f32 to vector<16xf32>
        %min3A_1460 = arith.minimumf %mul3A_1426, %min3A_1459 : vector<16xf32>
        %mul3A_1461 = arith.constant 2.000000e+00 : f32
        %mul3A_1462 = vector.broadcast %mul3A_1461 : f32 to vector<16xf32>
        %mul3A_1463 = arith.mulf %mul3A_1462, %div3A : vector<16xf32>
        %mul3A_1464 = arith.mulf %mul3A_1463, %add3A_1458 : vector<16xf32>
        %sub3A = arith.subf %min3A_1460, %mul3A_1464 : vector<16xf32>
        %add3A_1465 = arith.addf %scan3A_442, %sub3A : vector<16xf32>
        scf.yield %add3A_1465 : vector<16xf32>
      }
      %scan3A_440 = arith.constant 8 : i32
      scf.yield %scan3A_439 : vector<16xf32>
    }
    %scan3A_9 = arith.constant 4 : i32
    %swap3A = arith.constant 0 : index
    %swap3A_10 = tpu.vector_load %arg16[%swap3A] {strides = array<i32>} : memref<16xf32, #tpu.memory_space<vmem>>, vector<16xf32>,
    tpu.vector_store %arg16[%swap3A], %scan3A_8 {strides = array<i32>} : memref<16xf32, #tpu.memory_space<vmem>>, vector<16xf32>,
    "tpu.region"() ({
      %run_scoped3A = tpu.sem_alloc : memref<!tpu.dma_semaphore, #tpu.memory_space<semaphore_mem>>
      %dma_start3A = arith.constant 0 : i32
      %dma_start3A_11 = tpu.memref_slice %arg6[%add3A, %dma_start3A] : memref<32x16xf32, #tpu.memory_space<hbm>> -> memref<1x16xf32, #tpu.memory_space<hbm>>
      %dma_start3A_12 = tpu.memref_squeeze %dma_start3A_11 : memref<1x16xf32, #tpu.memory_space<hbm>> -> memref<16xf32, #tpu.memory_space<hbm>>
      %dma_start3A_13 = arith.constant 0 : i32
      %dma_start3A_14 = tpu.memref_slice %arg6[%add3A, %dma_start3A_13] : memref<32x16xf32, #tpu.memory_space<hbm>> -> memref<1x16xf32, #tpu.memory_space<hbm>>
      %dma_start3A_15 = tpu.memref_squeeze %dma_start3A_14 : memref<1x16xf32, #tpu.memory_space<hbm>> -> memref<16xf32, #tpu.memory_space<hbm>>
      tpu.enqueue_dma source(%arg16 : memref<16xf32, #tpu.memory_space<vmem>>) target(%dma_start3A_15 : memref<16xf32, #tpu.memory_space<hbm>>) target_semaphore(%run_scoped3A : memref<!tpu.dma_semaphore, #tpu.memory_space<semaphore_mem>>)
      %dma_wait3A = arith.constant 0 : i32
      %dma_wait3A_16 = tpu.memref_slice %arg6[%add3A, %dma_wait3A] : memref<32x16xf32, #tpu.memory_space<hbm>> -> memref<1x16xf32, #tpu.memory_space<hbm>>
      %dma_wait3A_17 = tpu.memref_squeeze %dma_wait3A_16 : memref<1x16xf32, #tpu.memory_space<hbm>> -> memref<16xf32, #tpu.memory_space<hbm>>
      %dma_wait3A_18 = arith.constant 0 : i32
      %dma_wait3A_19 = tpu.memref_slice %arg6[%add3A, %dma_wait3A_18] : memref<32x16xf32, #tpu.memory_space<hbm>> -> memref<1x16xf32, #tpu.memory_space<hbm>>
      %dma_wait3A_20 = tpu.memref_squeeze %dma_wait3A_19 : memref<1x16xf32, #tpu.memory_space<hbm>> -> memref<16xf32, #tpu.memory_space<hbm>>
      tpu.wait_dma2 semaphore(%run_scoped3A : memref<!tpu.dma_semaphore, #tpu.memory_space<semaphore_mem>>) src(%arg16 : memref<16xf32, #tpu.memory_space<vmem>>) dst(%dma_wait3A_20 : memref<16xf32, #tpu.memory_space<hbm>>)
      tpu.yield
    }) : () -> ()
    return
  }
}

module attributes {stable_mosaic.version = 14 : i64} {
  func.func @body(%arg0: i32, %arg1: memref<64x8192xf32, #tpu.memory_space<vmem>>, %arg2: memref<4096x128xf32, #tpu.memory_space<vmem>>) attributes {dimension_semantics = [#tpu.dimension_semantics<arbitrary>], iteration_bounds = array<i64: 123>, scalar_prefetch = 0 : i64, scratch_operands = 0 : i64, tpu.core_type = #tpu.core_type<tc>, window_params = [{transform_indices = @transform_0, window_bounds = array<i64: 64, 8192>}, {transform_indices = @transform_1, window_bounds = array<i64: 4096, 128>}]} {
    %get3A = arith.constant 0 : index
    %get3A_0 = arith.constant 0 : index
    %get3A_1 = vector.load %arg1[%get3A, %get3A_0] : memref<64x8192xf32, #tpu.memory_space<vmem>>, vector<64x4096xf32>
    %transpose3A = tpu.transpose %get3A_1, [1, 0] : vector<64x4096xf32> -> vector<4096x64xf32>
    %swap3A = arith.constant 0 : index
    %swap3A_2 = arith.constant 0 : index
    %swap3A_3 = vector.load %arg2[%swap3A, %swap3A_2] : memref<4096x128xf32, #tpu.memory_space<vmem>>, vector<4096x64xf32>
    tpu.vector_store %arg2[%swap3A, %swap3A_2], %transpose3A {strides = array<i32>} : memref<4096x128xf32, #tpu.memory_space<vmem>>, vector<4096x64xf32>,
    %get3A_4 = arith.constant 0 : index
    %get3A_5 = arith.constant 4096 : index
    %get3A_6 = vector.load %arg1[%get3A_4, %get3A_5] : memref<64x8192xf32, #tpu.memory_space<vmem>>, vector<64x4096xf32>
    %transpose3A_7 = tpu.transpose %get3A_6, [1, 0] : vector<64x4096xf32> -> vector<4096x64xf32>
    %swap3A_8 = arith.constant 0 : index
    %swap3A_9 = arith.constant 64 : index
    %swap3A_10 = vector.load %arg2[%swap3A_8, %swap3A_9] : memref<4096x128xf32, #tpu.memory_space<vmem>>, vector<4096x64xf32>
    tpu.vector_store %arg2[%swap3A_8, %swap3A_9], %transpose3A_7 {strides = array<i32>} : memref<4096x128xf32, #tpu.memory_space<vmem>>, vector<4096x64xf32>,
    return
  }
  func.func @transform_0(%arg0: i32) -> (i32, i32) {
    %c0_i32 = arith.constant 0 : i32
    %c0_i32_0 = arith.constant 0 : i32
    return %c0_i32, %arg0 : i32, i32
  }
  func.func @transform_1(%arg0: i32) -> (i32, i32) {
    %c0_i32 = arith.constant 0 : i32
    %c0_i32_0 = arith.constant 0 : i32
    return %arg0, %c0_i32 : i32, i32
  }
}

</mosaic_0001>

<sc_bundles>
// kernel: kernel.5.cloned.1.call-start
scs
__scs_entry_jumppad:
0x0: {  	(pc) =	sbr.rel $0x88, $3  }
0x1: {  	(tag) =	ssettag $0x0;
	lr =	simm.s32 $0x1  }
0x2: {  	[smem:$0x3F9C] =	sst lr;
	_ =	strace $0xD0000000  }
0x3: {  	_ = 	snop  }
0x4: {  	_ = 	snop  }
0x5: {  	_ = 	snop  }
0x6: {  	_ = 	snop  }
0x7: {  	_ = 	snop  }
__scs_overlays_trampoline_lowered:
0x8: {  	[smem:$0x3FAB] =	sst s0  }
0x9: {  	[smem:$0x3FAC] =	sst s1  }
0xa: {  	[smem:$0x3FAD] =	sst s2  }
0xb: {  	[smem:$0x3FAE] =	sst s3  }
0xc: {  	[smem:$0x3FAF] =	sst s4  }
0xd: {  	[smem:$0x3FB0] =	sst s5  }
0xe: {  	[smem:$0x3FB1] =	sst s6  }
0xf: {  	[smem:$0x3FB2] =	sst s7  }
0x10: {  	[smem:$0x3FB3] =	sst s8  }
0x11: {  	[smem:$0x3FB4] =	sst s9;
	s0 =	simm.s32 @!p0 $0x0  }
0x12: {  	s1 =	sld [smem:$0x3F9A];
	s0 =	simm.s32 @p0 $0x1  }
0x13: {  	[smem:$0x3FB5] =	sst s0;
	s0 =	simm.s32 @!p1 $0x0  }
0x14: {  	s2 =	sld [smem:$0x3F99];
	s0 =	simm.s32 @p1 $0x1  }
0x15: {  	[smem:$0x3FB6] =	sst s0;
	s0 =	simm.s32 @!p2 $0x0  }
0x16: {  	s3 =	sld [smem:$0x3FDB];
	s0 =	simm.s32 @p2 $0x1  }
0x17: {  	s4 =	simm.s32 $0x1BF5;
	[smem:$0x3FB8] =	sst s0  }
0x18: {  	s0 =	sld [smem:$0x3F9B];
	_ =	swait.ge [sflag:s4], $0x0  }
0x19: {  	s7 =	sld [smem:$0x3F9C]  }
0x1a: {  	s8 =	sadd.s32 $0xFFFFE003, lr  }
0x1b: {  	s9 =	sadd.s32 $0xFFFFFEF7, lr;
	s5 =	simm.s32 $0xFFFFFFFF;
	p2 =	slt.u32 s8, $0xFFFFF086  }
0x1c: {  	p1 =	slt.u32 s9, $0xF7A;
	s5 =	simm.s32 @!p2 $0x0  }
0x1d: {  	s5 =	simm.s32 @p1 $0x1;
	p0 =	seq.s32 s7, s2  }
0x1e: {  	s7 =	smul.u32 @!p0 $0xF7A, s2;
	p2 =	seq.s32 @!p0 s5, $0x0  }
0x1f: {  	s9 =	smul.u32 $0xF7A, s1;
	s8 =	simm.s32 @!p0 $0x1BF5;
	p2 =	por !p2, p0  }
0x20: {  	[sflag:s8] =	ssyncset.s32 @!p0 $0xFFFFF086;
	s6 =	sadd.s32 @!p0 s3, s7;
	s7 =	simm.s32 @!p0 $0x108  }
0x21: {  	s3 =	sadd.s32 s3, s9;
	s6 =	sadd.s32 @!p0 $0x88, s6;
	s7 =	simm.s32 @p2 $0x1082  }
0x22: {  	[simem:s7], [sflag:s8] =	dma.local @!p0 [hbm:s6], $0xF7A  }
0x23: {  	s9 =	sor.u32 $0xD0000000, s2;
	s6 =	simm.s32 $0x108;
	_ =	swait.ge @!p0 [sflag:s8], $0x0  }
0x24: {  	s3 =	sadd.s32 $0x88, s3;
	s6 =	simm.s32 @!p1 $0x1082;
	[sflag:s4] =	ssyncset.s32 $0xFFFFF086  }
0x25: {  	[simem:s6], [sflag:s4] =	dma.local [hbm:s3], $0xF7A  }
0x26: {  	[smem:$0x3F9C] =	sst s1;
	(tag) =	ssettag s2;
	_ =	strace s9  }
0x27: {  	s1 =	sld [smem:$0x3FAC]  }
0x28: {  	s2 =	sld [smem:$0x3FAD]  }
0x29: {  	s4 =	sld [smem:$0x3FAF]  }
0x2a: {  	p0 =	seq.s32 s5, $0x0;
	s5 =	sld [smem:$0x3FB0]  }
0x2b: {  	s6 =	sld [smem:$0x3FB1]  }
0x2c: {  	s7 =	sld [smem:$0x3FB2]  }
0x2d: {  	s3 =	simm.s32 $0x108;
	s8 =	sld [smem:$0x3FB3]  }
0x2e: {  	s3 =	simm.s32 @!p0 $0x1082;
	s9 =	sld [smem:$0x3FB4]  }
0x2f: {  	lr =	sadd.s32 s0, s3;
	s0 =	sld [smem:$0x3FAB]  }
0x30: {  	s3 =	sld [smem:$0x3FAE]  }
0x31: {  	[smem:$0x3FB7] =	sst s10  }
0x32: {  	s10 =	sld [smem:$0x3FB5];
	_ =	sdelay $0x3  }
0x33: {  	p0 =	seq.s32 s10, $0x1;
	s10 =	sld [smem:$0x3FB7];
	_ =	sdelay $0x3  }
0x34: {  	[smem:$0x3FB7] =	sst s10  }
0x35: {  	s10 =	sld [smem:$0x3FB6];
	_ =	sdelay $0x3  }
0x36: {  	p1 =	seq.s32 s10, $0x1;
	s10 =	sld [smem:$0x3FB7];
	_ =	sdelay $0x3  }
0x37: {  	[smem:$0x3FB7] =	sst s10  }
0x38: {  	s10 =	sld [smem:$0x3FB8]  }
0x39: {  	_ = 	snop;
	(pc) =	sbr.ind lr, $3  }
0x3a: {  	_ = 	snop  }
0x3b: {  	_ = 	snop  }
0x3c: {  	p2 =	seq.s32 s10, $0x1;
	s10 =	sld [smem:$0x3FB7]  }
0x3d: {  	_ =	shalt  }
0x3e: {  	_ =	shalt  }
0x3f: {  	_ =	shalt  }
0x40: {  	_ =	shalt  }
0x41: {  	_ =	shalt  }
0x42: {  	_ =	shalt  }
0x43: {  	_ =	shalt  }
0x44: {  	_ =	shalt  }
0x45: {  	_ =	shalt  }
0x46: {  	_ =	shalt  }
0x47: {  	_ =	shalt  }
0x48: {  	_ =	shalt  }
0x49: {  	_ =	shalt  }
0x4a: {  	_ =	shalt  }
0x4b: {  	_ =	shalt  }
0x4c: {  	_ =	shalt  }
0x4d: {  	_ =	shalt  }
0x4e: {  	_ =	shalt  }
0x4f: {  	_ =	shalt  }
0x50: {  	_ =	shalt  }
0x51: {  	_ =	shalt  }
0x52: {  	_ =	shalt  }
0x53: {  	_ =	shalt  }
0x54: {  	_ =	shalt  }
0x55: {  	_ =	shalt  }
0x56: {  	_ =	shalt  }
0x57: {  	_ =	shalt  }
0x58: {  	_ =	shalt  }
0x59: {  	_ =	shalt  }
0x5a: {  	_ =	shalt  }
0x5b: {  	_ =	shalt  }
0x5c: {  	_ =	shalt  }
0x5d: {  	_ =	shalt  }
0x5e: {  	_ =	shalt  }
0x5f: {  	_ =	shalt  }
0x60: {  	_ =	shalt  }
0x61: {  	_ =	shalt  }
0x62: {  	_ =	shalt  }
0x63: {  	_ =	shalt  }
0x64: {  	_ =	shalt  }
0x65: {  	_ =	shalt  }
0x66: {  	_ =	shalt  }
0x67: {  	_ =	shalt  }
0x68: {  	_ =	shalt  }
0x69: {  	_ =	shalt  }
0x6a: {  	_ =	shalt  }
0x6b: {  	_ =	shalt  }
0x6c: {  	_ =	shalt  }
0x6d: {  	_ =	shalt  }
0x6e: {  	_ =	shalt  }
0x6f: {  	_ =	shalt  }
0x70: {  	_ =	shalt  }
0x71: {  	_ =	shalt  }
0x72: {  	_ =	shalt  }
0x73: {  	_ =	shalt  }
0x74: {  	_ =	shalt  }
0x75: {  	_ =	shalt  }
0x76: {  	_ =	shalt  }
0x77: {  	_ =	shalt  }
0x78: {  	_ =	shalt  }
0x79: {  	_ =	shalt  }
0x7a: {  	_ =	shalt  }
0x7b: {  	_ =	shalt  }
0x7c: {  	_ =	shalt  }
0x7d: {  	_ =	shalt  }
0x7e: {  	_ =	shalt  }
0x7f: {  	_ =	shalt  }
0x80: {  	_ =	shalt  }
0x81: {  	_ =	shalt  }
0x82: {  	_ =	shalt  }
0x83: {  	_ =	shalt  }
0x84: {  	_ =	shalt  }
0x85: {  	_ =	shalt  }
0x86: {  	_ =	shalt  }
0x87: {  	_ =	shalt  }
.Lfunc_end0:
.L_simem_size_0:
called_computation_lowered:
.L_overlay_start_0:
0x88: {  	s2 =	sld [smem:$0x3FD9]  }
0x89: {  	s3 =	sld [smem:$0x3FFE];
	_ =	sdelay $0x1  }
0x8a: {  	s1 =	srdreg.scid  }
0x8b: {  	s0 =	sand.u32 $0x1, s1  }
0x8c: {  	s17 =	sshll.u32 s0, $0xA;
	s2 =	sadd.s32 s3, s2  }
0x8d: {  	s2 =	sadd.s32 s2, s17  }
0x8e: {  	[smem:$0x3FC3] =	sst s2  }
0x8f: {  	_ = 	snop  }
0x90: {  	s2 =	sld [smem:$0x3FC9];
	(tm) =	ssettm $0x1  }
0x91: {  	s18 =	sld [smem:$0x3FFB];
	_ =	sdelay $0x3  }
0x92: {  	_ =	strace s18  }
0x93: {  	s3 =	sld [smem:$0x3FFC];
	_ =	sdelay $0x3  }
0x94: {  	_ =	strace s3  }
0x95: {  	s3 =	sld [smem:$0x3FFD];
	_ =	sdelay $0x3  }
0x96: {  	_ =	strace s3  }
0x97: {  	_ =	strace $0x8FFFFFFF  }
0x98: {  	s19 =	sld [smem:$0x3FDB];
	_ =	sdelay $0x1  }
0x99: {  	s4 =	simm.s32 $_scs_section_size  }
0x9a: {  	s5 =	simm.s32 $_size__tile_overlayer_lowered;
	s6 =	simm.s32 $_tile_overlayer_lowered  }
0x9b: {  	s22 =	simm.s32 $0x1BFF;
	s21 =	sshll.u32 s6, $0x1;
	s3 =	sadd.s32 s4, s19  }
0x9c: {  	s7 =	simm.s32 $0x0;
	s20 =	sshll.u32 s5, $0x1;
	s5 =	sadd.s32 s21, s3  }
0x9d: {  	[timem:s7], [sflag:s22] =	dma.local [hbm:s5], s20  }
0x9e: {  	_ =	swait.ge [sflag:s22], s20  }
0x9f: {  	s4 =	ssub.s32 $0x0, s20;
	[sflag:s22] =	ssyncset.done $0x0  }
0xa0: {  	[sflag:s22] =	ssyncadd.s32 s4;
	_ =	sdelay $0x1  }
0xa1: {  	s23 =	simm.s32 $0x1B8B  }
0xa2: {  	_ =	swait.ge [sflag:s23], $0x1  }
0xa3: {  	[sflag:s23] =	ssyncset.done $0x0  }
0xa4: {  	s25 =	simm.s32 $0x1B8E;
	s24 =	sld [smem:$0x3FFE];
	[sflag:s23] =	ssyncadd.s32 $0xFFFFFFFF  }
0xa5: {  	s26 =	simm.s32 $execute0_lowered;
	[smem:$0x3FD2] =	sst s25  }
0xa6: {  	s5 =	sshll.u32 s26, $0x1;
	_ =	strace $0x80000046;
	[dreg:$0x1] =	wrdreg $0xFFFFFFFF  }
0xa7: {  	s28 =	simm.s32 $_size_execute0_lowered;
	s3 =	sadd.s32 s3, s5;
	[dreg:$0x0] =	wrdreg $0x0  }
0xa8: {  	s5 =	sshll.u32 s28, $0x1;
	[dreg:$0x2] =	wrdreg s3  }
0xa9: {  	[dreg:$0x3] =	wrdreg s5  }
0xaa: {  	[dreg:$0x4] =	wrdreg $0xC0  }
0xab: {  	_ =	task [dreg:s7], $0x5FFFF  }
0xac: {  	[dreg:$0x1] =	wrdreg $0xFFFFFFFF  }
0xad: {  	[dreg:$0x0] =	wrdreg $0x60  }
0xae: {  	[dreg:$0x2] =	wrdreg s2  }
0xaf: {  	[dreg:$0x3] =	wrdreg s24  }
0xb0: {  	[dreg:$0x4] =	wrdreg $0x9  }
0xb1: {  	_ =	task.clear_ibuf [dreg:s7], $0x5FFFF;
	_ =	strace $0x90000046  }
0xb2: {  	s29 =	simm.s32 $0x9;
	_ =	strace $0x80000048  }
0xb3: {  	_ =	swait.ge [sflag:s29], $0x1  }
0xb4: {  	[sflag:s29] =	ssyncadd.s32 $0xFFFFFFFF  }
0xb5: {  	_ =	strace $0x90000048  }
0xb6: {  	_ =	sfence  }
0xb7: {  	s30 =	sld [smem:$0x0];
	_ =	sdelay $0x2  }
0xb8: {  	s31 =	sshll.u32 s1, $0xD;
	s1 =	sshrl.u32 s1, $0x2  }
0xb9: {  	s3 =	sand.u32 $0x4000, s31;
	s1 =	sadd.s32 s1, s30  }
0xba: {  	s0 =	sor.u32 s3, s0;
	s1 =	sshll.u32 s1, $0x11  }
0xbb: {  	s0 =	sor.u32 s1, s0  }
0xbc: {  	s0 =	sadd.s32 $0x8F2B, s0  }
0xbd: {  	[sflag:s0] =	ssyncadd.remote.s32 $0x1  }
0xbe: {  	_ =	sfence.sel $0xFFFF  }
0xbf: {  	[dreg:$0x0] =	wrdreg $0xFFFFFFFF;
	(pc) =	sbr.abs _section_cstart, $3  }
0xc0: {  	[dreg:$0x1] =	wrdreg $0xFFFFFFFF  }
0xc1: {  	_ =	task.clear_ibuf [dreg:s7], $0x2FFFF;
	_ =	strace $0x9FFFFFFF  }
0xc2: {  	(tm) =	ssettm $0x7FFFFFFF  }
0xc3: {  	_ =	shalt  }
tec
execute0_lowered:
.L_overlay_start_1:
0x0: {  	(tag) =	ssettag $0x1  }
0x1: {  	s0 =	rddreg [dreg:$0x0]  }
0x2: {  	s6 =	rddreg [dreg:$0x1];
	s1 =	simm.s32 $0x0;
	s4 =	srdreg.scid  }
0x3: {  	s29 =	stileid.u32;
	s11 =	simm.s32 $0xB00;
	s12 =	simm.s32 $0xC80  }
0x4: {  	s13 =	simm.s32 $0xB80;
	s14 =	simm.s32 $0x4C80;
	s15 =	simm.s32 $0xC00  }
0x5: {  	s16 =	simm.s32 $0x8C80;
	s17 =	simm.s32 $0x1;
	s18 =	simm.s32 $0x2  }
0x6: {  	v0 =	vlaneseq.u32;
	s19 =	simm.s32 $0xCC80;
	s20 =	simm.s32 $0x80;
	s21 =	simm.s32 $0x3  }
0x7: {  	s23 =	simm.s32 $0x0;
	[smem:$0x7FF] =	sst s1;
	s3 =	sadd.s32 $0x200, s6;
	v0 =	vmul.u32 $0x11, v0  }
0x8: {  	s5 =	sand.u32 $0x1, s4;
	s7 =	sshll.u32 s29, $0x1;
	s4 =	sadd.s32 $0xAA00, s6  }
0x9: {  	_ =	strace $0x80000047;
	s7 =	sor.u32 s5, s7;
	s8 =	ssub.s32 $0x2, s5;
	v1 =	vadd.s32 $0x1, v0;
	v2 =	vadd.s32 $0x2, v0;
	v3 =	vadd.s32 $0x3, v0  }
0xa: {  	s5 =	sadd.s32 $0x7BAA00, s6;
	s9 =	sshll.u32 s7, $0x1;
	s10 =	sshrl.u32 s8, $0x1;
	v4 =	vadd.s32 $0x4, v0;
	v5 =	vadd.s32 $0x5, v0;
	v6 =	vadd.s32 $0x6, v0  }
0xb: {  	s30 =	sshll.u32 s7, $0x6;
	s7 =	smul.u32 $0x2A00, s7;
	v7 =	vadd.s32 $0x7, v0;
	v8 =	vadd.s32 $0x8, v0;
	v9 =	vadd.s32 $0x9, v0;
	s9 =	sadd.s32 s9, s6  }
0xc: {  	v10 =	vadd.s32 $0xA, v0;
	v11 =	vadd.s32 $0xB, v0;
	v12 =	vadd.s32 $0xC, v0;
	s10 =	ssub.s32 s8, s10;
	s6 =	sadd.s32 s0, s30;
	s31 =	sadd.s32 $0xF6AA00, s9  }
0xd: {  	v13 =	vadd.s32 $0xD, v0;
	v14 =	vadd.s32 $0xE, v0;
	v15 =	vadd.s32 $0xF, v0;
	s9 =	smax.u32 s10, $0x1;
	s10 =	simm.s32 $0x4;
	[dreg:$0x3] =	wrdreg s31  }
.LBB2_1:
0xe: {  	v16 =	vimm.f32 $0.0e+00;
	s24 =	simm.s32 $0x0  }
.LBB2_2:
0xf: {  	s0 =	sshll.u32 s24, $0x4  }
0x10: {  	s25 =	simm.s32 $0x0;
	s26 =	smul.u32 $0xA80, s24;
	s0 =	sadd.s32 s0, s6  }
0x11: {  	[tilespmem:s25], [sflag:$0x4] =	stream.linear.gather [hbm4b:s0+s25], $0x80, $0x38;
	[tilespmem:$0xCDA0] =	vst v63  }
0x12: {  	s31 =	sadd.s32 s7, s26;
	_ =	swait.ge [sflag:s10], $0x80  }
0x13: {  	s0 =	sshrl.u32 s31, $0x3;
	[sflag:s10] =	ssyncset.done $0x0  }
0x14: {  	s26 =	simm.s32 $0x80;
	s0 =	sadd.s32 s3, s0;
	[sflag:s10] =	ssyncadd.s32 $0xFFFFFF80  }
0x15: {  	[tilespmem:s26], [sflag:$0x4] =	stream.linear.gather [hbm4b:s0+s25], $0xA80, $0x38;
	[tilespmem:$0xCDA0] =	vst v63  }
0x16: {  	_ =	swait.ge [sflag:s10], $0xA80  }
0x17: {  	[sflag:s10] =	ssyncset.done $0x0  }
0x18: {  	[sflag:s10] =	ssyncadd.s32 $0xFFFFF580  }
0x19: {  	v17 =	vld [tilespmem:$0x0]  }
0x1a: {  	v18 =	vld [tilespmem:$0x10]  }
0x1b: {  	v19 =	vld [tilespmem:$0x20]  }
0x1c: {  	v20 =	vld [tilespmem:$0x30]  }
0x1d: {  	v22 =	vld [tilespmem:$0x40]  }
0x1e: {  	v24 =	vld [tilespmem:$0x50]  }
0x1f: {  	v21 =	vshra.s32 v17, $0x1  }
0x20: {  	v31 =	vld [tilespmem:$0x70];
	v17 =	vand.u32 $0xFFF, v17;
	v23 =	vshra.s32 v18, $0x1;
	v29 =	vshra.s32 v19, $0x1  }
0x21: {  	v18 =	vand.u32 $0xFFF, v18;
	v19 =	vand.u32 $0xFFF, v19;
	v30 =	vshra.s32 v20, $0x1  }
0x22: {  	v25 =	vld [tilespmem:$0x60];
	v20 =	vand.u32 $0xFFF, v20;
	v32 =	vshra.s32 v22, $0x1;
	v21 =	vand.u32 $0xFFFFF000, v21  }
0x23: {  	v33 =	vshra.s32 v24, $0x1;
	v28 =	vand.u32 $0xFFFFF000, v23;
	v17 =	vor.u32 v17, v21  }
0x24: {  	v34 =	vand.u32 $0xFFF, v24;
	v23 =	vand.u32 $0xFFFFF000, v29;
	v18 =	vor.u32 v18, v28;
	[tilespmem:$0xB00] =	vst v17  }
0x25: {  	v35 =	vshra.s32 v31, $0x1;
	v19 =	vor.u32 v19, v23;
	v17 =	vand.u32 $0xFFFFF000, v30;
	[tilespmem:$0xB10] =	vst v18  }
0x26: {  	v18 =	vand.u32 $0xFFFFF000, v32;
	[tilespmem:$0xB20] =	vst v19;
	v19 =	vand.u32 $0xFFF, v22;
	v17 =	vor.u32 v20, v17  }
0x27: {  	v20 =	vand.u32 $0xFFFFF000, v33;
	[tilespmem:$0xB30] =	vst v17;
	v17 =	vor.u32 v19, v18;
	v19 =	vshra.s32 v25, $0x1  }
0x28: {  	v18 =	vor.u32 v34, v20;
	[tilespmem:$0xB40] =	vst v17;
	v17 =	vand.u32 $0xFFFFF000, v19;
	v19 =	vand.u32 $0xFFF, v25  }
0x29: {  	[tilespmem:$0xB50] =	vst v18;
	v18 =	vand.u32 $0xFFFFF000, v35;
	v17 =	vor.u32 v19, v17;
	v19 =	vand.u32 $0xFFF, v31  }
0x2a: {  	[tilespmem:$0xB60] =	vst v17;
	v17 =	vor.u32 v19, v18  }
0x2b: {  	[tilespmem:$0xB70] =	vst v17  }
0x2c: {  	[tilespmem:s12], [sflag:$0x1] =	stream.indirect.gather [hbm4b:s4+s26], $0x80, s11, s26, $0xb8;
	[tilespmem:$0xCDA0] =	vst v63  }
0x2d: {  	v17 =	vld [tilespmem:$0x80]  }
0x2e: {  	v18 =	vld [tilespmem:$0x90]  }
0x2f: {  	v19 =	vld [tilespmem:$0xA0]  }
0x30: {  	v36 =	vld [tilespmem:$0xB0]  }
0x31: {  	v38 =	vld [tilespmem:$0xC0]  }
0x32: {  	v40 =	vld [tilespmem:$0xD0]  }
0x33: {  	v37 =	vshra.s32 v17, $0x1  }
0x34: {  	v45 =	vld [tilespmem:$0xF0];
	v17 =	vand.u32 $0xFFF, v17;
	v39 =	vshra.s32 v18, $0x1;
	v42 =	vshra.s32 v19, $0x1  }
0x35: {  	v18 =	vand.u32 $0xFFF, v18;
	v19 =	vand.u32 $0xFFF, v19;
	v44 =	vshra.s32 v36, $0x1  }
0x36: {  	v43 =	vld [tilespmem:$0xE0];
	v20 =	vand.u32 $0xFFF, v36;
	v46 =	vshra.s32 v38, $0x1;
	v21 =	vand.u32 $0xFFFFF000, v37  }
0x37: {  	v47 =	vshra.s32 v40, $0x1;
	v41 =	vand.u32 $0xFFFFF000, v39;
	v17 =	vor.u32 v17, v21  }
0x38: {  	v48 =	vand.u32 $0xFFF, v40;
	v23 =	vand.u32 $0xFFFFF000, v42;
	v18 =	vor.u32 v18, v41;
	[tilespmem:$0xB80] =	vst v17  }
0x39: {  	v49 =	vshra.s32 v45, $0x1;
	v19 =	vor.u32 v19, v23;
	v17 =	vand.u32 $0xFFFFF000, v44;
	[tilespmem:$0xB90] =	vst v18  }
0x3a: {  	v18 =	vand.u32 $0xFFFFF000, v46;
	[tilespmem:$0xBA0] =	vst v19;
	v19 =	vand.u32 $0xFFF, v38;
	v17 =	vor.u32 v20, v17  }
0x3b: {  	v20 =	vand.u32 $0xFFFFF000, v47;
	[tilespmem:$0xBB0] =	vst v17;
	v17 =	vor.u32 v19, v18;
	v19 =	vshra.s32 v43, $0x1  }
0x3c: {  	v18 =	vor.u32 v48, v20;
	[tilespmem:$0xBC0] =	vst v17;
	v17 =	vand.u32 $0xFFFFF000, v19;
	v19 =	vand.u32 $0xFFF, v43  }
0x3d: {  	[tilespmem:$0xBD0] =	vst v18;
	v18 =	vand.u32 $0xFFFFF000, v49;
	v17 =	vor.u32 v19, v17;
	v19 =	vand.u32 $0xFFF, v45  }
0x3e: {  	[tilespmem:$0xBE0] =	vst v17;
	v17 =	vor.u32 v19, v18  }
0x3f: {  	[tilespmem:$0xBF0] =	vst v17  }
0x40: {  	[tilespmem:s14], [sflag:$0x2] =	stream.indirect.gather [hbm4b:s5+s26], $0x80, s13, s26, $0xb8;
	[tilespmem:$0xCDA0] =	vst v63  }
0x41: {  	v17 =	vld [tilespmem:$0x100]  }
0x42: {  	v18 =	vld [tilespmem:$0x110]  }
0x43: {  	v19 =	vld [tilespmem:$0x120]  }
0x44: {  	v50 =	vld [tilespmem:$0x130]  }
0x45: {  	v52 =	vld [tilespmem:$0x140]  }
0x46: {  	v54 =	vld [tilespmem:$0x150]  }
0x47: {  	v51 =	vshra.s32 v17, $0x1  }
0x48: {  	v59 =	vld [tilespmem:$0x170];
	v17 =	vand.u32 $0xFFF, v17;
	v53 =	vshra.s32 v18, $0x1;
	v56 =	vshra.s32 v19, $0x1  }
0x49: {  	v18 =	vand.u32 $0xFFF, v18;
	v19 =	vand.u32 $0xFFF, v19;
	v58 =	vshra.s32 v50, $0x1  }
0x4a: {  	v57 =	vld [tilespmem:$0x160];
	v20 =	vand.u32 $0xFFF, v50;
	v60 =	vshra.s32 v52, $0x1;
	v21 =	vand.u32 $0xFFFFF000, v51  }
0x4b: {  	v61 =	vshra.s32 v54, $0x1;
	v55 =	vand.u32 $0xFFFFF000, v53;
	v17 =	vor.u32 v17, v21  }
0x4c: {  	v62 =	vand.u32 $0xFFF, v54;
	v23 =	vand.u32 $0xFFFFF000, v56;
	v18 =	vor.u32 v18, v55;
	[tilespmem:$0xC00] =	vst v17  }
0x4d: {  	v63 =	vshra.s32 v59, $0x1;
	v19 =	vor.u32 v19, v23;
	v17 =	vand.u32 $0xFFFFF000, v58;
	[tilespmem:$0xC10] =	vst v18  }
0x4e: {  	v18 =	vand.u32 $0xFFFFF000, v60;
	[tilespmem:$0xC20] =	vst v19;
	v19 =	vand.u32 $0xFFF, v52;
	v17 =	vor.u32 v20, v17  }
0x4f: {  	v20 =	vand.u32 $0xFFFFF000, v61;
	[tilespmem:$0xC30] =	vst v17;
	v17 =	vor.u32 v19, v18;
	v19 =	vshra.s32 v57, $0x1  }
0x50: {  	v18 =	vor.u32 v62, v20;
	[tilespmem:$0xC40] =	vst v17;
	v17 =	vand.u32 $0xFFFFF000, v19;
	v19 =	vand.u32 $0xFFF, v57  }
0x51: {  	[tilespmem:$0xC50] =	vst v18;
	v18 =	vand.u32 $0xFFFFF000, v63;
	v17 =	vor.u32 v19, v17;
	v19 =	vand.u32 $0xFFF, v59  }
0x52: {  	[tilespmem:$0xC60] =	vst v17;
	v17 =	vor.u32 v19, v18  }
0x53: {  	[tilespmem:$0xC70] =	vst v17  }
0x54: {  	[tilespmem:s16], [sflag:$0x3] =	stream.indirect.gather [hbm4b:s5+s26], $0x80, s15, s26, $0xb8;
	[tilespmem:$0xCDA0] =	vst v63  }
0x55: {  	_ =	swait.ge [sflag:s17], $0x4000  }
0x56: {  	[sflag:s17] =	ssyncset.done $0x0  }
0x57: {  	s28 =	simm.s32 $0x100;
	[sflag:s17] =	ssyncadd.s32 $0xFFFFC000  }
.LBB2_3:
0x58: {  	_ =	swait.ge [sflag:s18], $0x4000;
	p0 =	seq.s32 s25, $0x0  }
0x59: {  	s0 =	simm.f32 $1.000000000e+00;
	s29 =	sshll.u32 s25, $0x8;
	s30 =	simm.s32 $0x0  }
0x5a: {  	s31 =	smov.u32 s26;
	[sflag:s18] =	ssyncset.done $0x0;
	s0 =	simm.s32 @!p0 $0xBF800000  }
0x5b: {  	s29 =	sand.u32 $0x3FFFFF00, s29;
	[sflag:s18] =	ssyncadd.s32 $0xFFFFC000;
	v17 =	vmov s0;
	s0 =	simm.s32 $0x0  }
.LBB2_4:
0x5c: {  	v18 =	vld [tilespmem:s30+$0x0];
	_ =	sdelay $0x3  }
0x5d: {  	v19 =	vld [tilespmem:s31+$0x0]  }
0x5e: {  	v18 =	vshrl.u32 v18, $0x6  }
0x5f: {  	s1 =	sshra.s32 s0, $0x2;
	v18 =	vand.u32 $0x40, v18  }
0x60: {  	v18 =	vadd.s32 s1, v18  }
0x61: {  	(v2sf) =	vpush v18, $0x1  }
0x62: {  	v19 =	vshrl.u32 v19, $0x6;
	(v2sf) =	vpush v18, $0x0  }
0x63: {  	v19 =	vand.u32 $0x40, v19  }
0x64: {  	v19 =	vadd.s32 s1, v19  }
0x65: {  	(v2sf) =	vpush v19, $0x1  }
0x66: {  	(v2sf) =	vpush v19, $0x0;
	_ =	sdelay $0x9  }
0x67: {  	s1 =	spop (v2sf)  }
0x68: {  	s2 =	spop (v2sf)  }
0x69: {  	v20 =	vld [tilespmem:s2+$0xC80]  }
0x6a: {  	v22 =	vld [tilespmem:s2+$0xC90]  }
0x6b: {  	s22 =	spop (v2sf);
	v24 =	vld [tilespmem:s2+$0xCA0]  }
0x6c: {  	v26 =	vld [tilespmem:s2+$0xCB0];
	s8 =	spop (v2sf)  }
0x6d: {  	v21 =	vld [tilespmem:s8+$0x4C80]  }
0x6e: {  	v23 =	vld [tilespmem:s8+$0x4C90]  }
0x6f: {  	v25 =	vld [tilespmem:s8+$0x4CA0]  }
0x70: {  	v27 =	vld [tilespmem:s8+$0x4CB0];
	_ =	sdelay $0x3  }
0x71: {  	v20 =	vmul.f32 v21, v20;
	v63 =	vmul.f32 v23, v22  }
0x72: {  	v25 =	vmul.f32 v25, v24;
	v28 =	vmul.f32 v27, v26;
	_ =	sdelay $0x1  }
0x73: {  	v20 =	vadd.f32 v63, v20;
	v29 =	vadd.f32 v28, v25;
	_ =	sdelay $0x1  }
0x74: {  	v20 =	vadd.f32 v29, v20;
	_ =	sdelay $0x1  }
0x75: {  	[tilespmem:$0xCC80] =	vst v20  }
0x76: {  	v20 =	vld [tilespmem:s1+$0xD00]  }
0x77: {  	(v2sf) =	vpush v18, $0x3;
	v30 =	vld [tilespmem:s22+$0x4D00]  }
0x78: {  	(v2sf) =	vpush v18, $0x2;
	v31 =	vld [tilespmem:s1+$0xD10]  }
0x79: {  	(v2sf) =	vpush v19, $0x3;
	v32 =	vld [tilespmem:s22+$0x4D10]  }
0x7a: {  	(v2sf) =	vpush v19, $0x2;
	v33 =	vld [tilespmem:s1+$0xD20]  }
0x7b: {  	v34 =	vld [tilespmem:s22+$0x4D20]  }
0x7c: {  	v35 =	vld [tilespmem:s1+$0xD30]  }
0x7d: {  	v36 =	vld [tilespmem:s22+$0x4D30];
	_ =	sdelay $0x3  }
0x7e: {  	v20 =	vmul.f32 v30, v20;
	v37 =	vmul.f32 v32, v31  }
0x7f: {  	v38 =	vmul.f32 v34, v33;
	v39 =	vmul.f32 v36, v35;
	_ =	sdelay $0x1  }
0x80: {  	v20 =	vadd.f32 v37, v20;
	v40 =	vadd.f32 v39, v38;
	_ =	sdelay $0x1  }
0x81: {  	s1 =	spop (v2sf);
	v20 =	vadd.f32 v40, v20  }
0x82: {  	s2 =	spop (v2sf)  }
0x83: {  	s8 =	spop (v2sf);
	[tilespmem:$0xCC91] =	vst v20  }
0x84: {  	s22 =	spop (v2sf);
	v20 =	vld [tilespmem:s2+$0xD80]  }
0x85: {  	v41 =	vld [tilespmem:s22+$0x4D80]  }
0x86: {  	v42 =	vld [tilespmem:s2+$0xD90]  }
0x87: {  	v43 =	vld [tilespmem:s22+$0x4D90]  }
0x88: {  	v44 =	vld [tilespmem:s2+$0xDA0]  }
0x89: {  	v45 =	vld [tilespmem:s22+$0x4DA0]  }
0x8a: {  	v46 =	vld [tilespmem:s2+$0xDB0]  }
0x8b: {  	v47 =	vld [tilespmem:s22+$0x4DB0];
	_ =	sdelay $0x3  }
0x8c: {  	v20 =	vmul.f32 v41, v20;
	v48 =	vmul.f32 v43, v42  }
0x8d: {  	v49 =	vmul.f32 v45, v44;
	v50 =	vmul.f32 v47, v46;
	_ =	sdelay $0x1  }
0x8e: {  	v20 =	vadd.f32 v48, v20;
	v51 =	vadd.f32 v50, v49;
	_ =	sdelay $0x1  }
0x8f: {  	v20 =	vadd.f32 v51, v20;
	_ =	sdelay $0x1  }
0x90: {  	[tilespmem:$0xCCA2] =	vst v20  }
0x91: {  	v20 =	vld [tilespmem:s1+$0xE00]  }
0x92: {  	(v2sf) =	vpush v18, $0x5;
	v52 =	vld [tilespmem:s8+$0x4E00]  }
0x93: {  	(v2sf) =	vpush v18, $0x4;
	v53 =	vld [tilespmem:s1+$0xE10]  }
0x94: {  	(v2sf) =	vpush v19, $0x5;
	v54 =	vld [tilespmem:s8+$0x4E10]  }
0x95: {  	(v2sf) =	vpush v19, $0x4;
	v55 =	vld [tilespmem:s1+$0xE20]  }
0x96: {  	v56 =	vld [tilespmem:s8+$0x4E20]  }
0x97: {  	v57 =	vld [tilespmem:s1+$0xE30]  }
0x98: {  	v58 =	vld [tilespmem:s8+$0x4E30];
	_ =	sdelay $0x3  }
0x99: {  	v20 =	vmul.f32 v52, v20;
	v59 =	vmul.f32 v54, v53  }
0x9a: {  	v60 =	vmul.f32 v56, v55;
	v61 =	vmul.f32 v58, v57;
	_ =	sdelay $0x1  }
0x9b: {  	v20 =	vadd.f32 v59, v20;
	v62 =	vadd.f32 v61, v60;
	_ =	sdelay $0x1  }
0x9c: {  	s1 =	spop (v2sf);
	v20 =	vadd.f32 v62, v20  }
0x9d: {  	s2 =	spop (v2sf)  }
0x9e: {  	s8 =	spop (v2sf);
	[tilespmem:$0xCCB3] =	vst v20  }
0x9f: {  	s22 =	spop (v2sf);
	v20 =	vld [tilespmem:s2+$0xE80]  }
0xa0: {  	v63 =	vld [tilespmem:s22+$0x4E80]  }
0xa1: {  	v30 =	vld [tilespmem:s2+$0xE90]  }
0xa2: {  	v31 =	vld [tilespmem:s22+$0x4E90]  }
0xa3: {  	v32 =	vld [tilespmem:s2+$0xEA0]  }
0xa4: {  	v33 =	vld [tilespmem:s22+$0x4EA0]  }
0xa5: {  	v34 =	vld [tilespmem:s2+$0xEB0]  }
0xa6: {  	v35 =	vld [tilespmem:s22+$0x4EB0];
	_ =	sdelay $0x3  }
0xa7: {  	v20 =	vmul.f32 v63, v20;
	v36 =	vmul.f32 v31, v30  }
0xa8: {  	v37 =	vmul.f32 v33, v32;
	v38 =	vmul.f32 v35, v34;
	_ =	sdelay $0x1  }
0xa9: {  	v20 =	vadd.f32 v36, v20;
	v39 =	vadd.f32 v38, v37;
	_ =	sdelay $0x1  }
0xaa: {  	v20 =	vadd.f32 v39, v20;
	_ =	sdelay $0x1  }
0xab: {  	[tilespmem:$0xCCC4] =	vst v20  }
0xac: {  	v20 =	vld [tilespmem:s1+$0xF00]  }
0xad: {  	(v2sf) =	vpush v18, $0x7;
	v40 =	vld [tilespmem:s8+$0x4F00]  }
0xae: {  	(v2sf) =	vpush v18, $0x6;
	v41 =	vld [tilespmem:s1+$0xF10]  }
0xaf: {  	(v2sf) =	vpush v19, $0x7;
	v42 =	vld [tilespmem:s8+$0x4F10]  }
0xb0: {  	(v2sf) =	vpush v19, $0x6;
	v43 =	vld [tilespmem:s1+$0xF20]  }
0xb1: {  	v44 =	vld [tilespmem:s8+$0x4F20]  }
0xb2: {  	v45 =	vld [tilespmem:s1+$0xF30]  }
0xb3: {  	v46 =	vld [tilespmem:s8+$0x4F30];
	_ =	sdelay $0x3  }
0xb4: {  	v20 =	vmul.f32 v40, v20;
	v47 =	vmul.f32 v42, v41  }
0xb5: {  	v48 =	vmul.f32 v44, v43;
	v49 =	vmul.f32 v46, v45;
	_ =	sdelay $0x1  }
0xb6: {  	v20 =	vadd.f32 v47, v20;
	v50 =	vadd.f32 v49, v48;
	_ =	sdelay $0x1  }
0xb7: {  	s1 =	spop (v2sf);
	v20 =	vadd.f32 v50, v20  }
0xb8: {  	s2 =	spop (v2sf)  }
0xb9: {  	s8 =	spop (v2sf);
	[tilespmem:$0xCCD5] =	vst v20  }
0xba: {  	s22 =	spop (v2sf);
	v20 =	vld [tilespmem:s2+$0xF80]  }
0xbb: {  	v51 =	vld [tilespmem:s22+$0x4F80]  }
0xbc: {  	v52 =	vld [tilespmem:s2+$0xF90]  }
0xbd: {  	v53 =	vld [tilespmem:s22+$0x4F90]  }
0xbe: {  	v54 =	vld [tilespmem:s2+$0xFA0]  }
0xbf: {  	v55 =	vld [tilespmem:s22+$0x4FA0]  }
0xc0: {  	v56 =	vld [tilespmem:s2+$0xFB0]  }
0xc1: {  	v57 =	vld [tilespmem:s22+$0x4FB0];
	_ =	sdelay $0x3  }
0xc2: {  	v20 =	vmul.f32 v51, v20;
	v58 =	vmul.f32 v53, v52  }
0xc3: {  	v59 =	vmul.f32 v55, v54;
	v60 =	vmul.f32 v57, v56;
	_ =	sdelay $0x1  }
0xc4: {  	v20 =	vadd.f32 v58, v20;
	v61 =	vadd.f32 v60, v59;
	_ =	sdelay $0x1  }
0xc5: {  	v20 =	vadd.f32 v61, v20;
	_ =	sdelay $0x1  }
0xc6: {  	[tilespmem:$0xCCE6] =	vst v20  }
0xc7: {  	v20 =	vld [tilespmem:s1+$0x1000]  }
0xc8: {  	(v2sf) =	vpush v18, $0x9;
	v62 =	vld [tilespmem:s8+$0x5000]  }
0xc9: {  	(v2sf) =	vpush v18, $0x8;
	v63 =	vld [tilespmem:s1+$0x1010]  }
0xca: {  	(v2sf) =	vpush v19, $0x9;
	v30 =	vld [tilespmem:s8+$0x5010]  }
0xcb: {  	(v2sf) =	vpush v19, $0x8;
	v31 =	vld [tilespmem:s1+$0x1020]  }
0xcc: {  	v32 =	vld [tilespmem:s8+$0x5020]  }
0xcd: {  	v33 =	vld [tilespmem:s1+$0x1030]  }
0xce: {  	v34 =	vld [tilespmem:s8+$0x5030];
	_ =	sdelay $0x3  }
0xcf: {  	v20 =	vmul.f32 v62, v20;
	v35 =	vmul.f32 v30, v63  }
0xd0: {  	v36 =	vmul.f32 v32, v31;
	v37 =	vmul.f32 v34, v33;
	_ =	sdelay $0x1  }
0xd1: {  	v20 =	vadd.f32 v35, v20;
	v38 =	vadd.f32 v37, v36;
	_ =	sdelay $0x1  }
0xd2: {  	s1 =	spop (v2sf);
	v20 =	vadd.f32 v38, v20  }
0xd3: {  	s2 =	spop (v2sf)  }
0xd4: {  	s8 =	spop (v2sf);
	[tilespmem:$0xCCF7] =	vst v20  }
0xd5: {  	s22 =	spop (v2sf);
	v20 =	vld [tilespmem:s2+$0x1080]  }
0xd6: {  	v39 =	vld [tilespmem:s22+$0x5080]  }
0xd7: {  	v40 =	vld [tilespmem:s2+$0x1090]  }
0xd8: {  	v41 =	vld [tilespmem:s22+$0x5090]  }
0xd9: {  	v42 =	vld [tilespmem:s2+$0x10A0]  }
0xda: {  	v43 =	vld [tilespmem:s22+$0x50A0]  }
0xdb: {  	v44 =	vld [tilespmem:s2+$0x10B0]  }
0xdc: {  	v45 =	vld [tilespmem:s22+$0x50B0];
	_ =	sdelay $0x3  }
0xdd: {  	v20 =	vmul.f32 v39, v20;
	v46 =	vmul.f32 v41, v40  }
0xde: {  	v47 =	vmul.f32 v43, v42;
	v48 =	vmul.f32 v45, v44;
	_ =	sdelay $0x1  }
0xdf: {  	v20 =	vadd.f32 v46, v20;
	v49 =	vadd.f32 v48, v47;
	_ =	sdelay $0x1  }
0xe0: {  	v20 =	vadd.f32 v49, v20;
	_ =	sdelay $0x1  }
0xe1: {  	[tilespmem:$0xCD08] =	vst v20  }
0xe2: {  	v20 =	vld [tilespmem:s1+$0x1100]  }
0xe3: {  	(v2sf) =	vpush v18, $0xB;
	v50 =	vld [tilespmem:s8+$0x5100]  }
0xe4: {  	(v2sf) =	vpush v18, $0xA;
	v51 =	vld [tilespmem:s1+$0x1110]  }
0xe5: {  	(v2sf) =	vpush v19, $0xB;
	v52 =	vld [tilespmem:s8+$0x5110]  }
0xe6: {  	(v2sf) =	vpush v19, $0xA;
	v53 =	vld [tilespmem:s1+$0x1120]  }
0xe7: {  	v54 =	vld [tilespmem:s8+$0x5120]  }
0xe8: {  	v55 =	vld [tilespmem:s1+$0x1130]  }
0xe9: {  	v56 =	vld [tilespmem:s8+$0x5130];
	_ =	sdelay $0x3  }
0xea: {  	v20 =	vmul.f32 v50, v20;
	v57 =	vmul.f32 v52, v51  }
0xeb: {  	v58 =	vmul.f32 v54, v53;
	v59 =	vmul.f32 v56, v55;
	_ =	sdelay $0x1  }
0xec: {  	v20 =	vadd.f32 v57, v20;
	v60 =	vadd.f32 v59, v58;
	_ =	sdelay $0x1  }
0xed: {  	s1 =	spop (v2sf);
	v20 =	vadd.f32 v60, v20  }
0xee: {  	s2 =	spop (v2sf)  }
0xef: {  	s8 =	spop (v2sf);
	[tilespmem:$0xCD19] =	vst v20  }
0xf0: {  	s22 =	spop (v2sf);
	v20 =	vld [tilespmem:s2+$0x1180]  }
0xf1: {  	v61 =	vld [tilespmem:s22+$0x5180]  }
0xf2: {  	v62 =	vld [tilespmem:s2+$0x1190]  }
0xf3: {  	v63 =	vld [tilespmem:s22+$0x5190]  }
0xf4: {  	v30 =	vld [tilespmem:s2+$0x11A0]  }
0xf5: {  	v31 =	vld [tilespmem:s22+$0x51A0]  }
0xf6: {  	v32 =	vld [tilespmem:s2+$0x11B0]  }
0xf7: {  	v33 =	vld [tilespmem:s22+$0x51B0];
	_ =	sdelay $0x3  }
0xf8: {  	v20 =	vmul.f32 v61, v20;
	v34 =	vmul.f32 v63, v62  }
0xf9: {  	v35 =	vmul.f32 v31, v30;
	v36 =	vmul.f32 v33, v32;
	_ =	sdelay $0x1  }
0xfa: {  	v20 =	vadd.f32 v34, v20;
	v37 =	vadd.f32 v36, v35;
	_ =	sdelay $0x1  }
0xfb: {  	v20 =	vadd.f32 v37, v20;
	_ =	sdelay $0x1  }
0xfc: {  	[tilespmem:$0xCD2A] =	vst v20  }
0xfd: {  	v20 =	vld [tilespmem:s1+$0x1200]  }
0xfe: {  	(v2sf) =	vpush v18, $0xD;
	v38 =	vld [tilespmem:s8+$0x5200]  }
0xff: {  	(v2sf) =	vpush v18, $0xC;
	v39 =	vld [tilespmem:s1+$0x1210]  }
0x100: {  	(v2sf) =	vpush v19, $0xD;
	v40 =	vld [tilespmem:s8+$0x5210]  }
0x101: {  	(v2sf) =	vpush v19, $0xC;
	v41 =	vld [tilespmem:s1+$0x1220]  }
0x102: {  	v42 =	vld [tilespmem:s8+$0x5220]  }
0x103: {  	v43 =	vld [tilespmem:s1+$0x1230]  }
0x104: {  	v44 =	vld [tilespmem:s8+$0x5230];
	_ =	sdelay $0x3  }
0x105: {  	v20 =	vmul.f32 v38, v20;
	v45 =	vmul.f32 v40, v39  }
0x106: {  	v46 =	vmul.f32 v42, v41;
	v47 =	vmul.f32 v44, v43;
	_ =	sdelay $0x1  }
0x107: {  	v20 =	vadd.f32 v45, v20;
	v48 =	vadd.f32 v47, v46;
	_ =	sdelay $0x1  }
0x108: {  	s1 =	spop (v2sf);
	v20 =	vadd.f32 v48, v20  }
0x109: {  	s2 =	spop (v2sf)  }
0x10a: {  	s8 =	spop (v2sf);
	[tilespmem:$0xCD3B] =	vst v20  }
0x10b: {  	s22 =	spop (v2sf);
	v20 =	vld [tilespmem:s2+$0x1280]  }
0x10c: {  	v49 =	vld [tilespmem:s22+$0x5280]  }
0x10d: {  	v50 =	vld [tilespmem:s2+$0x1290]  }
0x10e: {  	v51 =	vld [tilespmem:s22+$0x5290]  }
0x10f: {  	v52 =	vld [tilespmem:s2+$0x12A0]  }
0x110: {  	v53 =	vld [tilespmem:s22+$0x52A0]  }
0x111: {  	v54 =	vld [tilespmem:s2+$0x12B0]  }
0x112: {  	v55 =	vld [tilespmem:s22+$0x52B0];
	_ =	sdelay $0x3  }
0x113: {  	v20 =	vmul.f32 v49, v20;
	v56 =	vmul.f32 v51, v50  }
0x114: {  	v57 =	vmul.f32 v53, v52;
	v58 =	vmul.f32 v55, v54;
	_ =	sdelay $0x1  }
0x115: {  	v20 =	vadd.f32 v56, v20;
	v59 =	vadd.f32 v58, v57;
	_ =	sdelay $0x1  }
0x116: {  	v20 =	vadd.f32 v59, v20;
	_ =	sdelay $0x1  }
0x117: {  	[tilespmem:$0xCD4C] =	vst v20  }
0x118: {  	v20 =	vld [tilespmem:s1+$0x1300]  }
0x119: {  	(v2sf) =	vpush v18, $0xF;
	v60 =	vld [tilespmem:s8+$0x5300]  }
0x11a: {  	(v2sf) =	vpush v18, $0xE;
	v61 =	vld [tilespmem:s1+$0x1310]  }
0x11b: {  	(v2sf) =	vpush v19, $0xF;
	v18 =	vld [tilespmem:s8+$0x5310]  }
0x11c: {  	(v2sf) =	vpush v19, $0xE;
	v62 =	vld [tilespmem:s1+$0x1320]  }
0x11d: {  	v19 =	vld [tilespmem:s8+$0x5320]  }
0x11e: {  	v63 =	vld [tilespmem:s1+$0x1330]  }
0x11f: {  	v28 =	vld [tilespmem:s8+$0x5330];
	_ =	sdelay $0x3  }
0x120: {  	v20 =	vmul.f32 v60, v20;
	v18 =	vmul.f32 v18, v61  }
0x121: {  	v19 =	vmul.f32 v19, v62;
	v29 =	vmul.f32 v28, v63;
	_ =	sdelay $0x1  }
0x122: {  	v18 =	vadd.f32 v18, v20;
	v19 =	vadd.f32 v29, v19;
	_ =	sdelay $0x1  }
0x123: {  	s1 =	spop (v2sf);
	v18 =	vadd.f32 v19, v18  }
0x124: {  	s2 =	spop (v2sf)  }
0x125: {  	s8 =	spop (v2sf);
	[tilespmem:$0xCD5D] =	vst v18  }
0x126: {  	s22 =	spop (v2sf);
	v18 =	vld [tilespmem:s2+$0x1380]  }
0x127: {  	v19 =	vld [tilespmem:s22+$0x5380]  }
0x128: {  	v30 =	vld [tilespmem:s2+$0x1390]  }
0x129: {  	v31 =	vld [tilespmem:s22+$0x5390]  }
0x12a: {  	v32 =	vld [tilespmem:s2+$0x13A0]  }
0x12b: {  	v33 =	vld [tilespmem:s22+$0x53A0]  }
0x12c: {  	v34 =	vld [tilespmem:s2+$0x13B0]  }
0x12d: {  	v35 =	vld [tilespmem:s22+$0x53B0];
	_ =	sdelay $0x3  }
0x12e: {  	v18 =	vmul.f32 v19, v18;
	v19 =	vmul.f32 v31, v30  }
0x12f: {  	v36 =	vmul.f32 v33, v32;
	v37 =	vmul.f32 v35, v34;
	_ =	sdelay $0x1  }
0x130: {  	v18 =	vadd.f32 v19, v18;
	v19 =	vadd.f32 v37, v36;
	_ =	sdelay $0x1  }
0x131: {  	v18 =	vadd.f32 v19, v18;
	_ =	sdelay $0x1  }
0x132: {  	[tilespmem:$0xCD6E] =	vst v18  }
0x133: {  	v18 =	vld [tilespmem:s1+$0x1400]  }
0x134: {  	v19 =	vld [tilespmem:s8+$0x5400]  }
0x135: {  	v38 =	vld [tilespmem:s1+$0x1410]  }
0x136: {  	v39 =	vld [tilespmem:s8+$0x5410]  }
0x137: {  	v40 =	vld [tilespmem:s1+$0x1420]  }
0x138: {  	v41 =	vld [tilespmem:s8+$0x5420]  }
0x139: {  	v42 =	vld [tilespmem:s1+$0x1430]  }
0x13a: {  	v43 =	vld [tilespmem:s8+$0x5430];
	_ =	sdelay $0x3  }
0x13b: {  	v18 =	vmul.f32 v19, v18;
	v19 =	vmul.f32 v39, v38  }
0x13c: {  	v44 =	vmul.f32 v41, v40;
	v45 =	vmul.f32 v43, v42;
	_ =	sdelay $0x1  }
0x13d: {  	v18 =	vadd.f32 v19, v18;
	v19 =	vadd.f32 v45, v44;
	_ =	sdelay $0x1  }
0x13e: {  	v18 =	vadd.f32 v19, v18;
	_ =	sdelay $0x1  }
0x13f: {  	[tilespmem:$0xCD7F] =	vst v18  }
0x140: {  	v18 =	vld.idx.msk [tilespmem:v0+s19+$0x0], $0xffff  }
0x141: {  	v19 =	vld.idx.msk [tilespmem:v1+s19+$0x0], $0xffff  }
0x142: {  	v46 =	vld.idx.msk [tilespmem:v2+s19+$0x0], $0xffff  }
0x143: {  	v47 =	vld.idx.msk [tilespmem:v3+s19+$0x0], $0xffff  }
0x144: {  	v48 =	vld.idx.msk [tilespmem:v4+s19+$0x0], $0xffff  }
0x145: {  	v49 =	vld.idx.msk [tilespmem:v5+s19+$0x0], $0xffff  }
0x146: {  	v50 =	vld.idx.msk [tilespmem:v6+s19+$0x0], $0xffff  }
0x147: {  	v51 =	vld.idx.msk [tilespmem:v7+s19+$0x0], $0xffff  }
0x148: {  	v52 =	vld.idx.msk [tilespmem:v8+s19+$0x0], $0xffff  }
0x149: {  	v53 =	vld.idx.msk [tilespmem:v9+s19+$0x0], $0xffff  }
0x14a: {  	v28 =	vld.idx.msk [tilespmem:v10+s19+$0x0], $0xffff  }
0x14b: {  	v29 =	vld.idx.msk [tilespmem:v11+s19+$0x0], $0xffff  }
0x14c: {  	v30 =	vld.idx.msk [tilespmem:v12+s19+$0x0], $0xffff  }
0x14d: {  	v31 =	vld.idx.msk [tilespmem:v13+s19+$0x0], $0xffff  }
0x14e: {  	v32 =	vld.idx.msk [tilespmem:v14+s19+$0x0], $0xffff  }
0x14f: {  	v33 =	vld.idx.msk [tilespmem:v15+s19+$0x0], $0xffff;
	_ =	sdelay $0x1  }
0x150: {  	v18 =	vadd.f32 v19, v18;
	v19 =	vadd.f32 v47, v46  }
0x151: {  	v54 =	vadd.f32 v49, v48;
	v55 =	vadd.f32 v51, v50  }
0x152: {  	v56 =	vadd.f32 v53, v52;
	v57 =	vadd.f32 v29, v28  }
0x153: {  	v58 =	vadd.f32 v31, v30;
	v59 =	vadd.f32 v33, v32  }
0x154: {  	v18 =	vadd.f32 v19, v18;
	v19 =	vadd.f32 v55, v54  }
0x155: {  	v60 =	vadd.f32 v57, v56;
	v61 =	vadd.f32 v59, v58;
	_ =	sdelay $0x1  }
0x156: {  	v18 =	vadd.f32 v19, v18;
	v19 =	vadd.f32 v61, v60;
	_ =	sdelay $0x1  }
0x157: {  	v18 =	vadd.f32 v19, v18;
	_ =	sdelay $0x1  }
0x158: {  	v18 =	vmul.f32 v18, v17;
	_ =	sdelay $0x1  }
0x159: {  	v19 =	vand.u32 $0x7FFFFFFF, v18  }
0x15a: {  	v19 =	vsub.f32 $0.0e+00, v19;
	_ =	sdelay $0x1  }
0x15b: {  	v19 =	vmul.f32 $1.442695020e+00, v19;
	_ =	sdelay $0x1  }
0x15c: {  	(erf) = vpow2.f32 v19;
	_ =	sdelay $0x8  }
0x15d: {  	v19 =	vpop (erf)  }
0x15e: {  	v62 =	vadd.f32 $2.000000000e+00, v19;
	_ =	sdelay $0x1  }
0x15f: {  	(erf) = vrcp.f32 v62;
	_ =	sdelay $0x8  }
0x160: {  	v20 =	vpop (erf)  }
0x161: {  	v19 =	vmul.f32 v20, v19;
	_ =	sdelay $0x1  }
0x162: {  	v20 =	vmul.f32 v19, v19;
	_ =	sdelay $0x1  }
0x163: {  	v63 =	vmul.f32 $7.692307980e-02, v20;
	_ =	sdelay $0x1  }
0x164: {  	v21 =	vadd.f32 $9.090909360e-02, v63;
	_ =	sdelay $0x1  }
0x165: {  	v21 =	vmul.f32 v21, v20;
	_ =	sdelay $0x1  }
0x166: {  	v21 =	vadd.f32 $1.111111120e-01, v21;
	_ =	sdelay $0x1  }
0x167: {  	v21 =	vmul.f32 v21, v20;
	_ =	sdelay $0x1  }
0x168: {  	v21 =	vadd.f32 $1.428571490e-01, v21;
	_ =	sdelay $0x1  }
0x169: {  	v21 =	vmul.f32 v21, v20;
	_ =	sdelay $0x1  }
0x16a: {  	v21 =	vadd.f32 $2.000000030e-01, v21;
	_ =	sdelay $0x1  }
0x16b: {  	v21 =	vmul.f32 v21, v20;
	_ =	sdelay $0x1  }
0x16c: {  	v21 =	vadd.f32 $3.333333430e-01, v21;
	_ =	sdelay $0x1  }
0x16d: {  	v20 =	vmul.f32 v21, v20;
	_ =	sdelay $0x1  }
0x16e: {  	v19 =	vadd.f32 v19, v19;
	v20 =	vadd.f32 $1.000000000e+00, v20  }
0x16f: {  	p0 =	sne.s32 s0, $0xE000  }
.Ltmp0:
0x170: {  	v19 =	vmul.f32 v20, v19;
	(pc) =	sbr.rel @p0 .LBB2_4-.Ltmp0, $3  }
0x171: {  	v18 =	vmin.f32 v18, $0.0e+00  }
0x172: {  	v18 =	vsub.f32 v18, v19;
	_ =	sdelay $0x1  }
0x173: {  	s31 =	sadd.s32 $0x10, s31;
	s30 =	sadd.s32 $0x10, s30;
	s0 =	sadd.s32 $0x2000, s0;
	v16 =	vadd.f32 v18, v16  }
0x174: {  	v17 =	vld [tilespmem:s29+$0x180];
	_ =	sdelay $0x4  }
0x175: {  	v18 =	vshra.s32 v17, $0x1  }
0x176: {  	v17 =	vand.u32 $0xFFF, v17;
	v18 =	vand.u32 $0xFFFFF000, v18  }
0x177: {  	v17 =	vor.u32 v17, v18  }
0x178: {  	[tilespmem:$0xB80] =	vst v17  }
0x179: {  	v17 =	vld [tilespmem:s29+$0x190];
	_ =	sdelay $0x4  }
0x17a: {  	v18 =	vshra.s32 v17, $0x1  }
0x17b: {  	v17 =	vand.u32 $0xFFF, v17;
	v18 =	vand.u32 $0xFFFFF000, v18  }
0x17c: {  	v17 =	vor.u32 v17, v18  }
0x17d: {  	[tilespmem:$0xB90] =	vst v17  }
0x17e: {  	v17 =	vld [tilespmem:s29+$0x1A0];
	_ =	sdelay $0x4  }
0x17f: {  	v18 =	vshra.s32 v17, $0x1  }
0x180: {  	v17 =	vand.u32 $0xFFF, v17;
	v18 =	vand.u32 $0xFFFFF000, v18  }
0x181: {  	v17 =	vor.u32 v17, v18  }
0x182: {  	[tilespmem:$0xBA0] =	vst v17  }
0x183: {  	v17 =	vld [tilespmem:s29+$0x1B0];
	_ =	sdelay $0x4  }
0x184: {  	v18 =	vshra.s32 v17, $0x1  }
0x185: {  	v17 =	vand.u32 $0xFFF, v17;
	v18 =	vand.u32 $0xFFFFF000, v18  }
0x186: {  	v17 =	vor.u32 v17, v18  }
0x187: {  	[tilespmem:$0xBB0] =	vst v17  }
0x188: {  	v17 =	vld [tilespmem:s29+$0x1C0];
	_ =	sdelay $0x4  }
0x189: {  	v18 =	vshra.s32 v17, $0x1  }
0x18a: {  	v17 =	vand.u32 $0xFFF, v17;
	v18 =	vand.u32 $0xFFFFF000, v18  }
0x18b: {  	v17 =	vor.u32 v17, v18  }
0x18c: {  	[tilespmem:$0xBC0] =	vst v17  }
0x18d: {  	v17 =	vld [tilespmem:s29+$0x1D0];
	_ =	sdelay $0x4  }
0x18e: {  	v18 =	vshra.s32 v17, $0x1  }
0x18f: {  	v17 =	vand.u32 $0xFFF, v17;
	v18 =	vand.u32 $0xFFFFF000, v18  }
0x190: {  	v17 =	vor.u32 v17, v18  }
0x191: {  	[tilespmem:$0xBD0] =	vst v17  }
0x192: {  	v17 =	vld [tilespmem:s29+$0x1E0];
	_ =	sdelay $0x4  }
0x193: {  	v18 =	vshra.s32 v17, $0x1  }
0x194: {  	v17 =	vand.u32 $0xFFF, v17;
	v18 =	vand.u32 $0xFFFFF000, v18  }
0x195: {  	v17 =	vor.u32 v17, v18  }
0x196: {  	[tilespmem:$0xBE0] =	vst v17  }
0x197: {  	v17 =	vld [tilespmem:s29+$0x1F0];
	_ =	sdelay $0x4  }
0x198: {  	v18 =	vshra.s32 v17, $0x1  }
0x199: {  	v17 =	vand.u32 $0xFFF, v17;
	v18 =	vand.u32 $0xFFFFF000, v18  }
0x19a: {  	v17 =	vor.u32 v17, v18  }
0x19b: {  	[tilespmem:$0xBF0] =	vst v17  }
0x19c: {  	[tilespmem:s14], [sflag:$0x2] =	stream.indirect.gather [hbm4b:s5+s20], $0x80, s13, s20, $0xb8;
	[tilespmem:$0xCDA0] =	vst v63  }
0x19d: {  	_ =	swait.ge [sflag:s21], $0x4000  }
0x19e: {  	s30 =	simm.s32 $0x0;
	[sflag:s21] =	ssyncset.done $0x0  }
0x19f: {  	s31 =	smov.u32 s28;
	s0 =	simm.s32 $0x0;
	[sflag:s21] =	ssyncadd.s32 $0xFFFFC000  }
.LBB2_6:
0x1a0: {  	v17 =	vld [tilespmem:s30+$0x0];
	_ =	sdelay $0x3  }
0x1a1: {  	v18 =	vld [tilespmem:s31+$0x0]  }
0x1a2: {  	v17 =	vshrl.u32 v17, $0x6  }
0x1a3: {  	s1 =	sshra.s32 s0, $0x2;
	v17 =	vand.u32 $0x40, v17  }
0x1a4: {  	v17 =	vadd.s32 s1, v17  }
0x1a5: {  	(v2sf) =	vpush v17, $0x1  }
0x1a6: {  	v18 =	vshrl.u32 v18, $0x6;
	(v2sf) =	vpush v17, $0x0  }
0x1a7: {  	v18 =	vand.u32 $0x40, v18  }
0x1a8: {  	v18 =	vadd.s32 s1, v18  }
0x1a9: {  	(v2sf) =	vpush v18, $0x1  }
0x1aa: {  	(v2sf) =	vpush v18, $0x0;
	_ =	sdelay $0x9  }
0x1ab: {  	s1 =	spop (v2sf)  }
0x1ac: {  	s2 =	spop (v2sf)  }
0x1ad: {  	v19 =	vld [tilespmem:s2+$0xC80]  }
0x1ae: {  	v21 =	vld [tilespmem:s2+$0xC90]  }
0x1af: {  	s8 =	spop (v2sf);
	v23 =	vld [tilespmem:s2+$0xCA0]  }
0x1b0: {  	v25 =	vld [tilespmem:s2+$0xCB0];
	s22 =	spop (v2sf)  }
0x1b1: {  	v20 =	vld [tilespmem:s22+$0x8C80]  }
0x1b2: {  	v22 =	vld [tilespmem:s22+$0x8C90]  }
0x1b3: {  	v24 =	vld [tilespmem:s22+$0x8CA0]  }
0x1b4: {  	v26 =	vld [tilespmem:s22+$0x8CB0];
	_ =	sdelay $0x3  }
0x1b5: {  	v19 =	vmul.f32 v20, v19;
	v41 =	vmul.f32 v22, v21  }
0x1b6: {  	v42 =	vmul.f32 v24, v23;
	v43 =	vmul.f32 v26, v25;
	_ =	sdelay $0x1  }
0x1b7: {  	v19 =	vadd.f32 v41, v19;
	v44 =	vadd.f32 v43, v42;
	_ =	sdelay $0x1  }
0x1b8: {  	v19 =	vadd.f32 v44, v19;
	_ =	sdelay $0x1  }
0x1b9: {  	[tilespmem:$0xCC80] =	vst v19  }
0x1ba: {  	v19 =	vld [tilespmem:s1+$0xD00]  }
0x1bb: {  	(v2sf) =	vpush v17, $0x3;
	v45 =	vld [tilespmem:s8+$0x8D00]  }
0x1bc: {  	(v2sf) =	vpush v17, $0x2;
	v46 =	vld [tilespmem:s1+$0xD10]  }
0x1bd: {  	(v2sf) =	vpush v18, $0x3;
	v47 =	vld [tilespmem:s8+$0x8D10]  }
0x1be: {  	(v2sf) =	vpush v18, $0x2;
	v48 =	vld [tilespmem:s1+$0xD20]  }
0x1bf: {  	v49 =	vld [tilespmem:s8+$0x8D20]  }
0x1c0: {  	v50 =	vld [tilespmem:s1+$0xD30]  }
0x1c1: {  	v51 =	vld [tilespmem:s8+$0x8D30];
	_ =	sdelay $0x3  }
0x1c2: {  	v19 =	vmul.f32 v45, v19;
	v52 =	vmul.f32 v47, v46  }
0x1c3: {  	v53 =	vmul.f32 v49, v48;
	v54 =	vmul.f32 v51, v50;
	_ =	sdelay $0x1  }
0x1c4: {  	v19 =	vadd.f32 v52, v19;
	v55 =	vadd.f32 v54, v53;
	_ =	sdelay $0x1  }
0x1c5: {  	s1 =	spop (v2sf);
	v19 =	vadd.f32 v55, v19  }
0x1c6: {  	s2 =	spop (v2sf)  }
0x1c7: {  	s8 =	spop (v2sf);
	[tilespmem:$0xCC91] =	vst v19  }
0x1c8: {  	s22 =	spop (v2sf);
	v19 =	vld [tilespmem:s2+$0xD80]  }
0x1c9: {  	v56 =	vld [tilespmem:s22+$0x8D80]  }
0x1ca: {  	v57 =	vld [tilespmem:s2+$0xD90]  }
0x1cb: {  	v58 =	vld [tilespmem:s22+$0x8D90]  }
0x1cc: {  	v59 =	vld [tilespmem:s2+$0xDA0]  }
0x1cd: {  	v60 =	vld [tilespmem:s22+$0x8DA0]  }
0x1ce: {  	v61 =	vld [tilespmem:s2+$0xDB0]  }
0x1cf: {  	v62 =	vld [tilespmem:s22+$0x8DB0];
	_ =	sdelay $0x3  }
0x1d0: {  	v19 =	vmul.f32 v56, v19;
	v63 =	vmul.f32 v58, v57  }
0x1d1: {  	v27 =	vmul.f32 v60, v59;
	v28 =	vmul.f32 v62, v61;
	_ =	sdelay $0x1  }
0x1d2: {  	v19 =	vadd.f32 v63, v19;
	v29 =	vadd.f32 v28, v27;
	_ =	sdelay $0x1  }
0x1d3: {  	v19 =	vadd.f32 v29, v19;
	_ =	sdelay $0x1  }
0x1d4: {  	[tilespmem:$0xCCA2] =	vst v19  }
0x1d5: {  	v19 =	vld [tilespmem:s1+$0xE00]  }
0x1d6: {  	(v2sf) =	vpush v17, $0x5;
	v30 =	vld [tilespmem:s8+$0x8E00]  }
0x1d7: {  	(v2sf) =	vpush v17, $0x4;
	v31 =	vld [tilespmem:s1+$0xE10]  }
0x1d8: {  	(v2sf) =	vpush v18, $0x5;
	v32 =	vld [tilespmem:s8+$0x8E10]  }
0x1d9: {  	(v2sf) =	vpush v18, $0x4;
	v33 =	vld [tilespmem:s1+$0xE20]  }
0x1da: {  	v34 =	vld [tilespmem:s8+$0x8E20]  }
0x1db: {  	v35 =	vld [tilespmem:s1+$0xE30]  }
0x1dc: {  	v36 =	vld [tilespmem:s8+$0x8E30];
	_ =	sdelay $0x3  }
0x1dd: {  	v19 =	vmul.f32 v30, v19;
	v37 =	vmul.f32 v32, v31  }
0x1de: {  	v38 =	vmul.f32 v34, v33;
	v39 =	vmul.f32 v36, v35;
	_ =	sdelay $0x1  }
0x1df: {  	v19 =	vadd.f32 v37, v19;
	v40 =	vadd.f32 v39, v38;
	_ =	sdelay $0x1  }
0x1e0: {  	s1 =	spop (v2sf);
	v19 =	vadd.f32 v40, v19  }
0x1e1: {  	s2 =	spop (v2sf)  }
0x1e2: {  	s8 =	spop (v2sf);
	[tilespmem:$0xCCB3] =	vst v19  }
0x1e3: {  	s22 =	spop (v2sf);
	v19 =	vld [tilespmem:s2+$0xE80]  }
0x1e4: {  	v41 =	vld [tilespmem:s22+$0x8E80]  }
0x1e5: {  	v42 =	vld [tilespmem:s2+$0xE90]  }
0x1e6: {  	v43 =	vld [tilespmem:s22+$0x8E90]  }
0x1e7: {  	v44 =	vld [tilespmem:s2+$0xEA0]  }
0x1e8: {  	v45 =	vld [tilespmem:s22+$0x8EA0]  }
0x1e9: {  	v46 =	vld [tilespmem:s2+$0xEB0]  }
0x1ea: {  	v47 =	vld [tilespmem:s22+$0x8EB0];
	_ =	sdelay $0x3  }
0x1eb: {  	v19 =	vmul.f32 v41, v19;
	v48 =	vmul.f32 v43, v42  }
0x1ec: {  	v49 =	vmul.f32 v45, v44;
	v50 =	vmul.f32 v47, v46;
	_ =	sdelay $0x1  }
0x1ed: {  	v19 =	vadd.f32 v48, v19;
	v51 =	vadd.f32 v50, v49;
	_ =	sdelay $0x1  }
0x1ee: {  	v19 =	vadd.f32 v51, v19;
	_ =	sdelay $0x1  }
0x1ef: {  	[tilespmem:$0xCCC4] =	vst v19  }
0x1f0: {  	v19 =	vld [tilespmem:s1+$0xF00]  }
0x1f1: {  	(v2sf) =	vpush v17, $0x7;
	v52 =	vld [tilespmem:s8+$0x8F00]  }
0x1f2: {  	(v2sf) =	vpush v17, $0x6;
	v53 =	vld [tilespmem:s1+$0xF10]  }
0x1f3: {  	(v2sf) =	vpush v18, $0x7;
	v54 =	vld [tilespmem:s8+$0x8F10]  }
0x1f4: {  	(v2sf) =	vpush v18, $0x6;
	v55 =	vld [tilespmem:s1+$0xF20]  }
0x1f5: {  	v56 =	vld [tilespmem:s8+$0x8F20]  }
0x1f6: {  	v57 =	vld [tilespmem:s1+$0xF30]  }
0x1f7: {  	v58 =	vld [tilespmem:s8+$0x8F30];
	_ =	sdelay $0x3  }
0x1f8: {  	v19 =	vmul.f32 v52, v19;
	v59 =	vmul.f32 v54, v53  }
0x1f9: {  	v60 =	vmul.f32 v56, v55;
	v61 =	vmul.f32 v58, v57;
	_ =	sdelay $0x1  }
0x1fa: {  	v19 =	vadd.f32 v59, v19;
	v62 =	vadd.f32 v61, v60;
	_ =	sdelay $0x1  }
0x1fb: {  	s1 =	spop (v2sf);
	v19 =	vadd.f32 v62, v19  }
0x1fc: {  	s2 =	spop (v2sf)  }
0x1fd: {  	s8 =	spop (v2sf);
	[tilespmem:$0xCCD5] =	vst v19  }
0x1fe: {  	s22 =	spop (v2sf);
	v19 =	vld [tilespmem:s2+$0xF80]  }
0x1ff: {  	v63 =	vld [tilespmem:s22+$0x8F80]  }
0x200: {  	v28 =	vld [tilespmem:s2+$0xF90]  }
0x201: {  	v29 =	vld [tilespmem:s22+$0x8F90]  }
0x202: {  	v30 =	vld [tilespmem:s2+$0xFA0]  }
0x203: {  	v31 =	vld [tilespmem:s22+$0x8FA0]  }
0x204: {  	v32 =	vld [tilespmem:s2+$0xFB0]  }
0x205: {  	v33 =	vld [tilespmem:s22+$0x8FB0];
	_ =	sdelay $0x3  }
0x206: {  	v19 =	vmul.f32 v63, v19;
	v34 =	vmul.f32 v29, v28  }
0x207: {  	v35 =	vmul.f32 v31, v30;
	v36 =	vmul.f32 v33, v32;
	_ =	sdelay $0x1  }
0x208: {  	v19 =	vadd.f32 v34, v19;
	v37 =	vadd.f32 v36, v35;
	_ =	sdelay $0x1  }
0x209: {  	v19 =	vadd.f32 v37, v19;
	_ =	sdelay $0x1  }
0x20a: {  	[tilespmem:$0xCCE6] =	vst v19  }
0x20b: {  	v19 =	vld [tilespmem:s1+$0x1000]  }
0x20c: {  	(v2sf) =	vpush v17, $0x9;
	v38 =	vld [tilespmem:s8+$0x9000]  }
0x20d: {  	(v2sf) =	vpush v17, $0x8;
	v39 =	vld [tilespmem:s1+$0x1010]  }
0x20e: {  	(v2sf) =	vpush v18, $0x9;
	v40 =	vld [tilespmem:s8+$0x9010]  }
0x20f: {  	(v2sf) =	vpush v18, $0x8;
	v41 =	vld [tilespmem:s1+$0x1020]  }
0x210: {  	v42 =	vld [tilespmem:s8+$0x9020]  }
0x211: {  	v43 =	vld [tilespmem:s1+$0x1030]  }
0x212: {  	v44 =	vld [tilespmem:s8+$0x9030];
	_ =	sdelay $0x3  }
0x213: {  	v19 =	vmul.f32 v38, v19;
	v45 =	vmul.f32 v40, v39  }
0x214: {  	v46 =	vmul.f32 v42, v41;
	v47 =	vmul.f32 v44, v43;
	_ =	sdelay $0x1  }
0x215: {  	v19 =	vadd.f32 v45, v19;
	v48 =	vadd.f32 v47, v46;
	_ =	sdelay $0x1  }
0x216: {  	s1 =	spop (v2sf);
	v19 =	vadd.f32 v48, v19  }
0x217: {  	s2 =	spop (v2sf)  }
0x218: {  	s8 =	spop (v2sf);
	[tilespmem:$0xCCF7] =	vst v19  }
0x219: {  	s22 =	spop (v2sf);
	v19 =	vld [tilespmem:s2+$0x1080]  }
0x21a: {  	v49 =	vld [tilespmem:s22+$0x9080]  }
0x21b: {  	v50 =	vld [tilespmem:s2+$0x1090]  }
0x21c: {  	v51 =	vld [tilespmem:s22+$0x9090]  }
0x21d: {  	v52 =	vld [tilespmem:s2+$0x10A0]  }
0x21e: {  	v53 =	vld [tilespmem:s22+$0x90A0]  }
0x21f: {  	v54 =	vld [tilespmem:s2+$0x10B0]  }
0x220: {  	v55 =	vld [tilespmem:s22+$0x90B0];
	_ =	sdelay $0x3  }
0x221: {  	v19 =	vmul.f32 v49, v19;
	v56 =	vmul.f32 v51, v50  }
0x222: {  	v57 =	vmul.f32 v53, v52;
	v58 =	vmul.f32 v55, v54;
	_ =	sdelay $0x1  }
0x223: {  	v19 =	vadd.f32 v56, v19;
	v59 =	vadd.f32 v58, v57;
	_ =	sdelay $0x1  }
0x224: {  	v19 =	vadd.f32 v59, v19;
	_ =	sdelay $0x1  }
0x225: {  	[tilespmem:$0xCD08] =	vst v19  }
0x226: {  	v19 =	vld [tilespmem:s1+$0x1100]  }
0x227: {  	(v2sf) =	vpush v17, $0xB;
	v60 =	vld [tilespmem:s8+$0x9100]  }
0x228: {  	(v2sf) =	vpush v17, $0xA;
	v61 =	vld [tilespmem:s1+$0x1110]  }
0x229: {  	(v2sf) =	vpush v18, $0xB;
	v62 =	vld [tilespmem:s8+$0x9110]  }
0x22a: {  	(v2sf) =	vpush v18, $0xA;
	v63 =	vld [tilespmem:s1+$0x1120]  }
0x22b: {  	v28 =	vld [tilespmem:s8+$0x9120]  }
0x22c: {  	v29 =	vld [tilespmem:s1+$0x1130]  }
0x22d: {  	v30 =	vld [tilespmem:s8+$0x9130];
	_ =	sdelay $0x3  }
0x22e: {  	v19 =	vmul.f32 v60, v19;
	v31 =	vmul.f32 v62, v61  }
0x22f: {  	v32 =	vmul.f32 v28, v63;
	v33 =	vmul.f32 v30, v29;
	_ =	sdelay $0x1  }
0x230: {  	v19 =	vadd.f32 v31, v19;
	v34 =	vadd.f32 v33, v32;
	_ =	sdelay $0x1  }
0x231: {  	s1 =	spop (v2sf);
	v19 =	vadd.f32 v34, v19  }
0x232: {  	s2 =	spop (v2sf)  }
0x233: {  	s8 =	spop (v2sf);
	[tilespmem:$0xCD19] =	vst v19  }
0x234: {  	s22 =	spop (v2sf);
	v19 =	vld [tilespmem:s2+$0x1180]  }
0x235: {  	v35 =	vld [tilespmem:s22+$0x9180]  }
0x236: {  	v36 =	vld [tilespmem:s2+$0x1190]  }
0x237: {  	v37 =	vld [tilespmem:s22+$0x9190]  }
0x238: {  	v38 =	vld [tilespmem:s2+$0x11A0]  }
0x239: {  	v39 =	vld [tilespmem:s22+$0x91A0]  }
0x23a: {  	v40 =	vld [tilespmem:s2+$0x11B0]  }
0x23b: {  	v41 =	vld [tilespmem:s22+$0x91B0];
	_ =	sdelay $0x3  }
0x23c: {  	v19 =	vmul.f32 v35, v19;
	v42 =	vmul.f32 v37, v36  }
0x23d: {  	v43 =	vmul.f32 v39, v38;
	v44 =	vmul.f32 v41, v40;
	_ =	sdelay $0x1  }
0x23e: {  	v19 =	vadd.f32 v42, v19;
	v45 =	vadd.f32 v44, v43;
	_ =	sdelay $0x1  }
0x23f: {  	v19 =	vadd.f32 v45, v19;
	_ =	sdelay $0x1  }
0x240: {  	[tilespmem:$0xCD2A] =	vst v19  }
0x241: {  	v19 =	vld [tilespmem:s1+$0x1200]  }
0x242: {  	(v2sf) =	vpush v17, $0xD;
	v46 =	vld [tilespmem:s8+$0x9200]  }
0x243: {  	(v2sf) =	vpush v17, $0xC;
	v47 =	vld [tilespmem:s1+$0x1210]  }
0x244: {  	(v2sf) =	vpush v18, $0xD;
	v48 =	vld [tilespmem:s8+$0x9210]  }
0x245: {  	(v2sf) =	vpush v18, $0xC;
	v49 =	vld [tilespmem:s1+$0x1220]  }
0x246: {  	v50 =	vld [tilespmem:s8+$0x9220]  }
0x247: {  	v51 =	vld [tilespmem:s1+$0x1230]  }
0x248: {  	v52 =	vld [tilespmem:s8+$0x9230];
	_ =	sdelay $0x3  }
0x249: {  	v19 =	vmul.f32 v46, v19;
	v53 =	vmul.f32 v48, v47  }
0x24a: {  	v54 =	vmul.f32 v50, v49;
	v55 =	vmul.f32 v52, v51;
	_ =	sdelay $0x1  }
0x24b: {  	v19 =	vadd.f32 v53, v19;
	v56 =	vadd.f32 v55, v54;
	_ =	sdelay $0x1  }
0x24c: {  	s1 =	spop (v2sf);
	v19 =	vadd.f32 v56, v19  }
0x24d: {  	s2 =	spop (v2sf)  }
0x24e: {  	s8 =	spop (v2sf);
	[tilespmem:$0xCD3B] =	vst v19  }
0x24f: {  	s22 =	spop (v2sf);
	v19 =	vld [tilespmem:s2+$0x1280]  }
0x250: {  	v57 =	vld [tilespmem:s22+$0x9280]  }
0x251: {  	v58 =	vld [tilespmem:s2+$0x1290]  }
0x252: {  	v59 =	vld [tilespmem:s22+$0x9290]  }
0x253: {  	v60 =	vld [tilespmem:s2+$0x12A0]  }
0x254: {  	v61 =	vld [tilespmem:s22+$0x92A0]  }
0x255: {  	v62 =	vld [tilespmem:s2+$0x12B0]  }
0x256: {  	v63 =	vld [tilespmem:s22+$0x92B0];
	_ =	sdelay $0x3  }
0x257: {  	v19 =	vmul.f32 v57, v19;
	v28 =	vmul.f32 v59, v58  }
0x258: {  	v29 =	vmul.f32 v61, v60;
	v30 =	vmul.f32 v63, v62;
	_ =	sdelay $0x1  }
0x259: {  	v19 =	vadd.f32 v28, v19;
	v31 =	vadd.f32 v30, v29;
	_ =	sdelay $0x1  }
0x25a: {  	v19 =	vadd.f32 v31, v19;
	_ =	sdelay $0x1  }
0x25b: {  	[tilespmem:$0xCD4C] =	vst v19  }
0x25c: {  	v19 =	vld [tilespmem:s1+$0x1300]  }
0x25d: {  	(v2sf) =	vpush v17, $0xF;
	v32 =	vld [tilespmem:s8+$0x9300]  }
0x25e: {  	(v2sf) =	vpush v17, $0xE;
	v33 =	vld [tilespmem:s1+$0x1310]  }
0x25f: {  	(v2sf) =	vpush v18, $0xF;
	v17 =	vld [tilespmem:s8+$0x9310]  }
0x260: {  	(v2sf) =	vpush v18, $0xE;
	v34 =	vld [tilespmem:s1+$0x1320]  }
0x261: {  	v18 =	vld [tilespmem:s8+$0x9320]  }
0x262: {  	v35 =	vld [tilespmem:s1+$0x1330]  }
0x263: {  	v36 =	vld [tilespmem:s8+$0x9330];
	_ =	sdelay $0x3  }
0x264: {  	v19 =	vmul.f32 v32, v19;
	v17 =	vmul.f32 v17, v33  }
0x265: {  	v18 =	vmul.f32 v18, v34;
	v37 =	vmul.f32 v36, v35;
	_ =	sdelay $0x1  }
0x266: {  	v17 =	vadd.f32 v17, v19;
	v18 =	vadd.f32 v37, v18;
	_ =	sdelay $0x1  }
0x267: {  	s1 =	spop (v2sf);
	v17 =	vadd.f32 v18, v17  }
0x268: {  	s2 =	spop (v2sf)  }
0x269: {  	s8 =	spop (v2sf);
	[tilespmem:$0xCD5D] =	vst v17  }
0x26a: {  	s22 =	spop (v2sf);
	v17 =	vld [tilespmem:s2+$0x1380]  }
0x26b: {  	v18 =	vld [tilespmem:s22+$0x9380]  }
0x26c: {  	v19 =	vld [tilespmem:s2+$0x1390]  }
0x26d: {  	v38 =	vld [tilespmem:s22+$0x9390]  }
0x26e: {  	v39 =	vld [tilespmem:s2+$0x13A0]  }
0x26f: {  	v40 =	vld [tilespmem:s22+$0x93A0]  }
0x270: {  	v41 =	vld [tilespmem:s2+$0x13B0]  }
0x271: {  	v42 =	vld [tilespmem:s22+$0x93B0];
	_ =	sdelay $0x3  }
0x272: {  	v17 =	vmul.f32 v18, v17;
	v18 =	vmul.f32 v38, v19  }
0x273: {  	v19 =	vmul.f32 v40, v39;
	v43 =	vmul.f32 v42, v41;
	_ =	sdelay $0x1  }
0x274: {  	v17 =	vadd.f32 v18, v17;
	v18 =	vadd.f32 v43, v19;
	_ =	sdelay $0x1  }
0x275: {  	v17 =	vadd.f32 v18, v17;
	_ =	sdelay $0x1  }
0x276: {  	[tilespmem:$0xCD6E] =	vst v17  }
0x277: {  	v17 =	vld [tilespmem:s1+$0x1400]  }
0x278: {  	v18 =	vld [tilespmem:s8+$0x9400]  }
0x279: {  	v19 =	vld [tilespmem:s1+$0x1410]  }
0x27a: {  	v44 =	vld [tilespmem:s8+$0x9410]  }
0x27b: {  	v45 =	vld [tilespmem:s1+$0x1420]  }
0x27c: {  	v46 =	vld [tilespmem:s8+$0x9420]  }
0x27d: {  	v47 =	vld [tilespmem:s1+$0x1430]  }
0x27e: {  	v48 =	vld [tilespmem:s8+$0x9430];
	_ =	sdelay $0x3  }
0x27f: {  	v17 =	vmul.f32 v18, v17;
	v18 =	vmul.f32 v44, v19  }
0x280: {  	v19 =	vmul.f32 v46, v45;
	v49 =	vmul.f32 v48, v47;
	_ =	sdelay $0x1  }
0x281: {  	v17 =	vadd.f32 v18, v17;
	v18 =	vadd.f32 v49, v19;
	_ =	sdelay $0x1  }
0x282: {  	v17 =	vadd.f32 v18, v17;
	_ =	sdelay $0x1  }
0x283: {  	[tilespmem:$0xCD7F] =	vst v17  }
0x284: {  	v17 =	vld.idx.msk [tilespmem:v0+s19+$0x0], $0xffff  }
0x285: {  	v18 =	vld.idx.msk [tilespmem:v1+s19+$0x0], $0xffff  }
0x286: {  	v19 =	vld.idx.msk [tilespmem:v2+s19+$0x0], $0xffff  }
0x287: {  	v50 =	vld.idx.msk [tilespmem:v3+s19+$0x0], $0xffff  }
0x288: {  	v51 =	vld.idx.msk [tilespmem:v4+s19+$0x0], $0xffff  }
0x289: {  	v52 =	vld.idx.msk [tilespmem:v5+s19+$0x0], $0xffff  }
0x28a: {  	v53 =	vld.idx.msk [tilespmem:v6+s19+$0x0], $0xffff  }
0x28b: {  	v54 =	vld.idx.msk [tilespmem:v7+s19+$0x0], $0xffff  }
0x28c: {  	v55 =	vld.idx.msk [tilespmem:v8+s19+$0x0], $0xffff  }
0x28d: {  	v56 =	vld.idx.msk [tilespmem:v9+s19+$0x0], $0xffff  }
0x28e: {  	v27 =	vld.idx.msk [tilespmem:v10+s19+$0x0], $0xffff  }
0x28f: {  	v28 =	vld.idx.msk [tilespmem:v11+s19+$0x0], $0xffff  }
0x290: {  	v29 =	vld.idx.msk [tilespmem:v12+s19+$0x0], $0xffff  }
0x291: {  	v30 =	vld.idx.msk [tilespmem:v13+s19+$0x0], $0xffff  }
0x292: {  	v31 =	vld.idx.msk [tilespmem:v14+s19+$0x0], $0xffff  }
0x293: {  	v32 =	vld.idx.msk [tilespmem:v15+s19+$0x0], $0xffff;
	_ =	sdelay $0x1  }
0x294: {  	v17 =	vadd.f32 v18, v17;
	v18 =	vadd.f32 v50, v19  }
0x295: {  	v19 =	vadd.f32 v52, v51;
	v57 =	vadd.f32 v54, v53  }
0x296: {  	v58 =	vadd.f32 v56, v55;
	v59 =	vadd.f32 v28, v27  }
0x297: {  	v60 =	vadd.f32 v30, v29;
	v61 =	vadd.f32 v32, v31  }
0x298: {  	v17 =	vadd.f32 v18, v17;
	v18 =	vadd.f32 v57, v19  }
0x299: {  	v19 =	vadd.f32 v59, v58;
	v62 =	vadd.f32 v61, v60;
	_ =	sdelay $0x1  }
0x29a: {  	v17 =	vadd.f32 v18, v17;
	v18 =	vadd.f32 v62, v19;
	_ =	sdelay $0x1  }
0x29b: {  	v17 =	vadd.f32 v18, v17;
	_ =	sdelay $0x1  }
0x29c: {  	v18 =	vand.u32 $0x7FFFFFFF, v17  }
0x29d: {  	v18 =	vsub.f32 $0.0e+00, v18;
	_ =	sdelay $0x1  }
0x29e: {  	v18 =	vmul.f32 $1.442695020e+00, v18;
	_ =	sdelay $0x1  }
0x29f: {  	(erf) = vpow2.f32 v18;
	_ =	sdelay $0x8  }
0x2a0: {  	v18 =	vpop (erf)  }
0x2a1: {  	v19 =	vadd.f32 $2.000000000e+00, v18;
	_ =	sdelay $0x1  }
0x2a2: {  	(erf) = vrcp.f32 v19;
	_ =	sdelay $0x8  }
0x2a3: {  	v19 =	vpop (erf)  }
0x2a4: {  	v18 =	vmul.f32 v19, v18;
	_ =	sdelay $0x1  }
0x2a5: {  	v19 =	vmul.f32 v18, v18;
	_ =	sdelay $0x1  }
0x2a6: {  	v63 =	vmul.f32 $7.692307980e-02, v19;
	_ =	sdelay $0x1  }
0x2a7: {  	v20 =	vadd.f32 $9.090909360e-02, v63;
	_ =	sdelay $0x1  }
0x2a8: {  	v20 =	vmul.f32 v20, v19;
	_ =	sdelay $0x1  }
0x2a9: {  	v20 =	vadd.f32 $1.111111120e-01, v20;
	_ =	sdelay $0x1  }
0x2aa: {  	v20 =	vmul.f32 v20, v19;
	_ =	sdelay $0x1  }
0x2ab: {  	v20 =	vadd.f32 $1.428571490e-01, v20;
	_ =	sdelay $0x1  }
0x2ac: {  	v20 =	vmul.f32 v20, v19;
	_ =	sdelay $0x1  }
0x2ad: {  	v20 =	vadd.f32 $2.000000030e-01, v20;
	_ =	sdelay $0x1  }
0x2ae: {  	v20 =	vmul.f32 v20, v19;
	_ =	sdelay $0x1  }
0x2af: {  	v20 =	vadd.f32 $3.333333430e-01, v20;
	_ =	sdelay $0x1  }
0x2b0: {  	v19 =	vmul.f32 v20, v19;
	_ =	sdelay $0x1  }
0x2b1: {  	v18 =	vadd.f32 v18, v18;
	v19 =	vadd.f32 $1.000000000e+00, v19  }
0x2b2: {  	p0 =	sne.s32 s0, $0xE000  }
.Ltmp1:
0x2b3: {  	v17 =	vxor.u32 $0x80000000, v17;
	v18 =	vmul.f32 v19, v18;
	(pc) =	sbr.rel @p0 .LBB2_6-.Ltmp1, $3  }
0x2b4: {  	v17 =	vmin.f32 v17, $0.0e+00  }
0x2b5: {  	v17 =	vsub.f32 v17, v18;
	_ =	sdelay $0x1  }
0x2b6: {  	s31 =	sadd.s32 $0x10, s31;
	s30 =	sadd.s32 $0x10, s30;
	s0 =	sadd.s32 $0x2000, s0;
	v16 =	vadd.f32 v17, v16  }
0x2b7: {  	p0 =	seq.s32 s25, $0x9  }
.Ltmp2:
0x2b8: {  	_ = 	snop;
	(pc) =	sbr.rel @p0 .LBB2_9-.Ltmp2, $1  }
0x2b9: {  	_ =	sdelay $0x3  }
0x2ba: {  	v17 =	vld [tilespmem:s29+$0x200];
	_ =	sdelay $0x4  }
0x2bb: {  	v18 =	vshra.s32 v17, $0x1  }
0x2bc: {  	v17 =	vand.u32 $0xFFF, v17;
	v18 =	vand.u32 $0xFFFFF000, v18  }
0x2bd: {  	v17 =	vor.u32 v17, v18  }
0x2be: {  	[tilespmem:$0xC00] =	vst v17  }
0x2bf: {  	v17 =	vld [tilespmem:s29+$0x210];
	_ =	sdelay $0x4  }
0x2c0: {  	v18 =	vshra.s32 v17, $0x1  }
0x2c1: {  	v17 =	vand.u32 $0xFFF, v17;
	v18 =	vand.u32 $0xFFFFF000, v18  }
0x2c2: {  	v17 =	vor.u32 v17, v18  }
0x2c3: {  	[tilespmem:$0xC10] =	vst v17  }
0x2c4: {  	v17 =	vld [tilespmem:s29+$0x220];
	_ =	sdelay $0x4  }
0x2c5: {  	v18 =	vshra.s32 v17, $0x1  }
0x2c6: {  	v17 =	vand.u32 $0xFFF, v17;
	v18 =	vand.u32 $0xFFFFF000, v18  }
0x2c7: {  	v17 =	vor.u32 v17, v18  }
0x2c8: {  	[tilespmem:$0xC20] =	vst v17  }
0x2c9: {  	v17 =	vld [tilespmem:s29+$0x230];
	_ =	sdelay $0x4  }
0x2ca: {  	v18 =	vshra.s32 v17, $0x1  }
0x2cb: {  	v17 =	vand.u32 $0xFFF, v17;
	v18 =	vand.u32 $0xFFFFF000, v18  }
0x2cc: {  	v17 =	vor.u32 v17, v18  }
0x2cd: {  	[tilespmem:$0xC30] =	vst v17  }
0x2ce: {  	v17 =	vld [tilespmem:s29+$0x240];
	_ =	sdelay $0x4  }
0x2cf: {  	v18 =	vshra.s32 v17, $0x1  }
0x2d0: {  	v17 =	vand.u32 $0xFFF, v17;
	v18 =	vand.u32 $0xFFFFF000, v18  }
0x2d1: {  	v17 =	vor.u32 v17, v18  }
0x2d2: {  	[tilespmem:$0xC40] =	vst v17  }
0x2d3: {  	v17 =	vld [tilespmem:s29+$0x250];
	_ =	sdelay $0x4  }
0x2d4: {  	v18 =	vshra.s32 v17, $0x1  }
0x2d5: {  	v17 =	vand.u32 $0xFFF, v17;
	v18 =	vand.u32 $0xFFFFF000, v18  }
0x2d6: {  	v17 =	vor.u32 v17, v18  }
0x2d7: {  	[tilespmem:$0xC50] =	vst v17  }
0x2d8: {  	v17 =	vld [tilespmem:s29+$0x260];
	_ =	sdelay $0x4  }
0x2d9: {  	v18 =	vshra.s32 v17, $0x1  }
0x2da: {  	v17 =	vand.u32 $0xFFF, v17;
	v18 =	vand.u32 $0xFFFFF000, v18  }
0x2db: {  	v17 =	vor.u32 v17, v18  }
0x2dc: {  	[tilespmem:$0xC60] =	vst v17  }
0x2dd: {  	v17 =	vld [tilespmem:s29+$0x270];
	_ =	sdelay $0x4  }
.Ltmp3:
0x2de: {  	v18 =	vshra.s32 v17, $0x1;
	(pc) =	sbr.rel .LBB2_3-.Ltmp3, $4  }
0x2df: {  	v17 =	vand.u32 $0xFFF, v17;
	v18 =	vand.u32 $0xFFFFF000, v18  }
0x2e0: {  	v17 =	vor.u32 v17, v18  }
0x2e1: {  	s25 =	sadd.s32 $0x1, s25;
	s26 =	sadd.s32 $0x100, s26;
	s28 =	sadd.s32 $0x100, s28;
	[tilespmem:$0xC70] =	vst v17  }
0x2e2: {  	[tilespmem:s16], [sflag:$0x3] =	stream.indirect.gather [hbm4b:s5+s20], $0x80, s15, s20, $0xb8;
	[tilespmem:$0xCDA0] =	vst v63  }
.LBB2_9:
0x2e3: {  	_ =	swait.ge [sflag:s18], $0x4000  }
0x2e4: {  	s25 =	simm.s32 $0x0;
	[sflag:s18] =	ssyncset.done $0x0  }
0x2e5: {  	s26 =	simm.s32 $0xA80;
	s0 =	simm.s32 $0x0;
	[sflag:s18] =	ssyncadd.s32 $0xFFFFC000  }
.LBB2_10:
0x2e6: {  	v17 =	vld [tilespmem:s25+$0x0];
	_ =	sdelay $0x3  }
0x2e7: {  	v18 =	vld [tilespmem:s26+$0x0]  }
0x2e8: {  	v17 =	vshrl.u32 v17, $0x6  }
0x2e9: {  	s1 =	sshra.s32 s0, $0x2;
	v17 =	vand.u32 $0x40, v17  }
0x2ea: {  	v17 =	vadd.s32 s1, v17  }
0x2eb: {  	(v2sf) =	vpush v17, $0x1  }
0x2ec: {  	v18 =	vshrl.u32 v18, $0x6;
	(v2sf) =	vpush v17, $0x0  }
0x2ed: {  	v18 =	vand.u32 $0x40, v18  }
0x2ee: {  	v18 =	vadd.s32 s1, v18  }
0x2ef: {  	(v2sf) =	vpush v18, $0x1  }
0x2f0: {  	(v2sf) =	vpush v18, $0x0;
	_ =	sdelay $0x9  }
0x2f1: {  	s31 =	spop (v2sf)  }
0x2f2: {  	s2 =	spop (v2sf)  }
0x2f3: {  	v19 =	vld [tilespmem:s2+$0xC80]  }
0x2f4: {  	v21 =	vld [tilespmem:s2+$0xC90]  }
0x2f5: {  	s8 =	spop (v2sf);
	v23 =	vld [tilespmem:s2+$0xCA0]  }
0x2f6: {  	v25 =	vld [tilespmem:s2+$0xCB0];
	s22 =	spop (v2sf)  }
0x2f7: {  	v20 =	vld [tilespmem:s22+$0x4C80]  }
0x2f8: {  	v22 =	vld [tilespmem:s22+$0x4C90]  }
0x2f9: {  	v24 =	vld [tilespmem:s22+$0x4CA0]  }
0x2fa: {  	v26 =	vld [tilespmem:s22+$0x4CB0];
	_ =	sdelay $0x3  }
0x2fb: {  	v19 =	vmul.f32 v20, v19;
	v41 =	vmul.f32 v22, v21  }
0x2fc: {  	v42 =	vmul.f32 v24, v23;
	v43 =	vmul.f32 v26, v25;
	_ =	sdelay $0x1  }
0x2fd: {  	v19 =	vadd.f32 v41, v19;
	v44 =	vadd.f32 v43, v42;
	_ =	sdelay $0x1  }
0x2fe: {  	v19 =	vadd.f32 v44, v19;
	_ =	sdelay $0x1  }
0x2ff: {  	[tilespmem:$0xCC80] =	vst v19  }
0x300: {  	v19 =	vld [tilespmem:s31+$0xD00]  }
0x301: {  	(v2sf) =	vpush v17, $0x3;
	v45 =	vld [tilespmem:s8+$0x4D00]  }
0x302: {  	(v2sf) =	vpush v17, $0x2;
	v46 =	vld [tilespmem:s31+$0xD10]  }
0x303: {  	(v2sf) =	vpush v18, $0x3;
	v47 =	vld [tilespmem:s8+$0x4D10]  }
0x304: {  	(v2sf) =	vpush v18, $0x2;
	v48 =	vld [tilespmem:s31+$0xD20]  }
0x305: {  	v49 =	vld [tilespmem:s8+$0x4D20]  }
0x306: {  	v50 =	vld [tilespmem:s31+$0xD30]  }
0x307: {  	v51 =	vld [tilespmem:s8+$0x4D30];
	_ =	sdelay $0x3  }
0x308: {  	v19 =	vmul.f32 v45, v19;
	v52 =	vmul.f32 v47, v46  }
0x309: {  	v53 =	vmul.f32 v49, v48;
	v54 =	vmul.f32 v51, v50;
	_ =	sdelay $0x1  }
0x30a: {  	v19 =	vadd.f32 v52, v19;
	v55 =	vadd.f32 v54, v53;
	_ =	sdelay $0x1  }
0x30b: {  	s28 =	spop (v2sf);
	v19 =	vadd.f32 v55, v19  }
0x30c: {  	s29 =	spop (v2sf)  }
0x30d: {  	s30 =	spop (v2sf);
	[tilespmem:$0xCC91] =	vst v19  }
0x30e: {  	s31 =	spop (v2sf);
	v19 =	vld [tilespmem:s29+$0xD80]  }
0x30f: {  	v56 =	vld [tilespmem:s31+$0x4D80]  }
0x310: {  	v57 =	vld [tilespmem:s29+$0xD90]  }
0x311: {  	v58 =	vld [tilespmem:s31+$0x4D90]  }
0x312: {  	v59 =	vld [tilespmem:s29+$0xDA0]  }
0x313: {  	v60 =	vld [tilespmem:s31+$0x4DA0]  }
0x314: {  	v61 =	vld [tilespmem:s29+$0xDB0]  }
0x315: {  	v62 =	vld [tilespmem:s31+$0x4DB0];
	_ =	sdelay $0x3  }
0x316: {  	v19 =	vmul.f32 v56, v19;
	v63 =	vmul.f32 v58, v57  }
0x317: {  	v27 =	vmul.f32 v60, v59;
	v28 =	vmul.f32 v62, v61;
	_ =	sdelay $0x1  }
0x318: {  	v19 =	vadd.f32 v63, v19;
	v29 =	vadd.f32 v28, v27;
	_ =	sdelay $0x1  }
0x319: {  	v19 =	vadd.f32 v29, v19;
	_ =	sdelay $0x1  }
0x31a: {  	[tilespmem:$0xCCA2] =	vst v19  }
0x31b: {  	v19 =	vld [tilespmem:s28+$0xE00]  }
0x31c: {  	(v2sf) =	vpush v17, $0x5;
	v30 =	vld [tilespmem:s30+$0x4E00]  }
0x31d: {  	(v2sf) =	vpush v17, $0x4;
	v31 =	vld [tilespmem:s28+$0xE10]  }
0x31e: {  	(v2sf) =	vpush v18, $0x5;
	v32 =	vld [tilespmem:s30+$0x4E10]  }
0x31f: {  	(v2sf) =	vpush v18, $0x4;
	v33 =	vld [tilespmem:s28+$0xE20]  }
0x320: {  	v34 =	vld [tilespmem:s30+$0x4E20]  }
0x321: {  	v35 =	vld [tilespmem:s28+$0xE30]  }
0x322: {  	v36 =	vld [tilespmem:s30+$0x4E30];
	_ =	sdelay $0x3  }
0x323: {  	v19 =	vmul.f32 v30, v19;
	v37 =	vmul.f32 v32, v31  }
0x324: {  	v38 =	vmul.f32 v34, v33;
	v39 =	vmul.f32 v36, v35;
	_ =	sdelay $0x1  }
0x325: {  	v19 =	vadd.f32 v37, v19;
	v40 =	vadd.f32 v39, v38;
	_ =	sdelay $0x1  }
0x326: {  	s28 =	spop (v2sf);
	v19 =	vadd.f32 v40, v19  }
0x327: {  	s29 =	spop (v2sf)  }
0x328: {  	s30 =	spop (v2sf);
	[tilespmem:$0xCCB3] =	vst v19  }
0x329: {  	s31 =	spop (v2sf);
	v19 =	vld [tilespmem:s29+$0xE80]  }
0x32a: {  	v41 =	vld [tilespmem:s31+$0x4E80]  }
0x32b: {  	v42 =	vld [tilespmem:s29+$0xE90]  }
0x32c: {  	v43 =	vld [tilespmem:s31+$0x4E90]  }
0x32d: {  	v44 =	vld [tilespmem:s29+$0xEA0]  }
0x32e: {  	v45 =	vld [tilespmem:s31+$0x4EA0]  }
0x32f: {  	v46 =	vld [tilespmem:s29+$0xEB0]  }
0x330: {  	v47 =	vld [tilespmem:s31+$0x4EB0];
	_ =	sdelay $0x3  }
0x331: {  	v19 =	vmul.f32 v41, v19;
	v48 =	vmul.f32 v43, v42  }
0x332: {  	v49 =	vmul.f32 v45, v44;
	v50 =	vmul.f32 v47, v46;
	_ =	sdelay $0x1  }
0x333: {  	v19 =	vadd.f32 v48, v19;
	v51 =	vadd.f32 v50, v49;
	_ =	sdelay $0x1  }
0x334: {  	v19 =	vadd.f32 v51, v19;
	_ =	sdelay $0x1  }
0x335: {  	[tilespmem:$0xCCC4] =	vst v19  }
0x336: {  	v19 =	vld [tilespmem:s28+$0xF00]  }
0x337: {  	(v2sf) =	vpush v17, $0x7;
	v52 =	vld [tilespmem:s30+$0x4F00]  }
0x338: {  	(v2sf) =	vpush v17, $0x6;
	v53 =	vld [tilespmem:s28+$0xF10]  }
0x339: {  	(v2sf) =	vpush v18, $0x7;
	v54 =	vld [tilespmem:s30+$0x4F10]  }
0x33a: {  	(v2sf) =	vpush v18, $0x6;
	v55 =	vld [tilespmem:s28+$0xF20]  }
0x33b: {  	v56 =	vld [tilespmem:s30+$0x4F20]  }
0x33c: {  	v57 =	vld [tilespmem:s28+$0xF30]  }
0x33d: {  	v58 =	vld [tilespmem:s30+$0x4F30];
	_ =	sdelay $0x3  }
0x33e: {  	v19 =	vmul.f32 v52, v19;
	v59 =	vmul.f32 v54, v53  }
0x33f: {  	v60 =	vmul.f32 v56, v55;
	v61 =	vmul.f32 v58, v57;
	_ =	sdelay $0x1  }
0x340: {  	v19 =	vadd.f32 v59, v19;
	v62 =	vadd.f32 v61, v60;
	_ =	sdelay $0x1  }
0x341: {  	s28 =	spop (v2sf);
	v19 =	vadd.f32 v62, v19  }
0x342: {  	s29 =	spop (v2sf)  }
0x343: {  	s30 =	spop (v2sf);
	[tilespmem:$0xCCD5] =	vst v19  }
0x344: {  	s31 =	spop (v2sf);
	v19 =	vld [tilespmem:s29+$0xF80]  }
0x345: {  	v63 =	vld [tilespmem:s31+$0x4F80]  }
0x346: {  	v28 =	vld [tilespmem:s29+$0xF90]  }
0x347: {  	v29 =	vld [tilespmem:s31+$0x4F90]  }
0x348: {  	v30 =	vld [tilespmem:s29+$0xFA0]  }
0x349: {  	v31 =	vld [tilespmem:s31+$0x4FA0]  }
0x34a: {  	v32 =	vld [tilespmem:s29+$0xFB0]  }
0x34b: {  	v33 =	vld [tilespmem:s31+$0x4FB0];
	_ =	sdelay $0x3  }
0x34c: {  	v19 =	vmul.f32 v63, v19;
	v34 =	vmul.f32 v29, v28  }
0x34d: {  	v35 =	vmul.f32 v31, v30;
	v36 =	vmul.f32 v33, v32;
	_ =	sdelay $0x1  }
0x34e: {  	v19 =	vadd.f32 v34, v19;
	v37 =	vadd.f32 v36, v35;
	_ =	sdelay $0x1  }
0x34f: {  	v19 =	vadd.f32 v37, v19;
	_ =	sdelay $0x1  }
0x350: {  	[tilespmem:$0xCCE6] =	vst v19  }
0x351: {  	v19 =	vld [tilespmem:s28+$0x1000]  }
0x352: {  	(v2sf) =	vpush v17, $0x9;
	v38 =	vld [tilespmem:s30+$0x5000]  }
0x353: {  	(v2sf) =	vpush v17, $0x8;
	v39 =	vld [tilespmem:s28+$0x1010]  }
0x354: {  	(v2sf) =	vpush v18, $0x9;
	v40 =	vld [tilespmem:s30+$0x5010]  }
0x355: {  	(v2sf) =	vpush v18, $0x8;
	v41 =	vld [tilespmem:s28+$0x1020]  }
0x356: {  	v42 =	vld [tilespmem:s30+$0x5020]  }
0x357: {  	v43 =	vld [tilespmem:s28+$0x1030]  }
0x358: {  	v44 =	vld [tilespmem:s30+$0x5030];
	_ =	sdelay $0x3  }
0x359: {  	v19 =	vmul.f32 v38, v19;
	v45 =	vmul.f32 v40, v39  }
0x35a: {  	v46 =	vmul.f32 v42, v41;
	v47 =	vmul.f32 v44, v43;
	_ =	sdelay $0x1  }
0x35b: {  	v19 =	vadd.f32 v45, v19;
	v48 =	vadd.f32 v47, v46;
	_ =	sdelay $0x1  }
0x35c: {  	s28 =	spop (v2sf);
	v19 =	vadd.f32 v48, v19  }
0x35d: {  	s29 =	spop (v2sf)  }
0x35e: {  	s30 =	spop (v2sf);
	[tilespmem:$0xCCF7] =	vst v19  }
0x35f: {  	s31 =	spop (v2sf);
	v19 =	vld [tilespmem:s29+$0x1080]  }
0x360: {  	v49 =	vld [tilespmem:s31+$0x5080]  }
0x361: {  	v50 =	vld [tilespmem:s29+$0x1090]  }
0x362: {  	v51 =	vld [tilespmem:s31+$0x5090]  }
0x363: {  	v52 =	vld [tilespmem:s29+$0x10A0]  }
0x364: {  	v53 =	vld [tilespmem:s31+$0x50A0]  }
0x365: {  	v54 =	vld [tilespmem:s29+$0x10B0]  }
0x366: {  	v55 =	vld [tilespmem:s31+$0x50B0];
	_ =	sdelay $0x3  }
0x367: {  	v19 =	vmul.f32 v49, v19;
	v56 =	vmul.f32 v51, v50  }
0x368: {  	v57 =	vmul.f32 v53, v52;
	v58 =	vmul.f32 v55, v54;
	_ =	sdelay $0x1  }
0x369: {  	v19 =	vadd.f32 v56, v19;
	v59 =	vadd.f32 v58, v57;
	_ =	sdelay $0x1  }
0x36a: {  	v19 =	vadd.f32 v59, v19;
	_ =	sdelay $0x1  }
0x36b: {  	[tilespmem:$0xCD08] =	vst v19  }
0x36c: {  	v19 =	vld [tilespmem:s28+$0x1100]  }
0x36d: {  	(v2sf) =	vpush v17, $0xB;
	v60 =	vld [tilespmem:s30+$0x5100]  }
0x36e: {  	(v2sf) =	vpush v17, $0xA;
	v61 =	vld [tilespmem:s28+$0x1110]  }
0x36f: {  	(v2sf) =	vpush v18, $0xB;
	v62 =	vld [tilespmem:s30+$0x5110]  }
0x370: {  	(v2sf) =	vpush v18, $0xA;
	v63 =	vld [tilespmem:s28+$0x1120]  }
0x371: {  	v28 =	vld [tilespmem:s30+$0x5120]  }
0x372: {  	v29 =	vld [tilespmem:s28+$0x1130]  }
0x373: {  	v30 =	vld [tilespmem:s30+$0x5130];
	_ =	sdelay $0x3  }
0x374: {  	v19 =	vmul.f32 v60, v19;
	v31 =	vmul.f32 v62, v61  }
0x375: {  	v32 =	vmul.f32 v28, v63;
	v33 =	vmul.f32 v30, v29;
	_ =	sdelay $0x1  }
0x376: {  	v19 =	vadd.f32 v31, v19;
	v34 =	vadd.f32 v33, v32;
	_ =	sdelay $0x1  }
0x377: {  	s28 =	spop (v2sf);
	v19 =	vadd.f32 v34, v19  }
0x378: {  	s29 =	spop (v2sf)  }
0x379: {  	s30 =	spop (v2sf);
	[tilespmem:$0xCD19] =	vst v19  }
0x37a: {  	s31 =	spop (v2sf);
	v19 =	vld [tilespmem:s29+$0x1180]  }
0x37b: {  	v35 =	vld [tilespmem:s31+$0x5180]  }
0x37c: {  	v36 =	vld [tilespmem:s29+$0x1190]  }
0x37d: {  	v37 =	vld [tilespmem:s31+$0x5190]  }
0x37e: {  	v38 =	vld [tilespmem:s29+$0x11A0]  }
0x37f: {  	v39 =	vld [tilespmem:s31+$0x51A0]  }
0x380: {  	v40 =	vld [tilespmem:s29+$0x11B0]  }
0x381: {  	v41 =	vld [tilespmem:s31+$0x51B0];
	_ =	sdelay $0x3  }
0x382: {  	v19 =	vmul.f32 v35, v19;
	v42 =	vmul.f32 v37, v36  }
0x383: {  	v43 =	vmul.f32 v39, v38;
	v44 =	vmul.f32 v41, v40;
	_ =	sdelay $0x1  }
0x384: {  	v19 =	vadd.f32 v42, v19;
	v45 =	vadd.f32 v44, v43;
	_ =	sdelay $0x1  }
0x385: {  	v19 =	vadd.f32 v45, v19;
	_ =	sdelay $0x1  }
0x386: {  	[tilespmem:$0xCD2A] =	vst v19  }
0x387: {  	v19 =	vld [tilespmem:s28+$0x1200]  }
0x388: {  	(v2sf) =	vpush v17, $0xD;
	v46 =	vld [tilespmem:s30+$0x5200]  }
0x389: {  	(v2sf) =	vpush v17, $0xC;
	v47 =	vld [tilespmem:s28+$0x1210]  }
0x38a: {  	(v2sf) =	vpush v18, $0xD;
	v48 =	vld [tilespmem:s30+$0x5210]  }
0x38b: {  	(v2sf) =	vpush v18, $0xC;
	v49 =	vld [tilespmem:s28+$0x1220]  }
0x38c: {  	v50 =	vld [tilespmem:s30+$0x5220]  }
0x38d: {  	v51 =	vld [tilespmem:s28+$0x1230]  }
0x38e: {  	v52 =	vld [tilespmem:s30+$0x5230];
	_ =	sdelay $0x3  }
0x38f: {  	v19 =	vmul.f32 v46, v19;
	v53 =	vmul.f32 v48, v47  }
0x390: {  	v54 =	vmul.f32 v50, v49;
	v55 =	vmul.f32 v52, v51;
	_ =	sdelay $0x1  }
0x391: {  	v19 =	vadd.f32 v53, v19;
	v56 =	vadd.f32 v55, v54;
	_ =	sdelay $0x1  }
0x392: {  	s28 =	spop (v2sf);
	v19 =	vadd.f32 v56, v19  }
0x393: {  	s29 =	spop (v2sf)  }
0x394: {  	s30 =	spop (v2sf);
	[tilespmem:$0xCD3B] =	vst v19  }
0x395: {  	s31 =	spop (v2sf);
	v19 =	vld [tilespmem:s29+$0x1280]  }
0x396: {  	v57 =	vld [tilespmem:s31+$0x5280]  }
0x397: {  	v58 =	vld [tilespmem:s29+$0x1290]  }
0x398: {  	v59 =	vld [tilespmem:s31+$0x5290]  }
0x399: {  	v60 =	vld [tilespmem:s29+$0x12A0]  }
0x39a: {  	v61 =	vld [tilespmem:s31+$0x52A0]  }
0x39b: {  	v62 =	vld [tilespmem:s29+$0x12B0]  }
0x39c: {  	v63 =	vld [tilespmem:s31+$0x52B0];
	_ =	sdelay $0x3  }
0x39d: {  	v19 =	vmul.f32 v57, v19;
	v28 =	vmul.f32 v59, v58  }
0x39e: {  	v29 =	vmul.f32 v61, v60;
	v30 =	vmul.f32 v63, v62;
	_ =	sdelay $0x1  }
0x39f: {  	v19 =	vadd.f32 v28, v19;
	v31 =	vadd.f32 v30, v29;
	_ =	sdelay $0x1  }
0x3a0: {  	v19 =	vadd.f32 v31, v19;
	_ =	sdelay $0x1  }
0x3a1: {  	[tilespmem:$0xCD4C] =	vst v19  }
0x3a2: {  	v19 =	vld [tilespmem:s28+$0x1300]  }
0x3a3: {  	(v2sf) =	vpush v17, $0xF;
	v32 =	vld [tilespmem:s30+$0x5300]  }
0x3a4: {  	(v2sf) =	vpush v17, $0xE;
	v33 =	vld [tilespmem:s28+$0x1310]  }
0x3a5: {  	(v2sf) =	vpush v18, $0xF;
	v17 =	vld [tilespmem:s30+$0x5310]  }
0x3a6: {  	(v2sf) =	vpush v18, $0xE;
	v34 =	vld [tilespmem:s28+$0x1320]  }
0x3a7: {  	v18 =	vld [tilespmem:s30+$0x5320]  }
0x3a8: {  	v35 =	vld [tilespmem:s28+$0x1330]  }
0x3a9: {  	v36 =	vld [tilespmem:s30+$0x5330];
	_ =	sdelay $0x3  }
0x3aa: {  	v19 =	vmul.f32 v32, v19;
	v17 =	vmul.f32 v17, v33  }
0x3ab: {  	v18 =	vmul.f32 v18, v34;
	v37 =	vmul.f32 v36, v35;
	_ =	sdelay $0x1  }
0x3ac: {  	v17 =	vadd.f32 v17, v19;
	v18 =	vadd.f32 v37, v18;
	_ =	sdelay $0x1  }
0x3ad: {  	s28 =	spop (v2sf);
	v17 =	vadd.f32 v18, v17  }
0x3ae: {  	s29 =	spop (v2sf)  }
0x3af: {  	s30 =	spop (v2sf);
	[tilespmem:$0xCD5D] =	vst v17  }
0x3b0: {  	s31 =	spop (v2sf);
	v17 =	vld [tilespmem:s29+$0x1380]  }
0x3b1: {  	v18 =	vld [tilespmem:s31+$0x5380]  }
0x3b2: {  	v19 =	vld [tilespmem:s29+$0x1390]  }
0x3b3: {  	v38 =	vld [tilespmem:s31+$0x5390]  }
0x3b4: {  	v39 =	vld [tilespmem:s29+$0x13A0]  }
0x3b5: {  	v40 =	vld [tilespmem:s31+$0x53A0]  }
0x3b6: {  	v41 =	vld [tilespmem:s29+$0x13B0]  }
0x3b7: {  	v42 =	vld [tilespmem:s31+$0x53B0];
	_ =	sdelay $0x3  }
0x3b8: {  	v17 =	vmul.f32 v18, v17;
	v18 =	vmul.f32 v38, v19  }
0x3b9: {  	v19 =	vmul.f32 v40, v39;
	v43 =	vmul.f32 v42, v41;
	_ =	sdelay $0x1  }
0x3ba: {  	v17 =	vadd.f32 v18, v17;
	v18 =	vadd.f32 v43, v19;
	_ =	sdelay $0x1  }
0x3bb: {  	v17 =	vadd.f32 v18, v17;
	_ =	sdelay $0x1  }
0x3bc: {  	[tilespmem:$0xCD6E] =	vst v17  }
0x3bd: {  	v17 =	vld [tilespmem:s28+$0x1400]  }
0x3be: {  	v18 =	vld [tilespmem:s30+$0x5400]  }
0x3bf: {  	v19 =	vld [tilespmem:s28+$0x1410]  }
0x3c0: {  	v44 =	vld [tilespmem:s30+$0x5410]  }
0x3c1: {  	v45 =	vld [tilespmem:s28+$0x1420]  }
0x3c2: {  	v46 =	vld [tilespmem:s30+$0x5420]  }
0x3c3: {  	v47 =	vld [tilespmem:s28+$0x1430]  }
0x3c4: {  	v48 =	vld [tilespmem:s30+$0x5430];
	_ =	sdelay $0x3  }
0x3c5: {  	v17 =	vmul.f32 v18, v17;
	v18 =	vmul.f32 v44, v19  }
0x3c6: {  	v19 =	vmul.f32 v46, v45;
	v49 =	vmul.f32 v48, v47;
	_ =	sdelay $0x1  }
0x3c7: {  	v17 =	vadd.f32 v18, v17;
	v18 =	vadd.f32 v49, v19;
	_ =	sdelay $0x1  }
0x3c8: {  	v17 =	vadd.f32 v18, v17;
	_ =	sdelay $0x1  }
0x3c9: {  	[tilespmem:$0xCD7F] =	vst v17  }
0x3ca: {  	v17 =	vld.idx.msk [tilespmem:v0+s19+$0x0], $0xffff  }
0x3cb: {  	v18 =	vld.idx.msk [tilespmem:v1+s19+$0x0], $0xffff  }
0x3cc: {  	v19 =	vld.idx.msk [tilespmem:v2+s19+$0x0], $0xffff  }
0x3cd: {  	v50 =	vld.idx.msk [tilespmem:v3+s19+$0x0], $0xffff  }
0x3ce: {  	v51 =	vld.idx.msk [tilespmem:v4+s19+$0x0], $0xffff  }
0x3cf: {  	v52 =	vld.idx.msk [tilespmem:v5+s19+$0x0], $0xffff  }
0x3d0: {  	v53 =	vld.idx.msk [tilespmem:v6+s19+$0x0], $0xffff  }
0x3d1: {  	v54 =	vld.idx.msk [tilespmem:v7+s19+$0x0], $0xffff  }
0x3d2: {  	v55 =	vld.idx.msk [tilespmem:v8+s19+$0x0], $0xffff  }
0x3d3: {  	v56 =	vld.idx.msk [tilespmem:v9+s19+$0x0], $0xffff  }
0x3d4: {  	v27 =	vld.idx.msk [tilespmem:v10+s19+$0x0], $0xffff  }
0x3d5: {  	v28 =	vld.idx.msk [tilespmem:v11+s19+$0x0], $0xffff  }
0x3d6: {  	v29 =	vld.idx.msk [tilespmem:v12+s19+$0x0], $0xffff  }
0x3d7: {  	v30 =	vld.idx.msk [tilespmem:v13+s19+$0x0], $0xffff  }
0x3d8: {  	v31 =	vld.idx.msk [tilespmem:v14+s19+$0x0], $0xffff  }
0x3d9: {  	v32 =	vld.idx.msk [tilespmem:v15+s19+$0x0], $0xffff;
	_ =	sdelay $0x1  }
0x3da: {  	v17 =	vadd.f32 v18, v17;
	v18 =	vadd.f32 v50, v19  }
0x3db: {  	v19 =	vadd.f32 v52, v51;
	v57 =	vadd.f32 v54, v53  }
0x3dc: {  	v58 =	vadd.f32 v56, v55;
	v59 =	vadd.f32 v28, v27  }
0x3dd: {  	v60 =	vadd.f32 v30, v29;
	v61 =	vadd.f32 v32, v31  }
0x3de: {  	v17 =	vadd.f32 v18, v17;
	v18 =	vadd.f32 v57, v19  }
0x3df: {  	v19 =	vadd.f32 v59, v58;
	v62 =	vadd.f32 v61, v60;
	_ =	sdelay $0x1  }
0x3e0: {  	v17 =	vadd.f32 v18, v17;
	v18 =	vadd.f32 v62, v19;
	_ =	sdelay $0x1  }
0x3e1: {  	v17 =	vadd.f32 v18, v17;
	_ =	sdelay $0x1  }
0x3e2: {  	v18 =	vand.u32 $0x7FFFFFFF, v17  }
0x3e3: {  	v18 =	vsub.f32 $0.0e+00, v18;
	_ =	sdelay $0x1  }
0x3e4: {  	v18 =	vmul.f32 $1.442695020e+00, v18;
	_ =	sdelay $0x1  }
0x3e5: {  	(erf) = vpow2.f32 v18;
	_ =	sdelay $0x8  }
0x3e6: {  	v18 =	vpop (erf)  }
0x3e7: {  	v19 =	vadd.f32 $2.000000000e+00, v18;
	_ =	sdelay $0x1  }
0x3e8: {  	(erf) = vrcp.f32 v19;
	_ =	sdelay $0x8  }
0x3e9: {  	v19 =	vpop (erf)  }
0x3ea: {  	v18 =	vmul.f32 v19, v18;
	_ =	sdelay $0x1  }
0x3eb: {  	v19 =	vmul.f32 v18, v18;
	_ =	sdelay $0x1  }
0x3ec: {  	v63 =	vmul.f32 $7.692307980e-02, v19;
	_ =	sdelay $0x1  }
0x3ed: {  	v20 =	vadd.f32 $9.090909360e-02, v63;
	_ =	sdelay $0x1  }
0x3ee: {  	v20 =	vmul.f32 v20, v19;
	_ =	sdelay $0x1  }
0x3ef: {  	v20 =	vadd.f32 $1.111111120e-01, v20;
	_ =	sdelay $0x1  }
0x3f0: {  	v20 =	vmul.f32 v20, v19;
	_ =	sdelay $0x1  }
0x3f1: {  	v20 =	vadd.f32 $1.428571490e-01, v20;
	_ =	sdelay $0x1  }
0x3f2: {  	v20 =	vmul.f32 v20, v19;
	_ =	sdelay $0x1  }
0x3f3: {  	v20 =	vadd.f32 $2.000000030e-01, v20;
	_ =	sdelay $0x1  }
0x3f4: {  	v20 =	vmul.f32 v20, v19;
	_ =	sdelay $0x1  }
0x3f5: {  	v20 =	vadd.f32 $3.333333430e-01, v20;
	_ =	sdelay $0x1  }
0x3f6: {  	v19 =	vmul.f32 v20, v19;
	_ =	sdelay $0x1  }
0x3f7: {  	v18 =	vadd.f32 v18, v18;
	v19 =	vadd.f32 $1.000000000e+00, v19  }
0x3f8: {  	p0 =	sne.s32 s0, $0xE000  }
.Ltmp4:
0x3f9: {  	v17 =	vxor.u32 $0x80000000, v17;
	v18 =	vmul.f32 v19, v18;
	(pc) =	sbr.rel @p0 .LBB2_10-.Ltmp4, $3  }
0x3fa: {  	v17 =	vmin.f32 v17, $0.0e+00  }
0x3fb: {  	v17 =	vsub.f32 v17, v18;
	_ =	sdelay $0x1  }
0x3fc: {  	s26 =	sadd.s32 $0x10, s26;
	s25 =	sadd.s32 $0x10, s25;
	s0 =	sadd.s32 $0x2000, s0;
	v16 =	vadd.f32 v17, v16  }
0x3fd: {  	s24 =	sadd.s32 $0x1, s24  }
0x3fe: {  	p0 =	sne.s32 s24, $0x4  }
.Ltmp5:
0x3ff: {  	_ = 	snop;
	(pc) =	sbr.rel @p0 .LBB2_2-.Ltmp5, $1  }
0x400: {  	_ =	sdelay $0x3  }
0x401: {  	s23 =	sadd.s32 $0x1, s23  }
0x402: {  	s0 =	simm.s32 $0x0;
	p0 =	sne.s32 s23, s9  }
.Ltmp6:
0x403: {  	[tilespmem:$0xCD90] =	vst v16;
	s1 =	rddreg [dreg:$0x3];
	s2 =	simm.s32 $0xCD90;
	(pc) =	sbr.rel @p0 .LBB2_1-.Ltmp6, $4  }
0x404: {  	[hbm4b:s1+s0] =	stream.linear.scatter [tilespmem:s2], [sflag:$0x4], $0x10, $0x38;
	[tilespmem:$0xCDA0] =	vst v63  }
0x405: {  	_ =	swait.ge [sflag:s10], $0x10  }
0x406: {  	[sflag:s10] =	ssyncset.done $0x0  }
0x407: {  	[sflag:s10] =	ssyncadd.s32 $0xFFFFFFF0  }
0x408: {  	_ =	sfence.sel $0x180000  }
0x409: {  	[bflag:$0x0] =	sbarrier.arrive $0xFFFF  }
0x40a: {  	_ =	strace $0x90000047  }
0x40b: {  	s0 =	stileid.u32;
	[bflag:$0x2] =	sbarrier.arrive $0xFFFF  }
0x40c: {  	p0 =	sne.s32 s0, $0x0;
	s0 =	rddreg [dreg:$0x2]  }
0x40d: {  	s0 =	sadd.s32 @!p0 $0x100000, s0  }
0x40e: {  	[sflag:s0] =	ssyncadd.tile.s32 @!p0 $0x1;
	_ =	shalt  }
.Lfunc_end2:
_tile_overlayer_lowered:
.L_overlay_start_2:
0x40f: {  	(tag) =	ssettag $0x2  }
0x410: {  	s0 =	rddreg [dreg:$0x0];
	s2 =	stileid.u32  }
0x411: {  	s1 =	rddreg [dreg:$0x1];
	p0 =	sne.s32 s2, $0x0  }
0x412: {  	s3 =	rddreg [dreg:$0x2];
	[bflag:$0x3] =	sbarrier.arrive $0xFFFF;
	s2 =	simm.s32 @!p0 $0x1C04  }
0x413: {  	[timem:s3], [sflag:s2] =	dma.local @!p0 [hbm:s0], s1  }
0x414: {  	s0 =	simm.s32 @!p0 $0x4  }
0x415: {  	_ =	swait.ge @!p0 [sflag:s0], s1  }
0x416: {  	s1 =	ssub.s32 @!p0 $0x0, s1;
	[sflag:s0] =	ssyncset.done @!p0 $0x0  }
0x417: {  	[sflag:s0] =	ssyncadd.s32 @!p0 s1  }
0x418: {  	[bflag:$0x3] =	sbarrier.arrive $0xFFFF  }
0x419: {  	_ =	shalt  }

</sc_bundles>
